<compile_context>
chip_gen: v7x
topology: tpu7x:2x2x1
jax: 0.10.2.dev20260603
libtpu: 0.0.44.dev20260713+nightly
codegen_flags: <defaults>
</compile_context>

<pallas_src>
import functools

import jax
import jax.numpy as jnp
from jax import lax
from jax.experimental import pallas as pl
from jax.experimental.pallas import tpu as pltpu
from jax.experimental.pallas import tpu_sc as plsc

NUM_CORES = 2
NUM_SUBCORES = 16
NUM_WORKERS = NUM_CORES * NUM_SUBCORES
CHUNK = 128
NBUF = 5
LANES = 16


BKT = 8192


def _linearize(table):
    v, d = table.shape
    tt = table.T
    nrows = v * d // 128
    grid = (v + BKT - 1) // BKT

    def body(tt_ref, out_ref):
        x = tt_ref[...]
        y = jnp.swapaxes(x, 0, 1)
        y3 = y.reshape(BKT // 2, 2, 64)
        out_ref[...] = jnp.concatenate([y3[:, 0, :], y3[:, 1, :]], axis=1)

    return pl.pallas_call(
        body,
        grid=(grid,),
        in_specs=[pl.BlockSpec((d, BKT), lambda j: (0, j))],
        out_specs=pl.BlockSpec((BKT // 2, 128), lambda j: (j, 0)),
        out_shape=jax.ShapeDtypeStruct((nrows, 128), jnp.float32),
    )(tt)


@functools.partial(jax.jit, static_argnums=(2, 3, 4))
def _gather_t(idx_t, table, b, s, d):
    nbt = b // CHUNK
    ngroups = s // NBUF
    dt_seg = 8 * CHUNK
    row_seg = nbt * dt_seg
    minor = (d // 8) * row_seg

    mesh = plsc.VectorSubcoreMesh(core_axis_name="c", subcore_axis_name="s")

    @functools.partial(
        pl.kernel,
        mesh=mesh,
        compiler_params=pltpu.CompilerParams(
            use_tc_tiling_on_sc=False, needs_layout_passes=False
        ),
        out_type=jax.ShapeDtypeStruct(
            (s, d // 8, nbt * 8, CHUNK), jnp.float32
        ),
        scratch_types=[pltpu.VMEM((s, CHUNK), jnp.int32)]
        + [pltpu.VMEM((CHUNK, d), jnp.float32) for _ in range(NBUF)]
        + [pltpu.VMEM((d // 8, 8, CHUNK + 1), jnp.float32) for _ in range(NBUF)]
        + [
            pltpu.SemaphoreType.DMA((NBUF,)),
            pltpu.SemaphoreType.DMA((NBUF,)),
        ],
    )
    def k(idx_hbm, table_hbm, out_hbm, idx_v, *rest):
        rows = rest[:NBUF]
        trans = rest[NBUF : 2 * NBUF]
        gsem, osem = rest[2 * NBUF], rest[2 * NBUF + 1]
        c = lax.axis_index("c")
        sub = lax.axis_index("s")
        w = sub * NUM_CORES + c
        pltpu.sync_copy(idx_hbm.at[:, pl.ds(w * CHUNK, CHUNK)], idx_v)

        def gather(seq, slot):
            pltpu.async_copy(
                table_hbm.at[idx_v.at[seq]], rows[slot], gsem.at[slot]
            )

        def wait_gather(slot):
            pltpu.make_async_copy(
                table_hbm.at[pl.ds(0, CHUNK)], rows[slot], gsem.at[slot]
            ).wait()

        def writeback(seq, slot):
            pltpu.async_copy(
                trans[slot].at[:, :, pl.ds(0, CHUNK)],
                out_hbm.at[seq, :, pl.ds(w * 8, 8), :],
                osem.at[slot],
            )

        def wait_out(slot):
            pltpu.make_async_copy(
                trans[slot].at[:, :, pl.ds(0, CHUNK)],
                out_hbm.at[0, :, pl.ds(0, 8), :],
                osem.at[slot],
            ).wait()

        lane = lax.broadcasted_iota(jnp.int32, (LANES,), 0)
        hi = jnp.where(lane >= 8, 1, 0)
        dtv = [2 * jd + hi for jd in range(d // LANES)]
        div = lane - 8 * hi

        UNROLL = 8

        def transpose(slot):
            def body(blk, carry):
                base = blk * UNROLL
                for u in range(UNROLL):
                    bb = base + u
                    bvec = jnp.full((LANES,), bb, jnp.int32)
                    for jd in range(d // LANES):
                        vals = rows[slot][bb, pl.ds(jd * LANES, LANES)]
                        plsc.store_scatter(
                            trans[slot], [dtv[jd], div, bvec], vals
                        )
                return carry

            lax.fori_loop(0, CHUNK // UNROLL, body, 0)

        for slot in range(NBUF):
            gather(slot, slot)

        def group(g, carry):
            for slot in range(NBUF):
                seq = g * NBUF + slot
                wait_gather(slot)

                @pl.when(g > 0)
                def _():
                    wait_out(slot)

                transpose(slot)
                writeback(seq, slot)

                @pl.when(seq + NBUF < s)
                def _():
                    gather(seq + NBUF, slot)

            return carry

        lax.fori_loop(0, ngroups, group, 0)

        for slot in range(NBUF):
            wait_out(slot)

    return k(idx_t, table)


def kernel(token_ids, embedding_matrix):
    b, s = token_ids.shape
    v, d = embedding_matrix.shape
    assert b == NUM_WORKERS * CHUNK
    idx_t = token_ids.T.astype(jnp.int32)
    tbl_lin = _linearize(embedding_matrix).reshape(v, d)
    out3 = _gather_t(idx_t, tbl_lin, b, s, d)
    out5 = out3.reshape(s, d // 8, b // CHUNK, 8, CHUNK)
    return out5.transpose(2, 4, 0, 1, 3).reshape(b, s, d)

# --- scband reference (transcript-rebuilt; emitter-appended) ---
"""Pipeline reference for scband-embedding-9895604650618 (READ-ONLY COPY).

The authoritative reference and input builder live on the scoring server;
editing this copy changes nothing except your own understanding.
"""

import jax, jax.numpy as jnp
import numpy as np

NUM_EMBEDDINGS = 1000000
EMBEDDING_DIM = 64

def setup_inputs(seed: int = 0) -> dict:
    key = jax.random.key(seed)
    k_idx, k_w = jax.random.split(key)
    token_ids = jax.random.randint(k_idx, (4096, 200), 0, NUM_EMBEDDINGS, dtype=jnp.int64 if jax.config.jax_enable_x64 else jnp.int32)
    # truncated normal init on [-3, 3], matching torch.nn.init.trunc_normal_(..., a=-3, b=3)
    embedding_matrix = jax.random.truncated_normal(k_w, -3.0, 3.0, (NUM_EMBEDDINGS, EMBEDDING_DIM), dtype=jnp.float32)
    return {"token_ids": token_ids, "embedding_matrix": embedding_matrix}

def reference(token_ids, embedding_matrix):
    # out = self.embedding_matrix[token_ids]
    out = jnp.take(embedding_matrix, token_ids, axis=0)
    return out

if __name__ == "__main__":
    import jax
    _d = setup_inputs()
    print(jax.jit(kernel)(*tuple(_d.values())))

</pallas_src>

<mosaic_0001>
#map = affine_map<(d0, d1) -> (0, 0)>
#map1 = affine_map<(d0, d1) -> (0, 0, 0, 0)>
module attributes {stable_mosaic.version = 14 : i64} {
  func.func @k(%arg0: i32, %arg1: i32, %arg2: memref<200x4096xi32, #tpu.memory_space<hbm>>, %arg3: memref<1000000x64xf32, #tpu.memory_space<hbm>>, %arg4: memref<200x8x256x128xf32, #tpu.memory_space<hbm>>, %arg5: memref<200x128xi32, #tpu.memory_space<vmem>>, %arg6: memref<128x64xf32, #tpu.memory_space<vmem>>, %arg7: memref<128x64xf32, #tpu.memory_space<vmem>>, %arg8: memref<128x64xf32, #tpu.memory_space<vmem>>, %arg9: memref<128x64xf32, #tpu.memory_space<vmem>>, %arg10: memref<128x64xf32, #tpu.memory_space<vmem>>, %arg11: memref<8x8x129xf32, #tpu.memory_space<vmem>>, %arg12: memref<8x8x129xf32, #tpu.memory_space<vmem>>, %arg13: memref<8x8x129xf32, #tpu.memory_space<vmem>>, %arg14: memref<8x8x129xf32, #tpu.memory_space<vmem>>, %arg15: memref<8x8x129xf32, #tpu.memory_space<vmem>>, %arg16: memref<5x!tpu.dma_semaphore, #tpu.memory_space<semaphore_mem>>, %arg17: memref<5x!tpu.dma_semaphore, #tpu.memory_space<semaphore_mem>>) attributes {dimension_semantics = [#tpu.dimension_semantics<core_parallel>, #tpu.dimension_semantics<subcore_parallel>], iteration_bounds = array<i64: 2, 16>, scalar_prefetch = 0 : i64, scratch_operands = 13 : i64, tpu.core_type = #tpu.core_type<sc_vector_subcore>, window_params = [{transform_indices = #map}, {transform_indices = #map}, {transform_indices = #map1}]} {
    %mul3A = arith.constant 2 : i32
    %mul3A_0 = arith.muli %arg1, %mul3A : i32
    %add3A = arith.addi %mul3A_0, %arg0 : i32
    %mul3A_1 = arith.constant 128 : i32
    %mul3A_2 = arith.muli %add3A, %mul3A_1 : i32
    "tpu.region"() ({
      %run_scoped3A = tpu.sem_alloc : memref<!tpu.dma_semaphore, #tpu.memory_space<semaphore_mem>>
      %dma_start3A_185 = arith.constant 0 : i32
      %dma_start3A_186 = tpu.memref_slice %arg2[%dma_start3A_185, %mul3A_2] : memref<200x4096xi32, #tpu.memory_space<hbm>> -> memref<200x128xi32, #tpu.memory_space<hbm>>
      %dma_start3A_187 = arith.constant 0 : i32
      %dma_start3A_188 = tpu.memref_slice %arg2[%dma_start3A_187, %mul3A_2] : memref<200x4096xi32, #tpu.memory_space<hbm>> -> memref<200x128xi32, #tpu.memory_space<hbm>>
      tpu.enqueue_dma source(%dma_start3A_188 : memref<200x128xi32, #tpu.memory_space<hbm>>) target(%arg5 : memref<200x128xi32, #tpu.memory_space<vmem>>) target_semaphore(%run_scoped3A : memref<!tpu.dma_semaphore, #tpu.memory_space<semaphore_mem>>)
      %dma_wait3A_189 = arith.constant 0 : i32
      %dma_wait3A_190 = tpu.memref_slice %arg2[%dma_wait3A_189, %mul3A_2] : memref<200x4096xi32, #tpu.memory_space<hbm>> -> memref<200x128xi32, #tpu.memory_space<hbm>>
      %dma_wait3A_191 = arith.constant 0 : i32
      %dma_wait3A_192 = tpu.memref_slice %arg2[%dma_wait3A_191, %mul3A_2] : memref<200x4096xi32, #tpu.memory_space<hbm>> -> memref<200x128xi32, #tpu.memory_space<hbm>>
      tpu.wait_dma2 semaphore(%run_scoped3A : memref<!tpu.dma_semaphore, #tpu.memory_space<semaphore_mem>>) src(%dma_wait3A_192 : memref<200x128xi32, #tpu.memory_space<hbm>>) dst(%arg5 : memref<200x128xi32, #tpu.memory_space<vmem>>)
      tpu.yield
    }) : () -> ()
    %iota3A = tpu.iota {dimensions = array<i32: 0>} : vector<16xi32>
    %ge3A = arith.constant 8 : i32
    %ge3A_3 = vector.broadcast %ge3A : i32 to vector<16xi32>
    %ge3A_4 = arith.cmpi sge, %iota3A, %ge3A_3 : vector<16xi32>
    %jit3A = arith.constant 1 : i32
    %jit3A_5 = arith.constant 0 : i32
    %broadcast_in_dim3A = vector.broadcast %jit3A : i32 to vector<16xi32>
    %broadcast_in_dim3A_6 = vector.broadcast %jit3A_5 : i32 to vector<16xi32>
    %select_n3A = arith.select %ge3A_4, %broadcast_in_dim3A, %broadcast_in_dim3A_6 : vector<16xi1>, vector<16xi32>
    %add3A_7 = arith.constant 0 : i32
    %add3A_8 = vector.broadcast %add3A_7 : i32 to vector<16xi32>
    %add3A_9 = arith.addi %add3A_8, %select_n3A : vector<16xi32>
    %add3A_10 = arith.constant 2 : i32
    %add3A_11 = vector.broadcast %add3A_10 : i32 to vector<16xi32>
    %add3A_12 = arith.addi %add3A_11, %select_n3A : vector<16xi32>
    %add3A_13 = arith.constant 4 : i32
    %add3A_14 = vector.broadcast %add3A_13 : i32 to vector<16xi32>
    %add3A_15 = arith.addi %add3A_14, %select_n3A : vector<16xi32>
    %add3A_16 = arith.constant 6 : i32
    %add3A_17 = vector.broadcast %add3A_16 : i32 to vector<16xi32>
    %add3A_18 = arith.addi %add3A_17, %select_n3A : vector<16xi32>
    %mul3A_19 = arith.constant 8 : i32
    %mul3A_20 = vector.broadcast %mul3A_19 : i32 to vector<16xi32>
    %mul3A_21 = arith.muli %mul3A_20, %select_n3A : vector<16xi32>
    %sub3A = arith.subi %iota3A, %mul3A_21 : vector<16xi32>
    %dma_start3A = arith.constant 0 : i32
    %dma_start3A_22 = arith.constant 0 : i32
    %dma_start3A_23 = arith.constant 0 : i32
    %dma_start3A_24 = tpu.memref_slice %arg5[%dma_start3A, %dma_start3A_23] : memref<200x128xi32, #tpu.memory_space<vmem>> -> memref<1x128xi32, #tpu.memory_space<vmem>>
    %dma_start3A_25 = tpu.memref_squeeze %dma_start3A_24 : memref<1x128xi32, #tpu.memory_space<vmem>> -> memref<128xi32, #tpu.memory_space<vmem>>
    %dma_start3A_26 = arith.constant 0 : i32
    %dma_start3A_27 = arith.constant 0 : i32
    %dma_start3A_28 = tpu.memref_slice %arg3[%dma_start3A_26, %dma_start3A_27] : memref<1000000x64xf32, #tpu.memory_space<hbm>> -> memref<1000000x64xf32, #tpu.memory_space<hbm>>
    %dma_start3A_29 = tpu.memref_slice %arg16[%dma_start3A_22] : memref<5x!tpu.dma_semaphore, #tpu.memory_space<semaphore_mem>> -> memref<1x!tpu.dma_semaphore, #tpu.memory_space<semaphore_mem>>
    %dma_start3A_30 = tpu.memref_squeeze %dma_start3A_29 : memref<1x!tpu.dma_semaphore, #tpu.memory_space<semaphore_mem>> -> memref<!tpu.dma_semaphore, #tpu.memory_space<semaphore_mem>>
    tpu.enqueue_indirect_dma source(%dma_start3A_28 : memref<1000000x64xf32, #tpu.memory_space<hbm>>) target(%arg6 : memref<128x64xf32, #tpu.memory_space<vmem>>) offsets(%dma_start3A_25 : memref<128xi32, #tpu.memory_space<vmem>>) semaphore(%dma_start3A_30 : memref<!tpu.dma_semaphore, #tpu.memory_space<semaphore_mem>>)
    %dma_start3A_31 = arith.constant 1 : i32
    %dma_start3A_32 = arith.constant 1 : i32
    %dma_start3A_33 = arith.constant 0 : i32
    %dma_start3A_34 = tpu.memref_slice %arg5[%dma_start3A_31, %dma_start3A_33] : memref<200x128xi32, #tpu.memory_space<vmem>> -> memref<1x128xi32, #tpu.memory_space<vmem>>
    %dma_start3A_35 = tpu.memref_squeeze %dma_start3A_34 : memref<1x128xi32, #tpu.memory_space<vmem>> -> memref<128xi32, #tpu.memory_space<vmem>>
    %dma_start3A_36 = arith.constant 0 : i32
    %dma_start3A_37 = arith.constant 0 : i32
    %dma_start3A_38 = tpu.memref_slice %arg3[%dma_start3A_36, %dma_start3A_37] : memref<1000000x64xf32, #tpu.memory_space<hbm>> -> memref<1000000x64xf32, #tpu.memory_space<hbm>>
    %dma_start3A_39 = tpu.memref_slice %arg16[%dma_start3A_32] : memref<5x!tpu.dma_semaphore, #tpu.memory_space<semaphore_mem>> -> memref<1x!tpu.dma_semaphore, #tpu.memory_space<semaphore_mem>>
    %dma_start3A_40 = tpu.memref_squeeze %dma_start3A_39 : memref<1x!tpu.dma_semaphore, #tpu.memory_space<semaphore_mem>> -> memref<!tpu.dma_semaphore, #tpu.memory_space<semaphore_mem>>
    tpu.enqueue_indirect_dma source(%dma_start3A_38 : memref<1000000x64xf32, #tpu.memory_space<hbm>>) target(%arg7 : memref<128x64xf32, #tpu.memory_space<vmem>>) offsets(%dma_start3A_35 : memref<128xi32, #tpu.memory_space<vmem>>) semaphore(%dma_start3A_40 : memref<!tpu.dma_semaphore, #tpu.memory_space<semaphore_mem>>)
    %dma_start3A_41 = arith.constant 2 : i32
    %dma_start3A_42 = arith.constant 2 : i32
    %dma_start3A_43 = arith.constant 0 : i32
    %dma_start3A_44 = tpu.memref_slice %arg5[%dma_start3A_41, %dma_start3A_43] : memref<200x128xi32, #tpu.memory_space<vmem>> -> memref<1x128xi32, #tpu.memory_space<vmem>>
    %dma_start3A_45 = tpu.memref_squeeze %dma_start3A_44 : memref<1x128xi32, #tpu.memory_space<vmem>> -> memref<128xi32, #tpu.memory_space<vmem>>
    %dma_start3A_46 = arith.constant 0 : i32
    %dma_start3A_47 = arith.constant 0 : i32
    %dma_start3A_48 = tpu.memref_slice %arg3[%dma_start3A_46, %dma_start3A_47] : memref<1000000x64xf32, #tpu.memory_space<hbm>> -> memref<1000000x64xf32, #tpu.memory_space<hbm>>
    %dma_start3A_49 = tpu.memref_slice %arg16[%dma_start3A_42] : memref<5x!tpu.dma_semaphore, #tpu.memory_space<semaphore_mem>> -> memref<1x!tpu.dma_semaphore, #tpu.memory_space<semaphore_mem>>
    %dma_start3A_50 = tpu.memref_squeeze %dma_start3A_49 : memref<1x!tpu.dma_semaphore, #tpu.memory_space<semaphore_mem>> -> memref<!tpu.dma_semaphore, #tpu.memory_space<semaphore_mem>>
    tpu.enqueue_indirect_dma source(%dma_start3A_48 : memref<1000000x64xf32, #tpu.memory_space<hbm>>) target(%arg8 : memref<128x64xf32, #tpu.memory_space<vmem>>) offsets(%dma_start3A_45 : memref<128xi32, #tpu.memory_space<vmem>>) semaphore(%dma_start3A_50 : memref<!tpu.dma_semaphore, #tpu.memory_space<semaphore_mem>>)
    %dma_start3A_51 = arith.constant 3 : i32
    %dma_start3A_52 = arith.constant 3 : i32
    %dma_start3A_53 = arith.constant 0 : i32
    %dma_start3A_54 = tpu.memref_slice %arg5[%dma_start3A_51, %dma_start3A_53] : memref<200x128xi32, #tpu.memory_space<vmem>> -> memref<1x128xi32, #tpu.memory_space<vmem>>
    %dma_start3A_55 = tpu.memref_squeeze %dma_start3A_54 : memref<1x128xi32, #tpu.memory_space<vmem>> -> memref<128xi32, #tpu.memory_space<vmem>>
    %dma_start3A_56 = arith.constant 0 : i32
    %dma_start3A_57 = arith.constant 0 : i32
    %dma_start3A_58 = tpu.memref_slice %arg3[%dma_start3A_56, %dma_start3A_57] : memref<1000000x64xf32, #tpu.memory_space<hbm>> -> memref<1000000x64xf32, #tpu.memory_space<hbm>>
    %dma_start3A_59 = tpu.memref_slice %arg16[%dma_start3A_52] : memref<5x!tpu.dma_semaphore, #tpu.memory_space<semaphore_mem>> -> memref<1x!tpu.dma_semaphore, #tpu.memory_space<semaphore_mem>>
    %dma_start3A_60 = tpu.memref_squeeze %dma_start3A_59 : memref<1x!tpu.dma_semaphore, #tpu.memory_space<semaphore_mem>> -> memref<!tpu.dma_semaphore, #tpu.memory_space<semaphore_mem>>
    tpu.enqueue_indirect_dma source(%dma_start3A_58 : memref<1000000x64xf32, #tpu.memory_space<hbm>>) target(%arg9 : memref<128x64xf32, #tpu.memory_space<vmem>>) offsets(%dma_start3A_55 : memref<128xi32, #tpu.memory_space<vmem>>) semaphore(%dma_start3A_60 : memref<!tpu.dma_semaphore, #tpu.memory_space<semaphore_mem>>)
    %dma_start3A_61 = arith.constant 4 : i32
    %dma_start3A_62 = arith.constant 4 : i32
    %dma_start3A_63 = arith.constant 0 : i32
    %dma_start3A_64 = tpu.memref_slice %arg5[%dma_start3A_61, %dma_start3A_63] : memref<200x128xi32, #tpu.memory_space<vmem>> -> memref<1x128xi32, #tpu.memory_space<vmem>>
    %dma_start3A_65 = tpu.memref_squeeze %dma_start3A_64 : memref<1x128xi32, #tpu.memory_space<vmem>> -> memref<128xi32, #tpu.memory_space<vmem>>
    %dma_start3A_66 = arith.constant 0 : i32
    %dma_start3A_67 = arith.constant 0 : i32
    %dma_start3A_68 = tpu.memref_slice %arg3[%dma_start3A_66, %dma_start3A_67] : memref<1000000x64xf32, #tpu.memory_space<hbm>> -> memref<1000000x64xf32, #tpu.memory_space<hbm>>
    %dma_start3A_69 = tpu.memref_slice %arg16[%dma_start3A_62] : memref<5x!tpu.dma_semaphore, #tpu.memory_space<semaphore_mem>> -> memref<1x!tpu.dma_semaphore, #tpu.memory_space<semaphore_mem>>
    %dma_start3A_70 = tpu.memref_squeeze %dma_start3A_69 : memref<1x!tpu.dma_semaphore, #tpu.memory_space<semaphore_mem>> -> memref<!tpu.dma_semaphore, #tpu.memory_space<semaphore_mem>>
    tpu.enqueue_indirect_dma source(%dma_start3A_68 : memref<1000000x64xf32, #tpu.memory_space<hbm>>) target(%arg10 : memref<128x64xf32, #tpu.memory_space<vmem>>) offsets(%dma_start3A_65 : memref<128xi32, #tpu.memory_space<vmem>>) semaphore(%dma_start3A_70 : memref<!tpu.dma_semaphore, #tpu.memory_space<semaphore_mem>>)
    %scan3A = arith.constant 0 : i32
    %scan3A_71 = arith.constant 0 : i32
    %scan3A_72 = arith.constant 40 : i32
    %scan3A_73 = arith.addi %scan3A_71, %scan3A_72 : i32
    %scan3A_74 = arith.constant 1 : i32
    scf.for %scan3A_185 = %scan3A_71 to %scan3A_73 step %scan3A_74  : i32 {
      %mul3A_186 = arith.constant 5 : i32
      %mul3A_187 = arith.muli %scan3A_185, %mul3A_186 : i32
      %add3A_188 = arith.constant 0 : i32
      %add3A_189 = arith.addi %mul3A_187, %add3A_188 : i32
      %dma_wait3A_190 = arith.constant 0 : i32
      %dma_wait3A_191 = arith.constant 0 : i32
      %dma_wait3A_192 = arith.constant 0 : i32
      %dma_wait3A_193 = tpu.memref_slice %arg3[%dma_wait3A_191, %dma_wait3A_192] : memref<1000000x64xf32, #tpu.memory_space<hbm>> -> memref<128x64xf32, #tpu.memory_space<hbm>>
      %dma_wait3A_194 = tpu.memref_slice %arg16[%dma_wait3A_190] : memref<5x!tpu.dma_semaphore, #tpu.memory_space<semaphore_mem>> -> memref<1x!tpu.dma_semaphore, #tpu.memory_space<semaphore_mem>>
      %dma_wait3A_195 = tpu.memref_squeeze %dma_wait3A_194 : memref<1x!tpu.dma_semaphore, #tpu.memory_space<semaphore_mem>> -> memref<!tpu.dma_semaphore, #tpu.memory_space<semaphore_mem>>
      %dma_wait3A_196 = arith.constant 0 : i32
      %dma_wait3A_197 = arith.constant 0 : i32
      %dma_wait3A_198 = tpu.memref_slice %arg3[%dma_wait3A_196, %dma_wait3A_197] : memref<1000000x64xf32, #tpu.memory_space<hbm>> -> memref<128x64xf32, #tpu.memory_space<hbm>>
      tpu.wait_dma2 semaphore(%dma_wait3A_195 : memref<!tpu.dma_semaphore, #tpu.memory_space<semaphore_mem>>) src(%dma_wait3A_198 : memref<128x64xf32, #tpu.memory_space<hbm>>) dst(%arg6 : memref<128x64xf32, #tpu.memory_space<vmem>>)
      %gt3A = arith.constant 0 : i32
      %gt3A_199 = arith.cmpi sgt, %scan3A_185, %gt3A : i32
      %convert_element_type3A = arith.extui %gt3A_199 : i1 to i32
      %cond3A = arith.constant 0 : i32
      %cond3A_200 = arith.cmpi ne, %convert_element_type3A, %cond3A : i32
      scf.if %cond3A_200 {
        %dma_wait3A_442 = arith.constant 0 : i32
        %dma_wait3A_443 = arith.constant 0 : i32
        %dma_wait3A_444 = arith.constant 0 : i32
        %dma_wait3A_445 = arith.constant 0 : i32
        %dma_wait3A_446 = arith.constant 0 : i32
        %dma_wait3A_447 = tpu.memref_slice %arg11[%dma_wait3A_444, %dma_wait3A_445, %dma_wait3A_446] : memref<8x8x129xf32, #tpu.memory_space<vmem>> -> memref<8x8x128xf32, #tpu.memory_space<vmem>>
        %dma_wait3A_448 = arith.constant 0 : i32
        %dma_wait3A_449 = arith.constant 0 : i32
        %dma_wait3A_450 = arith.constant 0 : i32
        %dma_wait3A_451 = tpu.memref_slice %arg4[%dma_wait3A_442, %dma_wait3A_448, %dma_wait3A_449, %dma_wait3A_450] : memref<200x8x256x128xf32, #tpu.memory_space<hbm>> -> memref<1x8x8x128xf32, #tpu.memory_space<hbm>>
        %dma_wait3A_452 = tpu.memref_squeeze %dma_wait3A_451 : memref<1x8x8x128xf32, #tpu.memory_space<hbm>> -> memref<8x8x128xf32, #tpu.memory_space<hbm>>
        %dma_wait3A_453 = tpu.memref_slice %arg17[%dma_wait3A_443] : memref<5x!tpu.dma_semaphore, #tpu.memory_space<semaphore_mem>> -> memref<1x!tpu.dma_semaphore, #tpu.memory_space<semaphore_mem>>
        %dma_wait3A_454 = tpu.memref_squeeze %dma_wait3A_453 : memref<1x!tpu.dma_semaphore, #tpu.memory_space<semaphore_mem>> -> memref<!tpu.dma_semaphore, #tpu.memory_space<semaphore_mem>>
        %dma_wait3A_455 = arith.constant 0 : i32
        %dma_wait3A_456 = arith.constant 0 : i32
        %dma_wait3A_457 = arith.constant 0 : i32
        %dma_wait3A_458 = tpu.memref_slice %arg4[%dma_wait3A_442, %dma_wait3A_455, %dma_wait3A_456, %dma_wait3A_457] : memref<200x8x256x128xf32, #tpu.memory_space<hbm>> -> memref<1x8x8x128xf32, #tpu.memory_space<hbm>>
        %dma_wait3A_459 = tpu.memref_squeeze %dma_wait3A_458 : memref<1x8x8x128xf32, #tpu.memory_space<hbm>> -> memref<8x8x128xf32, #tpu.memory_space<hbm>>
        %dma_wait3A_460 = arith.constant 0 : i32
        %dma_wait3A_461 = arith.constant 0 : i32
        %dma_wait3A_462 = arith.constant 0 : i32
        %dma_wait3A_463 = tpu.memref_slice %arg11[%dma_wait3A_460, %dma_wait3A_461, %dma_wait3A_462] : memref<8x8x129xf32, #tpu.memory_space<vmem>> -> memref<8x8x128xf32, #tpu.memory_space<vmem>>
        tpu.wait_dma2 semaphore(%dma_wait3A_454 : memref<!tpu.dma_semaphore, #tpu.memory_space<semaphore_mem>>) src(%dma_wait3A_463 : memref<8x8x128xf32, #tpu.memory_space<vmem>>) dst(%dma_wait3A_459 : memref<8x8x128xf32, #tpu.memory_space<hbm>>)
      } else {
      }
      %scan3A_201 = arith.constant 0 : i32
      %scan3A_202 = arith.constant 0 : i32
      %scan3A_203 = arith.constant 16 : i32
      %scan3A_204 = arith.addi %scan3A_202, %scan3A_203 : i32
      %scan3A_205 = arith.constant 1 : i32
      scf.for %scan3A_442 = %scan3A_202 to %scan3A_204 step %scan3A_205  : i32 {
        %mul3A_443 = arith.constant 8 : i32
        %mul3A_444 = arith.muli %scan3A_442, %mul3A_443 : i32
        %add3A_445 = arith.constant 0 : i32
        %add3A_446 = arith.addi %mul3A_444, %add3A_445 : i32
        %broadcast_in_dim3A_447 = vector.broadcast %add3A_446 : i32 to vector<16xi32>
        %get3A = arith.index_cast %add3A_446 : i32 to index
        %get3A_448 = arith.constant 0 : index
        %get3A_449 = tpu.vector_load %arg6[%get3A, %get3A_448] {strides = array<i32>} : memref<128x64xf32, #tpu.memory_space<vmem>>, vector<16xf32>,
        tpu.vector_store_idx %arg11[%add3A_9, %sub3A, %broadcast_in_dim3A_447], %get3A_449 : memref<8x8x129xf32, #tpu.memory_space<vmem>>[vector<16xi32>, vector<16xi32>, vector<16xi32>], vector<16xf32>,
        %get3A_450 = arith.index_cast %add3A_446 : i32 to index
        %get3A_451 = arith.constant 16 : index
        %get3A_452 = tpu.vector_load %arg6[%get3A_450, %get3A_451] {strides = array<i32>} : memref<128x64xf32, #tpu.memory_space<vmem>>, vector<16xf32>,
        tpu.vector_store_idx %arg11[%add3A_12, %sub3A, %broadcast_in_dim3A_447], %get3A_452 : memref<8x8x129xf32, #tpu.memory_space<vmem>>[vector<16xi32>, vector<16xi32>, vector<16xi32>], vector<16xf32>,
        %get3A_453 = arith.index_cast %add3A_446 : i32 to index
        %get3A_454 = arith.constant 32 : index
        %get3A_455 = tpu.vector_load %arg6[%get3A_453, %get3A_454] {strides = array<i32>} : memref<128x64xf32, #tpu.memory_space<vmem>>, vector<16xf32>,
        tpu.vector_store_idx %arg11[%add3A_15, %sub3A, %broadcast_in_dim3A_447], %get3A_455 : memref<8x8x129xf32, #tpu.memory_space<vmem>>[vector<16xi32>, vector<16xi32>, vector<16xi32>], vector<16xf32>,
        %get3A_456 = arith.index_cast %add3A_446 : i32 to index
        %get3A_457 = arith.constant 48 : index
        %get3A_458 = tpu.vector_load %arg6[%get3A_456, %get3A_457] {strides = array<i32>} : memref<128x64xf32, #tpu.memory_space<vmem>>, vector<16xf32>,
        tpu.vector_store_idx %arg11[%add3A_18, %sub3A, %broadcast_in_dim3A_447], %get3A_458 : memref<8x8x129xf32, #tpu.memory_space<vmem>>[vector<16xi32>, vector<16xi32>, vector<16xi32>], vector<16xf32>,
        %add3A_459 = arith.constant 1 : i32
        %add3A_460 = arith.addi %mul3A_444, %add3A_459 : i32
        %broadcast_in_dim3A_461 = vector.broadcast %add3A_460 : i32 to vector<16xi32>
        %get3A_462 = arith.index_cast %add3A_460 : i32 to index
        %get3A_463 = arith.constant 0 : index
        %get3A_464 = tpu.vector_load %arg6[%get3A_462, %get3A_463] {strides = array<i32>} : memref<128x64xf32, #tpu.memory_space<vmem>>, vector<16xf32>,
        tpu.vector_store_idx %arg11[%add3A_9, %sub3A, %broadcast_in_dim3A_461], %get3A_464 : memref<8x8x129xf32, #tpu.memory_space<vmem>>[vector<16xi32>, vector<16xi32>, vector<16xi32>], vector<16xf32>,
        %get3A_465 = arith.index_cast %add3A_460 : i32 to index
        %get3A_466 = arith.constant 16 : index
        %get3A_467 = tpu.vector_load %arg6[%get3A_465, %get3A_466] {strides = array<i32>} : memref<128x64xf32, #tpu.memory_space<vmem>>, vector<16xf32>,
        tpu.vector_store_idx %arg11[%add3A_12, %sub3A, %broadcast_in_dim3A_461], %get3A_467 : memref<8x8x129xf32, #tpu.memory_space<vmem>>[vector<16xi32>, vector<16xi32>, vector<16xi32>], vector<16xf32>,
        %get3A_468 = arith.index_cast %add3A_460 : i32 to index
        %get3A_469 = arith.constant 32 : index
        %get3A_470 = tpu.vector_load %arg6[%get3A_468, %get3A_469] {strides = array<i32>} : memref<128x64xf32, #tpu.memory_space<vmem>>, vector<16xf32>,
        tpu.vector_store_idx %arg11[%add3A_15, %sub3A, %broadcast_in_dim3A_461], %get3A_470 : memref<8x8x129xf32, #tpu.memory_space<vmem>>[vector<16xi32>, vector<16xi32>, vector<16xi32>], vector<16xf32>,
        %get3A_471 = arith.index_cast %add3A_460 : i32 to index
        %get3A_472 = arith.constant 48 : index
        %get3A_473 = tpu.vector_load %arg6[%get3A_471, %get3A_472] {strides = array<i32>} : memref<128x64xf32, #tpu.memory_space<vmem>>, vector<16xf32>,
        tpu.vector_store_idx %arg11[%add3A_18, %sub3A, %broadcast_in_dim3A_461], %get3A_473 : memref<8x8x129xf32, #tpu.memory_space<vmem>>[vector<16xi32>, vector<16xi32>, vector<16xi32>], vector<16xf32>,
        %add3A_474 = arith.constant 2 : i32
        %add3A_475 = arith.addi %mul3A_444, %add3A_474 : i32
        %broadcast_in_dim3A_476 = vector.broadcast %add3A_475 : i32 to vector<16xi32>
        %get3A_477 = arith.index_cast %add3A_475 : i32 to index
        %get3A_478 = arith.constant 0 : index
        %get3A_479 = tpu.vector_load %arg6[%get3A_477, %get3A_478] {strides = array<i32>} : memref<128x64xf32, #tpu.memory_space<vmem>>, vector<16xf32>,
        tpu.vector_store_idx %arg11[%add3A_9, %sub3A, %broadcast_in_dim3A_476], %get3A_479 : memref<8x8x129xf32, #tpu.memory_space<vmem>>[vector<16xi32>, vector<16xi32>, vector<16xi32>], vector<16xf32>,
        %get3A_480 = arith.index_cast %add3A_475 : i32 to index
        %get3A_481 = arith.constant 16 : index
        %get3A_482 = tpu.vector_load %arg6[%get3A_480, %get3A_481] {strides = array<i32>} : memref<128x64xf32, #tpu.memory_space<vmem>>, vector<16xf32>,
        tpu.vector_store_idx %arg11[%add3A_12, %sub3A, %broadcast_in_dim3A_476], %get3A_482 : memref<8x8x129xf32, #tpu.memory_space<vmem>>[vector<16xi32>, vector<16xi32>, vector<16xi32>], vector<16xf32>,
        %get3A_483 = arith.index_cast %add3A_475 : i32 to index
        %get3A_484 = arith.constant 32 : index
        %get3A_485 = tpu.vector_load %arg6[%get3A_483, %get3A_484] {strides = array<i32>} : memref<128x64xf32, #tpu.memory_space<vmem>>, vector<16xf32>,
        tpu.vector_store_idx %arg11[%add3A_15, %sub3A, %broadcast_in_dim3A_476], %get3A_485 : memref<8x8x129xf32, #tpu.memory_space<vmem>>[vector<16xi32>, vector<16xi32>, vector<16xi32>], vector<16xf32>,
        %get3A_486 = arith.index_cast %add3A_475 : i32 to index
        %get3A_487 = arith.constant 48 : index
        %get3A_488 = tpu.vector_load %arg6[%get3A_486, %get3A_487] {strides = array<i32>} : memref<128x64xf32, #tpu.memory_space<vmem>>, vector<16xf32>,
        tpu.vector_store_idx %arg11[%add3A_18, %sub3A, %broadcast_in_dim3A_476], %get3A_488 : memref<8x8x129xf32, #tpu.memory_space<vmem>>[vector<16xi32>, vector<16xi32>, vector<16xi32>], vector<16xf32>,
        %add3A_489 = arith.constant 3 : i32
        %add3A_490 = arith.addi %mul3A_444, %add3A_489 : i32
        %broadcast_in_dim3A_491 = vector.broadcast %add3A_490 : i32 to vector<16xi32>
        %get3A_492 = arith.index_cast %add3A_490 : i32 to index
        %get3A_493 = arith.constant 0 : index
        %get3A_494 = tpu.vector_load %arg6[%get3A_492, %get3A_493] {strides = array<i32>} : memref<128x64xf32, #tpu.memory_space<vmem>>, vector<16xf32>,
        tpu.vector_store_idx %arg11[%add3A_9, %sub3A, %broadcast_in_dim3A_491], %get3A_494 : memref<8x8x129xf32, #tpu.memory_space<vmem>>[vector<16xi32>, vector<16xi32>, vector<16xi32>], vector<16xf32>,
        %get3A_495 = arith.index_cast %add3A_490 : i32 to index
        %get3A_496 = arith.constant 16 : index
        %get3A_497 = tpu.vector_load %arg6[%get3A_495, %get3A_496] {strides = array<i32>} : memref<128x64xf32, #tpu.memory_space<vmem>>, vector<16xf32>,
        tpu.vector_store_idx %arg11[%add3A_12, %sub3A, %broadcast_in_dim3A_491], %get3A_497 : memref<8x8x129xf32, #tpu.memory_space<vmem>>[vector<16xi32>, vector<16xi32>, vector<16xi32>], vector<16xf32>,
        %get3A_498 = arith.index_cast %add3A_490 : i32 to index
        %get3A_499 = arith.constant 32 : index
        %get3A_500 = tpu.vector_load %arg6[%get3A_498, %get3A_499] {strides = array<i32>} : memref<128x64xf32, #tpu.memory_space<vmem>>, vector<16xf32>,
        tpu.vector_store_idx %arg11[%add3A_15, %sub3A, %broadcast_in_dim3A_491], %get3A_500 : memref<8x8x129xf32, #tpu.memory_space<vmem>>[vector<16xi32>, vector<16xi32>, vector<16xi32>], vector<16xf32>,
        %get3A_501 = arith.index_cast %add3A_490 : i32 to index
        %get3A_502 = arith.constant 48 : index
        %get3A_503 = tpu.vector_load %arg6[%get3A_501, %get3A_502] {strides = array<i32>} : memref<128x64xf32, #tpu.memory_space<vmem>>, vector<16xf32>,
        tpu.vector_store_idx %arg11[%add3A_18, %sub3A, %broadcast_in_dim3A_491], %get3A_503 : memref<8x8x129xf32, #tpu.memory_space<vmem>>[vector<16xi32>, vector<16xi32>, vector<16xi32>], vector<16xf32>,
        %add3A_504 = arith.constant 4 : i32
        %add3A_505 = arith.addi %mul3A_444, %add3A_504 : i32
        %broadcast_in_dim3A_506 = vector.broadcast %add3A_505 : i32 to vector<16xi32>
        %get3A_507 = arith.index_cast %add3A_505 : i32 to index
        %get3A_508 = arith.constant 0 : index
        %get3A_509 = tpu.vector_load %arg6[%get3A_507, %get3A_508] {strides = array<i32>} : memref<128x64xf32, #tpu.memory_space<vmem>>, vector<16xf32>,
        tpu.vector_store_idx %arg11[%add3A_9, %sub3A, %broadcast_in_dim3A_506], %get3A_509 : memref<8x8x129xf32, #tpu.memory_space<vmem>>[vector<16xi32>, vector<16xi32>, vector<16xi32>], vector<16xf32>,
        %get3A_510 = arith.index_cast %add3A_505 : i32 to index
        %get3A_511 = arith.constant 16 : index
        %get3A_512 = tpu.vector_load %arg6[%get3A_510, %get3A_511] {strides = array<i32>} : memref<128x64xf32, #tpu.memory_space<vmem>>, vector<16xf32>,
        tpu.vector_store_idx %arg11[%add3A_12, %sub3A, %broadcast_in_dim3A_506], %get3A_512 : memref<8x8x129xf32, #tpu.memory_space<vmem>>[vector<16xi32>, vector<16xi32>, vector<16xi32>], vector<16xf32>,
        %get3A_513 = arith.index_cast %add3A_505 : i32 to index
        %get3A_514 = arith.constant 32 : index
        %get3A_515 = tpu.vector_load %arg6[%get3A_513, %get3A_514] {strides = array<i32>} : memref<128x64xf32, #tpu.memory_space<vmem>>, vector<16xf32>,
        tpu.vector_store_idx %arg11[%add3A_15, %sub3A, %broadcast_in_dim3A_506], %get3A_515 : memref<8x8x129xf32, #tpu.memory_space<vmem>>[vector<16xi32>, vector<16xi32>, vector<16xi32>], vector<16xf32>,
        %get3A_516 = arith.index_cast %add3A_505 : i32 to index
        %get3A_517 = arith.constant 48 : index
        %get3A_518 = tpu.vector_load %arg6[%get3A_516, %get3A_517] {strides = array<i32>} : memref<128x64xf32, #tpu.memory_space<vmem>>, vector<16xf32>,
        tpu.vector_store_idx %arg11[%add3A_18, %sub3A, %broadcast_in_dim3A_506], %get3A_518 : memref<8x8x129xf32, #tpu.memory_space<vmem>>[vector<16xi32>, vector<16xi32>, vector<16xi32>], vector<16xf32>,
        %add3A_519 = arith.constant 5 : i32
        %add3A_520 = arith.addi %mul3A_444, %add3A_519 : i32
        %broadcast_in_dim3A_521 = vector.broadcast %add3A_520 : i32 to vector<16xi32>
        %get3A_522 = arith.index_cast %add3A_520 : i32 to index
        %get3A_523 = arith.constant 0 : index
        %get3A_524 = tpu.vector_load %arg6[%get3A_522, %get3A_523] {strides = array<i32>} : memref<128x64xf32, #tpu.memory_space<vmem>>, vector<16xf32>,
        tpu.vector_store_idx %arg11[%add3A_9, %sub3A, %broadcast_in_dim3A_521], %get3A_524 : memref<8x8x129xf32, #tpu.memory_space<vmem>>[vector<16xi32>, vector<16xi32>, vector<16xi32>], vector<16xf32>,
        %get3A_525 = arith.index_cast %add3A_520 : i32 to index
        %get3A_526 = arith.constant 16 : index
        %get3A_527 = tpu.vector_load %arg6[%get3A_525, %get3A_526] {strides = array<i32>} : memref<128x64xf32, #tpu.memory_space<vmem>>, vector<16xf32>,
        tpu.vector_store_idx %arg11[%add3A_12, %sub3A, %broadcast_in_dim3A_521], %get3A_527 : memref<8x8x129xf32, #tpu.memory_space<vmem>>[vector<16xi32>, vector<16xi32>, vector<16xi32>], vector<16xf32>,
        %get3A_528 = arith.index_cast %add3A_520 : i32 to index
        %get3A_529 = arith.constant 32 : index
        %get3A_530 = tpu.vector_load %arg6[%get3A_528, %get3A_529] {strides = array<i32>} : memref<128x64xf32, #tpu.memory_space<vmem>>, vector<16xf32>,
        tpu.vector_store_idx %arg11[%add3A_15, %sub3A, %broadcast_in_dim3A_521], %get3A_530 : memref<8x8x129xf32, #tpu.memory_space<vmem>>[vector<16xi32>, vector<16xi32>, vector<16xi32>], vector<16xf32>,
        %get3A_531 = arith.index_cast %add3A_520 : i32 to index
        %get3A_532 = arith.constant 48 : index
        %get3A_533 = tpu.vector_load %arg6[%get3A_531, %get3A_532] {strides = array<i32>} : memref<128x64xf32, #tpu.memory_space<vmem>>, vector<16xf32>,
        tpu.vector_store_idx %arg11[%add3A_18, %sub3A, %broadcast_in_dim3A_521], %get3A_533 : memref<8x8x129xf32, #tpu.memory_space<vmem>>[vector<16xi32>, vector<16xi32>, vector<16xi32>], vector<16xf32>,
        %add3A_534 = arith.constant 6 : i32
        %add3A_535 = arith.addi %mul3A_444, %add3A_534 : i32
        %broadcast_in_dim3A_536 = vector.broadcast %add3A_535 : i32 to vector<16xi32>
        %get3A_537 = arith.index_cast %add3A_535 : i32 to index
        %get3A_538 = arith.constant 0 : index
        %get3A_539 = tpu.vector_load %arg6[%get3A_537, %get3A_538] {strides = array<i32>} : memref<128x64xf32, #tpu.memory_space<vmem>>, vector<16xf32>,
        tpu.vector_store_idx %arg11[%add3A_9, %sub3A, %broadcast_in_dim3A_536], %get3A_539 : memref<8x8x129xf32, #tpu.memory_space<vmem>>[vector<16xi32>, vector<16xi32>, vector<16xi32>], vector<16xf32>,
        %get3A_540 = arith.index_cast %add3A_535 : i32 to index
        %get3A_541 = arith.constant 16 : index
        %get3A_542 = tpu.vector_load %arg6[%get3A_540, %get3A_541] {strides = array<i32>} : memref<128x64xf32, #tpu.memory_space<vmem>>, vector<16xf32>,
        tpu.vector_store_idx %arg11[%add3A_12, %sub3A, %broadcast_in_dim3A_536], %get3A_542 : memref<8x8x129xf32, #tpu.memory_space<vmem>>[vector<16xi32>, vector<16xi32>, vector<16xi32>], vector<16xf32>,
        %get3A_543 = arith.index_cast %add3A_535 : i32 to index
        %get3A_544 = arith.constant 32 : index
        %get3A_545 = tpu.vector_load %arg6[%get3A_543, %get3A_544] {strides = array<i32>} : memref<128x64xf32, #tpu.memory_space<vmem>>, vector<16xf32>,
        tpu.vector_store_idx %arg11[%add3A_15, %sub3A, %broadcast_in_dim3A_536], %get3A_545 : memref<8x8x129xf32, #tpu.memory_space<vmem>>[vector<16xi32>, vector<16xi32>, vector<16xi32>], vector<16xf32>,
        %get3A_546 = arith.index_cast %add3A_535 : i32 to index
        %get3A_547 = arith.constant 48 : index
        %get3A_548 = tpu.vector_load %arg6[%get3A_546, %get3A_547] {strides = array<i32>} : memref<128x64xf32, #tpu.memory_space<vmem>>, vector<16xf32>,
        tpu.vector_store_idx %arg11[%add3A_18, %sub3A, %broadcast_in_dim3A_536], %get3A_548 : memref<8x8x129xf32, #tpu.memory_space<vmem>>[vector<16xi32>, vector<16xi32>, vector<16xi32>], vector<16xf32>,
        %add3A_549 = arith.constant 7 : i32
        %add3A_550 = arith.addi %mul3A_444, %add3A_549 : i32
        %broadcast_in_dim3A_551 = vector.broadcast %add3A_550 : i32 to vector<16xi32>
        %get3A_552 = arith.index_cast %add3A_550 : i32 to index
        %get3A_553 = arith.constant 0 : index
        %get3A_554 = tpu.vector_load %arg6[%get3A_552, %get3A_553] {strides = array<i32>} : memref<128x64xf32, #tpu.memory_space<vmem>>, vector<16xf32>,
        tpu.vector_store_idx %arg11[%add3A_9, %sub3A, %broadcast_in_dim3A_551], %get3A_554 : memref<8x8x129xf32, #tpu.memory_space<vmem>>[vector<16xi32>, vector<16xi32>, vector<16xi32>], vector<16xf32>,
        %get3A_555 = arith.index_cast %add3A_550 : i32 to index
        %get3A_556 = arith.constant 16 : index
        %get3A_557 = tpu.vector_load %arg6[%get3A_555, %get3A_556] {strides = array<i32>} : memref<128x64xf32, #tpu.memory_space<vmem>>, vector<16xf32>,
        tpu.vector_store_idx %arg11[%add3A_12, %sub3A, %broadcast_in_dim3A_551], %get3A_557 : memref<8x8x129xf32, #tpu.memory_space<vmem>>[vector<16xi32>, vector<16xi32>, vector<16xi32>], vector<16xf32>,
        %get3A_558 = arith.index_cast %add3A_550 : i32 to index
        %get3A_559 = arith.constant 32 : index
        %get3A_560 = tpu.vector_load %arg6[%get3A_558, %get3A_559] {strides = array<i32>} : memref<128x64xf32, #tpu.memory_space<vmem>>, vector<16xf32>,
        tpu.vector_store_idx %arg11[%add3A_15, %sub3A, %broadcast_in_dim3A_551], %get3A_560 : memref<8x8x129xf32, #tpu.memory_space<vmem>>[vector<16xi32>, vector<16xi32>, vector<16xi32>], vector<16xf32>,
        %get3A_561 = arith.index_cast %add3A_550 : i32 to index
        %get3A_562 = arith.constant 48 : index
        %get3A_563 = tpu.vector_load %arg6[%get3A_561, %get3A_562] {strides = array<i32>} : memref<128x64xf32, #tpu.memory_space<vmem>>, vector<16xf32>,
        tpu.vector_store_idx %arg11[%add3A_18, %sub3A, %broadcast_in_dim3A_551], %get3A_563 : memref<8x8x129xf32, #tpu.memory_space<vmem>>[vector<16xi32>, vector<16xi32>, vector<16xi32>], vector<16xf32>,
      }
      %scan3A_206 = arith.constant 16 : i32
      %mul3A_207 = arith.constant 8 : i32
      %mul3A_208 = arith.muli %add3A, %mul3A_207 : i32
      %dma_start3A_209 = arith.constant 0 : i32
      %dma_start3A_210 = arith.constant 0 : i32
      %dma_start3A_211 = arith.constant 0 : i32
      %dma_start3A_212 = arith.constant 0 : i32
      %dma_start3A_213 = tpu.memref_slice %arg11[%dma_start3A_210, %dma_start3A_211, %dma_start3A_212] : memref<8x8x129xf32, #tpu.memory_space<vmem>> -> memref<8x8x128xf32, #tpu.memory_space<vmem>>
      %dma_start3A_214 = arith.constant 0 : i32
      %dma_start3A_215 = arith.constant 0 : i32
      %dma_start3A_216 = tpu.memref_slice %arg4[%add3A_189, %dma_start3A_214, %mul3A_208, %dma_start3A_215] : memref<200x8x256x128xf32, #tpu.memory_space<hbm>> -> memref<1x8x8x128xf32, #tpu.memory_space<hbm>>
      %dma_start3A_217 = tpu.memref_squeeze %dma_start3A_216 : memref<1x8x8x128xf32, #tpu.memory_space<hbm>> -> memref<8x8x128xf32, #tpu.memory_space<hbm>>
      %dma_start3A_218 = tpu.memref_slice %arg17[%dma_start3A_209] : memref<5x!tpu.dma_semaphore, #tpu.memory_space<semaphore_mem>> -> memref<1x!tpu.dma_semaphore, #tpu.memory_space<semaphore_mem>>
      %dma_start3A_219 = tpu.memref_squeeze %dma_start3A_218 : memref<1x!tpu.dma_semaphore, #tpu.memory_space<semaphore_mem>> -> memref<!tpu.dma_semaphore, #tpu.memory_space<semaphore_mem>>
      %dma_start3A_220 = arith.constant 0 : i32
      %dma_start3A_221 = arith.constant 0 : i32
      %dma_start3A_222 = tpu.memref_slice %arg4[%add3A_189, %dma_start3A_220, %mul3A_208, %dma_start3A_221] : memref<200x8x256x128xf32, #tpu.memory_space<hbm>> -> memref<1x8x8x128xf32, #tpu.memory_space<hbm>>
      %dma_start3A_223 = tpu.memref_squeeze %dma_start3A_222 : memref<1x8x8x128xf32, #tpu.memory_space<hbm>> -> memref<8x8x128xf32, #tpu.memory_space<hbm>>
      %dma_start3A_224 = arith.constant 0 : i32
      %dma_start3A_225 = arith.constant 0 : i32
      %dma_start3A_226 = arith.constant 0 : i32
      %dma_start3A_227 = tpu.memref_slice %arg11[%dma_start3A_224, %dma_start3A_225, %dma_start3A_226] : memref<8x8x129xf32, #tpu.memory_space<vmem>> -> memref<8x8x128xf32, #tpu.memory_space<vmem>>
      tpu.enqueue_dma source(%dma_start3A_227 : memref<8x8x128xf32, #tpu.memory_space<vmem>>) target(%dma_start3A_223 : memref<8x8x128xf32, #tpu.memory_space<hbm>>) target_semaphore(%dma_start3A_219 : memref<!tpu.dma_semaphore, #tpu.memory_space<semaphore_mem>>)
      %add3A_228 = arith.constant 5 : i32
      %add3A_229 = arith.addi %add3A_189, %add3A_228 : i32
      %lt3A = arith.constant 200 : i32
      %lt3A_230 = arith.cmpi slt, %add3A_229, %lt3A : i32
      %convert_element_type3A_231 = arith.extui %lt3A_230 : i1 to i32
      %cond3A_232 = arith.constant 0 : i32
      %cond3A_233 = arith.cmpi ne, %convert_element_type3A_231, %cond3A_232 : i32
      scf.if %cond3A_233 {
        %add3A_442 = arith.constant 5 : i32
        %add3A_443 = arith.addi %add3A_189, %add3A_442 : i32
        %dma_start3A_444 = arith.constant 0 : i32
        %dma_start3A_445 = arith.constant 0 : i32
        %dma_start3A_446 = tpu.memref_slice %arg5[%add3A_443, %dma_start3A_445] : memref<200x128xi32, #tpu.memory_space<vmem>> -> memref<1x128xi32, #tpu.memory_space<vmem>>
        %dma_start3A_447 = tpu.memref_squeeze %dma_start3A_446 : memref<1x128xi32, #tpu.memory_space<vmem>> -> memref<128xi32, #tpu.memory_space<vmem>>
        %dma_start3A_448 = arith.constant 0 : i32
        %dma_start3A_449 = arith.constant 0 : i32
        %dma_start3A_450 = tpu.memref_slice %arg3[%dma_start3A_448, %dma_start3A_449] : memref<1000000x64xf32, #tpu.memory_space<hbm>> -> memref<1000000x64xf32, #tpu.memory_space<hbm>>
        %dma_start3A_451 = tpu.memref_slice %arg16[%dma_start3A_444] : memref<5x!tpu.dma_semaphore, #tpu.memory_space<semaphore_mem>> -> memref<1x!tpu.dma_semaphore, #tpu.memory_space<semaphore_mem>>
        %dma_start3A_452 = tpu.memref_squeeze %dma_start3A_451 : memref<1x!tpu.dma_semaphore, #tpu.memory_space<semaphore_mem>> -> memref<!tpu.dma_semaphore, #tpu.memory_space<semaphore_mem>>
        tpu.enqueue_indirect_dma source(%dma_start3A_450 : memref<1000000x64xf32, #tpu.memory_space<hbm>>) target(%arg6 : memref<128x64xf32, #tpu.memory_space<vmem>>) offsets(%dma_start3A_447 : memref<128xi32, #tpu.memory_space<vmem>>) semaphore(%dma_start3A_452 : memref<!tpu.dma_semaphore, #tpu.memory_space<semaphore_mem>>)
      } else {
      }
      %mul3A_234 = arith.constant 5 : i32
      %mul3A_235 = arith.muli %scan3A_185, %mul3A_234 : i32
      %add3A_236 = arith.constant 1 : i32
      %add3A_237 = arith.addi %mul3A_235, %add3A_236 : i32
      %dma_wait3A_238 = arith.constant 1 : i32
      %dma_wait3A_239 = arith.constant 0 : i32
      %dma_wait3A_240 = arith.constant 0 : i32
      %dma_wait3A_241 = tpu.memref_slice %arg3[%dma_wait3A_239, %dma_wait3A_240] : memref<1000000x64xf32, #tpu.memory_space<hbm>> -> memref<128x64xf32, #tpu.memory_space<hbm>>
      %dma_wait3A_242 = tpu.memref_slice %arg16[%dma_wait3A_238] : memref<5x!tpu.dma_semaphore, #tpu.memory_space<semaphore_mem>> -> memref<1x!tpu.dma_semaphore, #tpu.memory_space<semaphore_mem>>
      %dma_wait3A_243 = tpu.memref_squeeze %dma_wait3A_242 : memref<1x!tpu.dma_semaphore, #tpu.memory_space<semaphore_mem>> -> memref<!tpu.dma_semaphore, #tpu.memory_space<semaphore_mem>>
      %dma_wait3A_244 = arith.constant 0 : i32
      %dma_wait3A_245 = arith.constant 0 : i32
      %dma_wait3A_246 = tpu.memref_slice %arg3[%dma_wait3A_244, %dma_wait3A_245] : memref<1000000x64xf32, #tpu.memory_space<hbm>> -> memref<128x64xf32, #tpu.memory_space<hbm>>
      tpu.wait_dma2 semaphore(%dma_wait3A_243 : memref<!tpu.dma_semaphore, #tpu.memory_space<semaphore_mem>>) src(%dma_wait3A_246 : memref<128x64xf32, #tpu.memory_space<hbm>>) dst(%arg7 : memref<128x64xf32, #tpu.memory_space<vmem>>)
      %gt3A_247 = arith.constant 0 : i32
      %gt3A_248 = arith.cmpi sgt, %scan3A_185, %gt3A_247 : i32
      %convert_element_type3A_249 = arith.extui %gt3A_248 : i1 to i32
      %cond3A_250 = arith.constant 0 : i32
      %cond3A_251 = arith.cmpi ne, %convert_element_type3A_249, %cond3A_250 : i32
      scf.if %cond3A_251 {
        %dma_wait3A_442 = arith.constant 0 : i32
        %dma_wait3A_443 = arith.constant 1 : i32
        %dma_wait3A_444 = arith.constant 0 : i32
        %dma_wait3A_445 = arith.constant 0 : i32
        %dma_wait3A_446 = arith.constant 0 : i32
        %dma_wait3A_447 = tpu.memref_slice %arg12[%dma_wait3A_444, %dma_wait3A_445, %dma_wait3A_446] : memref<8x8x129xf32, #tpu.memory_space<vmem>> -> memref<8x8x128xf32, #tpu.memory_space<vmem>>
        %dma_wait3A_448 = arith.constant 0 : i32
        %dma_wait3A_449 = arith.constant 0 : i32
        %dma_wait3A_450 = arith.constant 0 : i32
        %dma_wait3A_451 = tpu.memref_slice %arg4[%dma_wait3A_442, %dma_wait3A_448, %dma_wait3A_449, %dma_wait3A_450] : memref<200x8x256x128xf32, #tpu.memory_space<hbm>> -> memref<1x8x8x128xf32, #tpu.memory_space<hbm>>
        %dma_wait3A_452 = tpu.memref_squeeze %dma_wait3A_451 : memref<1x8x8x128xf32, #tpu.memory_space<hbm>> -> memref<8x8x128xf32, #tpu.memory_space<hbm>>
        %dma_wait3A_453 = tpu.memref_slice %arg17[%dma_wait3A_443] : memref<5x!tpu.dma_semaphore, #tpu.memory_space<semaphore_mem>> -> memref<1x!tpu.dma_semaphore, #tpu.memory_space<semaphore_mem>>
        %dma_wait3A_454 = tpu.memref_squeeze %dma_wait3A_453 : memref<1x!tpu.dma_semaphore, #tpu.memory_space<semaphore_mem>> -> memref<!tpu.dma_semaphore, #tpu.memory_space<semaphore_mem>>
        %dma_wait3A_455 = arith.constant 0 : i32
        %dma_wait3A_456 = arith.constant 0 : i32
        %dma_wait3A_457 = arith.constant 0 : i32
        %dma_wait3A_458 = tpu.memref_slice %arg4[%dma_wait3A_442, %dma_wait3A_455, %dma_wait3A_456, %dma_wait3A_457] : memref<200x8x256x128xf32, #tpu.memory_space<hbm>> -> memref<1x8x8x128xf32, #tpu.memory_space<hbm>>
        %dma_wait3A_459 = tpu.memref_squeeze %dma_wait3A_458 : memref<1x8x8x128xf32, #tpu.memory_space<hbm>> -> memref<8x8x128xf32, #tpu.memory_space<hbm>>
        %dma_wait3A_460 = arith.constant 0 : i32
        %dma_wait3A_461 = arith.constant 0 : i32
        %dma_wait3A_462 = arith.constant 0 : i32
        %dma_wait3A_463 = tpu.memref_slice %arg12[%dma_wait3A_460, %dma_wait3A_461, %dma_wait3A_462] : memref<8x8x129xf32, #tpu.memory_space<vmem>> -> memref<8x8x128xf32, #tpu.memory_space<vmem>>
        tpu.wait_dma2 semaphore(%dma_wait3A_454 : memref<!tpu.dma_semaphore, #tpu.memory_space<semaphore_mem>>) src(%dma_wait3A_463 : memref<8x8x128xf32, #tpu.memory_space<vmem>>) dst(%dma_wait3A_459 : memref<8x8x128xf32, #tpu.memory_space<hbm>>)
      } else {
      }
      %scan3A_252 = arith.constant 0 : i32
      %scan3A_253 = arith.constant 0 : i32
      %scan3A_254 = arith.constant 16 : i32
      %scan3A_255 = arith.addi %scan3A_253, %scan3A_254 : i32
      %scan3A_256 = arith.constant 1 : i32
      scf.for %scan3A_442 = %scan3A_253 to %scan3A_255 step %scan3A_256  : i32 {
        %mul3A_443 = arith.constant 8 : i32
        %mul3A_444 = arith.muli %scan3A_442, %mul3A_443 : i32
        %add3A_445 = arith.constant 0 : i32
        %add3A_446 = arith.addi %mul3A_444, %add3A_445 : i32
        %broadcast_in_dim3A_447 = vector.broadcast %add3A_446 : i32 to vector<16xi32>
        %get3A = arith.index_cast %add3A_446 : i32 to index
        %get3A_448 = arith.constant 0 : index
        %get3A_449 = tpu.vector_load %arg7[%get3A, %get3A_448] {strides = array<i32>} : memref<128x64xf32, #tpu.memory_space<vmem>>, vector<16xf32>,
        tpu.vector_store_idx %arg12[%add3A_9, %sub3A, %broadcast_in_dim3A_447], %get3A_449 : memref<8x8x129xf32, #tpu.memory_space<vmem>>[vector<16xi32>, vector<16xi32>, vector<16xi32>], vector<16xf32>,
        %get3A_450 = arith.index_cast %add3A_446 : i32 to index
        %get3A_451 = arith.constant 16 : index
        %get3A_452 = tpu.vector_load %arg7[%get3A_450, %get3A_451] {strides = array<i32>} : memref<128x64xf32, #tpu.memory_space<vmem>>, vector<16xf32>,
        tpu.vector_store_idx %arg12[%add3A_12, %sub3A, %broadcast_in_dim3A_447], %get3A_452 : memref<8x8x129xf32, #tpu.memory_space<vmem>>[vector<16xi32>, vector<16xi32>, vector<16xi32>], vector<16xf32>,
        %get3A_453 = arith.index_cast %add3A_446 : i32 to index
        %get3A_454 = arith.constant 32 : index
        %get3A_455 = tpu.vector_load %arg7[%get3A_453, %get3A_454] {strides = array<i32>} : memref<128x64xf32, #tpu.memory_space<vmem>>, vector<16xf32>,
        tpu.vector_store_idx %arg12[%add3A_15, %sub3A, %broadcast_in_dim3A_447], %get3A_455 : memref<8x8x129xf32, #tpu.memory_space<vmem>>[vector<16xi32>, vector<16xi32>, vector<16xi32>], vector<16xf32>,
        %get3A_456 = arith.index_cast %add3A_446 : i32 to index
        %get3A_457 = arith.constant 48 : index
        %get3A_458 = tpu.vector_load %arg7[%get3A_456, %get3A_457] {strides = array<i32>} : memref<128x64xf32, #tpu.memory_space<vmem>>, vector<16xf32>,
        tpu.vector_store_idx %arg12[%add3A_18, %sub3A, %broadcast_in_dim3A_447], %get3A_458 : memref<8x8x129xf32, #tpu.memory_space<vmem>>[vector<16xi32>, vector<16xi32>, vector<16xi32>], vector<16xf32>,
        %add3A_459 = arith.constant 1 : i32
        %add3A_460 = arith.addi %mul3A_444, %add3A_459 : i32
        %broadcast_in_dim3A_461 = vector.broadcast %add3A_460 : i32 to vector<16xi32>
        %get3A_462 = arith.index_cast %add3A_460 : i32 to index
        %get3A_463 = arith.constant 0 : index
        %get3A_464 = tpu.vector_load %arg7[%get3A_462, %get3A_463] {strides = array<i32>} : memref<128x64xf32, #tpu.memory_space<vmem>>, vector<16xf32>,
        tpu.vector_store_idx %arg12[%add3A_9, %sub3A, %broadcast_in_dim3A_461], %get3A_464 : memref<8x8x129xf32, #tpu.memory_space<vmem>>[vector<16xi32>, vector<16xi32>, vector<16xi32>], vector<16xf32>,
        %get3A_465 = arith.index_cast %add3A_460 : i32 to index
        %get3A_466 = arith.constant 16 : index
        %get3A_467 = tpu.vector_load %arg7[%get3A_465, %get3A_466] {strides = array<i32>} : memref<128x64xf32, #tpu.memory_space<vmem>>, vector<16xf32>,
        tpu.vector_store_idx %arg12[%add3A_12, %sub3A, %broadcast_in_dim3A_461], %get3A_467 : memref<8x8x129xf32, #tpu.memory_space<vmem>>[vector<16xi32>, vector<16xi32>, vector<16xi32>], vector<16xf32>,
        %get3A_468 = arith.index_cast %add3A_460 : i32 to index
        %get3A_469 = arith.constant 32 : index
        %get3A_470 = tpu.vector_load %arg7[%get3A_468, %get3A_469] {strides = array<i32>} : memref<128x64xf32, #tpu.memory_space<vmem>>, vector<16xf32>,
        tpu.vector_store_idx %arg12[%add3A_15, %sub3A, %broadcast_in_dim3A_461], %get3A_470 : memref<8x8x129xf32, #tpu.memory_space<vmem>>[vector<16xi32>, vector<16xi32>, vector<16xi32>], vector<16xf32>,
        %get3A_471 = arith.index_cast %add3A_460 : i32 to index
        %get3A_472 = arith.constant 48 : index
        %get3A_473 = tpu.vector_load %arg7[%get3A_471, %get3A_472] {strides = array<i32>} : memref<128x64xf32, #tpu.memory_space<vmem>>, vector<16xf32>,
        tpu.vector_store_idx %arg12[%add3A_18, %sub3A, %broadcast_in_dim3A_461], %get3A_473 : memref<8x8x129xf32, #tpu.memory_space<vmem>>[vector<16xi32>, vector<16xi32>, vector<16xi32>], vector<16xf32>,
        %add3A_474 = arith.constant 2 : i32
        %add3A_475 = arith.addi %mul3A_444, %add3A_474 : i32
        %broadcast_in_dim3A_476 = vector.broadcast %add3A_475 : i32 to vector<16xi32>
        %get3A_477 = arith.index_cast %add3A_475 : i32 to index
        %get3A_478 = arith.constant 0 : index
        %get3A_479 = tpu.vector_load %arg7[%get3A_477, %get3A_478] {strides = array<i32>} : memref<128x64xf32, #tpu.memory_space<vmem>>, vector<16xf32>,
        tpu.vector_store_idx %arg12[%add3A_9, %sub3A, %broadcast_in_dim3A_476], %get3A_479 : memref<8x8x129xf32, #tpu.memory_space<vmem>>[vector<16xi32>, vector<16xi32>, vector<16xi32>], vector<16xf32>,
        %get3A_480 = arith.index_cast %add3A_475 : i32 to index
        %get3A_481 = arith.constant 16 : index
        %get3A_482 = tpu.vector_load %arg7[%get3A_480, %get3A_481] {strides = array<i32>} : memref<128x64xf32, #tpu.memory_space<vmem>>, vector<16xf32>,
        tpu.vector_store_idx %arg12[%add3A_12, %sub3A, %broadcast_in_dim3A_476], %get3A_482 : memref<8x8x129xf32, #tpu.memory_space<vmem>>[vector<16xi32>, vector<16xi32>, vector<16xi32>], vector<16xf32>,
        %get3A_483 = arith.index_cast %add3A_475 : i32 to index
        %get3A_484 = arith.constant 32 : index
        %get3A_485 = tpu.vector_load %arg7[%get3A_483, %get3A_484] {strides = array<i32>} : memref<128x64xf32, #tpu.memory_space<vmem>>, vector<16xf32>,
        tpu.vector_store_idx %arg12[%add3A_15, %sub3A, %broadcast_in_dim3A_476], %get3A_485 : memref<8x8x129xf32, #tpu.memory_space<vmem>>[vector<16xi32>, vector<16xi32>, vector<16xi32>], vector<16xf32>,
        %get3A_486 = arith.index_cast %add3A_475 : i32 to index
        %get3A_487 = arith.constant 48 : index
        %get3A_488 = tpu.vector_load %arg7[%get3A_486, %get3A_487] {strides = array<i32>} : memref<128x64xf32, #tpu.memory_space<vmem>>, vector<16xf32>,
        tpu.vector_store_idx %arg12[%add3A_18, %sub3A, %broadcast_in_dim3A_476], %get3A_488 : memref<8x8x129xf32, #tpu.memory_space<vmem>>[vector<16xi32>, vector<16xi32>, vector<16xi32>], vector<16xf32>,
        %add3A_489 = arith.constant 3 : i32
        %add3A_490 = arith.addi %mul3A_444, %add3A_489 : i32
        %broadcast_in_dim3A_491 = vector.broadcast %add3A_490 : i32 to vector<16xi32>
        %get3A_492 = arith.index_cast %add3A_490 : i32 to index
        %get3A_493 = arith.constant 0 : index
        %get3A_494 = tpu.vector_load %arg7[%get3A_492, %get3A_493] {strides = array<i32>} : memref<128x64xf32, #tpu.memory_space<vmem>>, vector<16xf32>,
        tpu.vector_store_idx %arg12[%add3A_9, %sub3A, %broadcast_in_dim3A_491], %get3A_494 : memref<8x8x129xf32, #tpu.memory_space<vmem>>[vector<16xi32>, vector<16xi32>, vector<16xi32>], vector<16xf32>,
        %get3A_495 = arith.index_cast %add3A_490 : i32 to index
        %get3A_496 = arith.constant 16 : index
        %get3A_497 = tpu.vector_load %arg7[%get3A_495, %get3A_496] {strides = array<i32>} : memref<128x64xf32, #tpu.memory_space<vmem>>, vector<16xf32>,
        tpu.vector_store_idx %arg12[%add3A_12, %sub3A, %broadcast_in_dim3A_491], %get3A_497 : memref<8x8x129xf32, #tpu.memory_space<vmem>>[vector<16xi32>, vector<16xi32>, vector<16xi32>], vector<16xf32>,
        %get3A_498 = arith.index_cast %add3A_490 : i32 to index
        %get3A_499 = arith.constant 32 : index
        %get3A_500 = tpu.vector_load %arg7[%get3A_498, %get3A_499] {strides = array<i32>} : memref<128x64xf32, #tpu.memory_space<vmem>>, vector<16xf32>,
        tpu.vector_store_idx %arg12[%add3A_15, %sub3A, %broadcast_in_dim3A_491], %get3A_500 : memref<8x8x129xf32, #tpu.memory_space<vmem>>[vector<16xi32>, vector<16xi32>, vector<16xi32>], vector<16xf32>,
        %get3A_501 = arith.index_cast %add3A_490 : i32 to index
        %get3A_502 = arith.constant 48 : index
        %get3A_503 = tpu.vector_load %arg7[%get3A_501, %get3A_502] {strides = array<i32>} : memref<128x64xf32, #tpu.memory_space<vmem>>, vector<16xf32>,
        tpu.vector_store_idx %arg12[%add3A_18, %sub3A, %broadcast_in_dim3A_491], %get3A_503 : memref<8x8x129xf32, #tpu.memory_space<vmem>>[vector<16xi32>, vector<16xi32>, vector<16xi32>], vector<16xf32>,
        %add3A_504 = arith.constant 4 : i32
        %add3A_505 = arith.addi %mul3A_444, %add3A_504 : i32
        %broadcast_in_dim3A_506 = vector.broadcast %add3A_505 : i32 to vector<16xi32>
        %get3A_507 = arith.index_cast %add3A_505 : i32 to index
        %get3A_508 = arith.constant 0 : index
        %get3A_509 = tpu.vector_load %arg7[%get3A_507, %get3A_508] {strides = array<i32>} : memref<128x64xf32, #tpu.memory_space<vmem>>, vector<16xf32>,
        tpu.vector_store_idx %arg12[%add3A_9, %sub3A, %broadcast_in_dim3A_506], %get3A_509 : memref<8x8x129xf32, #tpu.memory_space<vmem>>[vector<16xi32>, vector<16xi32>, vector<16xi32>], vector<16xf32>,
        %get3A_510 = arith.index_cast %add3A_505 : i32 to index
        %get3A_511 = arith.constant 16 : index
        %get3A_512 = tpu.vector_load %arg7[%get3A_510, %get3A_511] {strides = array<i32>} : memref<128x64xf32, #tpu.memory_space<vmem>>, vector<16xf32>,
        tpu.vector_store_idx %arg12[%add3A_12, %sub3A, %broadcast_in_dim3A_506], %get3A_512 : memref<8x8x129xf32, #tpu.memory_space<vmem>>[vector<16xi32>, vector<16xi32>, vector<16xi32>], vector<16xf32>,
        %get3A_513 = arith.index_cast %add3A_505 : i32 to index
        %get3A_514 = arith.constant 32 : index
        %get3A_515 = tpu.vector_load %arg7[%get3A_513, %get3A_514] {strides = array<i32>} : memref<128x64xf32, #tpu.memory_space<vmem>>, vector<16xf32>,
        tpu.vector_store_idx %arg12[%add3A_15, %sub3A, %broadcast_in_dim3A_506], %get3A_515 : memref<8x8x129xf32, #tpu.memory_space<vmem>>[vector<16xi32>, vector<16xi32>, vector<16xi32>], vector<16xf32>,
        %get3A_516 = arith.index_cast %add3A_505 : i32 to index
        %get3A_517 = arith.constant 48 : index
        %get3A_518 = tpu.vector_load %arg7[%get3A_516, %get3A_517] {strides = array<i32>} : memref<128x64xf32, #tpu.memory_space<vmem>>, vector<16xf32>,
        tpu.vector_store_idx %arg12[%add3A_18, %sub3A, %broadcast_in_dim3A_506], %get3A_518 : memref<8x8x129xf32, #tpu.memory_space<vmem>>[vector<16xi32>, vector<16xi32>, vector<16xi32>], vector<16xf32>,
        %add3A_519 = arith.constant 5 : i32
        %add3A_520 = arith.addi %mul3A_444, %add3A_519 : i32
        %broadcast_in_dim3A_521 = vector.broadcast %add3A_520 : i32 to vector<16xi32>
        %get3A_522 = arith.index_cast %add3A_520 : i32 to index
        %get3A_523 = arith.constant 0 : index
        %get3A_524 = tpu.vector_load %arg7[%get3A_522, %get3A_523] {strides = array<i32>} : memref<128x64xf32, #tpu.memory_space<vmem>>, vector<16xf32>,
        tpu.vector_store_idx %arg12[%add3A_9, %sub3A, %broadcast_in_dim3A_521], %get3A_524 : memref<8x8x129xf32, #tpu.memory_space<vmem>>[vector<16xi32>, vector<16xi32>, vector<16xi32>], vector<16xf32>,
        %get3A_525 = arith.index_cast %add3A_520 : i32 to index
        %get3A_526 = arith.constant 16 : index
        %get3A_527 = tpu.vector_load %arg7[%get3A_525, %get3A_526] {strides = array<i32>} : memref<128x64xf32, #tpu.memory_space<vmem>>, vector<16xf32>,
        tpu.vector_store_idx %arg12[%add3A_12, %sub3A, %broadcast_in_dim3A_521], %get3A_527 : memref<8x8x129xf32, #tpu.memory_space<vmem>>[vector<16xi32>, vector<16xi32>, vector<16xi32>], vector<16xf32>,
        %get3A_528 = arith.index_cast %add3A_520 : i32 to index
        %get3A_529 = arith.constant 32 : index
        %get3A_530 = tpu.vector_load %arg7[%get3A_528, %get3A_529] {strides = array<i32>} : memref<128x64xf32, #tpu.memory_space<vmem>>, vector<16xf32>,
        tpu.vector_store_idx %arg12[%add3A_15, %sub3A, %broadcast_in_dim3A_521], %get3A_530 : memref<8x8x129xf32, #tpu.memory_space<vmem>>[vector<16xi32>, vector<16xi32>, vector<16xi32>], vector<16xf32>,
        %get3A_531 = arith.index_cast %add3A_520 : i32 to index
        %get3A_532 = arith.constant 48 : index
        %get3A_533 = tpu.vector_load %arg7[%get3A_531, %get3A_532] {strides = array<i32>} : memref<128x64xf32, #tpu.memory_space<vmem>>, vector<16xf32>,
        tpu.vector_store_idx %arg12[%add3A_18, %sub3A, %broadcast_in_dim3A_521], %get3A_533 : memref<8x8x129xf32, #tpu.memory_space<vmem>>[vector<16xi32>, vector<16xi32>, vector<16xi32>], vector<16xf32>,
        %add3A_534 = arith.constant 6 : i32
        %add3A_535 = arith.addi %mul3A_444, %add3A_534 : i32
        %broadcast_in_dim3A_536 = vector.broadcast %add3A_535 : i32 to vector<16xi32>
        %get3A_537 = arith.index_cast %add3A_535 : i32 to index
        %get3A_538 = arith.constant 0 : index
        %get3A_539 = tpu.vector_load %arg7[%get3A_537, %get3A_538] {strides = array<i32>} : memref<128x64xf32, #tpu.memory_space<vmem>>, vector<16xf32>,
        tpu.vector_store_idx %arg12[%add3A_9, %sub3A, %broadcast_in_dim3A_536], %get3A_539 : memref<8x8x129xf32, #tpu.memory_space<vmem>>[vector<16xi32>, vector<16xi32>, vector<16xi32>], vector<16xf32>,
        %get3A_540 = arith.index_cast %add3A_535 : i32 to index
        %get3A_541 = arith.constant 16 : index
        %get3A_542 = tpu.vector_load %arg7[%get3A_540, %get3A_541] {strides = array<i32>} : memref<128x64xf32, #tpu.memory_space<vmem>>, vector<16xf32>,
        tpu.vector_store_idx %arg12[%add3A_12, %sub3A, %broadcast_in_dim3A_536], %get3A_542 : memref<8x8x129xf32, #tpu.memory_space<vmem>>[vector<16xi32>, vector<16xi32>, vector<16xi32>], vector<16xf32>,
        %get3A_543 = arith.index_cast %add3A_535 : i32 to index
        %get3A_544 = arith.constant 32 : index
        %get3A_545 = tpu.vector_load %arg7[%get3A_543, %get3A_544] {strides = array<i32>} : memref<128x64xf32, #tpu.memory_space<vmem>>, vector<16xf32>,
        tpu.vector_store_idx %arg12[%add3A_15, %sub3A, %broadcast_in_dim3A_536], %get3A_545 : memref<8x8x129xf32, #tpu.memory_space<vmem>>[vector<16xi32>, vector<16xi32>, vector<16xi32>], vector<16xf32>,
        %get3A_546 = arith.index_cast %add3A_535 : i32 to index
        %get3A_547 = arith.constant 48 : index
        %get3A_548 = tpu.vector_load %arg7[%get3A_546, %get3A_547] {strides = array<i32>} : memref<128x64xf32, #tpu.memory_space<vmem>>, vector<16xf32>,
        tpu.vector_store_idx %arg12[%add3A_18, %sub3A, %broadcast_in_dim3A_536], %get3A_548 : memref<8x8x129xf32, #tpu.memory_space<vmem>>[vector<16xi32>, vector<16xi32>, vector<16xi32>], vector<16xf32>,
        %add3A_549 = arith.constant 7 : i32
        %add3A_550 = arith.addi %mul3A_444, %add3A_549 : i32
        %broadcast_in_dim3A_551 = vector.broadcast %add3A_550 : i32 to vector<16xi32>
        %get3A_552 = arith.index_cast %add3A_550 : i32 to index
        %get3A_553 = arith.constant 0 : index
        %get3A_554 = tpu.vector_load %arg7[%get3A_552, %get3A_553] {strides = array<i32>} : memref<128x64xf32, #tpu.memory_space<vmem>>, vector<16xf32>,
        tpu.vector_store_idx %arg12[%add3A_9, %sub3A, %broadcast_in_dim3A_551], %get3A_554 : memref<8x8x129xf32, #tpu.memory_space<vmem>>[vector<16xi32>, vector<16xi32>, vector<16xi32>], vector<16xf32>,
        %get3A_555 = arith.index_cast %add3A_550 : i32 to index
        %get3A_556 = arith.constant 16 : index
        %get3A_557 = tpu.vector_load %arg7[%get3A_555, %get3A_556] {strides = array<i32>} : memref<128x64xf32, #tpu.memory_space<vmem>>, vector<16xf32>,
        tpu.vector_store_idx %arg12[%add3A_12, %sub3A, %broadcast_in_dim3A_551], %get3A_557 : memref<8x8x129xf32, #tpu.memory_space<vmem>>[vector<16xi32>, vector<16xi32>, vector<16xi32>], vector<16xf32>,
        %get3A_558 = arith.index_cast %add3A_550 : i32 to index
        %get3A_559 = arith.constant 32 : index
        %get3A_560 = tpu.vector_load %arg7[%get3A_558, %get3A_559] {strides = array<i32>} : memref<128x64xf32, #tpu.memory_space<vmem>>, vector<16xf32>,
        tpu.vector_store_idx %arg12[%add3A_15, %sub3A, %broadcast_in_dim3A_551], %get3A_560 : memref<8x8x129xf32, #tpu.memory_space<vmem>>[vector<16xi32>, vector<16xi32>, vector<16xi32>], vector<16xf32>,
        %get3A_561 = arith.index_cast %add3A_550 : i32 to index
        %get3A_562 = arith.constant 48 : index
        %get3A_563 = tpu.vector_load %arg7[%get3A_561, %get3A_562] {strides = array<i32>} : memref<128x64xf32, #tpu.memory_space<vmem>>, vector<16xf32>,
        tpu.vector_store_idx %arg12[%add3A_18, %sub3A, %broadcast_in_dim3A_551], %get3A_563 : memref<8x8x129xf32, #tpu.memory_space<vmem>>[vector<16xi32>, vector<16xi32>, vector<16xi32>], vector<16xf32>,
      }
      %scan3A_257 = arith.constant 16 : i32
      %mul3A_258 = arith.constant 8 : i32
      %mul3A_259 = arith.muli %add3A, %mul3A_258 : i32
      %dma_start3A_260 = arith.constant 1 : i32
      %dma_start3A_261 = arith.constant 0 : i32
      %dma_start3A_262 = arith.constant 0 : i32
      %dma_start3A_263 = arith.constant 0 : i32
      %dma_start3A_264 = tpu.memref_slice %arg12[%dma_start3A_261, %dma_start3A_262, %dma_start3A_263] : memref<8x8x129xf32, #tpu.memory_space<vmem>> -> memref<8x8x128xf32, #tpu.memory_space<vmem>>
      %dma_start3A_265 = arith.constant 0 : i32
      %dma_start3A_266 = arith.constant 0 : i32
      %dma_start3A_267 = tpu.memref_slice %arg4[%add3A_237, %dma_start3A_265, %mul3A_259, %dma_start3A_266] : memref<200x8x256x128xf32, #tpu.memory_space<hbm>> -> memref<1x8x8x128xf32, #tpu.memory_space<hbm>>
      %dma_start3A_268 = tpu.memref_squeeze %dma_start3A_267 : memref<1x8x8x128xf32, #tpu.memory_space<hbm>> -> memref<8x8x128xf32, #tpu.memory_space<hbm>>
      %dma_start3A_269 = tpu.memref_slice %arg17[%dma_start3A_260] : memref<5x!tpu.dma_semaphore, #tpu.memory_space<semaphore_mem>> -> memref<1x!tpu.dma_semaphore, #tpu.memory_space<semaphore_mem>>
      %dma_start3A_270 = tpu.memref_squeeze %dma_start3A_269 : memref<1x!tpu.dma_semaphore, #tpu.memory_space<semaphore_mem>> -> memref<!tpu.dma_semaphore, #tpu.memory_space<semaphore_mem>>
      %dma_start3A_271 = arith.constant 0 : i32
      %dma_start3A_272 = arith.constant 0 : i32
      %dma_start3A_273 = tpu.memref_slice %arg4[%add3A_237, %dma_start3A_271, %mul3A_259, %dma_start3A_272] : memref<200x8x256x128xf32, #tpu.memory_space<hbm>> -> memref<1x8x8x128xf32, #tpu.memory_space<hbm>>
      %dma_start3A_274 = tpu.memref_squeeze %dma_start3A_273 : memref<1x8x8x128xf32, #tpu.memory_space<hbm>> -> memref<8x8x128xf32, #tpu.memory_space<hbm>>
      %dma_start3A_275 = arith.constant 0 : i32
      %dma_start3A_276 = arith.constant 0 : i32
      %dma_start3A_277 = arith.constant 0 : i32
      %dma_start3A_278 = tpu.memref_slice %arg12[%dma_start3A_275, %dma_start3A_276, %dma_start3A_277] : memref<8x8x129xf32, #tpu.memory_space<vmem>> -> memref<8x8x128xf32, #tpu.memory_space<vmem>>
      tpu.enqueue_dma source(%dma_start3A_278 : memref<8x8x128xf32, #tpu.memory_space<vmem>>) target(%dma_start3A_274 : memref<8x8x128xf32, #tpu.memory_space<hbm>>) target_semaphore(%dma_start3A_270 : memref<!tpu.dma_semaphore, #tpu.memory_space<semaphore_mem>>)
      %add3A_279 = arith.constant 5 : i32
      %add3A_280 = arith.addi %add3A_237, %add3A_279 : i32
      %lt3A_281 = arith.constant 200 : i32
      %lt3A_282 = arith.cmpi slt, %add3A_280, %lt3A_281 : i32
      %convert_element_type3A_283 = arith.extui %lt3A_282 : i1 to i32
      %cond3A_284 = arith.constant 0 : i32
      %cond3A_285 = arith.cmpi ne, %convert_element_type3A_283, %cond3A_284 : i32
      scf.if %cond3A_285 {
        %add3A_442 = arith.constant 5 : i32
        %add3A_443 = arith.addi %add3A_237, %add3A_442 : i32
        %dma_start3A_444 = arith.constant 1 : i32
        %dma_start3A_445 = arith.constant 0 : i32
        %dma_start3A_446 = tpu.memref_slice %arg5[%add3A_443, %dma_start3A_445] : memref<200x128xi32, #tpu.memory_space<vmem>> -> memref<1x128xi32, #tpu.memory_space<vmem>>
        %dma_start3A_447 = tpu.memref_squeeze %dma_start3A_446 : memref<1x128xi32, #tpu.memory_space<vmem>> -> memref<128xi32, #tpu.memory_space<vmem>>
        %dma_start3A_448 = arith.constant 0 : i32
        %dma_start3A_449 = arith.constant 0 : i32
        %dma_start3A_450 = tpu.memref_slice %arg3[%dma_start3A_448, %dma_start3A_449] : memref<1000000x64xf32, #tpu.memory_space<hbm>> -> memref<1000000x64xf32, #tpu.memory_space<hbm>>
        %dma_start3A_451 = tpu.memref_slice %arg16[%dma_start3A_444] : memref<5x!tpu.dma_semaphore, #tpu.memory_space<semaphore_mem>> -> memref<1x!tpu.dma_semaphore, #tpu.memory_space<semaphore_mem>>
        %dma_start3A_452 = tpu.memref_squeeze %dma_start3A_451 : memref<1x!tpu.dma_semaphore, #tpu.memory_space<semaphore_mem>> -> memref<!tpu.dma_semaphore, #tpu.memory_space<semaphore_mem>>
        tpu.enqueue_indirect_dma source(%dma_start3A_450 : memref<1000000x64xf32, #tpu.memory_space<hbm>>) target(%arg7 : memref<128x64xf32, #tpu.memory_space<vmem>>) offsets(%dma_start3A_447 : memref<128xi32, #tpu.memory_space<vmem>>) semaphore(%dma_start3A_452 : memref<!tpu.dma_semaphore, #tpu.memory_space<semaphore_mem>>)
      } else {
      }
      %mul3A_286 = arith.constant 5 : i32
      %mul3A_287 = arith.muli %scan3A_185, %mul3A_286 : i32
      %add3A_288 = arith.constant 2 : i32
      %add3A_289 = arith.addi %mul3A_287, %add3A_288 : i32
      %dma_wait3A_290 = arith.constant 2 : i32
      %dma_wait3A_291 = arith.constant 0 : i32
      %dma_wait3A_292 = arith.constant 0 : i32
      %dma_wait3A_293 = tpu.memref_slice %arg3[%dma_wait3A_291, %dma_wait3A_292] : memref<1000000x64xf32, #tpu.memory_space<hbm>> -> memref<128x64xf32, #tpu.memory_space<hbm>>
      %dma_wait3A_294 = tpu.memref_slice %arg16[%dma_wait3A_290] : memref<5x!tpu.dma_semaphore, #tpu.memory_space<semaphore_mem>> -> memref<1x!tpu.dma_semaphore, #tpu.memory_space<semaphore_mem>>
      %dma_wait3A_295 = tpu.memref_squeeze %dma_wait3A_294 : memref<1x!tpu.dma_semaphore, #tpu.memory_space<semaphore_mem>> -> memref<!tpu.dma_semaphore, #tpu.memory_space<semaphore_mem>>
      %dma_wait3A_296 = arith.constant 0 : i32
      %dma_wait3A_297 = arith.constant 0 : i32
      %dma_wait3A_298 = tpu.memref_slice %arg3[%dma_wait3A_296, %dma_wait3A_297] : memref<1000000x64xf32, #tpu.memory_space<hbm>> -> memref<128x64xf32, #tpu.memory_space<hbm>>
      tpu.wait_dma2 semaphore(%dma_wait3A_295 : memref<!tpu.dma_semaphore, #tpu.memory_space<semaphore_mem>>) src(%dma_wait3A_298 : memref<128x64xf32, #tpu.memory_space<hbm>>) dst(%arg8 : memref<128x64xf32, #tpu.memory_space<vmem>>)
      %gt3A_299 = arith.constant 0 : i32
      %gt3A_300 = arith.cmpi sgt, %scan3A_185, %gt3A_299 : i32
      %convert_element_type3A_301 = arith.extui %gt3A_300 : i1 to i32
      %cond3A_302 = arith.constant 0 : i32
      %cond3A_303 = arith.cmpi ne, %convert_element_type3A_301, %cond3A_302 : i32
      scf.if %cond3A_303 {
        %dma_wait3A_442 = arith.constant 0 : i32
        %dma_wait3A_443 = arith.constant 2 : i32
        %dma_wait3A_444 = arith.constant 0 : i32
        %dma_wait3A_445 = arith.constant 0 : i32
        %dma_wait3A_446 = arith.constant 0 : i32
        %dma_wait3A_447 = tpu.memref_slice %arg13[%dma_wait3A_444, %dma_wait3A_445, %dma_wait3A_446] : memref<8x8x129xf32, #tpu.memory_space<vmem>> -> memref<8x8x128xf32, #tpu.memory_space<vmem>>
        %dma_wait3A_448 = arith.constant 0 : i32
        %dma_wait3A_449 = arith.constant 0 : i32
        %dma_wait3A_450 = arith.constant 0 : i32
        %dma_wait3A_451 = tpu.memref_slice %arg4[%dma_wait3A_442, %dma_wait3A_448, %dma_wait3A_449, %dma_wait3A_450] : memref<200x8x256x128xf32, #tpu.memory_space<hbm>> -> memref<1x8x8x128xf32, #tpu.memory_space<hbm>>
        %dma_wait3A_452 = tpu.memref_squeeze %dma_wait3A_451 : memref<1x8x8x128xf32, #tpu.memory_space<hbm>> -> memref<8x8x128xf32, #tpu.memory_space<hbm>>
        %dma_wait3A_453 = tpu.memref_slice %arg17[%dma_wait3A_443] : memref<5x!tpu.dma_semaphore, #tpu.memory_space<semaphore_mem>> -> memref<1x!tpu.dma_semaphore, #tpu.memory_space<semaphore_mem>>
        %dma_wait3A_454 = tpu.memref_squeeze %dma_wait3A_453 : memref<1x!tpu.dma_semaphore, #tpu.memory_space<semaphore_mem>> -> memref<!tpu.dma_semaphore, #tpu.memory_space<semaphore_mem>>
        %dma_wait3A_455 = arith.constant 0 : i32
        %dma_wait3A_456 = arith.constant 0 : i32
        %dma_wait3A_457 = arith.constant 0 : i32
        %dma_wait3A_458 = tpu.memref_slice %arg4[%dma_wait3A_442, %dma_wait3A_455, %dma_wait3A_456, %dma_wait3A_457] : memref<200x8x256x128xf32, #tpu.memory_space<hbm>> -> memref<1x8x8x128xf32, #tpu.memory_space<hbm>>
        %dma_wait3A_459 = tpu.memref_squeeze %dma_wait3A_458 : memref<1x8x8x128xf32, #tpu.memory_space<hbm>> -> memref<8x8x128xf32, #tpu.memory_space<hbm>>
        %dma_wait3A_460 = arith.constant 0 : i32
        %dma_wait3A_461 = arith.constant 0 : i32
        %dma_wait3A_462 = arith.constant 0 : i32
        %dma_wait3A_463 = tpu.memref_slice %arg13[%dma_wait3A_460, %dma_wait3A_461, %dma_wait3A_462] : memref<8x8x129xf32, #tpu.memory_space<vmem>> -> memref<8x8x128xf32, #tpu.memory_space<vmem>>
        tpu.wait_dma2 semaphore(%dma_wait3A_454 : memref<!tpu.dma_semaphore, #tpu.memory_space<semaphore_mem>>) src(%dma_wait3A_463 : memref<8x8x128xf32, #tpu.memory_space<vmem>>) dst(%dma_wait3A_459 : memref<8x8x128xf32, #tpu.memory_space<hbm>>)
      } else {
      }
      %scan3A_304 = arith.constant 0 : i32
      %scan3A_305 = arith.constant 0 : i32
      %scan3A_306 = arith.constant 16 : i32
      %scan3A_307 = arith.addi %scan3A_305, %scan3A_306 : i32
      %scan3A_308 = arith.constant 1 : i32
      scf.for %scan3A_442 = %scan3A_305 to %scan3A_307 step %scan3A_308  : i32 {
        %mul3A_443 = arith.constant 8 : i32
        %mul3A_444 = arith.muli %scan3A_442, %mul3A_443 : i32
        %add3A_445 = arith.constant 0 : i32
        %add3A_446 = arith.addi %mul3A_444, %add3A_445 : i32
        %broadcast_in_dim3A_447 = vector.broadcast %add3A_446 : i32 to vector<16xi32>
        %get3A = arith.index_cast %add3A_446 : i32 to index
        %get3A_448 = arith.constant 0 : index
        %get3A_449 = tpu.vector_load %arg8[%get3A, %get3A_448] {strides = array<i32>} : memref<128x64xf32, #tpu.memory_space<vmem>>, vector<16xf32>,
        tpu.vector_store_idx %arg13[%add3A_9, %sub3A, %broadcast_in_dim3A_447], %get3A_449 : memref<8x8x129xf32, #tpu.memory_space<vmem>>[vector<16xi32>, vector<16xi32>, vector<16xi32>], vector<16xf32>,
        %get3A_450 = arith.index_cast %add3A_446 : i32 to index
        %get3A_451 = arith.constant 16 : index
        %get3A_452 = tpu.vector_load %arg8[%get3A_450, %get3A_451] {strides = array<i32>} : memref<128x64xf32, #tpu.memory_space<vmem>>, vector<16xf32>,
        tpu.vector_store_idx %arg13[%add3A_12, %sub3A, %broadcast_in_dim3A_447], %get3A_452 : memref<8x8x129xf32, #tpu.memory_space<vmem>>[vector<16xi32>, vector<16xi32>, vector<16xi32>], vector<16xf32>,
        %get3A_453 = arith.index_cast %add3A_446 : i32 to index
        %get3A_454 = arith.constant 32 : index
        %get3A_455 = tpu.vector_load %arg8[%get3A_453, %get3A_454] {strides = array<i32>} : memref<128x64xf32, #tpu.memory_space<vmem>>, vector<16xf32>,
        tpu.vector_store_idx %arg13[%add3A_15, %sub3A, %broadcast_in_dim3A_447], %get3A_455 : memref<8x8x129xf32, #tpu.memory_space<vmem>>[vector<16xi32>, vector<16xi32>, vector<16xi32>], vector<16xf32>,
        %get3A_456 = arith.index_cast %add3A_446 : i32 to index
        %get3A_457 = arith.constant 48 : index
        %get3A_458 = tpu.vector_load %arg8[%get3A_456, %get3A_457] {strides = array<i32>} : memref<128x64xf32, #tpu.memory_space<vmem>>, vector<16xf32>,
        tpu.vector_store_idx %arg13[%add3A_18, %sub3A, %broadcast_in_dim3A_447], %get3A_458 : memref<8x8x129xf32, #tpu.memory_space<vmem>>[vector<16xi32>, vector<16xi32>, vector<16xi32>], vector<16xf32>,
        %add3A_459 = arith.constant 1 : i32
        %add3A_460 = arith.addi %mul3A_444, %add3A_459 : i32
        %broadcast_in_dim3A_461 = vector.broadcast %add3A_460 : i32 to vector<16xi32>
        %get3A_462 = arith.index_cast %add3A_460 : i32 to index
        %get3A_463 = arith.constant 0 : index
        %get3A_464 = tpu.vector_load %arg8[%get3A_462, %get3A_463] {strides = array<i32>} : memref<128x64xf32, #tpu.memory_space<vmem>>, vector<16xf32>,
        tpu.vector_store_idx %arg13[%add3A_9, %sub3A, %broadcast_in_dim3A_461], %get3A_464 : memref<8x8x129xf32, #tpu.memory_space<vmem>>[vector<16xi32>, vector<16xi32>, vector<16xi32>], vector<16xf32>,
        %get3A_465 = arith.index_cast %add3A_460 : i32 to index
        %get3A_466 = arith.constant 16 : index
        %get3A_467 = tpu.vector_load %arg8[%get3A_465, %get3A_466] {strides = array<i32>} : memref<128x64xf32, #tpu.memory_space<vmem>>, vector<16xf32>,
        tpu.vector_store_idx %arg13[%add3A_12, %sub3A, %broadcast_in_dim3A_461], %get3A_467 : memref<8x8x129xf32, #tpu.memory_space<vmem>>[vector<16xi32>, vector<16xi32>, vector<16xi32>], vector<16xf32>,
        %get3A_468 = arith.index_cast %add3A_460 : i32 to index
        %get3A_469 = arith.constant 32 : index
        %get3A_470 = tpu.vector_load %arg8[%get3A_468, %get3A_469] {strides = array<i32>} : memref<128x64xf32, #tpu.memory_space<vmem>>, vector<16xf32>,
        tpu.vector_store_idx %arg13[%add3A_15, %sub3A, %broadcast_in_dim3A_461], %get3A_470 : memref<8x8x129xf32, #tpu.memory_space<vmem>>[vector<16xi32>, vector<16xi32>, vector<16xi32>], vector<16xf32>,
        %get3A_471 = arith.index_cast %add3A_460 : i32 to index
        %get3A_472 = arith.constant 48 : index
        %get3A_473 = tpu.vector_load %arg8[%get3A_471, %get3A_472] {strides = array<i32>} : memref<128x64xf32, #tpu.memory_space<vmem>>, vector<16xf32>,
        tpu.vector_store_idx %arg13[%add3A_18, %sub3A, %broadcast_in_dim3A_461], %get3A_473 : memref<8x8x129xf32, #tpu.memory_space<vmem>>[vector<16xi32>, vector<16xi32>, vector<16xi32>], vector<16xf32>,
        %add3A_474 = arith.constant 2 : i32
        %add3A_475 = arith.addi %mul3A_444, %add3A_474 : i32
        %broadcast_in_dim3A_476 = vector.broadcast %add3A_475 : i32 to vector<16xi32>
        %get3A_477 = arith.index_cast %add3A_475 : i32 to index
        %get3A_478 = arith.constant 0 : index
        %get3A_479 = tpu.vector_load %arg8[%get3A_477, %get3A_478] {strides = array<i32>} : memref<128x64xf32, #tpu.memory_space<vmem>>, vector<16xf32>,
        tpu.vector_store_idx %arg13[%add3A_9, %sub3A, %broadcast_in_dim3A_476], %get3A_479 : memref<8x8x129xf32, #tpu.memory_space<vmem>>[vector<16xi32>, vector<16xi32>, vector<16xi32>], vector<16xf32>,
        %get3A_480 = arith.index_cast %add3A_475 : i32 to index
        %get3A_481 = arith.constant 16 : index
        %get3A_482 = tpu.vector_load %arg8[%get3A_480, %get3A_481] {strides = array<i32>} : memref<128x64xf32, #tpu.memory_space<vmem>>, vector<16xf32>,
        tpu.vector_store_idx %arg13[%add3A_12, %sub3A, %broadcast_in_dim3A_476], %get3A_482 : memref<8x8x129xf32, #tpu.memory_space<vmem>>[vector<16xi32>, vector<16xi32>, vector<16xi32>], vector<16xf32>,
        %get3A_483 = arith.index_cast %add3A_475 : i32 to index
        %get3A_484 = arith.constant 32 : index
        %get3A_485 = tpu.vector_load %arg8[%get3A_483, %get3A_484] {strides = array<i32>} : memref<128x64xf32, #tpu.memory_space<vmem>>, vector<16xf32>,
        tpu.vector_store_idx %arg13[%add3A_15, %sub3A, %broadcast_in_dim3A_476], %get3A_485 : memref<8x8x129xf32, #tpu.memory_space<vmem>>[vector<16xi32>, vector<16xi32>, vector<16xi32>], vector<16xf32>,
        %get3A_486 = arith.index_cast %add3A_475 : i32 to index
        %get3A_487 = arith.constant 48 : index
        %get3A_488 = tpu.vector_load %arg8[%get3A_486, %get3A_487] {strides = array<i32>} : memref<128x64xf32, #tpu.memory_space<vmem>>, vector<16xf32>,
        tpu.vector_store_idx %arg13[%add3A_18, %sub3A, %broadcast_in_dim3A_476], %get3A_488 : memref<8x8x129xf32, #tpu.memory_space<vmem>>[vector<16xi32>, vector<16xi32>, vector<16xi32>], vector<16xf32>,
        %add3A_489 = arith.constant 3 : i32
        %add3A_490 = arith.addi %mul3A_444, %add3A_489 : i32
        %broadcast_in_dim3A_491 = vector.broadcast %add3A_490 : i32 to vector<16xi32>
        %get3A_492 = arith.index_cast %add3A_490 : i32 to index
        %get3A_493 = arith.constant 0 : index
        %get3A_494 = tpu.vector_load %arg8[%get3A_492, %get3A_493] {strides = array<i32>} : memref<128x64xf32, #tpu.memory_space<vmem>>, vector<16xf32>,
        tpu.vector_store_idx %arg13[%add3A_9, %sub3A, %broadcast_in_dim3A_491], %get3A_494 : memref<8x8x129xf32, #tpu.memory_space<vmem>>[vector<16xi32>, vector<16xi32>, vector<16xi32>], vector<16xf32>,
        %get3A_495 = arith.index_cast %add3A_490 : i32 to index
        %get3A_496 = arith.constant 16 : index
        %get3A_497 = tpu.vector_load %arg8[%get3A_495, %get3A_496] {strides = array<i32>} : memref<128x64xf32, #tpu.memory_space<vmem>>, vector<16xf32>,
        tpu.vector_store_idx %arg13[%add3A_12, %sub3A, %broadcast_in_dim3A_491], %get3A_497 : memref<8x8x129xf32, #tpu.memory_space<vmem>>[vector<16xi32>, vector<16xi32>, vector<16xi32>], vector<16xf32>,
        %get3A_498 = arith.index_cast %add3A_490 : i32 to index
        %get3A_499 = arith.constant 32 : index
        %get3A_500 = tpu.vector_load %arg8[%get3A_498, %get3A_499] {strides = array<i32>} : memref<128x64xf32, #tpu.memory_space<vmem>>, vector<16xf32>,
        tpu.vector_store_idx %arg13[%add3A_15, %sub3A, %broadcast_in_dim3A_491], %get3A_500 : memref<8x8x129xf32, #tpu.memory_space<vmem>>[vector<16xi32>, vector<16xi32>, vector<16xi32>], vector<16xf32>,
        %get3A_501 = arith.index_cast %add3A_490 : i32 to index
        %get3A_502 = arith.constant 48 : index
        %get3A_503 = tpu.vector_load %arg8[%get3A_501, %get3A_502] {strides = array<i32>} : memref<128x64xf32, #tpu.memory_space<vmem>>, vector<16xf32>,
        tpu.vector_store_idx %arg13[%add3A_18, %sub3A, %broadcast_in_dim3A_491], %get3A_503 : memref<8x8x129xf32, #tpu.memory_space<vmem>>[vector<16xi32>, vector<16xi32>, vector<16xi32>], vector<16xf32>,
        %add3A_504 = arith.constant 4 : i32
        %add3A_505 = arith.addi %mul3A_444, %add3A_504 : i32
        %broadcast_in_dim3A_506 = vector.broadcast %add3A_505 : i32 to vector<16xi32>
        %get3A_507 = arith.index_cast %add3A_505 : i32 to index
        %get3A_508 = arith.constant 0 : index
        %get3A_509 = tpu.vector_load %arg8[%get3A_507, %get3A_508] {strides = array<i32>} : memref<128x64xf32, #tpu.memory_space<vmem>>, vector<16xf32>,
        tpu.vector_store_idx %arg13[%add3A_9, %sub3A, %broadcast_in_dim3A_506], %get3A_509 : memref<8x8x129xf32, #tpu.memory_space<vmem>>[vector<16xi32>, vector<16xi32>, vector<16xi32>], vector<16xf32>,
        %get3A_510 = arith.index_cast %add3A_505 : i32 to index
        %get3A_511 = arith.constant 16 : index
        %get3A_512 = tpu.vector_load %arg8[%get3A_510, %get3A_511] {strides = array<i32>} : memref<128x64xf32, #tpu.memory_space<vmem>>, vector<16xf32>,
        tpu.vector_store_idx %arg13[%add3A_12, %sub3A, %broadcast_in_dim3A_506], %get3A_512 : memref<8x8x129xf32, #tpu.memory_space<vmem>>[vector<16xi32>, vector<16xi32>, vector<16xi32>], vector<16xf32>,
        %get3A_513 = arith.index_cast %add3A_505 : i32 to index
        %get3A_514 = arith.constant 32 : index
        %get3A_515 = tpu.vector_load %arg8[%get3A_513, %get3A_514] {strides = array<i32>} : memref<128x64xf32, #tpu.memory_space<vmem>>, vector<16xf32>,
        tpu.vector_store_idx %arg13[%add3A_15, %sub3A, %broadcast_in_dim3A_506], %get3A_515 : memref<8x8x129xf32, #tpu.memory_space<vmem>>[vector<16xi32>, vector<16xi32>, vector<16xi32>], vector<16xf32>,
        %get3A_516 = arith.index_cast %add3A_505 : i32 to index
        %get3A_517 = arith.constant 48 : index
        %get3A_518 = tpu.vector_load %arg8[%get3A_516, %get3A_517] {strides = array<i32>} : memref<128x64xf32, #tpu.memory_space<vmem>>, vector<16xf32>,
        tpu.vector_store_idx %arg13[%add3A_18, %sub3A, %broadcast_in_dim3A_506], %get3A_518 : memref<8x8x129xf32, #tpu.memory_space<vmem>>[vector<16xi32>, vector<16xi32>, vector<16xi32>], vector<16xf32>,
        %add3A_519 = arith.constant 5 : i32
        %add3A_520 = arith.addi %mul3A_444, %add3A_519 : i32
        %broadcast_in_dim3A_521 = vector.broadcast %add3A_520 : i32 to vector<16xi32>
        %get3A_522 = arith.index_cast %add3A_520 : i32 to index
        %get3A_523 = arith.constant 0 : index
        %get3A_524 = tpu.vector_load %arg8[%get3A_522, %get3A_523] {strides = array<i32>} : memref<128x64xf32, #tpu.memory_space<vmem>>, vector<16xf32>,
        tpu.vector_store_idx %arg13[%add3A_9, %sub3A, %broadcast_in_dim3A_521], %get3A_524 : memref<8x8x129xf32, #tpu.memory_space<vmem>>[vector<16xi32>, vector<16xi32>, vector<16xi32>], vector<16xf32>,
        %get3A_525 = arith.index_cast %add3A_520 : i32 to index
        %get3A_526 = arith.constant 16 : index
        %get3A_527 = tpu.vector_load %arg8[%get3A_525, %get3A_526] {strides = array<i32>} : memref<128x64xf32, #tpu.memory_space<vmem>>, vector<16xf32>,
        tpu.vector_store_idx %arg13[%add3A_12, %sub3A, %broadcast_in_dim3A_521], %get3A_527 : memref<8x8x129xf32, #tpu.memory_space<vmem>>[vector<16xi32>, vector<16xi32>, vector<16xi32>], vector<16xf32>,
        %get3A_528 = arith.index_cast %add3A_520 : i32 to index
        %get3A_529 = arith.constant 32 : index
        %get3A_530 = tpu.vector_load %arg8[%get3A_528, %get3A_529] {strides = array<i32>} : memref<128x64xf32, #tpu.memory_space<vmem>>, vector<16xf32>,
        tpu.vector_store_idx %arg13[%add3A_15, %sub3A, %broadcast_in_dim3A_521], %get3A_530 : memref<8x8x129xf32, #tpu.memory_space<vmem>>[vector<16xi32>, vector<16xi32>, vector<16xi32>], vector<16xf32>,
        %get3A_531 = arith.index_cast %add3A_520 : i32 to index
        %get3A_532 = arith.constant 48 : index
        %get3A_533 = tpu.vector_load %arg8[%get3A_531, %get3A_532] {strides = array<i32>} : memref<128x64xf32, #tpu.memory_space<vmem>>, vector<16xf32>,
        tpu.vector_store_idx %arg13[%add3A_18, %sub3A, %broadcast_in_dim3A_521], %get3A_533 : memref<8x8x129xf32, #tpu.memory_space<vmem>>[vector<16xi32>, vector<16xi32>, vector<16xi32>], vector<16xf32>,
        %add3A_534 = arith.constant 6 : i32
        %add3A_535 = arith.addi %mul3A_444, %add3A_534 : i32
        %broadcast_in_dim3A_536 = vector.broadcast %add3A_535 : i32 to vector<16xi32>
        %get3A_537 = arith.index_cast %add3A_535 : i32 to index
        %get3A_538 = arith.constant 0 : index
        %get3A_539 = tpu.vector_load %arg8[%get3A_537, %get3A_538] {strides = array<i32>} : memref<128x64xf32, #tpu.memory_space<vmem>>, vector<16xf32>,
        tpu.vector_store_idx %arg13[%add3A_9, %sub3A, %broadcast_in_dim3A_536], %get3A_539 : memref<8x8x129xf32, #tpu.memory_space<vmem>>[vector<16xi32>, vector<16xi32>, vector<16xi32>], vector<16xf32>,
        %get3A_540 = arith.index_cast %add3A_535 : i32 to index
        %get3A_541 = arith.constant 16 : index
        %get3A_542 = tpu.vector_load %arg8[%get3A_540, %get3A_541] {strides = array<i32>} : memref<128x64xf32, #tpu.memory_space<vmem>>, vector<16xf32>,
        tpu.vector_store_idx %arg13[%add3A_12, %sub3A, %broadcast_in_dim3A_536], %get3A_542 : memref<8x8x129xf32, #tpu.memory_space<vmem>>[vector<16xi32>, vector<16xi32>, vector<16xi32>], vector<16xf32>,
        %get3A_543 = arith.index_cast %add3A_535 : i32 to index
        %get3A_544 = arith.constant 32 : index
        %get3A_545 = tpu.vector_load %arg8[%get3A_543, %get3A_544] {strides = array<i32>} : memref<128x64xf32, #tpu.memory_space<vmem>>, vector<16xf32>,
        tpu.vector_store_idx %arg13[%add3A_15, %sub3A, %broadcast_in_dim3A_536], %get3A_545 : memref<8x8x129xf32, #tpu.memory_space<vmem>>[vector<16xi32>, vector<16xi32>, vector<16xi32>], vector<16xf32>,
        %get3A_546 = arith.index_cast %add3A_535 : i32 to index
        %get3A_547 = arith.constant 48 : index
        %get3A_548 = tpu.vector_load %arg8[%get3A_546, %get3A_547] {strides = array<i32>} : memref<128x64xf32, #tpu.memory_space<vmem>>, vector<16xf32>,
        tpu.vector_store_idx %arg13[%add3A_18, %sub3A, %broadcast_in_dim3A_536], %get3A_548 : memref<8x8x129xf32, #tpu.memory_space<vmem>>[vector<16xi32>, vector<16xi32>, vector<16xi32>], vector<16xf32>,
        %add3A_549 = arith.constant 7 : i32
        %add3A_550 = arith.addi %mul3A_444, %add3A_549 : i32
        %broadcast_in_dim3A_551 = vector.broadcast %add3A_550 : i32 to vector<16xi32>
        %get3A_552 = arith.index_cast %add3A_550 : i32 to index
        %get3A_553 = arith.constant 0 : index
        %get3A_554 = tpu.vector_load %arg8[%get3A_552, %get3A_553] {strides = array<i32>} : memref<128x64xf32, #tpu.memory_space<vmem>>, vector<16xf32>,
        tpu.vector_store_idx %arg13[%add3A_9, %sub3A, %broadcast_in_dim3A_551], %get3A_554 : memref<8x8x129xf32, #tpu.memory_space<vmem>>[vector<16xi32>, vector<16xi32>, vector<16xi32>], vector<16xf32>,
        %get3A_555 = arith.index_cast %add3A_550 : i32 to index
        %get3A_556 = arith.constant 16 : index
        %get3A_557 = tpu.vector_load %arg8[%get3A_555, %get3A_556] {strides = array<i32>} : memref<128x64xf32, #tpu.memory_space<vmem>>, vector<16xf32>,
        tpu.vector_store_idx %arg13[%add3A_12, %sub3A, %broadcast_in_dim3A_551], %get3A_557 : memref<8x8x129xf32, #tpu.memory_space<vmem>>[vector<16xi32>, vector<16xi32>, vector<16xi32>], vector<16xf32>,
        %get3A_558 = arith.index_cast %add3A_550 : i32 to index
        %get3A_559 = arith.constant 32 : index
        %get3A_560 = tpu.vector_load %arg8[%get3A_558, %get3A_559] {strides = array<i32>} : memref<128x64xf32, #tpu.memory_space<vmem>>, vector<16xf32>,
        tpu.vector_store_idx %arg13[%add3A_15, %sub3A, %broadcast_in_dim3A_551], %get3A_560 : memref<8x8x129xf32, #tpu.memory_space<vmem>>[vector<16xi32>, vector<16xi32>, vector<16xi32>], vector<16xf32>,
        %get3A_561 = arith.index_cast %add3A_550 : i32 to index
        %get3A_562 = arith.constant 48 : index
        %get3A_563 = tpu.vector_load %arg8[%get3A_561, %get3A_562] {strides = array<i32>} : memref<128x64xf32, #tpu.memory_space<vmem>>, vector<16xf32>,
        tpu.vector_store_idx %arg13[%add3A_18, %sub3A, %broadcast_in_dim3A_551], %get3A_563 : memref<8x8x129xf32, #tpu.memory_space<vmem>>[vector<16xi32>, vector<16xi32>, vector<16xi32>], vector<16xf32>,
      }
      %scan3A_309 = arith.constant 16 : i32
      %mul3A_310 = arith.constant 8 : i32
      %mul3A_311 = arith.muli %add3A, %mul3A_310 : i32
      %dma_start3A_312 = arith.constant 2 : i32
      %dma_start3A_313 = arith.constant 0 : i32
      %dma_start3A_314 = arith.constant 0 : i32
      %dma_start3A_315 = arith.constant 0 : i32
      %dma_start3A_316 = tpu.memref_slice %arg13[%dma_start3A_313, %dma_start3A_314, %dma_start3A_315] : memref<8x8x129xf32, #tpu.memory_space<vmem>> -> memref<8x8x128xf32, #tpu.memory_space<vmem>>
      %dma_start3A_317 = arith.constant 0 : i32
      %dma_start3A_318 = arith.constant 0 : i32
      %dma_start3A_319 = tpu.memref_slice %arg4[%add3A_289, %dma_start3A_317, %mul3A_311, %dma_start3A_318] : memref<200x8x256x128xf32, #tpu.memory_space<hbm>> -> memref<1x8x8x128xf32, #tpu.memory_space<hbm>>
      %dma_start3A_320 = tpu.memref_squeeze %dma_start3A_319 : memref<1x8x8x128xf32, #tpu.memory_space<hbm>> -> memref<8x8x128xf32, #tpu.memory_space<hbm>>
      %dma_start3A_321 = tpu.memref_slice %arg17[%dma_start3A_312] : memref<5x!tpu.dma_semaphore, #tpu.memory_space<semaphore_mem>> -> memref<1x!tpu.dma_semaphore, #tpu.memory_space<semaphore_mem>>
      %dma_start3A_322 = tpu.memref_squeeze %dma_start3A_321 : memref<1x!tpu.dma_semaphore, #tpu.memory_space<semaphore_mem>> -> memref<!tpu.dma_semaphore, #tpu.memory_space<semaphore_mem>>
      %dma_start3A_323 = arith.constant 0 : i32
      %dma_start3A_324 = arith.constant 0 : i32
      %dma_start3A_325 = tpu.memref_slice %arg4[%add3A_289, %dma_start3A_323, %mul3A_311, %dma_start3A_324] : memref<200x8x256x128xf32, #tpu.memory_space<hbm>> -> memref<1x8x8x128xf32, #tpu.memory_space<hbm>>
      %dma_start3A_326 = tpu.memref_squeeze %dma_start3A_325 : memref<1x8x8x128xf32, #tpu.memory_space<hbm>> -> memref<8x8x128xf32, #tpu.memory_space<hbm>>
      %dma_start3A_327 = arith.constant 0 : i32
      %dma_start3A_328 = arith.constant 0 : i32
      %dma_start3A_329 = arith.constant 0 : i32
      %dma_start3A_330 = tpu.memref_slice %arg13[%dma_start3A_327, %dma_start3A_328, %dma_start3A_329] : memref<8x8x129xf32, #tpu.memory_space<vmem>> -> memref<8x8x128xf32, #tpu.memory_space<vmem>>
      tpu.enqueue_dma source(%dma_start3A_330 : memref<8x8x128xf32, #tpu.memory_space<vmem>>) target(%dma_start3A_326 : memref<8x8x128xf32, #tpu.memory_space<hbm>>) target_semaphore(%dma_start3A_322 : memref<!tpu.dma_semaphore, #tpu.memory_space<semaphore_mem>>)
      %add3A_331 = arith.constant 5 : i32
      %add3A_332 = arith.addi %add3A_289, %add3A_331 : i32
      %lt3A_333 = arith.constant 200 : i32
      %lt3A_334 = arith.cmpi slt, %add3A_332, %lt3A_333 : i32
      %convert_element_type3A_335 = arith.extui %lt3A_334 : i1 to i32
      %cond3A_336 = arith.constant 0 : i32
      %cond3A_337 = arith.cmpi ne, %convert_element_type3A_335, %cond3A_336 : i32
      scf.if %cond3A_337 {
        %add3A_442 = arith.constant 5 : i32
        %add3A_443 = arith.addi %add3A_289, %add3A_442 : i32
        %dma_start3A_444 = arith.constant 2 : i32
        %dma_start3A_445 = arith.constant 0 : i32
        %dma_start3A_446 = tpu.memref_slice %arg5[%add3A_443, %dma_start3A_445] : memref<200x128xi32, #tpu.memory_space<vmem>> -> memref<1x128xi32, #tpu.memory_space<vmem>>
        %dma_start3A_447 = tpu.memref_squeeze %dma_start3A_446 : memref<1x128xi32, #tpu.memory_space<vmem>> -> memref<128xi32, #tpu.memory_space<vmem>>
        %dma_start3A_448 = arith.constant 0 : i32
        %dma_start3A_449 = arith.constant 0 : i32
        %dma_start3A_450 = tpu.memref_slice %arg3[%dma_start3A_448, %dma_start3A_449] : memref<1000000x64xf32, #tpu.memory_space<hbm>> -> memref<1000000x64xf32, #tpu.memory_space<hbm>>
        %dma_start3A_451 = tpu.memref_slice %arg16[%dma_start3A_444] : memref<5x!tpu.dma_semaphore, #tpu.memory_space<semaphore_mem>> -> memref<1x!tpu.dma_semaphore, #tpu.memory_space<semaphore_mem>>
        %dma_start3A_452 = tpu.memref_squeeze %dma_start3A_451 : memref<1x!tpu.dma_semaphore, #tpu.memory_space<semaphore_mem>> -> memref<!tpu.dma_semaphore, #tpu.memory_space<semaphore_mem>>
        tpu.enqueue_indirect_dma source(%dma_start3A_450 : memref<1000000x64xf32, #tpu.memory_space<hbm>>) target(%arg8 : memref<128x64xf32, #tpu.memory_space<vmem>>) offsets(%dma_start3A_447 : memref<128xi32, #tpu.memory_space<vmem>>) semaphore(%dma_start3A_452 : memref<!tpu.dma_semaphore, #tpu.memory_space<semaphore_mem>>)
      } else {
      }
      %mul3A_338 = arith.constant 5 : i32
      %mul3A_339 = arith.muli %scan3A_185, %mul3A_338 : i32
      %add3A_340 = arith.constant 3 : i32
      %add3A_341 = arith.addi %mul3A_339, %add3A_340 : i32
      %dma_wait3A_342 = arith.constant 3 : i32
      %dma_wait3A_343 = arith.constant 0 : i32
      %dma_wait3A_344 = arith.constant 0 : i32
      %dma_wait3A_345 = tpu.memref_slice %arg3[%dma_wait3A_343, %dma_wait3A_344] : memref<1000000x64xf32, #tpu.memory_space<hbm>> -> memref<128x64xf32, #tpu.memory_space<hbm>>
      %dma_wait3A_346 = tpu.memref_slice %arg16[%dma_wait3A_342] : memref<5x!tpu.dma_semaphore, #tpu.memory_space<semaphore_mem>> -> memref<1x!tpu.dma_semaphore, #tpu.memory_space<semaphore_mem>>
      %dma_wait3A_347 = tpu.memref_squeeze %dma_wait3A_346 : memref<1x!tpu.dma_semaphore, #tpu.memory_space<semaphore_mem>> -> memref<!tpu.dma_semaphore, #tpu.memory_space<semaphore_mem>>
      %dma_wait3A_348 = arith.constant 0 : i32
      %dma_wait3A_349 = arith.constant 0 : i32
      %dma_wait3A_350 = tpu.memref_slice %arg3[%dma_wait3A_348, %dma_wait3A_349] : memref<1000000x64xf32, #tpu.memory_space<hbm>> -> memref<128x64xf32, #tpu.memory_space<hbm>>
      tpu.wait_dma2 semaphore(%dma_wait3A_347 : memref<!tpu.dma_semaphore, #tpu.memory_space<semaphore_mem>>) src(%dma_wait3A_350 : memref<128x64xf32, #tpu.memory_space<hbm>>) dst(%arg9 : memref<128x64xf32, #tpu.memory_space<vmem>>)
      %gt3A_351 = arith.constant 0 : i32
      %gt3A_352 = arith.cmpi sgt, %scan3A_185, %gt3A_351 : i32
      %convert_element_type3A_353 = arith.extui %gt3A_352 : i1 to i32
      %cond3A_354 = arith.constant 0 : i32
      %cond3A_355 = arith.cmpi ne, %convert_element_type3A_353, %cond3A_354 : i32
      scf.if %cond3A_355 {
        %dma_wait3A_442 = arith.constant 0 : i32
        %dma_wait3A_443 = arith.constant 3 : i32
        %dma_wait3A_444 = arith.constant 0 : i32
        %dma_wait3A_445 = arith.constant 0 : i32
        %dma_wait3A_446 = arith.constant 0 : i32
        %dma_wait3A_447 = tpu.memref_slice %arg14[%dma_wait3A_444, %dma_wait3A_445, %dma_wait3A_446] : memref<8x8x129xf32, #tpu.memory_space<vmem>> -> memref<8x8x128xf32, #tpu.memory_space<vmem>>
        %dma_wait3A_448 = arith.constant 0 : i32
        %dma_wait3A_449 = arith.constant 0 : i32
        %dma_wait3A_450 = arith.constant 0 : i32
        %dma_wait3A_451 = tpu.memref_slice %arg4[%dma_wait3A_442, %dma_wait3A_448, %dma_wait3A_449, %dma_wait3A_450] : memref<200x8x256x128xf32, #tpu.memory_space<hbm>> -> memref<1x8x8x128xf32, #tpu.memory_space<hbm>>
        %dma_wait3A_452 = tpu.memref_squeeze %dma_wait3A_451 : memref<1x8x8x128xf32, #tpu.memory_space<hbm>> -> memref<8x8x128xf32, #tpu.memory_space<hbm>>
        %dma_wait3A_453 = tpu.memref_slice %arg17[%dma_wait3A_443] : memref<5x!tpu.dma_semaphore, #tpu.memory_space<semaphore_mem>> -> memref<1x!tpu.dma_semaphore, #tpu.memory_space<semaphore_mem>>
        %dma_wait3A_454 = tpu.memref_squeeze %dma_wait3A_453 : memref<1x!tpu.dma_semaphore, #tpu.memory_space<semaphore_mem>> -> memref<!tpu.dma_semaphore, #tpu.memory_space<semaphore_mem>>
        %dma_wait3A_455 = arith.constant 0 : i32
        %dma_wait3A_456 = arith.constant 0 : i32
        %dma_wait3A_457 = arith.constant 0 : i32
        %dma_wait3A_458 = tpu.memref_slice %arg4[%dma_wait3A_442, %dma_wait3A_455, %dma_wait3A_456, %dma_wait3A_457] : memref<200x8x256x128xf32, #tpu.memory_space<hbm>> -> memref<1x8x8x128xf32, #tpu.memory_space<hbm>>
        %dma_wait3A_459 = tpu.memref_squeeze %dma_wait3A_458 : memref<1x8x8x128xf32, #tpu.memory_space<hbm>> -> memref<8x8x128xf32, #tpu.memory_space<hbm>>
        %dma_wait3A_460 = arith.constant 0 : i32
        %dma_wait3A_461 = arith.constant 0 : i32
        %dma_wait3A_462 = arith.constant 0 : i32
        %dma_wait3A_463 = tpu.memref_slice %arg14[%dma_wait3A_460, %dma_wait3A_461, %dma_wait3A_462] : memref<8x8x129xf32, #tpu.memory_space<vmem>> -> memref<8x8x128xf32, #tpu.memory_space<vmem>>
        tpu.wait_dma2 semaphore(%dma_wait3A_454 : memref<!tpu.dma_semaphore, #tpu.memory_space<semaphore_mem>>) src(%dma_wait3A_463 : memref<8x8x128xf32, #tpu.memory_space<vmem>>) dst(%dma_wait3A_459 : memref<8x8x128xf32, #tpu.memory_space<hbm>>)
      } else {
      }
      %scan3A_356 = arith.constant 0 : i32
      %scan3A_357 = arith.constant 0 : i32
      %scan3A_358 = arith.constant 16 : i32
      %scan3A_359 = arith.addi %scan3A_357, %scan3A_358 : i32
      %scan3A_360 = arith.constant 1 : i32
      scf.for %scan3A_442 = %scan3A_357 to %scan3A_359 step %scan3A_360  : i32 {
        %mul3A_443 = arith.constant 8 : i32
        %mul3A_444 = arith.muli %scan3A_442, %mul3A_443 : i32
        %add3A_445 = arith.constant 0 : i32
        %add3A_446 = arith.addi %mul3A_444, %add3A_445 : i32
        %broadcast_in_dim3A_447 = vector.broadcast %add3A_446 : i32 to vector<16xi32>
        %get3A = arith.index_cast %add3A_446 : i32 to index
        %get3A_448 = arith.constant 0 : index
        %get3A_449 = tpu.vector_load %arg9[%get3A, %get3A_448] {strides = array<i32>} : memref<128x64xf32, #tpu.memory_space<vmem>>, vector<16xf32>,
        tpu.vector_store_idx %arg14[%add3A_9, %sub3A, %broadcast_in_dim3A_447], %get3A_449 : memref<8x8x129xf32, #tpu.memory_space<vmem>>[vector<16xi32>, vector<16xi32>, vector<16xi32>], vector<16xf32>,
        %get3A_450 = arith.index_cast %add3A_446 : i32 to index
        %get3A_451 = arith.constant 16 : index
        %get3A_452 = tpu.vector_load %arg9[%get3A_450, %get3A_451] {strides = array<i32>} : memref<128x64xf32, #tpu.memory_space<vmem>>, vector<16xf32>,
        tpu.vector_store_idx %arg14[%add3A_12, %sub3A, %broadcast_in_dim3A_447], %get3A_452 : memref<8x8x129xf32, #tpu.memory_space<vmem>>[vector<16xi32>, vector<16xi32>, vector<16xi32>], vector<16xf32>,
        %get3A_453 = arith.index_cast %add3A_446 : i32 to index
        %get3A_454 = arith.constant 32 : index
        %get3A_455 = tpu.vector_load %arg9[%get3A_453, %get3A_454] {strides = array<i32>} : memref<128x64xf32, #tpu.memory_space<vmem>>, vector<16xf32>,
        tpu.vector_store_idx %arg14[%add3A_15, %sub3A, %broadcast_in_dim3A_447], %get3A_455 : memref<8x8x129xf32, #tpu.memory_space<vmem>>[vector<16xi32>, vector<16xi32>, vector<16xi32>], vector<16xf32>,
        %get3A_456 = arith.index_cast %add3A_446 : i32 to index
        %get3A_457 = arith.constant 48 : index
        %get3A_458 = tpu.vector_load %arg9[%get3A_456, %get3A_457] {strides = array<i32>} : memref<128x64xf32, #tpu.memory_space<vmem>>, vector<16xf32>,
        tpu.vector_store_idx %arg14[%add3A_18, %sub3A, %broadcast_in_dim3A_447], %get3A_458 : memref<8x8x129xf32, #tpu.memory_space<vmem>>[vector<16xi32>, vector<16xi32>, vector<16xi32>], vector<16xf32>,
        %add3A_459 = arith.constant 1 : i32
        %add3A_460 = arith.addi %mul3A_444, %add3A_459 : i32
        %broadcast_in_dim3A_461 = vector.broadcast %add3A_460 : i32 to vector<16xi32>
        %get3A_462 = arith.index_cast %add3A_460 : i32 to index
        %get3A_463 = arith.constant 0 : index
        %get3A_464 = tpu.vector_load %arg9[%get3A_462, %get3A_463] {strides = array<i32>} : memref<128x64xf32, #tpu.memory_space<vmem>>, vector<16xf32>,
        tpu.vector_store_idx %arg14[%add3A_9, %sub3A, %broadcast_in_dim3A_461], %get3A_464 : memref<8x8x129xf32, #tpu.memory_space<vmem>>[vector<16xi32>, vector<16xi32>, vector<16xi32>], vector<16xf32>,
        %get3A_465 = arith.index_cast %add3A_460 : i32 to index
        %get3A_466 = arith.constant 16 : index
        %get3A_467 = tpu.vector_load %arg9[%get3A_465, %get3A_466] {strides = array<i32>} : memref<128x64xf32, #tpu.memory_space<vmem>>, vector<16xf32>,
        tpu.vector_store_idx %arg14[%add3A_12, %sub3A, %broadcast_in_dim3A_461], %get3A_467 : memref<8x8x129xf32, #tpu.memory_space<vmem>>[vector<16xi32>, vector<16xi32>, vector<16xi32>], vector<16xf32>,
        %get3A_468 = arith.index_cast %add3A_460 : i32 to index
        %get3A_469 = arith.constant 32 : index
        %get3A_470 = tpu.vector_load %arg9[%get3A_468, %get3A_469] {strides = array<i32>} : memref<128x64xf32, #tpu.memory_space<vmem>>, vector<16xf32>,
        tpu.vector_store_idx %arg14[%add3A_15, %sub3A, %broadcast_in_dim3A_461], %get3A_470 : memref<8x8x129xf32, #tpu.memory_space<vmem>>[vector<16xi32>, vector<16xi32>, vector<16xi32>], vector<16xf32>,
        %get3A_471 = arith.index_cast %add3A_460 : i32 to index
        %get3A_472 = arith.constant 48 : index
        %get3A_473 = tpu.vector_load %arg9[%get3A_471, %get3A_472] {strides = array<i32>} : memref<128x64xf32, #tpu.memory_space<vmem>>, vector<16xf32>,
        tpu.vector_store_idx %arg14[%add3A_18, %sub3A, %broadcast_in_dim3A_461], %get3A_473 : memref<8x8x129xf32, #tpu.memory_space<vmem>>[vector<16xi32>, vector<16xi32>, vector<16xi32>], vector<16xf32>,
        %add3A_474 = arith.constant 2 : i32
        %add3A_475 = arith.addi %mul3A_444, %add3A_474 : i32
        %broadcast_in_dim3A_476 = vector.broadcast %add3A_475 : i32 to vector<16xi32>
        %get3A_477 = arith.index_cast %add3A_475 : i32 to index
        %get3A_478 = arith.constant 0 : index
        %get3A_479 = tpu.vector_load %arg9[%get3A_477, %get3A_478] {strides = array<i32>} : memref<128x64xf32, #tpu.memory_space<vmem>>, vector<16xf32>,
        tpu.vector_store_idx %arg14[%add3A_9, %sub3A, %broadcast_in_dim3A_476], %get3A_479 : memref<8x8x129xf32, #tpu.memory_space<vmem>>[vector<16xi32>, vector<16xi32>, vector<16xi32>], vector<16xf32>,
        %get3A_480 = arith.index_cast %add3A_475 : i32 to index
        %get3A_481 = arith.constant 16 : index
        %get3A_482 = tpu.vector_load %arg9[%get3A_480, %get3A_481] {strides = array<i32>} : memref<128x64xf32, #tpu.memory_space<vmem>>, vector<16xf32>,
        tpu.vector_store_idx %arg14[%add3A_12, %sub3A, %broadcast_in_dim3A_476], %get3A_482 : memref<8x8x129xf32, #tpu.memory_space<vmem>>[vector<16xi32>, vector<16xi32>, vector<16xi32>], vector<16xf32>,
        %get3A_483 = arith.index_cast %add3A_475 : i32 to index
        %get3A_484 = arith.constant 32 : index
        %get3A_485 = tpu.vector_load %arg9[%get3A_483, %get3A_484] {strides = array<i32>} : memref<128x64xf32, #tpu.memory_space<vmem>>, vector<16xf32>,
        tpu.vector_store_idx %arg14[%add3A_15, %sub3A, %broadcast_in_dim3A_476], %get3A_485 : memref<8x8x129xf32, #tpu.memory_space<vmem>>[vector<16xi32>, vector<16xi32>, vector<16xi32>], vector<16xf32>,
        %get3A_486 = arith.index_cast %add3A_475 : i32 to index
        %get3A_487 = arith.constant 48 : index
        %get3A_488 = tpu.vector_load %arg9[%get3A_486, %get3A_487] {strides = array<i32>} : memref<128x64xf32, #tpu.memory_space<vmem>>, vector<16xf32>,
        tpu.vector_store_idx %arg14[%add3A_18, %sub3A, %broadcast_in_dim3A_476], %get3A_488 : memref<8x8x129xf32, #tpu.memory_space<vmem>>[vector<16xi32>, vector<16xi32>, vector<16xi32>], vector<16xf32>,
        %add3A_489 = arith.constant 3 : i32
        %add3A_490 = arith.addi %mul3A_444, %add3A_489 : i32
        %broadcast_in_dim3A_491 = vector.broadcast %add3A_490 : i32 to vector<16xi32>
        %get3A_492 = arith.index_cast %add3A_490 : i32 to index
        %get3A_493 = arith.constant 0 : index
        %get3A_494 = tpu.vector_load %arg9[%get3A_492, %get3A_493] {strides = array<i32>} : memref<128x64xf32, #tpu.memory_space<vmem>>, vector<16xf32>,
        tpu.vector_store_idx %arg14[%add3A_9, %sub3A, %broadcast_in_dim3A_491], %get3A_494 : memref<8x8x129xf32, #tpu.memory_space<vmem>>[vector<16xi32>, vector<16xi32>, vector<16xi32>], vector<16xf32>,
        %get3A_495 = arith.index_cast %add3A_490 : i32 to index
        %get3A_496 = arith.constant 16 : index
        %get3A_497 = tpu.vector_load %arg9[%get3A_495, %get3A_496] {strides = array<i32>} : memref<128x64xf32, #tpu.memory_space<vmem>>, vector<16xf32>,
        tpu.vector_store_idx %arg14[%add3A_12, %sub3A, %broadcast_in_dim3A_491], %get3A_497 : memref<8x8x129xf32, #tpu.memory_space<vmem>>[vector<16xi32>, vector<16xi32>, vector<16xi32>], vector<16xf32>,
        %get3A_498 = arith.index_cast %add3A_490 : i32 to index
        %get3A_499 = arith.constant 32 : index
        %get3A_500 = tpu.vector_load %arg9[%get3A_498, %get3A_499] {strides = array<i32>} : memref<128x64xf32, #tpu.memory_space<vmem>>, vector<16xf32>,
        tpu.vector_store_idx %arg14[%add3A_15, %sub3A, %broadcast_in_dim3A_491], %get3A_500 : memref<8x8x129xf32, #tpu.memory_space<vmem>>[vector<16xi32>, vector<16xi32>, vector<16xi32>], vector<16xf32>,
        %get3A_501 = arith.index_cast %add3A_490 : i32 to index
        %get3A_502 = arith.constant 48 : index
        %get3A_503 = tpu.vector_load %arg9[%get3A_501, %get3A_502] {strides = array<i32>} : memref<128x64xf32, #tpu.memory_space<vmem>>, vector<16xf32>,
        tpu.vector_store_idx %arg14[%add3A_18, %sub3A, %broadcast_in_dim3A_491], %get3A_503 : memref<8x8x129xf32, #tpu.memory_space<vmem>>[vector<16xi32>, vector<16xi32>, vector<16xi32>], vector<16xf32>,
        %add3A_504 = arith.constant 4 : i32
        %add3A_505 = arith.addi %mul3A_444, %add3A_504 : i32
        %broadcast_in_dim3A_506 = vector.broadcast %add3A_505 : i32 to vector<16xi32>
        %get3A_507 = arith.index_cast %add3A_505 : i32 to index
        %get3A_508 = arith.constant 0 : index
        %get3A_509 = tpu.vector_load %arg9[%get3A_507, %get3A_508] {strides = array<i32>} : memref<128x64xf32, #tpu.memory_space<vmem>>, vector<16xf32>,
        tpu.vector_store_idx %arg14[%add3A_9, %sub3A, %broadcast_in_dim3A_506], %get3A_509 : memref<8x8x129xf32, #tpu.memory_space<vmem>>[vector<16xi32>, vector<16xi32>, vector<16xi32>], vector<16xf32>,
        %get3A_510 = arith.index_cast %add3A_505 : i32 to index
        %get3A_511 = arith.constant 16 : index
        %get3A_512 = tpu.vector_load %arg9[%get3A_510, %get3A_511] {strides = array<i32>} : memref<128x64xf32, #tpu.memory_space<vmem>>, vector<16xf32>,
        tpu.vector_store_idx %arg14[%add3A_12, %sub3A, %broadcast_in_dim3A_506], %get3A_512 : memref<8x8x129xf32, #tpu.memory_space<vmem>>[vector<16xi32>, vector<16xi32>, vector<16xi32>], vector<16xf32>,
        %get3A_513 = arith.index_cast %add3A_505 : i32 to index
        %get3A_514 = arith.constant 32 : index
        %get3A_515 = tpu.vector_load %arg9[%get3A_513, %get3A_514] {strides = array<i32>} : memref<128x64xf32, #tpu.memory_space<vmem>>, vector<16xf32>,
        tpu.vector_store_idx %arg14[%add3A_15, %sub3A, %broadcast_in_dim3A_506], %get3A_515 : memref<8x8x129xf32, #tpu.memory_space<vmem>>[vector<16xi32>, vector<16xi32>, vector<16xi32>], vector<16xf32>,
        %get3A_516 = arith.index_cast %add3A_505 : i32 to index
        %get3A_517 = arith.constant 48 : index
        %get3A_518 = tpu.vector_load %arg9[%get3A_516, %get3A_517] {strides = array<i32>} : memref<128x64xf32, #tpu.memory_space<vmem>>, vector<16xf32>,
        tpu.vector_store_idx %arg14[%add3A_18, %sub3A, %broadcast_in_dim3A_506], %get3A_518 : memref<8x8x129xf32, #tpu.memory_space<vmem>>[vector<16xi32>, vector<16xi32>, vector<16xi32>], vector<16xf32>,
        %add3A_519 = arith.constant 5 : i32
        %add3A_520 = arith.addi %mul3A_444, %add3A_519 : i32
        %broadcast_in_dim3A_521 = vector.broadcast %add3A_520 : i32 to vector<16xi32>
        %get3A_522 = arith.index_cast %add3A_520 : i32 to index
        %get3A_523 = arith.constant 0 : index
        %get3A_524 = tpu.vector_load %arg9[%get3A_522, %get3A_523] {strides = array<i32>} : memref<128x64xf32, #tpu.memory_space<vmem>>, vector<16xf32>,
        tpu.vector_store_idx %arg14[%add3A_9, %sub3A, %broadcast_in_dim3A_521], %get3A_524 : memref<8x8x129xf32, #tpu.memory_space<vmem>>[vector<16xi32>, vector<16xi32>, vector<16xi32>], vector<16xf32>,
        %get3A_525 = arith.index_cast %add3A_520 : i32 to index
        %get3A_526 = arith.constant 16 : index
        %get3A_527 = tpu.vector_load %arg9[%get3A_525, %get3A_526] {strides = array<i32>} : memref<128x64xf32, #tpu.memory_space<vmem>>, vector<16xf32>,
        tpu.vector_store_idx %arg14[%add3A_12, %sub3A, %broadcast_in_dim3A_521], %get3A_527 : memref<8x8x129xf32, #tpu.memory_space<vmem>>[vector<16xi32>, vector<16xi32>, vector<16xi32>], vector<16xf32>,
        %get3A_528 = arith.index_cast %add3A_520 : i32 to index
        %get3A_529 = arith.constant 32 : index
        %get3A_530 = tpu.vector_load %arg9[%get3A_528, %get3A_529] {strides = array<i32>} : memref<128x64xf32, #tpu.memory_space<vmem>>, vector<16xf32>,
        tpu.vector_store_idx %arg14[%add3A_15, %sub3A, %broadcast_in_dim3A_521], %get3A_530 : memref<8x8x129xf32, #tpu.memory_space<vmem>>[vector<16xi32>, vector<16xi32>, vector<16xi32>], vector<16xf32>,
        %get3A_531 = arith.index_cast %add3A_520 : i32 to index
        %get3A_532 = arith.constant 48 : index
        %get3A_533 = tpu.vector_load %arg9[%get3A_531, %get3A_532] {strides = array<i32>} : memref<128x64xf32, #tpu.memory_space<vmem>>, vector<16xf32>,
        tpu.vector_store_idx %arg14[%add3A_18, %sub3A, %broadcast_in_dim3A_521], %get3A_533 : memref<8x8x129xf32, #tpu.memory_space<vmem>>[vector<16xi32>, vector<16xi32>, vector<16xi32>], vector<16xf32>,
        %add3A_534 = arith.constant 6 : i32
        %add3A_535 = arith.addi %mul3A_444, %add3A_534 : i32
        %broadcast_in_dim3A_536 = vector.broadcast %add3A_535 : i32 to vector<16xi32>
        %get3A_537 = arith.index_cast %add3A_535 : i32 to index
        %get3A_538 = arith.constant 0 : index
        %get3A_539 = tpu.vector_load %arg9[%get3A_537, %get3A_538] {strides = array<i32>} : memref<128x64xf32, #tpu.memory_space<vmem>>, vector<16xf32>,
        tpu.vector_store_idx %arg14[%add3A_9, %sub3A, %broadcast_in_dim3A_536], %get3A_539 : memref<8x8x129xf32, #tpu.memory_space<vmem>>[vector<16xi32>, vector<16xi32>, vector<16xi32>], vector<16xf32>,
        %get3A_540 = arith.index_cast %add3A_535 : i32 to index
        %get3A_541 = arith.constant 16 : index
        %get3A_542 = tpu.vector_load %arg9[%get3A_540, %get3A_541] {strides = array<i32>} : memref<128x64xf32, #tpu.memory_space<vmem>>, vector<16xf32>,
        tpu.vector_store_idx %arg14[%add3A_12, %sub3A, %broadcast_in_dim3A_536], %get3A_542 : memref<8x8x129xf32, #tpu.memory_space<vmem>>[vector<16xi32>, vector<16xi32>, vector<16xi32>], vector<16xf32>,
        %get3A_543 = arith.index_cast %add3A_535 : i32 to index
        %get3A_544 = arith.constant 32 : index
        %get3A_545 = tpu.vector_load %arg9[%get3A_543, %get3A_544] {strides = array<i32>} : memref<128x64xf32, #tpu.memory_space<vmem>>, vector<16xf32>,
        tpu.vector_store_idx %arg14[%add3A_15, %sub3A, %broadcast_in_dim3A_536], %get3A_545 : memref<8x8x129xf32, #tpu.memory_space<vmem>>[vector<16xi32>, vector<16xi32>, vector<16xi32>], vector<16xf32>,
        %get3A_546 = arith.index_cast %add3A_535 : i32 to index
        %get3A_547 = arith.constant 48 : index
        %get3A_548 = tpu.vector_load %arg9[%get3A_546, %get3A_547] {strides = array<i32>} : memref<128x64xf32, #tpu.memory_space<vmem>>, vector<16xf32>,
        tpu.vector_store_idx %arg14[%add3A_18, %sub3A, %broadcast_in_dim3A_536], %get3A_548 : memref<8x8x129xf32, #tpu.memory_space<vmem>>[vector<16xi32>, vector<16xi32>, vector<16xi32>], vector<16xf32>,
        %add3A_549 = arith.constant 7 : i32
        %add3A_550 = arith.addi %mul3A_444, %add3A_549 : i32
        %broadcast_in_dim3A_551 = vector.broadcast %add3A_550 : i32 to vector<16xi32>
        %get3A_552 = arith.index_cast %add3A_550 : i32 to index
        %get3A_553 = arith.constant 0 : index
        %get3A_554 = tpu.vector_load %arg9[%get3A_552, %get3A_553] {strides = array<i32>} : memref<128x64xf32, #tpu.memory_space<vmem>>, vector<16xf32>,
        tpu.vector_store_idx %arg14[%add3A_9, %sub3A, %broadcast_in_dim3A_551], %get3A_554 : memref<8x8x129xf32, #tpu.memory_space<vmem>>[vector<16xi32>, vector<16xi32>, vector<16xi32>], vector<16xf32>,
        %get3A_555 = arith.index_cast %add3A_550 : i32 to index
        %get3A_556 = arith.constant 16 : index
        %get3A_557 = tpu.vector_load %arg9[%get3A_555, %get3A_556] {strides = array<i32>} : memref<128x64xf32, #tpu.memory_space<vmem>>, vector<16xf32>,
        tpu.vector_store_idx %arg14[%add3A_12, %sub3A, %broadcast_in_dim3A_551], %get3A_557 : memref<8x8x129xf32, #tpu.memory_space<vmem>>[vector<16xi32>, vector<16xi32>, vector<16xi32>], vector<16xf32>,
        %get3A_558 = arith.index_cast %add3A_550 : i32 to index
        %get3A_559 = arith.constant 32 : index
        %get3A_560 = tpu.vector_load %arg9[%get3A_558, %get3A_559] {strides = array<i32>} : memref<128x64xf32, #tpu.memory_space<vmem>>, vector<16xf32>,
        tpu.vector_store_idx %arg14[%add3A_15, %sub3A, %broadcast_in_dim3A_551], %get3A_560 : memref<8x8x129xf32, #tpu.memory_space<vmem>>[vector<16xi32>, vector<16xi32>, vector<16xi32>], vector<16xf32>,
        %get3A_561 = arith.index_cast %add3A_550 : i32 to index
        %get3A_562 = arith.constant 48 : index
        %get3A_563 = tpu.vector_load %arg9[%get3A_561, %get3A_562] {strides = array<i32>} : memref<128x64xf32, #tpu.memory_space<vmem>>, vector<16xf32>,
        tpu.vector_store_idx %arg14[%add3A_18, %sub3A, %broadcast_in_dim3A_551], %get3A_563 : memref<8x8x129xf32, #tpu.memory_space<vmem>>[vector<16xi32>, vector<16xi32>, vector<16xi32>], vector<16xf32>,
      }
      %scan3A_361 = arith.constant 16 : i32
      %mul3A_362 = arith.constant 8 : i32
      %mul3A_363 = arith.muli %add3A, %mul3A_362 : i32
      %dma_start3A_364 = arith.constant 3 : i32
      %dma_start3A_365 = arith.constant 0 : i32
      %dma_start3A_366 = arith.constant 0 : i32
      %dma_start3A_367 = arith.constant 0 : i32
      %dma_start3A_368 = tpu.memref_slice %arg14[%dma_start3A_365, %dma_start3A_366, %dma_start3A_367] : memref<8x8x129xf32, #tpu.memory_space<vmem>> -> memref<8x8x128xf32, #tpu.memory_space<vmem>>
      %dma_start3A_369 = arith.constant 0 : i32
      %dma_start3A_370 = arith.constant 0 : i32
      %dma_start3A_371 = tpu.memref_slice %arg4[%add3A_341, %dma_start3A_369, %mul3A_363, %dma_start3A_370] : memref<200x8x256x128xf32, #tpu.memory_space<hbm>> -> memref<1x8x8x128xf32, #tpu.memory_space<hbm>>
      %dma_start3A_372 = tpu.memref_squeeze %dma_start3A_371 : memref<1x8x8x128xf32, #tpu.memory_space<hbm>> -> memref<8x8x128xf32, #tpu.memory_space<hbm>>
      %dma_start3A_373 = tpu.memref_slice %arg17[%dma_start3A_364] : memref<5x!tpu.dma_semaphore, #tpu.memory_space<semaphore_mem>> -> memref<1x!tpu.dma_semaphore, #tpu.memory_space<semaphore_mem>>
      %dma_start3A_374 = tpu.memref_squeeze %dma_start3A_373 : memref<1x!tpu.dma_semaphore, #tpu.memory_space<semaphore_mem>> -> memref<!tpu.dma_semaphore, #tpu.memory_space<semaphore_mem>>
      %dma_start3A_375 = arith.constant 0 : i32
      %dma_start3A_376 = arith.constant 0 : i32
      %dma_start3A_377 = tpu.memref_slice %arg4[%add3A_341, %dma_start3A_375, %mul3A_363, %dma_start3A_376] : memref<200x8x256x128xf32, #tpu.memory_space<hbm>> -> memref<1x8x8x128xf32, #tpu.memory_space<hbm>>
      %dma_start3A_378 = tpu.memref_squeeze %dma_start3A_377 : memref<1x8x8x128xf32, #tpu.memory_space<hbm>> -> memref<8x8x128xf32, #tpu.memory_space<hbm>>
      %dma_start3A_379 = arith.constant 0 : i32
      %dma_start3A_380 = arith.constant 0 : i32
      %dma_start3A_381 = arith.constant 0 : i32
      %dma_start3A_382 = tpu.memref_slice %arg14[%dma_start3A_379, %dma_start3A_380, %dma_start3A_381] : memref<8x8x129xf32, #tpu.memory_space<vmem>> -> memref<8x8x128xf32, #tpu.memory_space<vmem>>
      tpu.enqueue_dma source(%dma_start3A_382 : memref<8x8x128xf32, #tpu.memory_space<vmem>>) target(%dma_start3A_378 : memref<8x8x128xf32, #tpu.memory_space<hbm>>) target_semaphore(%dma_start3A_374 : memref<!tpu.dma_semaphore, #tpu.memory_space<semaphore_mem>>)
      %add3A_383 = arith.constant 5 : i32
      %add3A_384 = arith.addi %add3A_341, %add3A_383 : i32
      %lt3A_385 = arith.constant 200 : i32
      %lt3A_386 = arith.cmpi slt, %add3A_384, %lt3A_385 : i32
      %convert_element_type3A_387 = arith.extui %lt3A_386 : i1 to i32
      %cond3A_388 = arith.constant 0 : i32
      %cond3A_389 = arith.cmpi ne, %convert_element_type3A_387, %cond3A_388 : i32
      scf.if %cond3A_389 {
        %add3A_442 = arith.constant 5 : i32
        %add3A_443 = arith.addi %add3A_341, %add3A_442 : i32
        %dma_start3A_444 = arith.constant 3 : i32
        %dma_start3A_445 = arith.constant 0 : i32
        %dma_start3A_446 = tpu.memref_slice %arg5[%add3A_443, %dma_start3A_445] : memref<200x128xi32, #tpu.memory_space<vmem>> -> memref<1x128xi32, #tpu.memory_space<vmem>>
        %dma_start3A_447 = tpu.memref_squeeze %dma_start3A_446 : memref<1x128xi32, #tpu.memory_space<vmem>> -> memref<128xi32, #tpu.memory_space<vmem>>
        %dma_start3A_448 = arith.constant 0 : i32
        %dma_start3A_449 = arith.constant 0 : i32
        %dma_start3A_450 = tpu.memref_slice %arg3[%dma_start3A_448, %dma_start3A_449] : memref<1000000x64xf32, #tpu.memory_space<hbm>> -> memref<1000000x64xf32, #tpu.memory_space<hbm>>
        %dma_start3A_451 = tpu.memref_slice %arg16[%dma_start3A_444] : memref<5x!tpu.dma_semaphore, #tpu.memory_space<semaphore_mem>> -> memref<1x!tpu.dma_semaphore, #tpu.memory_space<semaphore_mem>>
        %dma_start3A_452 = tpu.memref_squeeze %dma_start3A_451 : memref<1x!tpu.dma_semaphore, #tpu.memory_space<semaphore_mem>> -> memref<!tpu.dma_semaphore, #tpu.memory_space<semaphore_mem>>
        tpu.enqueue_indirect_dma source(%dma_start3A_450 : memref<1000000x64xf32, #tpu.memory_space<hbm>>) target(%arg9 : memref<128x64xf32, #tpu.memory_space<vmem>>) offsets(%dma_start3A_447 : memref<128xi32, #tpu.memory_space<vmem>>) semaphore(%dma_start3A_452 : memref<!tpu.dma_semaphore, #tpu.memory_space<semaphore_mem>>)
      } else {
      }
      %mul3A_390 = arith.constant 5 : i32
      %mul3A_391 = arith.muli %scan3A_185, %mul3A_390 : i32
      %add3A_392 = arith.constant 4 : i32
      %add3A_393 = arith.addi %mul3A_391, %add3A_392 : i32
      %dma_wait3A_394 = arith.constant 4 : i32
      %dma_wait3A_395 = arith.constant 0 : i32
      %dma_wait3A_396 = arith.constant 0 : i32
      %dma_wait3A_397 = tpu.memref_slice %arg3[%dma_wait3A_395, %dma_wait3A_396] : memref<1000000x64xf32, #tpu.memory_space<hbm>> -> memref<128x64xf32, #tpu.memory_space<hbm>>
      %dma_wait3A_398 = tpu.memref_slice %arg16[%dma_wait3A_394] : memref<5x!tpu.dma_semaphore, #tpu.memory_space<semaphore_mem>> -> memref<1x!tpu.dma_semaphore, #tpu.memory_space<semaphore_mem>>
      %dma_wait3A_399 = tpu.memref_squeeze %dma_wait3A_398 : memref<1x!tpu.dma_semaphore, #tpu.memory_space<semaphore_mem>> -> memref<!tpu.dma_semaphore, #tpu.memory_space<semaphore_mem>>
      %dma_wait3A_400 = arith.constant 0 : i32
      %dma_wait3A_401 = arith.constant 0 : i32
      %dma_wait3A_402 = tpu.memref_slice %arg3[%dma_wait3A_400, %dma_wait3A_401] : memref<1000000x64xf32, #tpu.memory_space<hbm>> -> memref<128x64xf32, #tpu.memory_space<hbm>>
      tpu.wait_dma2 semaphore(%dma_wait3A_399 : memref<!tpu.dma_semaphore, #tpu.memory_space<semaphore_mem>>) src(%dma_wait3A_402 : memref<128x64xf32, #tpu.memory_space<hbm>>) dst(%arg10 : memref<128x64xf32, #tpu.memory_space<vmem>>)
      %gt3A_403 = arith.constant 0 : i32
      %gt3A_404 = arith.cmpi sgt, %scan3A_185, %gt3A_403 : i32
      %convert_element_type3A_405 = arith.extui %gt3A_404 : i1 to i32
      %cond3A_406 = arith.constant 0 : i32
      %cond3A_407 = arith.cmpi ne, %convert_element_type3A_405, %cond3A_406 : i32
      scf.if %cond3A_407 {
        %dma_wait3A_442 = arith.constant 0 : i32
        %dma_wait3A_443 = arith.constant 4 : i32
        %dma_wait3A_444 = arith.constant 0 : i32
        %dma_wait3A_445 = arith.constant 0 : i32
        %dma_wait3A_446 = arith.constant 0 : i32
        %dma_wait3A_447 = tpu.memref_slice %arg15[%dma_wait3A_444, %dma_wait3A_445, %dma_wait3A_446] : memref<8x8x129xf32, #tpu.memory_space<vmem>> -> memref<8x8x128xf32, #tpu.memory_space<vmem>>
        %dma_wait3A_448 = arith.constant 0 : i32
        %dma_wait3A_449 = arith.constant 0 : i32
        %dma_wait3A_450 = arith.constant 0 : i32
        %dma_wait3A_451 = tpu.memref_slice %arg4[%dma_wait3A_442, %dma_wait3A_448, %dma_wait3A_449, %dma_wait3A_450] : memref<200x8x256x128xf32, #tpu.memory_space<hbm>> -> memref<1x8x8x128xf32, #tpu.memory_space<hbm>>
        %dma_wait3A_452 = tpu.memref_squeeze %dma_wait3A_451 : memref<1x8x8x128xf32, #tpu.memory_space<hbm>> -> memref<8x8x128xf32, #tpu.memory_space<hbm>>
        %dma_wait3A_453 = tpu.memref_slice %arg17[%dma_wait3A_443] : memref<5x!tpu.dma_semaphore, #tpu.memory_space<semaphore_mem>> -> memref<1x!tpu.dma_semaphore, #tpu.memory_space<semaphore_mem>>
        %dma_wait3A_454 = tpu.memref_squeeze %dma_wait3A_453 : memref<1x!tpu.dma_semaphore, #tpu.memory_space<semaphore_mem>> -> memref<!tpu.dma_semaphore, #tpu.memory_space<semaphore_mem>>
        %dma_wait3A_455 = arith.constant 0 : i32
        %dma_wait3A_456 = arith.constant 0 : i32
        %dma_wait3A_457 = arith.constant 0 : i32
        %dma_wait3A_458 = tpu.memref_slice %arg4[%dma_wait3A_442, %dma_wait3A_455, %dma_wait3A_456, %dma_wait3A_457] : memref<200x8x256x128xf32, #tpu.memory_space<hbm>> -> memref<1x8x8x128xf32, #tpu.memory_space<hbm>>
        %dma_wait3A_459 = tpu.memref_squeeze %dma_wait3A_458 : memref<1x8x8x128xf32, #tpu.memory_space<hbm>> -> memref<8x8x128xf32, #tpu.memory_space<hbm>>
        %dma_wait3A_460 = arith.constant 0 : i32
        %dma_wait3A_461 = arith.constant 0 : i32
        %dma_wait3A_462 = arith.constant 0 : i32
        %dma_wait3A_463 = tpu.memref_slice %arg15[%dma_wait3A_460, %dma_wait3A_461, %dma_wait3A_462] : memref<8x8x129xf32, #tpu.memory_space<vmem>> -> memref<8x8x128xf32, #tpu.memory_space<vmem>>
        tpu.wait_dma2 semaphore(%dma_wait3A_454 : memref<!tpu.dma_semaphore, #tpu.memory_space<semaphore_mem>>) src(%dma_wait3A_463 : memref<8x8x128xf32, #tpu.memory_space<vmem>>) dst(%dma_wait3A_459 : memref<8x8x128xf32, #tpu.memory_space<hbm>>)
      } else {
      }
      %scan3A_408 = arith.constant 0 : i32
      %scan3A_409 = arith.constant 0 : i32
      %scan3A_410 = arith.constant 16 : i32
      %scan3A_411 = arith.addi %scan3A_409, %scan3A_410 : i32
      %scan3A_412 = arith.constant 1 : i32
      scf.for %scan3A_442 = %scan3A_409 to %scan3A_411 step %scan3A_412  : i32 {
        %mul3A_443 = arith.constant 8 : i32
        %mul3A_444 = arith.muli %scan3A_442, %mul3A_443 : i32
        %add3A_445 = arith.constant 0 : i32
        %add3A_446 = arith.addi %mul3A_444, %add3A_445 : i32
        %broadcast_in_dim3A_447 = vector.broadcast %add3A_446 : i32 to vector<16xi32>
        %get3A = arith.index_cast %add3A_446 : i32 to index
        %get3A_448 = arith.constant 0 : index
        %get3A_449 = tpu.vector_load %arg10[%get3A, %get3A_448] {strides = array<i32>} : memref<128x64xf32, #tpu.memory_space<vmem>>, vector<16xf32>,
        tpu.vector_store_idx %arg15[%add3A_9, %sub3A, %broadcast_in_dim3A_447], %get3A_449 : memref<8x8x129xf32, #tpu.memory_space<vmem>>[vector<16xi32>, vector<16xi32>, vector<16xi32>], vector<16xf32>,
        %get3A_450 = arith.index_cast %add3A_446 : i32 to index
        %get3A_451 = arith.constant 16 : index
        %get3A_452 = tpu.vector_load %arg10[%get3A_450, %get3A_451] {strides = array<i32>} : memref<128x64xf32, #tpu.memory_space<vmem>>, vector<16xf32>,
        tpu.vector_store_idx %arg15[%add3A_12, %sub3A, %broadcast_in_dim3A_447], %get3A_452 : memref<8x8x129xf32, #tpu.memory_space<vmem>>[vector<16xi32>, vector<16xi32>, vector<16xi32>], vector<16xf32>,
        %get3A_453 = arith.index_cast %add3A_446 : i32 to index
        %get3A_454 = arith.constant 32 : index
        %get3A_455 = tpu.vector_load %arg10[%get3A_453, %get3A_454] {strides = array<i32>} : memref<128x64xf32, #tpu.memory_space<vmem>>, vector<16xf32>,
        tpu.vector_store_idx %arg15[%add3A_15, %sub3A, %broadcast_in_dim3A_447], %get3A_455 : memref<8x8x129xf32, #tpu.memory_space<vmem>>[vector<16xi32>, vector<16xi32>, vector<16xi32>], vector<16xf32>,
        %get3A_456 = arith.index_cast %add3A_446 : i32 to index
        %get3A_457 = arith.constant 48 : index
        %get3A_458 = tpu.vector_load %arg10[%get3A_456, %get3A_457] {strides = array<i32>} : memref<128x64xf32, #tpu.memory_space<vmem>>, vector<16xf32>,
        tpu.vector_store_idx %arg15[%add3A_18, %sub3A, %broadcast_in_dim3A_447], %get3A_458 : memref<8x8x129xf32, #tpu.memory_space<vmem>>[vector<16xi32>, vector<16xi32>, vector<16xi32>], vector<16xf32>,
        %add3A_459 = arith.constant 1 : i32
        %add3A_460 = arith.addi %mul3A_444, %add3A_459 : i32
        %broadcast_in_dim3A_461 = vector.broadcast %add3A_460 : i32 to vector<16xi32>
        %get3A_462 = arith.index_cast %add3A_460 : i32 to index
        %get3A_463 = arith.constant 0 : index
        %get3A_464 = tpu.vector_load %arg10[%get3A_462, %get3A_463] {strides = array<i32>} : memref<128x64xf32, #tpu.memory_space<vmem>>, vector<16xf32>,
        tpu.vector_store_idx %arg15[%add3A_9, %sub3A, %broadcast_in_dim3A_461], %get3A_464 : memref<8x8x129xf32, #tpu.memory_space<vmem>>[vector<16xi32>, vector<16xi32>, vector<16xi32>], vector<16xf32>,
        %get3A_465 = arith.index_cast %add3A_460 : i32 to index
        %get3A_466 = arith.constant 16 : index
        %get3A_467 = tpu.vector_load %arg10[%get3A_465, %get3A_466] {strides = array<i32>} : memref<128x64xf32, #tpu.memory_space<vmem>>, vector<16xf32>,
        tpu.vector_store_idx %arg15[%add3A_12, %sub3A, %broadcast_in_dim3A_461], %get3A_467 : memref<8x8x129xf32, #tpu.memory_space<vmem>>[vector<16xi32>, vector<16xi32>, vector<16xi32>], vector<16xf32>,
        %get3A_468 = arith.index_cast %add3A_460 : i32 to index
        %get3A_469 = arith.constant 32 : index
        %get3A_470 = tpu.vector_load %arg10[%get3A_468, %get3A_469] {strides = array<i32>} : memref<128x64xf32, #tpu.memory_space<vmem>>, vector<16xf32>,
        tpu.vector_store_idx %arg15[%add3A_15, %sub3A, %broadcast_in_dim3A_461], %get3A_470 : memref<8x8x129xf32, #tpu.memory_space<vmem>>[vector<16xi32>, vector<16xi32>, vector<16xi32>], vector<16xf32>,
        %get3A_471 = arith.index_cast %add3A_460 : i32 to index
        %get3A_472 = arith.constant 48 : index
        %get3A_473 = tpu.vector_load %arg10[%get3A_471, %get3A_472] {strides = array<i32>} : memref<128x64xf32, #tpu.memory_space<vmem>>, vector<16xf32>,
        tpu.vector_store_idx %arg15[%add3A_18, %sub3A, %broadcast_in_dim3A_461], %get3A_473 : memref<8x8x129xf32, #tpu.memory_space<vmem>>[vector<16xi32>, vector<16xi32>, vector<16xi32>], vector<16xf32>,
        %add3A_474 = arith.constant 2 : i32
        %add3A_475 = arith.addi %mul3A_444, %add3A_474 : i32
        %broadcast_in_dim3A_476 = vector.broadcast %add3A_475 : i32 to vector<16xi32>
        %get3A_477 = arith.index_cast %add3A_475 : i32 to index
        %get3A_478 = arith.constant 0 : index
        %get3A_479 = tpu.vector_load %arg10[%get3A_477, %get3A_478] {strides = array<i32>} : memref<128x64xf32, #tpu.memory_space<vmem>>, vector<16xf32>,
        tpu.vector_store_idx %arg15[%add3A_9, %sub3A, %broadcast_in_dim3A_476], %get3A_479 : memref<8x8x129xf32, #tpu.memory_space<vmem>>[vector<16xi32>, vector<16xi32>, vector<16xi32>], vector<16xf32>,
        %get3A_480 = arith.index_cast %add3A_475 : i32 to index
        %get3A_481 = arith.constant 16 : index
        %get3A_482 = tpu.vector_load %arg10[%get3A_480, %get3A_481] {strides = array<i32>} : memref<128x64xf32, #tpu.memory_space<vmem>>, vector<16xf32>,
        tpu.vector_store_idx %arg15[%add3A_12, %sub3A, %broadcast_in_dim3A_476], %get3A_482 : memref<8x8x129xf32, #tpu.memory_space<vmem>>[vector<16xi32>, vector<16xi32>, vector<16xi32>], vector<16xf32>,
        %get3A_483 = arith.index_cast %add3A_475 : i32 to index
        %get3A_484 = arith.constant 32 : index
        %get3A_485 = tpu.vector_load %arg10[%get3A_483, %get3A_484] {strides = array<i32>} : memref<128x64xf32, #tpu.memory_space<vmem>>, vector<16xf32>,
        tpu.vector_store_idx %arg15[%add3A_15, %sub3A, %broadcast_in_dim3A_476], %get3A_485 : memref<8x8x129xf32, #tpu.memory_space<vmem>>[vector<16xi32>, vector<16xi32>, vector<16xi32>], vector<16xf32>,
        %get3A_486 = arith.index_cast %add3A_475 : i32 to index
        %get3A_487 = arith.constant 48 : index
        %get3A_488 = tpu.vector_load %arg10[%get3A_486, %get3A_487] {strides = array<i32>} : memref<128x64xf32, #tpu.memory_space<vmem>>, vector<16xf32>,
        tpu.vector_store_idx %arg15[%add3A_18, %sub3A, %broadcast_in_dim3A_476], %get3A_488 : memref<8x8x129xf32, #tpu.memory_space<vmem>>[vector<16xi32>, vector<16xi32>, vector<16xi32>], vector<16xf32>,
        %add3A_489 = arith.constant 3 : i32
        %add3A_490 = arith.addi %mul3A_444, %add3A_489 : i32
        %broadcast_in_dim3A_491 = vector.broadcast %add3A_490 : i32 to vector<16xi32>
        %get3A_492 = arith.index_cast %add3A_490 : i32 to index
        %get3A_493 = arith.constant 0 : index
        %get3A_494 = tpu.vector_load %arg10[%get3A_492, %get3A_493] {strides = array<i32>} : memref<128x64xf32, #tpu.memory_space<vmem>>, vector<16xf32>,
        tpu.vector_store_idx %arg15[%add3A_9, %sub3A, %broadcast_in_dim3A_491], %get3A_494 : memref<8x8x129xf32, #tpu.memory_space<vmem>>[vector<16xi32>, vector<16xi32>, vector<16xi32>], vector<16xf32>,
        %get3A_495 = arith.index_cast %add3A_490 : i32 to index
        %get3A_496 = arith.constant 16 : index
        %get3A_497 = tpu.vector_load %arg10[%get3A_495, %get3A_496] {strides = array<i32>} : memref<128x64xf32, #tpu.memory_space<vmem>>, vector<16xf32>,
        tpu.vector_store_idx %arg15[%add3A_12, %sub3A, %broadcast_in_dim3A_491], %get3A_497 : memref<8x8x129xf32, #tpu.memory_space<vmem>>[vector<16xi32>, vector<16xi32>, vector<16xi32>], vector<16xf32>,
        %get3A_498 = arith.index_cast %add3A_490 : i32 to index
        %get3A_499 = arith.constant 32 : index
        %get3A_500 = tpu.vector_load %arg10[%get3A_498, %get3A_499] {strides = array<i32>} : memref<128x64xf32, #tpu.memory_space<vmem>>, vector<16xf32>,
        tpu.vector_store_idx %arg15[%add3A_15, %sub3A, %broadcast_in_dim3A_491], %get3A_500 : memref<8x8x129xf32, #tpu.memory_space<vmem>>[vector<16xi32>, vector<16xi32>, vector<16xi32>], vector<16xf32>,
        %get3A_501 = arith.index_cast %add3A_490 : i32 to index
        %get3A_502 = arith.constant 48 : index
        %get3A_503 = tpu.vector_load %arg10[%get3A_501, %get3A_502] {strides = array<i32>} : memref<128x64xf32, #tpu.memory_space<vmem>>, vector<16xf32>,
        tpu.vector_store_idx %arg15[%add3A_18, %sub3A, %broadcast_in_dim3A_491], %get3A_503 : memref<8x8x129xf32, #tpu.memory_space<vmem>>[vector<16xi32>, vector<16xi32>, vector<16xi32>], vector<16xf32>,
        %add3A_504 = arith.constant 4 : i32
        %add3A_505 = arith.addi %mul3A_444, %add3A_504 : i32
        %broadcast_in_dim3A_506 = vector.broadcast %add3A_505 : i32 to vector<16xi32>
        %get3A_507 = arith.index_cast %add3A_505 : i32 to index
        %get3A_508 = arith.constant 0 : index
        %get3A_509 = tpu.vector_load %arg10[%get3A_507, %get3A_508] {strides = array<i32>} : memref<128x64xf32, #tpu.memory_space<vmem>>, vector<16xf32>,
        tpu.vector_store_idx %arg15[%add3A_9, %sub3A, %broadcast_in_dim3A_506], %get3A_509 : memref<8x8x129xf32, #tpu.memory_space<vmem>>[vector<16xi32>, vector<16xi32>, vector<16xi32>], vector<16xf32>,
        %get3A_510 = arith.index_cast %add3A_505 : i32 to index
        %get3A_511 = arith.constant 16 : index
        %get3A_512 = tpu.vector_load %arg10[%get3A_510, %get3A_511] {strides = array<i32>} : memref<128x64xf32, #tpu.memory_space<vmem>>, vector<16xf32>,
        tpu.vector_store_idx %arg15[%add3A_12, %sub3A, %broadcast_in_dim3A_506], %get3A_512 : memref<8x8x129xf32, #tpu.memory_space<vmem>>[vector<16xi32>, vector<16xi32>, vector<16xi32>], vector<16xf32>,
        %get3A_513 = arith.index_cast %add3A_505 : i32 to index
        %get3A_514 = arith.constant 32 : index
        %get3A_515 = tpu.vector_load %arg10[%get3A_513, %get3A_514] {strides = array<i32>} : memref<128x64xf32, #tpu.memory_space<vmem>>, vector<16xf32>,
        tpu.vector_store_idx %arg15[%add3A_15, %sub3A, %broadcast_in_dim3A_506], %get3A_515 : memref<8x8x129xf32, #tpu.memory_space<vmem>>[vector<16xi32>, vector<16xi32>, vector<16xi32>], vector<16xf32>,
        %get3A_516 = arith.index_cast %add3A_505 : i32 to index
        %get3A_517 = arith.constant 48 : index
        %get3A_518 = tpu.vector_load %arg10[%get3A_516, %get3A_517] {strides = array<i32>} : memref<128x64xf32, #tpu.memory_space<vmem>>, vector<16xf32>,
        tpu.vector_store_idx %arg15[%add3A_18, %sub3A, %broadcast_in_dim3A_506], %get3A_518 : memref<8x8x129xf32, #tpu.memory_space<vmem>>[vector<16xi32>, vector<16xi32>, vector<16xi32>], vector<16xf32>,
        %add3A_519 = arith.constant 5 : i32
        %add3A_520 = arith.addi %mul3A_444, %add3A_519 : i32
        %broadcast_in_dim3A_521 = vector.broadcast %add3A_520 : i32 to vector<16xi32>
        %get3A_522 = arith.index_cast %add3A_520 : i32 to index
        %get3A_523 = arith.constant 0 : index
        %get3A_524 = tpu.vector_load %arg10[%get3A_522, %get3A_523] {strides = array<i32>} : memref<128x64xf32, #tpu.memory_space<vmem>>, vector<16xf32>,
        tpu.vector_store_idx %arg15[%add3A_9, %sub3A, %broadcast_in_dim3A_521], %get3A_524 : memref<8x8x129xf32, #tpu.memory_space<vmem>>[vector<16xi32>, vector<16xi32>, vector<16xi32>], vector<16xf32>,
        %get3A_525 = arith.index_cast %add3A_520 : i32 to index
        %get3A_526 = arith.constant 16 : index
        %get3A_527 = tpu.vector_load %arg10[%get3A_525, %get3A_526] {strides = array<i32>} : memref<128x64xf32, #tpu.memory_space<vmem>>, vector<16xf32>,
        tpu.vector_store_idx %arg15[%add3A_12, %sub3A, %broadcast_in_dim3A_521], %get3A_527 : memref<8x8x129xf32, #tpu.memory_space<vmem>>[vector<16xi32>, vector<16xi32>, vector<16xi32>], vector<16xf32>,
        %get3A_528 = arith.index_cast %add3A_520 : i32 to index
        %get3A_529 = arith.constant 32 : index
        %get3A_530 = tpu.vector_load %arg10[%get3A_528, %get3A_529] {strides = array<i32>} : memref<128x64xf32, #tpu.memory_space<vmem>>, vector<16xf32>,
        tpu.vector_store_idx %arg15[%add3A_15, %sub3A, %broadcast_in_dim3A_521], %get3A_530 : memref<8x8x129xf32, #tpu.memory_space<vmem>>[vector<16xi32>, vector<16xi32>, vector<16xi32>], vector<16xf32>,
        %get3A_531 = arith.index_cast %add3A_520 : i32 to index
        %get3A_532 = arith.constant 48 : index
        %get3A_533 = tpu.vector_load %arg10[%get3A_531, %get3A_532] {strides = array<i32>} : memref<128x64xf32, #tpu.memory_space<vmem>>, vector<16xf32>,
        tpu.vector_store_idx %arg15[%add3A_18, %sub3A, %broadcast_in_dim3A_521], %get3A_533 : memref<8x8x129xf32, #tpu.memory_space<vmem>>[vector<16xi32>, vector<16xi32>, vector<16xi32>], vector<16xf32>,
        %add3A_534 = arith.constant 6 : i32
        %add3A_535 = arith.addi %mul3A_444, %add3A_534 : i32
        %broadcast_in_dim3A_536 = vector.broadcast %add3A_535 : i32 to vector<16xi32>
        %get3A_537 = arith.index_cast %add3A_535 : i32 to index
        %get3A_538 = arith.constant 0 : index
        %get3A_539 = tpu.vector_load %arg10[%get3A_537, %get3A_538] {strides = array<i32>} : memref<128x64xf32, #tpu.memory_space<vmem>>, vector<16xf32>,
        tpu.vector_store_idx %arg15[%add3A_9, %sub3A, %broadcast_in_dim3A_536], %get3A_539 : memref<8x8x129xf32, #tpu.memory_space<vmem>>[vector<16xi32>, vector<16xi32>, vector<16xi32>], vector<16xf32>,
        %get3A_540 = arith.index_cast %add3A_535 : i32 to index
        %get3A_541 = arith.constant 16 : index
        %get3A_542 = tpu.vector_load %arg10[%get3A_540, %get3A_541] {strides = array<i32>} : memref<128x64xf32, #tpu.memory_space<vmem>>, vector<16xf32>,
        tpu.vector_store_idx %arg15[%add3A_12, %sub3A, %broadcast_in_dim3A_536], %get3A_542 : memref<8x8x129xf32, #tpu.memory_space<vmem>>[vector<16xi32>, vector<16xi32>, vector<16xi32>], vector<16xf32>,
        %get3A_543 = arith.index_cast %add3A_535 : i32 to index
        %get3A_544 = arith.constant 32 : index
        %get3A_545 = tpu.vector_load %arg10[%get3A_543, %get3A_544] {strides = array<i32>} : memref<128x64xf32, #tpu.memory_space<vmem>>, vector<16xf32>,
        tpu.vector_store_idx %arg15[%add3A_15, %sub3A, %broadcast_in_dim3A_536], %get3A_545 : memref<8x8x129xf32, #tpu.memory_space<vmem>>[vector<16xi32>, vector<16xi32>, vector<16xi32>], vector<16xf32>,
        %get3A_546 = arith.index_cast %add3A_535 : i32 to index
        %get3A_547 = arith.constant 48 : index
        %get3A_548 = tpu.vector_load %arg10[%get3A_546, %get3A_547] {strides = array<i32>} : memref<128x64xf32, #tpu.memory_space<vmem>>, vector<16xf32>,
        tpu.vector_store_idx %arg15[%add3A_18, %sub3A, %broadcast_in_dim3A_536], %get3A_548 : memref<8x8x129xf32, #tpu.memory_space<vmem>>[vector<16xi32>, vector<16xi32>, vector<16xi32>], vector<16xf32>,
        %add3A_549 = arith.constant 7 : i32
        %add3A_550 = arith.addi %mul3A_444, %add3A_549 : i32
        %broadcast_in_dim3A_551 = vector.broadcast %add3A_550 : i32 to vector<16xi32>
        %get3A_552 = arith.index_cast %add3A_550 : i32 to index
        %get3A_553 = arith.constant 0 : index
        %get3A_554 = tpu.vector_load %arg10[%get3A_552, %get3A_553] {strides = array<i32>} : memref<128x64xf32, #tpu.memory_space<vmem>>, vector<16xf32>,
        tpu.vector_store_idx %arg15[%add3A_9, %sub3A, %broadcast_in_dim3A_551], %get3A_554 : memref<8x8x129xf32, #tpu.memory_space<vmem>>[vector<16xi32>, vector<16xi32>, vector<16xi32>], vector<16xf32>,
        %get3A_555 = arith.index_cast %add3A_550 : i32 to index
        %get3A_556 = arith.constant 16 : index
        %get3A_557 = tpu.vector_load %arg10[%get3A_555, %get3A_556] {strides = array<i32>} : memref<128x64xf32, #tpu.memory_space<vmem>>, vector<16xf32>,
        tpu.vector_store_idx %arg15[%add3A_12, %sub3A, %broadcast_in_dim3A_551], %get3A_557 : memref<8x8x129xf32, #tpu.memory_space<vmem>>[vector<16xi32>, vector<16xi32>, vector<16xi32>], vector<16xf32>,
        %get3A_558 = arith.index_cast %add3A_550 : i32 to index
        %get3A_559 = arith.constant 32 : index
        %get3A_560 = tpu.vector_load %arg10[%get3A_558, %get3A_559] {strides = array<i32>} : memref<128x64xf32, #tpu.memory_space<vmem>>, vector<16xf32>,
        tpu.vector_store_idx %arg15[%add3A_15, %sub3A, %broadcast_in_dim3A_551], %get3A_560 : memref<8x8x129xf32, #tpu.memory_space<vmem>>[vector<16xi32>, vector<16xi32>, vector<16xi32>], vector<16xf32>,
        %get3A_561 = arith.index_cast %add3A_550 : i32 to index
        %get3A_562 = arith.constant 48 : index
        %get3A_563 = tpu.vector_load %arg10[%get3A_561, %get3A_562] {strides = array<i32>} : memref<128x64xf32, #tpu.memory_space<vmem>>, vector<16xf32>,
        tpu.vector_store_idx %arg15[%add3A_18, %sub3A, %broadcast_in_dim3A_551], %get3A_563 : memref<8x8x129xf32, #tpu.memory_space<vmem>>[vector<16xi32>, vector<16xi32>, vector<16xi32>], vector<16xf32>,
      }
      %scan3A_413 = arith.constant 16 : i32
      %mul3A_414 = arith.constant 8 : i32
      %mul3A_415 = arith.muli %add3A, %mul3A_414 : i32
      %dma_start3A_416 = arith.constant 4 : i32
      %dma_start3A_417 = arith.constant 0 : i32
      %dma_start3A_418 = arith.constant 0 : i32
      %dma_start3A_419 = arith.constant 0 : i32
      %dma_start3A_420 = tpu.memref_slice %arg15[%dma_start3A_417, %dma_start3A_418, %dma_start3A_419] : memref<8x8x129xf32, #tpu.memory_space<vmem>> -> memref<8x8x128xf32, #tpu.memory_space<vmem>>
      %dma_start3A_421 = arith.constant 0 : i32
      %dma_start3A_422 = arith.constant 0 : i32
      %dma_start3A_423 = tpu.memref_slice %arg4[%add3A_393, %dma_start3A_421, %mul3A_415, %dma_start3A_422] : memref<200x8x256x128xf32, #tpu.memory_space<hbm>> -> memref<1x8x8x128xf32, #tpu.memory_space<hbm>>
      %dma_start3A_424 = tpu.memref_squeeze %dma_start3A_423 : memref<1x8x8x128xf32, #tpu.memory_space<hbm>> -> memref<8x8x128xf32, #tpu.memory_space<hbm>>
      %dma_start3A_425 = tpu.memref_slice %arg17[%dma_start3A_416] : memref<5x!tpu.dma_semaphore, #tpu.memory_space<semaphore_mem>> -> memref<1x!tpu.dma_semaphore, #tpu.memory_space<semaphore_mem>>
      %dma_start3A_426 = tpu.memref_squeeze %dma_start3A_425 : memref<1x!tpu.dma_semaphore, #tpu.memory_space<semaphore_mem>> -> memref<!tpu.dma_semaphore, #tpu.memory_space<semaphore_mem>>
      %dma_start3A_427 = arith.constant 0 : i32
      %dma_start3A_428 = arith.constant 0 : i32
      %dma_start3A_429 = tpu.memref_slice %arg4[%add3A_393, %dma_start3A_427, %mul3A_415, %dma_start3A_428] : memref<200x8x256x128xf32, #tpu.memory_space<hbm>> -> memref<1x8x8x128xf32, #tpu.memory_space<hbm>>
      %dma_start3A_430 = tpu.memref_squeeze %dma_start3A_429 : memref<1x8x8x128xf32, #tpu.memory_space<hbm>> -> memref<8x8x128xf32, #tpu.memory_space<hbm>>
      %dma_start3A_431 = arith.constant 0 : i32
      %dma_start3A_432 = arith.constant 0 : i32
      %dma_start3A_433 = arith.constant 0 : i32
      %dma_start3A_434 = tpu.memref_slice %arg15[%dma_start3A_431, %dma_start3A_432, %dma_start3A_433] : memref<8x8x129xf32, #tpu.memory_space<vmem>> -> memref<8x8x128xf32, #tpu.memory_space<vmem>>
      tpu.enqueue_dma source(%dma_start3A_434 : memref<8x8x128xf32, #tpu.memory_space<vmem>>) target(%dma_start3A_430 : memref<8x8x128xf32, #tpu.memory_space<hbm>>) target_semaphore(%dma_start3A_426 : memref<!tpu.dma_semaphore, #tpu.memory_space<semaphore_mem>>)
      %add3A_435 = arith.constant 5 : i32
      %add3A_436 = arith.addi %add3A_393, %add3A_435 : i32
      %lt3A_437 = arith.constant 200 : i32
      %lt3A_438 = arith.cmpi slt, %add3A_436, %lt3A_437 : i32
      %convert_element_type3A_439 = arith.extui %lt3A_438 : i1 to i32
      %cond3A_440 = arith.constant 0 : i32
      %cond3A_441 = arith.cmpi ne, %convert_element_type3A_439, %cond3A_440 : i32
      scf.if %cond3A_441 {
        %add3A_442 = arith.constant 5 : i32
        %add3A_443 = arith.addi %add3A_393, %add3A_442 : i32
        %dma_start3A_444 = arith.constant 4 : i32
        %dma_start3A_445 = arith.constant 0 : i32
        %dma_start3A_446 = tpu.memref_slice %arg5[%add3A_443, %dma_start3A_445] : memref<200x128xi32, #tpu.memory_space<vmem>> -> memref<1x128xi32, #tpu.memory_space<vmem>>
        %dma_start3A_447 = tpu.memref_squeeze %dma_start3A_446 : memref<1x128xi32, #tpu.memory_space<vmem>> -> memref<128xi32, #tpu.memory_space<vmem>>
        %dma_start3A_448 = arith.constant 0 : i32
        %dma_start3A_449 = arith.constant 0 : i32
        %dma_start3A_450 = tpu.memref_slice %arg3[%dma_start3A_448, %dma_start3A_449] : memref<1000000x64xf32, #tpu.memory_space<hbm>> -> memref<1000000x64xf32, #tpu.memory_space<hbm>>
        %dma_start3A_451 = tpu.memref_slice %arg16[%dma_start3A_444] : memref<5x!tpu.dma_semaphore, #tpu.memory_space<semaphore_mem>> -> memref<1x!tpu.dma_semaphore, #tpu.memory_space<semaphore_mem>>
        %dma_start3A_452 = tpu.memref_squeeze %dma_start3A_451 : memref<1x!tpu.dma_semaphore, #tpu.memory_space<semaphore_mem>> -> memref<!tpu.dma_semaphore, #tpu.memory_space<semaphore_mem>>
        tpu.enqueue_indirect_dma source(%dma_start3A_450 : memref<1000000x64xf32, #tpu.memory_space<hbm>>) target(%arg10 : memref<128x64xf32, #tpu.memory_space<vmem>>) offsets(%dma_start3A_447 : memref<128xi32, #tpu.memory_space<vmem>>) semaphore(%dma_start3A_452 : memref<!tpu.dma_semaphore, #tpu.memory_space<semaphore_mem>>)
      } else {
      }
    }
    %scan3A_75 = arith.constant 40 : i32
    %dma_wait3A = arith.constant 0 : i32
    %dma_wait3A_76 = arith.constant 0 : i32
    %dma_wait3A_77 = arith.constant 0 : i32
    %dma_wait3A_78 = arith.constant 0 : i32
    %dma_wait3A_79 = arith.constant 0 : i32
    %dma_wait3A_80 = tpu.memref_slice %arg11[%dma_wait3A_77, %dma_wait3A_78, %dma_wait3A_79] : memref<8x8x129xf32, #tpu.memory_space<vmem>> -> memref<8x8x128xf32, #tpu.memory_space<vmem>>
    %dma_wait3A_81 = arith.constant 0 : i32
    %dma_wait3A_82 = arith.constant 0 : i32
    %dma_wait3A_83 = arith.constant 0 : i32
    %dma_wait3A_84 = tpu.memref_slice %arg4[%dma_wait3A, %dma_wait3A_81, %dma_wait3A_82, %dma_wait3A_83] : memref<200x8x256x128xf32, #tpu.memory_space<hbm>> -> memref<1x8x8x128xf32, #tpu.memory_space<hbm>>
    %dma_wait3A_85 = tpu.memref_squeeze %dma_wait3A_84 : memref<1x8x8x128xf32, #tpu.memory_space<hbm>> -> memref<8x8x128xf32, #tpu.memory_space<hbm>>
    %dma_wait3A_86 = tpu.memref_slice %arg17[%dma_wait3A_76] : memref<5x!tpu.dma_semaphore, #tpu.memory_space<semaphore_mem>> -> memref<1x!tpu.dma_semaphore, #tpu.memory_space<semaphore_mem>>
    %dma_wait3A_87 = tpu.memref_squeeze %dma_wait3A_86 : memref<1x!tpu.dma_semaphore, #tpu.memory_space<semaphore_mem>> -> memref<!tpu.dma_semaphore, #tpu.memory_space<semaphore_mem>>
    %dma_wait3A_88 = arith.constant 0 : i32
    %dma_wait3A_89 = arith.constant 0 : i32
    %dma_wait3A_90 = arith.constant 0 : i32
    %dma_wait3A_91 = tpu.memref_slice %arg4[%dma_wait3A, %dma_wait3A_88, %dma_wait3A_89, %dma_wait3A_90] : memref<200x8x256x128xf32, #tpu.memory_space<hbm>> -> memref<1x8x8x128xf32, #tpu.memory_space<hbm>>
    %dma_wait3A_92 = tpu.memref_squeeze %dma_wait3A_91 : memref<1x8x8x128xf32, #tpu.memory_space<hbm>> -> memref<8x8x128xf32, #tpu.memory_space<hbm>>
    %dma_wait3A_93 = arith.constant 0 : i32
    %dma_wait3A_94 = arith.constant 0 : i32
    %dma_wait3A_95 = arith.constant 0 : i32
    %dma_wait3A_96 = tpu.memref_slice %arg11[%dma_wait3A_93, %dma_wait3A_94, %dma_wait3A_95] : memref<8x8x129xf32, #tpu.memory_space<vmem>> -> memref<8x8x128xf32, #tpu.memory_space<vmem>>
    tpu.wait_dma2 semaphore(%dma_wait3A_87 : memref<!tpu.dma_semaphore, #tpu.memory_space<semaphore_mem>>) src(%dma_wait3A_96 : memref<8x8x128xf32, #tpu.memory_space<vmem>>) dst(%dma_wait3A_92 : memref<8x8x128xf32, #tpu.memory_space<hbm>>)
    %dma_wait3A_97 = arith.constant 0 : i32
    %dma_wait3A_98 = arith.constant 1 : i32
    %dma_wait3A_99 = arith.constant 0 : i32
    %dma_wait3A_100 = arith.constant 0 : i32
    %dma_wait3A_101 = arith.constant 0 : i32
    %dma_wait3A_102 = tpu.memref_slice %arg12[%dma_wait3A_99, %dma_wait3A_100, %dma_wait3A_101] : memref<8x8x129xf32, #tpu.memory_space<vmem>> -> memref<8x8x128xf32, #tpu.memory_space<vmem>>
    %dma_wait3A_103 = arith.constant 0 : i32
    %dma_wait3A_104 = arith.constant 0 : i32
    %dma_wait3A_105 = arith.constant 0 : i32
    %dma_wait3A_106 = tpu.memref_slice %arg4[%dma_wait3A_97, %dma_wait3A_103, %dma_wait3A_104, %dma_wait3A_105] : memref<200x8x256x128xf32, #tpu.memory_space<hbm>> -> memref<1x8x8x128xf32, #tpu.memory_space<hbm>>
    %dma_wait3A_107 = tpu.memref_squeeze %dma_wait3A_106 : memref<1x8x8x128xf32, #tpu.memory_space<hbm>> -> memref<8x8x128xf32, #tpu.memory_space<hbm>>
    %dma_wait3A_108 = tpu.memref_slice %arg17[%dma_wait3A_98] : memref<5x!tpu.dma_semaphore, #tpu.memory_space<semaphore_mem>> -> memref<1x!tpu.dma_semaphore, #tpu.memory_space<semaphore_mem>>
    %dma_wait3A_109 = tpu.memref_squeeze %dma_wait3A_108 : memref<1x!tpu.dma_semaphore, #tpu.memory_space<semaphore_mem>> -> memref<!tpu.dma_semaphore, #tpu.memory_space<semaphore_mem>>
    %dma_wait3A_110 = arith.constant 0 : i32
    %dma_wait3A_111 = arith.constant 0 : i32
    %dma_wait3A_112 = arith.constant 0 : i32
    %dma_wait3A_113 = tpu.memref_slice %arg4[%dma_wait3A_97, %dma_wait3A_110, %dma_wait3A_111, %dma_wait3A_112] : memref<200x8x256x128xf32, #tpu.memory_space<hbm>> -> memref<1x8x8x128xf32, #tpu.memory_space<hbm>>
    %dma_wait3A_114 = tpu.memref_squeeze %dma_wait3A_113 : memref<1x8x8x128xf32, #tpu.memory_space<hbm>> -> memref<8x8x128xf32, #tpu.memory_space<hbm>>
    %dma_wait3A_115 = arith.constant 0 : i32
    %dma_wait3A_116 = arith.constant 0 : i32
    %dma_wait3A_117 = arith.constant 0 : i32
    %dma_wait3A_118 = tpu.memref_slice %arg12[%dma_wait3A_115, %dma_wait3A_116, %dma_wait3A_117] : memref<8x8x129xf32, #tpu.memory_space<vmem>> -> memref<8x8x128xf32, #tpu.memory_space<vmem>>
    tpu.wait_dma2 semaphore(%dma_wait3A_109 : memref<!tpu.dma_semaphore, #tpu.memory_space<semaphore_mem>>) src(%dma_wait3A_118 : memref<8x8x128xf32, #tpu.memory_space<vmem>>) dst(%dma_wait3A_114 : memref<8x8x128xf32, #tpu.memory_space<hbm>>)
    %dma_wait3A_119 = arith.constant 0 : i32
    %dma_wait3A_120 = arith.constant 2 : i32
    %dma_wait3A_121 = arith.constant 0 : i32
    %dma_wait3A_122 = arith.constant 0 : i32
    %dma_wait3A_123 = arith.constant 0 : i32
    %dma_wait3A_124 = tpu.memref_slice %arg13[%dma_wait3A_121, %dma_wait3A_122, %dma_wait3A_123] : memref<8x8x129xf32, #tpu.memory_space<vmem>> -> memref<8x8x128xf32, #tpu.memory_space<vmem>>
    %dma_wait3A_125 = arith.constant 0 : i32
    %dma_wait3A_126 = arith.constant 0 : i32
    %dma_wait3A_127 = arith.constant 0 : i32
    %dma_wait3A_128 = tpu.memref_slice %arg4[%dma_wait3A_119, %dma_wait3A_125, %dma_wait3A_126, %dma_wait3A_127] : memref<200x8x256x128xf32, #tpu.memory_space<hbm>> -> memref<1x8x8x128xf32, #tpu.memory_space<hbm>>
    %dma_wait3A_129 = tpu.memref_squeeze %dma_wait3A_128 : memref<1x8x8x128xf32, #tpu.memory_space<hbm>> -> memref<8x8x128xf32, #tpu.memory_space<hbm>>
    %dma_wait3A_130 = tpu.memref_slice %arg17[%dma_wait3A_120] : memref<5x!tpu.dma_semaphore, #tpu.memory_space<semaphore_mem>> -> memref<1x!tpu.dma_semaphore, #tpu.memory_space<semaphore_mem>>
    %dma_wait3A_131 = tpu.memref_squeeze %dma_wait3A_130 : memref<1x!tpu.dma_semaphore, #tpu.memory_space<semaphore_mem>> -> memref<!tpu.dma_semaphore, #tpu.memory_space<semaphore_mem>>
    %dma_wait3A_132 = arith.constant 0 : i32
    %dma_wait3A_133 = arith.constant 0 : i32
    %dma_wait3A_134 = arith.constant 0 : i32
    %dma_wait3A_135 = tpu.memref_slice %arg4[%dma_wait3A_119, %dma_wait3A_132, %dma_wait3A_133, %dma_wait3A_134] : memref<200x8x256x128xf32, #tpu.memory_space<hbm>> -> memref<1x8x8x128xf32, #tpu.memory_space<hbm>>
    %dma_wait3A_136 = tpu.memref_squeeze %dma_wait3A_135 : memref<1x8x8x128xf32, #tpu.memory_space<hbm>> -> memref<8x8x128xf32, #tpu.memory_space<hbm>>
    %dma_wait3A_137 = arith.constant 0 : i32
    %dma_wait3A_138 = arith.constant 0 : i32
    %dma_wait3A_139 = arith.constant 0 : i32
    %dma_wait3A_140 = tpu.memref_slice %arg13[%dma_wait3A_137, %dma_wait3A_138, %dma_wait3A_139] : memref<8x8x129xf32, #tpu.memory_space<vmem>> -> memref<8x8x128xf32, #tpu.memory_space<vmem>>
    tpu.wait_dma2 semaphore(%dma_wait3A_131 : memref<!tpu.dma_semaphore, #tpu.memory_space<semaphore_mem>>) src(%dma_wait3A_140 : memref<8x8x128xf32, #tpu.memory_space<vmem>>) dst(%dma_wait3A_136 : memref<8x8x128xf32, #tpu.memory_space<hbm>>)
    %dma_wait3A_141 = arith.constant 0 : i32
    %dma_wait3A_142 = arith.constant 3 : i32
    %dma_wait3A_143 = arith.constant 0 : i32
    %dma_wait3A_144 = arith.constant 0 : i32
    %dma_wait3A_145 = arith.constant 0 : i32
    %dma_wait3A_146 = tpu.memref_slice %arg14[%dma_wait3A_143, %dma_wait3A_144, %dma_wait3A_145] : memref<8x8x129xf32, #tpu.memory_space<vmem>> -> memref<8x8x128xf32, #tpu.memory_space<vmem>>
    %dma_wait3A_147 = arith.constant 0 : i32
    %dma_wait3A_148 = arith.constant 0 : i32
    %dma_wait3A_149 = arith.constant 0 : i32
    %dma_wait3A_150 = tpu.memref_slice %arg4[%dma_wait3A_141, %dma_wait3A_147, %dma_wait3A_148, %dma_wait3A_149] : memref<200x8x256x128xf32, #tpu.memory_space<hbm>> -> memref<1x8x8x128xf32, #tpu.memory_space<hbm>>
    %dma_wait3A_151 = tpu.memref_squeeze %dma_wait3A_150 : memref<1x8x8x128xf32, #tpu.memory_space<hbm>> -> memref<8x8x128xf32, #tpu.memory_space<hbm>>
    %dma_wait3A_152 = tpu.memref_slice %arg17[%dma_wait3A_142] : memref<5x!tpu.dma_semaphore, #tpu.memory_space<semaphore_mem>> -> memref<1x!tpu.dma_semaphore, #tpu.memory_space<semaphore_mem>>
    %dma_wait3A_153 = tpu.memref_squeeze %dma_wait3A_152 : memref<1x!tpu.dma_semaphore, #tpu.memory_space<semaphore_mem>> -> memref<!tpu.dma_semaphore, #tpu.memory_space<semaphore_mem>>
    %dma_wait3A_154 = arith.constant 0 : i32
    %dma_wait3A_155 = arith.constant 0 : i32
    %dma_wait3A_156 = arith.constant 0 : i32
    %dma_wait3A_157 = tpu.memref_slice %arg4[%dma_wait3A_141, %dma_wait3A_154, %dma_wait3A_155, %dma_wait3A_156] : memref<200x8x256x128xf32, #tpu.memory_space<hbm>> -> memref<1x8x8x128xf32, #tpu.memory_space<hbm>>
    %dma_wait3A_158 = tpu.memref_squeeze %dma_wait3A_157 : memref<1x8x8x128xf32, #tpu.memory_space<hbm>> -> memref<8x8x128xf32, #tpu.memory_space<hbm>>
    %dma_wait3A_159 = arith.constant 0 : i32
    %dma_wait3A_160 = arith.constant 0 : i32
    %dma_wait3A_161 = arith.constant 0 : i32
    %dma_wait3A_162 = tpu.memref_slice %arg14[%dma_wait3A_159, %dma_wait3A_160, %dma_wait3A_161] : memref<8x8x129xf32, #tpu.memory_space<vmem>> -> memref<8x8x128xf32, #tpu.memory_space<vmem>>
    tpu.wait_dma2 semaphore(%dma_wait3A_153 : memref<!tpu.dma_semaphore, #tpu.memory_space<semaphore_mem>>) src(%dma_wait3A_162 : memref<8x8x128xf32, #tpu.memory_space<vmem>>) dst(%dma_wait3A_158 : memref<8x8x128xf32, #tpu.memory_space<hbm>>)
    %dma_wait3A_163 = arith.constant 0 : i32
    %dma_wait3A_164 = arith.constant 4 : i32
    %dma_wait3A_165 = arith.constant 0 : i32
    %dma_wait3A_166 = arith.constant 0 : i32
    %dma_wait3A_167 = arith.constant 0 : i32
    %dma_wait3A_168 = tpu.memref_slice %arg15[%dma_wait3A_165, %dma_wait3A_166, %dma_wait3A_167] : memref<8x8x129xf32, #tpu.memory_space<vmem>> -> memref<8x8x128xf32, #tpu.memory_space<vmem>>
    %dma_wait3A_169 = arith.constant 0 : i32
    %dma_wait3A_170 = arith.constant 0 : i32
    %dma_wait3A_171 = arith.constant 0 : i32
    %dma_wait3A_172 = tpu.memref_slice %arg4[%dma_wait3A_163, %dma_wait3A_169, %dma_wait3A_170, %dma_wait3A_171] : memref<200x8x256x128xf32, #tpu.memory_space<hbm>> -> memref<1x8x8x128xf32, #tpu.memory_space<hbm>>
    %dma_wait3A_173 = tpu.memref_squeeze %dma_wait3A_172 : memref<1x8x8x128xf32, #tpu.memory_space<hbm>> -> memref<8x8x128xf32, #tpu.memory_space<hbm>>
    %dma_wait3A_174 = tpu.memref_slice %arg17[%dma_wait3A_164] : memref<5x!tpu.dma_semaphore, #tpu.memory_space<semaphore_mem>> -> memref<1x!tpu.dma_semaphore, #tpu.memory_space<semaphore_mem>>
    %dma_wait3A_175 = tpu.memref_squeeze %dma_wait3A_174 : memref<1x!tpu.dma_semaphore, #tpu.memory_space<semaphore_mem>> -> memref<!tpu.dma_semaphore, #tpu.memory_space<semaphore_mem>>
    %dma_wait3A_176 = arith.constant 0 : i32
    %dma_wait3A_177 = arith.constant 0 : i32
    %dma_wait3A_178 = arith.constant 0 : i32
    %dma_wait3A_179 = tpu.memref_slice %arg4[%dma_wait3A_163, %dma_wait3A_176, %dma_wait3A_177, %dma_wait3A_178] : memref<200x8x256x128xf32, #tpu.memory_space<hbm>> -> memref<1x8x8x128xf32, #tpu.memory_space<hbm>>
    %dma_wait3A_180 = tpu.memref_squeeze %dma_wait3A_179 : memref<1x8x8x128xf32, #tpu.memory_space<hbm>> -> memref<8x8x128xf32, #tpu.memory_space<hbm>>
    %dma_wait3A_181 = arith.constant 0 : i32
    %dma_wait3A_182 = arith.constant 0 : i32
    %dma_wait3A_183 = arith.constant 0 : i32
    %dma_wait3A_184 = tpu.memref_slice %arg15[%dma_wait3A_181, %dma_wait3A_182, %dma_wait3A_183] : memref<8x8x129xf32, #tpu.memory_space<vmem>> -> memref<8x8x128xf32, #tpu.memory_space<vmem>>
    tpu.wait_dma2 semaphore(%dma_wait3A_175 : memref<!tpu.dma_semaphore, #tpu.memory_space<semaphore_mem>>) src(%dma_wait3A_184 : memref<8x8x128xf32, #tpu.memory_space<vmem>>) dst(%dma_wait3A_180 : memref<8x8x128xf32, #tpu.memory_space<hbm>>)
    return
  }
}

</mosaic_0001>

<sc_bundles>
// kernel: _gather_t.3.cloned.1.call-start
scs
__scs_entry_jumppad:
0x0: {  	(pc) =	sbr.rel $0x88, $3  }
0x1: {  	(tag) =	ssettag $0x0;
	lr =	simm.s32 $0x1  }
0x2: {  	[smem:$0x3F9F] =	sst lr;
	_ =	strace $0xD0000000  }
0x3: {  	_ = 	snop  }
0x4: {  	_ = 	snop  }
0x5: {  	_ = 	snop  }
0x6: {  	_ = 	snop  }
0x7: {  	_ = 	snop  }
__scs_overlays_trampoline_lowered:
0x8: {  	[smem:$0x3FAE] =	sst s0  }
0x9: {  	[smem:$0x3FAF] =	sst s1  }
0xa: {  	[smem:$0x3FB0] =	sst s2  }
0xb: {  	[smem:$0x3FB1] =	sst s3  }
0xc: {  	[smem:$0x3FB2] =	sst s4  }
0xd: {  	[smem:$0x3FB3] =	sst s5  }
0xe: {  	[smem:$0x3FB4] =	sst s6  }
0xf: {  	[smem:$0x3FB5] =	sst s7  }
0x10: {  	[smem:$0x3FB6] =	sst s8  }
0x11: {  	[smem:$0x3FB7] =	sst s9;
	s0 =	simm.s32 @!p0 $0x0  }
0x12: {  	s1 =	sld [smem:$0x3F9D];
	s0 =	simm.s32 @p0 $0x1  }
0x13: {  	[smem:$0x3FB8] =	sst s0;
	s0 =	simm.s32 @!p1 $0x0  }
0x14: {  	s2 =	sld [smem:$0x3F9C];
	s0 =	simm.s32 @p1 $0x1  }
0x15: {  	[smem:$0x3FB9] =	sst s0;
	s0 =	simm.s32 @!p2 $0x0  }
0x16: {  	s3 =	sld [smem:$0x3FDB];
	s0 =	simm.s32 @p2 $0x1  }
0x17: {  	s4 =	simm.s32 $0x1BF5;
	[smem:$0x3FBB] =	sst s0  }
0x18: {  	s0 =	sld [smem:$0x3F9E];
	_ =	swait.ge [sflag:s4], $0x0  }
0x19: {  	s7 =	sld [smem:$0x3F9F]  }
0x1a: {  	s8 =	sadd.s32 $0xFFFFE003, lr  }
0x1b: {  	s9 =	sadd.s32 $0xFFFFFEF7, lr;
	s5 =	simm.s32 $0xFFFFFFFF;
	p2 =	slt.u32 s8, $0xFFFFF086  }
0x1c: {  	p1 =	slt.u32 s9, $0xF7A;
	s5 =	simm.s32 @!p2 $0x0  }
0x1d: {  	s5 =	simm.s32 @p1 $0x1;
	p0 =	seq.s32 s7, s2  }
0x1e: {  	s7 =	smul.u32 @!p0 $0xF7A, s2;
	p2 =	seq.s32 @!p0 s5, $0x0  }
0x1f: {  	s9 =	smul.u32 $0xF7A, s1;
	s8 =	simm.s32 @!p0 $0x1BF5;
	p2 =	por !p2, p0  }
0x20: {  	[sflag:s8] =	ssyncset.s32 @!p0 $0xFFFFF086;
	s6 =	sadd.s32 @!p0 s3, s7;
	s7 =	simm.s32 @!p0 $0x108  }
0x21: {  	s3 =	sadd.s32 s3, s9;
	s6 =	sadd.s32 @!p0 $0x88, s6;
	s7 =	simm.s32 @p2 $0x1082  }
0x22: {  	[simem:s7], [sflag:s8] =	dma.local @!p0 [hbm:s6], $0xF7A  }
0x23: {  	s9 =	sor.u32 $0xD0000000, s2;
	s6 =	simm.s32 $0x108;
	_ =	swait.ge @!p0 [sflag:s8], $0x0  }
0x24: {  	s3 =	sadd.s32 $0x88, s3;
	s6 =	simm.s32 @!p1 $0x1082;
	[sflag:s4] =	ssyncset.s32 $0xFFFFF086  }
0x25: {  	[simem:s6], [sflag:s4] =	dma.local [hbm:s3], $0xF7A  }
0x26: {  	[smem:$0x3F9F] =	sst s1;
	(tag) =	ssettag s2;
	_ =	strace s9  }
0x27: {  	s1 =	sld [smem:$0x3FAF]  }
0x28: {  	s2 =	sld [smem:$0x3FB0]  }
0x29: {  	s4 =	sld [smem:$0x3FB2]  }
0x2a: {  	p0 =	seq.s32 s5, $0x0;
	s5 =	sld [smem:$0x3FB3]  }
0x2b: {  	s6 =	sld [smem:$0x3FB4]  }
0x2c: {  	s7 =	sld [smem:$0x3FB5]  }
0x2d: {  	s3 =	simm.s32 $0x108;
	s8 =	sld [smem:$0x3FB6]  }
0x2e: {  	s3 =	simm.s32 @!p0 $0x1082;
	s9 =	sld [smem:$0x3FB7]  }
0x2f: {  	lr =	sadd.s32 s0, s3;
	s0 =	sld [smem:$0x3FAE]  }
0x30: {  	s3 =	sld [smem:$0x3FB1]  }
0x31: {  	[smem:$0x3FBA] =	sst s10  }
0x32: {  	s10 =	sld [smem:$0x3FB8];
	_ =	sdelay $0x3  }
0x33: {  	p0 =	seq.s32 s10, $0x1;
	s10 =	sld [smem:$0x3FBA];
	_ =	sdelay $0x3  }
0x34: {  	[smem:$0x3FBA] =	sst s10  }
0x35: {  	s10 =	sld [smem:$0x3FB9];
	_ =	sdelay $0x3  }
0x36: {  	p1 =	seq.s32 s10, $0x1;
	s10 =	sld [smem:$0x3FBA];
	_ =	sdelay $0x3  }
0x37: {  	[smem:$0x3FBA] =	sst s10  }
0x38: {  	s10 =	sld [smem:$0x3FBB]  }
0x39: {  	_ = 	snop;
	(pc) =	sbr.ind lr, $3  }
0x3a: {  	_ = 	snop  }
0x3b: {  	_ = 	snop  }
0x3c: {  	p2 =	seq.s32 s10, $0x1;
	s10 =	sld [smem:$0x3FBA]  }
0x3d: {  	_ =	shalt  }
0x3e: {  	_ =	shalt  }
0x3f: {  	_ =	shalt  }
0x40: {  	_ =	shalt  }
0x41: {  	_ =	shalt  }
0x42: {  	_ =	shalt  }
0x43: {  	_ =	shalt  }
0x44: {  	_ =	shalt  }
0x45: {  	_ =	shalt  }
0x46: {  	_ =	shalt  }
0x47: {  	_ =	shalt  }
0x48: {  	_ =	shalt  }
0x49: {  	_ =	shalt  }
0x4a: {  	_ =	shalt  }
0x4b: {  	_ =	shalt  }
0x4c: {  	_ =	shalt  }
0x4d: {  	_ =	shalt  }
0x4e: {  	_ =	shalt  }
0x4f: {  	_ =	shalt  }
0x50: {  	_ =	shalt  }
0x51: {  	_ =	shalt  }
0x52: {  	_ =	shalt  }
0x53: {  	_ =	shalt  }
0x54: {  	_ =	shalt  }
0x55: {  	_ =	shalt  }
0x56: {  	_ =	shalt  }
0x57: {  	_ =	shalt  }
0x58: {  	_ =	shalt  }
0x59: {  	_ =	shalt  }
0x5a: {  	_ =	shalt  }
0x5b: {  	_ =	shalt  }
0x5c: {  	_ =	shalt  }
0x5d: {  	_ =	shalt  }
0x5e: {  	_ =	shalt  }
0x5f: {  	_ =	shalt  }
0x60: {  	_ =	shalt  }
0x61: {  	_ =	shalt  }
0x62: {  	_ =	shalt  }
0x63: {  	_ =	shalt  }
0x64: {  	_ =	shalt  }
0x65: {  	_ =	shalt  }
0x66: {  	_ =	shalt  }
0x67: {  	_ =	shalt  }
0x68: {  	_ =	shalt  }
0x69: {  	_ =	shalt  }
0x6a: {  	_ =	shalt  }
0x6b: {  	_ =	shalt  }
0x6c: {  	_ =	shalt  }
0x6d: {  	_ =	shalt  }
0x6e: {  	_ =	shalt  }
0x6f: {  	_ =	shalt  }
0x70: {  	_ =	shalt  }
0x71: {  	_ =	shalt  }
0x72: {  	_ =	shalt  }
0x73: {  	_ =	shalt  }
0x74: {  	_ =	shalt  }
0x75: {  	_ =	shalt  }
0x76: {  	_ =	shalt  }
0x77: {  	_ =	shalt  }
0x78: {  	_ =	shalt  }
0x79: {  	_ =	shalt  }
0x7a: {  	_ =	shalt  }
0x7b: {  	_ =	shalt  }
0x7c: {  	_ =	shalt  }
0x7d: {  	_ =	shalt  }
0x7e: {  	_ =	shalt  }
0x7f: {  	_ =	shalt  }
0x80: {  	_ =	shalt  }
0x81: {  	_ =	shalt  }
0x82: {  	_ =	shalt  }
0x83: {  	_ =	shalt  }
0x84: {  	_ =	shalt  }
0x85: {  	_ =	shalt  }
0x86: {  	_ =	shalt  }
0x87: {  	_ =	shalt  }
.Lfunc_end0:
.L_simem_size_0:
called_computation_lowered:
.L_overlay_start_0:
0x88: {  	s2 =	sld [smem:$0x3FD9]  }
0x89: {  	s3 =	sld [smem:$0x3FFE];
	_ =	sdelay $0x1  }
0x8a: {  	s1 =	srdreg.scid  }
0x8b: {  	s0 =	sand.u32 $0x1, s1  }
0x8c: {  	s17 =	sshll.u32 s0, $0xA;
	s2 =	sadd.s32 s3, s2  }
0x8d: {  	s2 =	sadd.s32 s2, s17  }
0x8e: {  	[smem:$0x3FC6] =	sst s2  }
0x8f: {  	_ = 	snop  }
0x90: {  	s2 =	sld [smem:$0x3FD0];
	(tm) =	ssettm $0x1  }
0x91: {  	s18 =	sld [smem:$0x3FFB];
	_ =	sdelay $0x3  }
0x92: {  	_ =	strace s18  }
0x93: {  	s3 =	sld [smem:$0x3FFC];
	_ =	sdelay $0x3  }
0x94: {  	_ =	strace s3  }
0x95: {  	s3 =	sld [smem:$0x3FFD];
	_ =	sdelay $0x3  }
0x96: {  	_ =	strace s3  }
0x97: {  	_ =	strace $0x8FFFFFFF  }
0x98: {  	s19 =	sld [smem:$0x3FDB];
	_ =	sdelay $0x1  }
0x99: {  	s4 =	simm.s32 $_scs_section_size  }
0x9a: {  	s5 =	simm.s32 $_size__tile_overlayer_lowered;
	s6 =	simm.s32 $_tile_overlayer_lowered  }
0x9b: {  	s22 =	simm.s32 $0x1BFF;
	s21 =	sshll.u32 s6, $0x1;
	s3 =	sadd.s32 s4, s19  }
0x9c: {  	s7 =	simm.s32 $0x0;
	s20 =	sshll.u32 s5, $0x1;
	s5 =	sadd.s32 s21, s3  }
0x9d: {  	[timem:s7], [sflag:s22] =	dma.local [hbm:s5], s20  }
0x9e: {  	_ =	swait.ge [sflag:s22], s20  }
0x9f: {  	s4 =	ssub.s32 $0x0, s20;
	[sflag:s22] =	ssyncset.done $0x0  }
0xa0: {  	[sflag:s22] =	ssyncadd.s32 s4;
	_ =	sdelay $0x1  }
0xa1: {  	s23 =	simm.s32 $0x1B8B  }
0xa2: {  	_ =	swait.ge [sflag:s23], $0x1  }
0xa3: {  	[sflag:s23] =	ssyncset.done $0x0  }
0xa4: {  	s25 =	simm.s32 $0x1B8E;
	s24 =	sld [smem:$0x3FFE];
	[sflag:s23] =	ssyncadd.s32 $0xFFFFFFFF  }
0xa5: {  	s26 =	simm.s32 $execute0_lowered;
	[smem:$0x3FD2] =	sst s25  }
0xa6: {  	s5 =	sshll.u32 s26, $0x1;
	_ =	strace $0x80000046;
	[dreg:$0x1] =	wrdreg $0xFFFFFFFF  }
0xa7: {  	s28 =	simm.s32 $_size_execute0_lowered;
	s3 =	sadd.s32 s3, s5;
	[dreg:$0x0] =	wrdreg $0x0  }
0xa8: {  	s5 =	sshll.u32 s28, $0x1;
	[dreg:$0x2] =	wrdreg s3  }
0xa9: {  	[dreg:$0x3] =	wrdreg s5  }
0xaa: {  	[dreg:$0x4] =	wrdreg $0xC0  }
0xab: {  	_ =	task [dreg:s7], $0x5FFFF  }
0xac: {  	[dreg:$0x1] =	wrdreg $0xFFFFFFFF  }
0xad: {  	[dreg:$0x0] =	wrdreg $0x60  }
0xae: {  	[dreg:$0x2] =	wrdreg s24  }
0xaf: {  	[dreg:$0x3] =	wrdreg s2  }
0xb0: {  	[dreg:$0x4] =	wrdreg $0x9  }
0xb1: {  	_ =	task.clear_ibuf [dreg:s7], $0x5FFFF;
	_ =	strace $0x90000046  }
0xb2: {  	s29 =	simm.s32 $0x9;
	_ =	strace $0x80000048  }
0xb3: {  	_ =	swait.ge [sflag:s29], $0x1  }
0xb4: {  	[sflag:s29] =	ssyncadd.s32 $0xFFFFFFFF  }
0xb5: {  	_ =	strace $0x90000048  }
0xb6: {  	_ =	sfence  }
0xb7: {  	s30 =	sld [smem:$0x0];
	_ =	sdelay $0x2  }
0xb8: {  	s31 =	sshll.u32 s1, $0xD;
	s1 =	sshrl.u32 s1, $0x2  }
0xb9: {  	s3 =	sand.u32 $0x4000, s31;
	s1 =	sadd.s32 s1, s30  }
0xba: {  	s0 =	sor.u32 s3, s0;
	s1 =	sshll.u32 s1, $0x11  }
0xbb: {  	s0 =	sor.u32 s1, s0  }
0xbc: {  	s0 =	sadd.s32 $0x8F2B, s0  }
0xbd: {  	[sflag:s0] =	ssyncadd.remote.s32 $0x1  }
0xbe: {  	_ =	sfence.sel $0xFFFF  }
0xbf: {  	[dreg:$0x0] =	wrdreg $0xFFFFFFFF;
	(pc) =	sbr.abs _section_cstart, $3  }
0xc0: {  	[dreg:$0x1] =	wrdreg $0xFFFFFFFF  }
0xc1: {  	_ =	task.clear_ibuf [dreg:s7], $0x2FFFF;
	_ =	strace $0x9FFFFFFF  }
0xc2: {  	(tm) =	ssettm $0x7FFFFFFF  }
0xc3: {  	_ =	shalt  }
tec
execute0_lowered:
.L_overlay_start_1:
0x0: {  	(tag) =	ssettag $0x1  }
0x1: {  	s0 =	rddreg [dreg:$0x0]  }
0x2: {  	s1 =	srdreg.scid;
	s3 =	stileid.u32;
	v0 =	vlaneseq.u32  }
0x3: {  	s2 =	rddreg [dreg:$0x1];
	s12 =	simm.s32 $0x80;
	s23 =	simm.s32 $0x1;
	v0 =	vmul.u32 $0x88, v0  }
0x4: {  	v1 =	vimm.s32 $0x0;
	vm0 =	vcmask $0x300;
	s24 =	simm.s32 $0x10400;
	s28 =	simm.s32 $0x12600;
	s29 =	simm.s32 $0x3  }
0x5: {  	s30 =	simm.s32 $0x8;
	s31 =	simm.s32 $0x14800;
	s13 =	simm.s32 $0x16A00;
	v1 =	vsel vm0, $0x3, v1;
	v2 =	vadd.s32 $0x880, v0  }
0x6: {  	s17 =	simm.s32 $0x5;
	s19 =	simm.s32 $0xA;
	s21 =	simm.s32 $0x18C00;
	v3 =	vadd.s32 $0x1100, v0;
	v4 =	vadd.s32 $0x1980, v0;
	v5 =	vor.u32 $0x1, v0  }
0x7: {  	s1 =	sand.u32 $0x1, s1;
	s4 =	sshll.u32 s3, $0x1;
	s3 =	simm.s32 $0x0;
	v6 =	vadd.s32 $0x881, v0;
	v7 =	vadd.s32 $0x1101, v0;
	v8 =	vadd.s32 $0x1981, v0  }
0x8: {  	s11 =	simm.s32 $0x0;
	s5 =	sor.u32 s1, s4;
	[smem:$0x7FF] =	sst s3;
	v9 =	vor.u32 $0x2, v0;
	v10 =	vadd.s32 $0x882, v0;
	v11 =	vadd.s32 $0x1102, v0  }
0x9: {  	s1 =	ssub.s32 $0x2, s1;
	s4 =	sshll.u32 s5, $0x4;
	_ =	strace $0x80000047;
	v12 =	vadd.s32 $0x1982, v0;
	v13 =	vor.u32 $0x3, v0;
	v14 =	vadd.s32 $0x883, v0  }
0xa: {  	s7 =	sshrl.u32 s1, $0x1;
	s5 =	sshll.u32 s5, $0xA;
	v15 =	vadd.s32 $0x1103, v0;
	v16 =	vadd.s32 $0x1983, v0;
	v17 =	vor.u32 $0x4, v0;
	s6 =	sadd.s32 s4, s0  }
.Ltmp0:
0xb: {  	v18 =	vadd.s32 $0x884, v0;
	v19 =	vadd.s32 $0x1104, v0;
	v20 =	vadd.s32 $0x1984, v0;
	s4 =	sadd.s32 $0xF42A00, s0;
	s25 =	ssub.s32 s1, s7;
	(pc) =	sbr.rel .LBB2_1-.Ltmp0, $4  }
0xc: {  	v21 =	vor.u32 $0x5, v0;
	v22 =	vadd.s32 $0x885, v0;
	v23 =	vadd.s32 $0x1105, v0;
	s7 =	sor.u32 $0x40000, s5;
	s8 =	sor.u32 $0x80000, s5;
	s9 =	sor.u32 $0xC0000, s5  }
0xd: {  	v24 =	vadd.s32 $0x1985, v0;
	v25 =	vor.u32 $0x6, v0;
	v26 =	vadd.s32 $0x886, v0;
	s10 =	sor.u32 $0x100000, s5;
	s1 =	simm.s32 $0x4;
	s26 =	sadd.s32 $0x600, s6  }
0xe: {  	v27 =	vadd.s32 $0x1106, v0;
	v28 =	vadd.s32 $0x1986, v0;
	v29 =	vor.u32 $0x7, v0;
	s0 =	smax.u32 s25, $0x1;
	s25 =	simm.s32 $0x2;
	[dreg:$0x3] =	wrdreg s26  }
0xf: {  	v30 =	vadd.s32 $0x887, v0;
	v31 =	vadd.s32 $0x1107, v0;
	v32 =	vadd.s32 $0x1987, v0;
	[dreg:$0x4] =	wrdreg s0;
	s26 =	simm.s32 $0x7;
	s0 =	simm.s32 $0x9  }
.LBB2_40:
0x10: {  	s6 =	simm.s32 $0x6  }
0x11: {  	_ =	swait.ge [sflag:s6], $0x2000  }
0x12: {  	[sflag:s6] =	ssyncset.done $0x0  }
0x13: {  	[sflag:s6] =	ssyncadd.s32 $0xFFFFE000  }
0x14: {  	_ =	swait.ge [sflag:s26], $0x2000  }
0x15: {  	[sflag:s26] =	ssyncset.done $0x0  }
0x16: {  	[sflag:s26] =	ssyncadd.s32 $0xFFFFE000  }
0x17: {  	_ =	swait.ge [sflag:s30], $0x2000  }
0x18: {  	[sflag:s30] =	ssyncset.done $0x0  }
0x19: {  	[sflag:s30] =	ssyncadd.s32 $0xFFFFE000  }
0x1a: {  	_ =	swait.ge [sflag:s0], $0x2000  }
0x1b: {  	[sflag:s0] =	ssyncset.done $0x0  }
0x1c: {  	[sflag:s0] =	ssyncadd.s32 $0xFFFFE000  }
0x1d: {  	_ =	swait.ge [sflag:s19], $0x2000  }
0x1e: {  	s11 =	rddreg [dreg:$0x5]  }
0x1f: {  	s22 =	rddreg [dreg:$0x4];
	s11 =	sadd.s32 $0x1, s11  }
0x20: {  	p0 =	sne.s32 s11, s22  }
.Ltmp1:
0x21: {  	_ = 	snop;
	(pc) =	sbr.rel @!p0 .LBB2_41-.Ltmp1, $3  }
0x22: {  	_ =	sdelay $0x1  }
0x23: {  	[sflag:s19] =	ssyncset.done $0x0  }
0x24: {  	[sflag:s19] =	ssyncadd.s32 $0xFFFFE000  }
.LBB2_1:
0x25: {  	[dreg:$0x5] =	wrdreg s11  }
0x26: {  	s6 =	rddreg [dreg:$0x3];
	s18 =	simm.s32 $0x1000;
	s20 =	simm.s32 $0xB  }
0x27: {  	[tilespmem:s3], [sflag:$0xB] =	stream.strided.gather [hbm4b:s6+s12], $0x6400, s18, s12, $0x38;
	[tilespmem:$0x1AE00] =	vst v63  }
0x28: {  	_ =	swait.ge [sflag:s20], $0x6400  }
0x29: {  	[sflag:s20] =	ssyncset.done $0x0  }
0x2a: {  	s22 =	simm.s32 $0x6400;
	[sflag:s20] =	ssyncadd.s32 $0xFFFF9C00  }
0x2b: {  	[tilespmem:s22], [sflag:$0x1] =	stream.indirect.gather [hbm4b:s4+s12], $0x40, s3, s12, $0xb8;
	[tilespmem:$0x1AE00] =	vst v63  }
0x2c: {  	s11 =	simm.s32 $0x8400  }
0x2d: {  	[tilespmem:s11], [sflag:$0x2] =	stream.indirect.gather [hbm4b:s4+s12], $0x40, s12, s12, $0xb8;
	[tilespmem:$0x1AE00] =	vst v63  }
0x2e: {  	s14 =	simm.s32 $0x100;
	s15 =	simm.s32 $0xA400  }
0x2f: {  	[tilespmem:s15], [sflag:$0x3] =	stream.indirect.gather [hbm4b:s4+s12], $0x40, s14, s12, $0xb8;
	[tilespmem:$0x1AE00] =	vst v63  }
0x30: {  	s16 =	simm.s32 $0x180;
	s18 =	simm.s32 $0xC400  }
0x31: {  	[tilespmem:s18], [sflag:$0x4] =	stream.indirect.gather [hbm4b:s4+s12], $0x40, s16, s12, $0xb8;
	[tilespmem:$0x1AE00] =	vst v63  }
0x32: {  	s20 =	simm.s32 $0x200;
	s22 =	simm.s32 $0xE400;
	s14 =	simm.s32 $0x0  }
0x33: {  	[tilespmem:s22], [sflag:$0x5] =	stream.indirect.gather [hbm4b:s4+s12], $0x40, s20, s12, $0xb8;
	[tilespmem:$0x1AE00] =	vst v63  }
.LBB2_2:
0x34: {  	_ =	swait.ge [sflag:s23], $0x2000;
	s6 =	simm.s32 $0x0  }
0x35: {  	p0 =	seq.s32 s14, $0x0;
	[sflag:s23] =	ssyncset.done $0x0;
	v33 =	vmov s6  }
0x36: {  	s6 =	simm.s32 @!p0 $0x6;
	[sflag:s23] =	ssyncadd.s32 $0xFFFFE000;
	v33 =	vshrl.u32 v33, $0x3  }
0x37: {  	_ =	swait.ge @!p0 [sflag:s6], $0x2000;
	v33 =	vshll.u32 v33, v1  }
0x38: {  	[sflag:s6] =	ssyncset.done @!p0 $0x0;
	v33 =	vbroadcast v33, $0x0  }
0x39: {  	[sflag:s6] =	ssyncadd.s32 @!p0 $0xFFFFE000;
	s6 =	simm.s32 $0x6500  }
0x3a: {  	v34 =	vld [tilespmem:s6+$0xFFFFFF00];
	v35 =	vadd.s32 v0, v33;
	_ =	sdelay $0x4  }
0x3b: {  	[tilespmem:v35+s24+$0x0] =	vst.idx.msk $0xffff, v34  }
0x3c: {  	v56 =	vadd.s32 v2, v33;
	v34 =	vld [tilespmem:s6+$0xFFFFFF10];
	_ =	sdelay $0x4  }
0x3d: {  	[tilespmem:v56+s24+$0x0] =	vst.idx.msk $0xffff, v34  }
0x3e: {  	v57 =	vadd.s32 v3, v33;
	v34 =	vld [tilespmem:s6+$0xFFFFFF20];
	_ =	sdelay $0x4  }
0x3f: {  	[tilespmem:v57+s24+$0x0] =	vst.idx.msk $0xffff, v34  }
0x40: {  	s11 =	simm.s32 $0x1;
	v33 =	vadd.s32 v4, v33;
	v34 =	vld [tilespmem:s6+$0xFFFFFF30]  }
0x41: {  	v58 =	vmov s11  }
0x42: {  	v35 =	vshrl.u32 v58, $0x3  }
0x43: {  	v35 =	vshll.u32 v35, v1  }
0x44: {  	v35 =	vbroadcast v35, $0x0  }
0x45: {  	[tilespmem:v33+s24+$0x0] =	vst.idx.msk $0xffff, v34  }
0x46: {  	v59 =	vadd.s32 v5, v35;
	v33 =	vld [tilespmem:s6+$0xFFFFFF40];
	_ =	sdelay $0x4  }
0x47: {  	[tilespmem:v59+s24+$0x0] =	vst.idx.msk $0xffff, v33  }
0x48: {  	v60 =	vadd.s32 v6, v35;
	v33 =	vld [tilespmem:s6+$0xFFFFFF50];
	_ =	sdelay $0x4  }
0x49: {  	[tilespmem:v60+s24+$0x0] =	vst.idx.msk $0xffff, v33  }
0x4a: {  	v61 =	vadd.s32 v7, v35;
	v33 =	vld [tilespmem:s6+$0xFFFFFF60];
	_ =	sdelay $0x4  }
0x4b: {  	[tilespmem:v61+s24+$0x0] =	vst.idx.msk $0xffff, v33  }
0x4c: {  	s22 =	simm.s32 $0x2;
	v62 =	vadd.s32 v8, v35;
	v33 =	vld [tilespmem:s6+$0xFFFFFF70]  }
0x4d: {  	v63 =	vmov s22  }
0x4e: {  	v35 =	vshrl.u32 v63, $0x3  }
0x4f: {  	v35 =	vshll.u32 v35, v1  }
0x50: {  	v35 =	vbroadcast v35, $0x0  }
0x51: {  	[tilespmem:v62+s24+$0x0] =	vst.idx.msk $0xffff, v33  }
0x52: {  	v36 =	vadd.s32 v9, v35;
	v33 =	vld [tilespmem:s6+$0xFFFFFF80];
	_ =	sdelay $0x4  }
0x53: {  	[tilespmem:v36+s24+$0x0] =	vst.idx.msk $0xffff, v33  }
0x54: {  	v37 =	vadd.s32 v10, v35;
	v33 =	vld [tilespmem:s6+$0xFFFFFF90];
	_ =	sdelay $0x4  }
0x55: {  	[tilespmem:v37+s24+$0x0] =	vst.idx.msk $0xffff, v33  }
0x56: {  	v38 =	vadd.s32 v11, v35;
	v33 =	vld [tilespmem:s6+$0xFFFFFFA0];
	_ =	sdelay $0x4  }
0x57: {  	[tilespmem:v38+s24+$0x0] =	vst.idx.msk $0xffff, v33  }
0x58: {  	s15 =	simm.s32 $0x3;
	v39 =	vadd.s32 v12, v35;
	v33 =	vld [tilespmem:s6+$0xFFFFFFB0]  }
0x59: {  	v40 =	vmov s15  }
0x5a: {  	v35 =	vshrl.u32 v40, $0x3  }
0x5b: {  	v35 =	vshll.u32 v35, v1  }
0x5c: {  	v35 =	vbroadcast v35, $0x0  }
0x5d: {  	[tilespmem:v39+s24+$0x0] =	vst.idx.msk $0xffff, v33  }
0x5e: {  	v41 =	vadd.s32 v13, v35;
	v33 =	vld [tilespmem:s6+$0xFFFFFFC0];
	_ =	sdelay $0x4  }
0x5f: {  	[tilespmem:v41+s24+$0x0] =	vst.idx.msk $0xffff, v33  }
0x60: {  	v42 =	vadd.s32 v14, v35;
	v33 =	vld [tilespmem:s6+$0xFFFFFFD0];
	_ =	sdelay $0x4  }
0x61: {  	[tilespmem:v42+s24+$0x0] =	vst.idx.msk $0xffff, v33  }
0x62: {  	v43 =	vadd.s32 v15, v35;
	v33 =	vld [tilespmem:s6+$0xFFFFFFE0];
	_ =	sdelay $0x4  }
0x63: {  	[tilespmem:v43+s24+$0x0] =	vst.idx.msk $0xffff, v33  }
0x64: {  	s16 =	simm.s32 $0x4;
	v44 =	vadd.s32 v16, v35;
	v33 =	vld [tilespmem:s6+$0xFFFFFFF0]  }
0x65: {  	v45 =	vmov s16  }
0x66: {  	v35 =	vshrl.u32 v45, $0x3  }
0x67: {  	v35 =	vshll.u32 v35, v1  }
0x68: {  	v35 =	vbroadcast v35, $0x0  }
0x69: {  	[tilespmem:v44+s24+$0x0] =	vst.idx.msk $0xffff, v33  }
0x6a: {  	v46 =	vadd.s32 v17, v35;
	v33 =	vld [tilespmem:s6+$0x0];
	_ =	sdelay $0x4  }
0x6b: {  	[tilespmem:v46+s24+$0x0] =	vst.idx.msk $0xffff, v33  }
0x6c: {  	v47 =	vadd.s32 v18, v35;
	v33 =	vld [tilespmem:s6+$0x10];
	_ =	sdelay $0x4  }
0x6d: {  	[tilespmem:v47+s24+$0x0] =	vst.idx.msk $0xffff, v33  }
0x6e: {  	v48 =	vadd.s32 v19, v35;
	v33 =	vld [tilespmem:s6+$0x20];
	_ =	sdelay $0x4  }
0x6f: {  	[tilespmem:v48+s24+$0x0] =	vst.idx.msk $0xffff, v33  }
0x70: {  	s18 =	simm.s32 $0x5;
	v49 =	vadd.s32 v20, v35;
	v33 =	vld [tilespmem:s6+$0x30]  }
0x71: {  	v50 =	vmov s18  }
0x72: {  	v35 =	vshrl.u32 v50, $0x3  }
0x73: {  	v35 =	vshll.u32 v35, v1  }
0x74: {  	v35 =	vbroadcast v35, $0x0  }
0x75: {  	[tilespmem:v49+s24+$0x0] =	vst.idx.msk $0xffff, v33  }
0x76: {  	v51 =	vadd.s32 v21, v35;
	v33 =	vld [tilespmem:s6+$0x40];
	_ =	sdelay $0x4  }
0x77: {  	[tilespmem:v51+s24+$0x0] =	vst.idx.msk $0xffff, v33  }
0x78: {  	v52 =	vadd.s32 v22, v35;
	v33 =	vld [tilespmem:s6+$0x50];
	_ =	sdelay $0x4  }
0x79: {  	[tilespmem:v52+s24+$0x0] =	vst.idx.msk $0xffff, v33  }
0x7a: {  	v53 =	vadd.s32 v23, v35;
	v33 =	vld [tilespmem:s6+$0x60];
	_ =	sdelay $0x4  }
0x7b: {  	[tilespmem:v53+s24+$0x0] =	vst.idx.msk $0xffff, v33  }
0x7c: {  	s20 =	simm.s32 $0x6;
	v54 =	vadd.s32 v24, v35;
	v33 =	vld [tilespmem:s6+$0x70]  }
0x7d: {  	v55 =	vmov s20  }
0x7e: {  	v35 =	vshrl.u32 v55, $0x3  }
0x7f: {  	v35 =	vshll.u32 v35, v1  }
0x80: {  	v35 =	vbroadcast v35, $0x0  }
0x81: {  	[tilespmem:v54+s24+$0x0] =	vst.idx.msk $0xffff, v33  }
0x82: {  	v56 =	vadd.s32 v25, v35;
	v33 =	vld [tilespmem:s6+$0x80];
	_ =	sdelay $0x4  }
0x83: {  	[tilespmem:v56+s24+$0x0] =	vst.idx.msk $0xffff, v33  }
0x84: {  	v57 =	vadd.s32 v26, v35;
	v33 =	vld [tilespmem:s6+$0x90];
	_ =	sdelay $0x4  }
0x85: {  	[tilespmem:v57+s24+$0x0] =	vst.idx.msk $0xffff, v33  }
0x86: {  	v58 =	vadd.s32 v27, v35;
	v33 =	vld [tilespmem:s6+$0xA0];
	_ =	sdelay $0x4  }
0x87: {  	[tilespmem:v58+s24+$0x0] =	vst.idx.msk $0xffff, v33  }
0x88: {  	s22 =	simm.s32 $0x7;
	v59 =	vadd.s32 v28, v35;
	v33 =	vld [tilespmem:s6+$0xB0]  }
0x89: {  	v60 =	vmov s22  }
0x8a: {  	v35 =	vshrl.u32 v60, $0x3  }
0x8b: {  	v35 =	vshll.u32 v35, v1  }
0x8c: {  	v35 =	vbroadcast v35, $0x0  }
0x8d: {  	[tilespmem:v59+s24+$0x0] =	vst.idx.msk $0xffff, v33  }
0x8e: {  	v61 =	vadd.s32 v29, v35;
	v33 =	vld [tilespmem:s6+$0xC0];
	_ =	sdelay $0x4  }
0x8f: {  	[tilespmem:v61+s24+$0x0] =	vst.idx.msk $0xffff, v33  }
0x90: {  	v62 =	vadd.s32 v30, v35;
	v33 =	vld [tilespmem:s6+$0xD0];
	_ =	sdelay $0x4  }
0x91: {  	[tilespmem:v62+s24+$0x0] =	vst.idx.msk $0xffff, v33  }
0x92: {  	v63 =	vadd.s32 v31, v35;
	v33 =	vld [tilespmem:s6+$0xE0];
	_ =	sdelay $0x4  }
0x93: {  	[tilespmem:v63+s24+$0x0] =	vst.idx.msk $0xffff, v33  }
0x94: {  	s11 =	simm.s32 $0xF;
	s16 =	simm.s32 $0x8;
	s15 =	simm.s32 $0x17;
	v34 =	vadd.s32 v32, v35;
	v33 =	vld [tilespmem:s6+$0xF0]  }
.LBB2_3:
0x95: {  	p1 =	sne.s32 s15, $0x7F;
	v35 =	vmov s16  }
0x96: {  	v35 =	vshrl.u32 v35, $0x3  }
0x97: {  	v35 =	vshll.u32 v35, v1  }
0x98: {  	v35 =	vbroadcast v35, $0x0  }
0x99: {  	s6 =	sadd.s32 $0x200, s6;
	[tilespmem:v34+s24+$0x0] =	vst.idx.msk $0xffff, v33  }
0x9a: {  	v33 =	vld [tilespmem:s6+$0xFFFFFF00];
	v34 =	vadd.s32 v0, v35;
	_ =	sdelay $0x4  }
0x9b: {  	[tilespmem:v34+s24+$0x0] =	vst.idx.msk $0xffff, v33  }
0x9c: {  	v34 =	vadd.s32 v2, v35;
	v33 =	vld [tilespmem:s6+$0xFFFFFF10];
	_ =	sdelay $0x4  }
0x9d: {  	[tilespmem:v34+s24+$0x0] =	vst.idx.msk $0xffff, v33  }
0x9e: {  	v34 =	vadd.s32 v3, v35;
	v33 =	vld [tilespmem:s6+$0xFFFFFF20];
	_ =	sdelay $0x4  }
0x9f: {  	[tilespmem:v34+s24+$0x0] =	vst.idx.msk $0xffff, v33  }
0xa0: {  	s16 =	sadd.s32 $0xFFFFFFFA, s11;
	v34 =	vadd.s32 v4, v35;
	v33 =	vld [tilespmem:s6+$0xFFFFFF30]  }
0xa1: {  	v35 =	vmov s16  }
0xa2: {  	v35 =	vshrl.u32 v35, $0x3  }
0xa3: {  	v35 =	vshll.u32 v35, v1  }
0xa4: {  	v35 =	vbroadcast v35, $0x0  }
0xa5: {  	[tilespmem:v34+s24+$0x0] =	vst.idx.msk $0xffff, v33  }
0xa6: {  	v34 =	vadd.s32 v5, v35;
	v33 =	vld [tilespmem:s6+$0xFFFFFF40];
	_ =	sdelay $0x4  }
0xa7: {  	[tilespmem:v34+s24+$0x0] =	vst.idx.msk $0xffff, v33  }
0xa8: {  	v34 =	vadd.s32 v6, v35;
	v33 =	vld [tilespmem:s6+$0xFFFFFF50];
	_ =	sdelay $0x4  }
0xa9: {  	[tilespmem:v34+s24+$0x0] =	vst.idx.msk $0xffff, v33  }
0xaa: {  	v34 =	vadd.s32 v7, v35;
	v33 =	vld [tilespmem:s6+$0xFFFFFF60];
	_ =	sdelay $0x4  }
0xab: {  	[tilespmem:v34+s24+$0x0] =	vst.idx.msk $0xffff, v33  }
0xac: {  	s16 =	sadd.s32 $0xFFFFFFFB, s11;
	v34 =	vadd.s32 v8, v35;
	v33 =	vld [tilespmem:s6+$0xFFFFFF70]  }
0xad: {  	v35 =	vmov s16  }
0xae: {  	v35 =	vshrl.u32 v35, $0x3  }
0xaf: {  	v35 =	vshll.u32 v35, v1  }
0xb0: {  	v35 =	vbroadcast v35, $0x0  }
0xb1: {  	[tilespmem:v34+s24+$0x0] =	vst.idx.msk $0xffff, v33  }
0xb2: {  	v34 =	vadd.s32 v9, v35;
	v33 =	vld [tilespmem:s6+$0xFFFFFF80];
	_ =	sdelay $0x4  }
0xb3: {  	[tilespmem:v34+s24+$0x0] =	vst.idx.msk $0xffff, v33  }
0xb4: {  	v34 =	vadd.s32 v10, v35;
	v33 =	vld [tilespmem:s6+$0xFFFFFF90];
	_ =	sdelay $0x4  }
0xb5: {  	[tilespmem:v34+s24+$0x0] =	vst.idx.msk $0xffff, v33  }
0xb6: {  	v34 =	vadd.s32 v11, v35;
	v33 =	vld [tilespmem:s6+$0xFFFFFFA0];
	_ =	sdelay $0x4  }
0xb7: {  	[tilespmem:v34+s24+$0x0] =	vst.idx.msk $0xffff, v33  }
0xb8: {  	s16 =	sadd.s32 $0xFFFFFFFC, s11;
	v34 =	vadd.s32 v12, v35;
	v33 =	vld [tilespmem:s6+$0xFFFFFFB0]  }
0xb9: {  	v35 =	vmov s16  }
0xba: {  	v35 =	vshrl.u32 v35, $0x3  }
0xbb: {  	v35 =	vshll.u32 v35, v1  }
0xbc: {  	v35 =	vbroadcast v35, $0x0  }
0xbd: {  	[tilespmem:v34+s24+$0x0] =	vst.idx.msk $0xffff, v33  }
0xbe: {  	v34 =	vadd.s32 v13, v35;
	v33 =	vld [tilespmem:s6+$0xFFFFFFC0];
	_ =	sdelay $0x4  }
0xbf: {  	[tilespmem:v34+s24+$0x0] =	vst.idx.msk $0xffff, v33  }
0xc0: {  	v34 =	vadd.s32 v14, v35;
	v33 =	vld [tilespmem:s6+$0xFFFFFFD0];
	_ =	sdelay $0x4  }
0xc1: {  	[tilespmem:v34+s24+$0x0] =	vst.idx.msk $0xffff, v33  }
0xc2: {  	v34 =	vadd.s32 v15, v35;
	v33 =	vld [tilespmem:s6+$0xFFFFFFE0];
	_ =	sdelay $0x4  }
0xc3: {  	[tilespmem:v34+s24+$0x0] =	vst.idx.msk $0xffff, v33  }
0xc4: {  	s16 =	sadd.s32 $0xFFFFFFFD, s11;
	v34 =	vadd.s32 v16, v35;
	v33 =	vld [tilespmem:s6+$0xFFFFFFF0]  }
0xc5: {  	v35 =	vmov s16  }
0xc6: {  	v35 =	vshrl.u32 v35, $0x3  }
0xc7: {  	v35 =	vshll.u32 v35, v1  }
0xc8: {  	v35 =	vbroadcast v35, $0x0  }
0xc9: {  	[tilespmem:v34+s24+$0x0] =	vst.idx.msk $0xffff, v33  }
0xca: {  	v34 =	vadd.s32 v17, v35;
	v33 =	vld [tilespmem:s6+$0x0];
	_ =	sdelay $0x4  }
0xcb: {  	[tilespmem:v34+s24+$0x0] =	vst.idx.msk $0xffff, v33  }
0xcc: {  	v34 =	vadd.s32 v18, v35;
	v33 =	vld [tilespmem:s6+$0x10];
	_ =	sdelay $0x4  }
0xcd: {  	[tilespmem:v34+s24+$0x0] =	vst.idx.msk $0xffff, v33  }
0xce: {  	v34 =	vadd.s32 v19, v35;
	v33 =	vld [tilespmem:s6+$0x20];
	_ =	sdelay $0x4  }
0xcf: {  	[tilespmem:v34+s24+$0x0] =	vst.idx.msk $0xffff, v33  }
0xd0: {  	s16 =	sadd.s32 $0xFFFFFFFE, s11;
	v34 =	vadd.s32 v20, v35;
	v33 =	vld [tilespmem:s6+$0x30]  }
0xd1: {  	v35 =	vmov s16  }
0xd2: {  	v35 =	vshrl.u32 v35, $0x3  }
0xd3: {  	v35 =	vshll.u32 v35, v1  }
0xd4: {  	v35 =	vbroadcast v35, $0x0  }
0xd5: {  	[tilespmem:v34+s24+$0x0] =	vst.idx.msk $0xffff, v33  }
0xd6: {  	v34 =	vadd.s32 v21, v35;
	v33 =	vld [tilespmem:s6+$0x40];
	_ =	sdelay $0x4  }
0xd7: {  	[tilespmem:v34+s24+$0x0] =	vst.idx.msk $0xffff, v33  }
0xd8: {  	v34 =	vadd.s32 v22, v35;
	v33 =	vld [tilespmem:s6+$0x50];
	_ =	sdelay $0x4  }
0xd9: {  	[tilespmem:v34+s24+$0x0] =	vst.idx.msk $0xffff, v33  }
0xda: {  	v34 =	vadd.s32 v23, v35;
	v33 =	vld [tilespmem:s6+$0x60];
	_ =	sdelay $0x4  }
0xdb: {  	[tilespmem:v34+s24+$0x0] =	vst.idx.msk $0xffff, v33  }
0xdc: {  	s16 =	sadd.s32 $0xFFFFFFFF, s11;
	v34 =	vadd.s32 v24, v35;
	v33 =	vld [tilespmem:s6+$0x70]  }
0xdd: {  	v35 =	vmov s16  }
0xde: {  	v35 =	vshrl.u32 v35, $0x3  }
0xdf: {  	v35 =	vshll.u32 v35, v1  }
0xe0: {  	v35 =	vbroadcast v35, $0x0  }
0xe1: {  	[tilespmem:v34+s24+$0x0] =	vst.idx.msk $0xffff, v33  }
0xe2: {  	v34 =	vadd.s32 v25, v35;
	v33 =	vld [tilespmem:s6+$0x80];
	_ =	sdelay $0x4  }
0xe3: {  	[tilespmem:v34+s24+$0x0] =	vst.idx.msk $0xffff, v33  }
0xe4: {  	v34 =	vadd.s32 v26, v35;
	v33 =	vld [tilespmem:s6+$0x90];
	_ =	sdelay $0x4  }
0xe5: {  	[tilespmem:v34+s24+$0x0] =	vst.idx.msk $0xffff, v33  }
0xe6: {  	v34 =	vadd.s32 v27, v35;
	v33 =	vld [tilespmem:s6+$0xA0];
	_ =	sdelay $0x4  }
0xe7: {  	[tilespmem:v34+s24+$0x0] =	vst.idx.msk $0xffff, v33  }
0xe8: {  	v34 =	vadd.s32 v28, v35;
	v33 =	vld [tilespmem:s6+$0xB0]  }
0xe9: {  	v35 =	vmov s11;
	s11 =	smov.u32 s15  }
0xea: {  	v35 =	vshrl.u32 v35, $0x3  }
0xeb: {  	v35 =	vshll.u32 v35, v1  }
0xec: {  	v35 =	vbroadcast v35, $0x0  }
0xed: {  	[tilespmem:v34+s24+$0x0] =	vst.idx.msk $0xffff, v33  }
0xee: {  	v34 =	vadd.s32 v29, v35;
	v33 =	vld [tilespmem:s6+$0xC0];
	_ =	sdelay $0x4  }
0xef: {  	[tilespmem:v34+s24+$0x0] =	vst.idx.msk $0xffff, v33  }
0xf0: {  	v34 =	vadd.s32 v30, v35;
	v33 =	vld [tilespmem:s6+$0xD0];
	_ =	sdelay $0x4  }
0xf1: {  	[tilespmem:v34+s24+$0x0] =	vst.idx.msk $0xffff, v33  }
0xf2: {  	v34 =	vadd.s32 v31, v35;
	v33 =	vld [tilespmem:s6+$0xE0];
	_ =	sdelay $0x1  }
.Ltmp2:
0xf3: {  	(pc) =	sbr.rel @p1 .LBB2_3-.Ltmp2, $3  }
0xf4: {  	_ =	sdelay $0x1  }
0xf5: {  	[tilespmem:v34+s24+$0x0] =	vst.idx.msk $0xffff, v33  }
0xf6: {  	s15 =	sadd.s32 $0x8, s15;
	s16 =	sadd.s32 $0xFFFFFFF9, s11;
	v34 =	vadd.s32 v32, v35;
	v33 =	vld [tilespmem:s6+$0xF0]  }
0xf7: {  	v35 =	vmov s16  }
0xf8: {  	v35 =	vshrl.u32 v35, $0x3  }
0xf9: {  	v35 =	vshll.u32 v35, v1  }
0xfa: {  	v35 =	vbroadcast v35, $0x0  }
0xfb: {  	s6 =	sadd.s32 $0x200, s6;
	[tilespmem:v34+s24+$0x0] =	vst.idx.msk $0xffff, v33  }
0xfc: {  	v33 =	vld [tilespmem:s6+$0xFFFFFF00];
	v53 =	vadd.s32 v0, v35;
	_ =	sdelay $0x4  }
0xfd: {  	[tilespmem:v53+s24+$0x0] =	vst.idx.msk $0xffff, v33  }
0xfe: {  	v54 =	vadd.s32 v2, v35;
	v33 =	vld [tilespmem:s6+$0xFFFFFF10];
	_ =	sdelay $0x4  }
0xff: {  	[tilespmem:v54+s24+$0x0] =	vst.idx.msk $0xffff, v33  }
0x100: {  	v55 =	vadd.s32 v3, v35;
	v33 =	vld [tilespmem:s6+$0xFFFFFF20];
	_ =	sdelay $0x4  }
0x101: {  	[tilespmem:v55+s24+$0x0] =	vst.idx.msk $0xffff, v33  }
0x102: {  	s15 =	sadd.s32 $0xFFFFFFFA, s11;
	v56 =	vadd.s32 v4, v35;
	v33 =	vld [tilespmem:s6+$0xFFFFFF30]  }
0x103: {  	v57 =	vmov s15  }
0x104: {  	v35 =	vshrl.u32 v57, $0x3  }
0x105: {  	v35 =	vshll.u32 v35, v1  }
0x106: {  	v35 =	vbroadcast v35, $0x0  }
0x107: {  	[tilespmem:v56+s24+$0x0] =	vst.idx.msk $0xffff, v33  }
0x108: {  	v58 =	vadd.s32 v5, v35;
	v33 =	vld [tilespmem:s6+$0xFFFFFF40];
	_ =	sdelay $0x4  }
0x109: {  	[tilespmem:v58+s24+$0x0] =	vst.idx.msk $0xffff, v33  }
0x10a: {  	v59 =	vadd.s32 v6, v35;
	v33 =	vld [tilespmem:s6+$0xFFFFFF50];
	_ =	sdelay $0x4  }
0x10b: {  	[tilespmem:v59+s24+$0x0] =	vst.idx.msk $0xffff, v33  }
0x10c: {  	v60 =	vadd.s32 v7, v35;
	v33 =	vld [tilespmem:s6+$0xFFFFFF60];
	_ =	sdelay $0x4  }
0x10d: {  	[tilespmem:v60+s24+$0x0] =	vst.idx.msk $0xffff, v33  }
0x10e: {  	s18 =	sadd.s32 $0xFFFFFFFB, s11;
	v61 =	vadd.s32 v8, v35;
	v33 =	vld [tilespmem:s6+$0xFFFFFF70]  }
0x10f: {  	v62 =	vmov s18  }
0x110: {  	v35 =	vshrl.u32 v62, $0x3  }
0x111: {  	v35 =	vshll.u32 v35, v1  }
0x112: {  	v35 =	vbroadcast v35, $0x0  }
0x113: {  	[tilespmem:v61+s24+$0x0] =	vst.idx.msk $0xffff, v33  }
0x114: {  	v63 =	vadd.s32 v9, v35;
	v33 =	vld [tilespmem:s6+$0xFFFFFF80];
	_ =	sdelay $0x4  }
0x115: {  	[tilespmem:v63+s24+$0x0] =	vst.idx.msk $0xffff, v33  }
0x116: {  	v36 =	vadd.s32 v10, v35;
	v33 =	vld [tilespmem:s6+$0xFFFFFF90];
	_ =	sdelay $0x4  }
0x117: {  	[tilespmem:v36+s24+$0x0] =	vst.idx.msk $0xffff, v33  }
0x118: {  	v37 =	vadd.s32 v11, v35;
	v33 =	vld [tilespmem:s6+$0xFFFFFFA0];
	_ =	sdelay $0x4  }
0x119: {  	[tilespmem:v37+s24+$0x0] =	vst.idx.msk $0xffff, v33  }
0x11a: {  	s20 =	sadd.s32 $0xFFFFFFFC, s11;
	v38 =	vadd.s32 v12, v35;
	v33 =	vld [tilespmem:s6+$0xFFFFFFB0]  }
0x11b: {  	v39 =	vmov s20  }
0x11c: {  	v35 =	vshrl.u32 v39, $0x3  }
0x11d: {  	v35 =	vshll.u32 v35, v1  }
0x11e: {  	v35 =	vbroadcast v35, $0x0  }
0x11f: {  	[tilespmem:v38+s24+$0x0] =	vst.idx.msk $0xffff, v33  }
0x120: {  	v40 =	vadd.s32 v13, v35;
	v33 =	vld [tilespmem:s6+$0xFFFFFFC0];
	_ =	sdelay $0x4  }
0x121: {  	[tilespmem:v40+s24+$0x0] =	vst.idx.msk $0xffff, v33  }
0x122: {  	v41 =	vadd.s32 v14, v35;
	v33 =	vld [tilespmem:s6+$0xFFFFFFD0];
	_ =	sdelay $0x4  }
0x123: {  	[tilespmem:v41+s24+$0x0] =	vst.idx.msk $0xffff, v33  }
0x124: {  	v42 =	vadd.s32 v15, v35;
	v33 =	vld [tilespmem:s6+$0xFFFFFFE0];
	_ =	sdelay $0x4  }
0x125: {  	[tilespmem:v42+s24+$0x0] =	vst.idx.msk $0xffff, v33  }
0x126: {  	s22 =	sadd.s32 $0xFFFFFFFD, s11;
	v43 =	vadd.s32 v16, v35;
	v33 =	vld [tilespmem:s6+$0xFFFFFFF0]  }
0x127: {  	v44 =	vmov s22  }
0x128: {  	v35 =	vshrl.u32 v44, $0x3  }
0x129: {  	v35 =	vshll.u32 v35, v1  }
0x12a: {  	v35 =	vbroadcast v35, $0x0  }
0x12b: {  	[tilespmem:v43+s24+$0x0] =	vst.idx.msk $0xffff, v33  }
0x12c: {  	v45 =	vadd.s32 v17, v35;
	v33 =	vld [tilespmem:s6+$0x0];
	_ =	sdelay $0x4  }
0x12d: {  	[tilespmem:v45+s24+$0x0] =	vst.idx.msk $0xffff, v33  }
0x12e: {  	v46 =	vadd.s32 v18, v35;
	v33 =	vld [tilespmem:s6+$0x10];
	_ =	sdelay $0x4  }
0x12f: {  	[tilespmem:v46+s24+$0x0] =	vst.idx.msk $0xffff, v33  }
0x130: {  	v47 =	vadd.s32 v19, v35;
	v33 =	vld [tilespmem:s6+$0x20];
	_ =	sdelay $0x4  }
0x131: {  	[tilespmem:v47+s24+$0x0] =	vst.idx.msk $0xffff, v33  }
0x132: {  	s16 =	sadd.s32 $0xFFFFFFFE, s11;
	v48 =	vadd.s32 v20, v35;
	v33 =	vld [tilespmem:s6+$0x30]  }
0x133: {  	v49 =	vmov s16  }
0x134: {  	v35 =	vshrl.u32 v49, $0x3  }
0x135: {  	v35 =	vshll.u32 v35, v1  }
0x136: {  	v35 =	vbroadcast v35, $0x0  }
0x137: {  	[tilespmem:v48+s24+$0x0] =	vst.idx.msk $0xffff, v33  }
0x138: {  	v50 =	vadd.s32 v21, v35;
	v33 =	vld [tilespmem:s6+$0x40];
	_ =	sdelay $0x4  }
0x139: {  	[tilespmem:v50+s24+$0x0] =	vst.idx.msk $0xffff, v33  }
0x13a: {  	v51 =	vadd.s32 v22, v35;
	v33 =	vld [tilespmem:s6+$0x50];
	_ =	sdelay $0x4  }
0x13b: {  	[tilespmem:v51+s24+$0x0] =	vst.idx.msk $0xffff, v33  }
0x13c: {  	v52 =	vadd.s32 v23, v35;
	v33 =	vld [tilespmem:s6+$0x60];
	_ =	sdelay $0x4  }
0x13d: {  	[tilespmem:v52+s24+$0x0] =	vst.idx.msk $0xffff, v33  }
0x13e: {  	s18 =	sadd.s32 $0xFFFFFFFF, s11;
	v53 =	vadd.s32 v24, v35;
	v33 =	vld [tilespmem:s6+$0x70]  }
0x13f: {  	v54 =	vmov s18  }
0x140: {  	v35 =	vshrl.u32 v54, $0x3  }
0x141: {  	v35 =	vshll.u32 v35, v1  }
0x142: {  	v35 =	vbroadcast v35, $0x0  }
0x143: {  	[tilespmem:v53+s24+$0x0] =	vst.idx.msk $0xffff, v33  }
0x144: {  	v55 =	vadd.s32 v25, v35;
	v33 =	vld [tilespmem:s6+$0x80];
	_ =	sdelay $0x4  }
0x145: {  	[tilespmem:v55+s24+$0x0] =	vst.idx.msk $0xffff, v33  }
0x146: {  	v56 =	vadd.s32 v26, v35;
	v33 =	vld [tilespmem:s6+$0x90];
	_ =	sdelay $0x4  }
0x147: {  	[tilespmem:v56+s24+$0x0] =	vst.idx.msk $0xffff, v33  }
0x148: {  	v57 =	vadd.s32 v27, v35;
	v33 =	vld [tilespmem:s6+$0xA0];
	_ =	sdelay $0x4  }
0x149: {  	[tilespmem:v57+s24+$0x0] =	vst.idx.msk $0xffff, v33  }
0x14a: {  	v58 =	vadd.s32 v28, v35;
	v33 =	vld [tilespmem:s6+$0xB0]  }
0x14b: {  	v59 =	vmov s11  }
0x14c: {  	v35 =	vshrl.u32 v59, $0x3  }
0x14d: {  	v35 =	vshll.u32 v35, v1  }
0x14e: {  	v35 =	vbroadcast v35, $0x0  }
0x14f: {  	[tilespmem:v58+s24+$0x0] =	vst.idx.msk $0xffff, v33  }
0x150: {  	v60 =	vadd.s32 v29, v35;
	v33 =	vld [tilespmem:s6+$0xC0];
	_ =	sdelay $0x4  }
0x151: {  	[tilespmem:v60+s24+$0x0] =	vst.idx.msk $0xffff, v33  }
0x152: {  	v61 =	vadd.s32 v30, v35;
	v33 =	vld [tilespmem:s6+$0xD0];
	_ =	sdelay $0x4  }
0x153: {  	[tilespmem:v61+s24+$0x0] =	vst.idx.msk $0xffff, v33  }
0x154: {  	v62 =	vadd.s32 v31, v35;
	v33 =	vld [tilespmem:s6+$0xE0];
	_ =	sdelay $0x4  }
0x155: {  	[tilespmem:v62+s24+$0x0] =	vst.idx.msk $0xffff, v33  }
0x156: {  	v63 =	vadd.s32 v32, v35;
	v33 =	vld [tilespmem:s6+$0xF0]  }
0x157: {  	s6 =	smul.u32 $0x140000, s14;
	_ =	sdelay $0x1  }
0x158: {  	s20 =	sor.u32 s5, s6  }
0x159: {  	s11 =	sshrl.u32 s20, $0x3  }
0x15a: {  	s22 =	simm.s32 $0x10400;
	s15 =	sadd.s32 s2, s11;
	[tilespmem:v63+s24+$0x0] =	vst.idx.msk $0xffff, v33  }
0x15b: {  	[hbm4b:s15+s3] =	stream.linear.scatter [tilespmem:s22], [sflag:$0x6], $0x80, $0x38;
	[tilespmem:$0x1AE00] =	vst v63  }
0x15c: {  	s16 =	simm.s32 $0x10488;
	s18 =	sadd.s32 $0x10, s15  }
0x15d: {  	[hbm4b:s18+s3] =	stream.linear.scatter [tilespmem:s16], [sflag:$0x6], $0x80, $0x38;
	[tilespmem:$0x1AE00] =	vst v63  }
0x15e: {  	s20 =	simm.s32 $0x10510;
	s22 =	sadd.s32 $0x20, s15  }
0x15f: {  	[hbm4b:s22+s3] =	stream.linear.scatter [tilespmem:s20], [sflag:$0x6], $0x80, $0x38;
	[tilespmem:$0x1AE00] =	vst v63  }
0x160: {  	s16 =	simm.s32 $0x10598;
	s18 =	sadd.s32 $0x30, s15  }
0x161: {  	[hbm4b:s18+s3] =	stream.linear.scatter [tilespmem:s16], [sflag:$0x6], $0x80, $0x38;
	[tilespmem:$0x1AE00] =	vst v63  }
0x162: {  	s20 =	simm.s32 $0x10620;
	s22 =	sadd.s32 $0x40, s15  }
0x163: {  	[hbm4b:s22+s3] =	stream.linear.scatter [tilespmem:s20], [sflag:$0x6], $0x80, $0x38;
	[tilespmem:$0x1AE00] =	vst v63  }
0x164: {  	s11 =	simm.s32 $0x440;
	s16 =	simm.s32 $0x106A8;
	s18 =	sadd.s32 $0x50, s15  }
0x165: {  	[hbm4b:s18+s3] =	stream.linear.scatter [tilespmem:s16], [sflag:$0x6], $0x80, $0x38;
	[tilespmem:$0x1AE00] =	vst v63  }
0x166: {  	s20 =	simm.s32 $0x10730;
	s22 =	sadd.s32 $0x60, s15;
	s16 =	simm.s32 $0x2200  }
0x167: {  	[hbm4b:s22+s3] =	stream.linear.scatter [tilespmem:s20], [sflag:$0x6], $0x80, $0x38;
	[tilespmem:$0x1AE00] =	vst v63  }
0x168: {  	s18 =	simm.s32 $0x107B8;
	s20 =	sadd.s32 $0x70, s15;
	s15 =	sadd.s32 $0x1000, s15  }
.LBB2_5:
0x169: {  	[hbm4b:s20+s3] =	stream.linear.scatter [tilespmem:s18], [sflag:$0x6], $0x80, $0x38;
	[tilespmem:$0x1AE00] =	vst v63  }
0x16a: {  	s18 =	smov.u32 s11;
	s11 =	smov.u32 s16  }
0x16b: {  	s22 =	sadd.s32 $0x1100, s16;
	s11 =	sshra.s32 s11, $0x2;
	s20 =	sadd.s32 $0x10400, s18  }
0x16c: {  	[hbm4b:s15+s3] =	stream.linear.scatter [tilespmem:s20], [sflag:$0x6], $0x80, $0x38;
	[tilespmem:$0x1AE00] =	vst v63  }
0x16d: {  	p1 =	sne.s32 s16, $0x7700;
	s16 =	sadd.s32 $0x10488, s18;
	s20 =	sadd.s32 $0x10, s15  }
0x16e: {  	[hbm4b:s20+s3] =	stream.linear.scatter [tilespmem:s16], [sflag:$0x6], $0x80, $0x38;
	[tilespmem:$0x1AE00] =	vst v63  }
0x16f: {  	s16 =	sadd.s32 $0x10510, s18;
	s20 =	sadd.s32 $0x20, s15  }
0x170: {  	[hbm4b:s20+s3] =	stream.linear.scatter [tilespmem:s16], [sflag:$0x6], $0x80, $0x38;
	[tilespmem:$0x1AE00] =	vst v63  }
0x171: {  	s16 =	sadd.s32 $0x10598, s18;
	s20 =	sadd.s32 $0x30, s15  }
0x172: {  	[hbm4b:s20+s3] =	stream.linear.scatter [tilespmem:s16], [sflag:$0x6], $0x80, $0x38;
	[tilespmem:$0x1AE00] =	vst v63  }
0x173: {  	s16 =	sadd.s32 $0x10620, s18;
	s20 =	sadd.s32 $0x40, s15  }
0x174: {  	[hbm4b:s20+s3] =	stream.linear.scatter [tilespmem:s16], [sflag:$0x6], $0x80, $0x38;
	[tilespmem:$0x1AE00] =	vst v63  }
.Ltmp3:
0x175: {  	s16 =	sadd.s32 $0x106A8, s18;
	s20 =	sadd.s32 $0x50, s15;
	(pc) =	sbr.rel @p1 .LBB2_5-.Ltmp3, $4  }
0x176: {  	[hbm4b:s20+s3] =	stream.linear.scatter [tilespmem:s16], [sflag:$0x6], $0x80, $0x38;
	[tilespmem:$0x1AE00] =	vst v63  }
0x177: {  	s16 =	sadd.s32 $0x10730, s18;
	s20 =	sadd.s32 $0x60, s15;
	s18 =	sadd.s32 $0x107B8, s18  }
0x178: {  	[hbm4b:s20+s3] =	stream.linear.scatter [tilespmem:s16], [sflag:$0x6], $0x80, $0x38;
	[tilespmem:$0x1AE00] =	vst v63  }
0x179: {  	s20 =	sadd.s32 $0x70, s15;
	s15 =	sadd.s32 $0x1000, s15;
	s16 =	smov.u32 s22  }
0x17a: {  	[hbm4b:s20+s3] =	stream.linear.scatter [tilespmem:s18], [sflag:$0x6], $0x80, $0x38;
	[tilespmem:$0x1AE00] =	vst v63  }
0x17b: {  	s16 =	sadd.s32 $0x10400, s11  }
0x17c: {  	[hbm4b:s15+s3] =	stream.linear.scatter [tilespmem:s16], [sflag:$0x6], $0x80, $0x38;
	[tilespmem:$0x1AE00] =	vst v63  }
0x17d: {  	s20 =	sadd.s32 $0x10488, s11;
	s22 =	sadd.s32 $0x10, s15  }
0x17e: {  	[hbm4b:s22+s3] =	stream.linear.scatter [tilespmem:s20], [sflag:$0x6], $0x80, $0x38;
	[tilespmem:$0x1AE00] =	vst v63  }
0x17f: {  	s20 =	sadd.s32 $0x10510, s11;
	s22 =	sadd.s32 $0x20, s15  }
0x180: {  	[hbm4b:s22+s3] =	stream.linear.scatter [tilespmem:s20], [sflag:$0x6], $0x80, $0x38;
	[tilespmem:$0x1AE00] =	vst v63  }
0x181: {  	s20 =	sadd.s32 $0x10598, s11;
	s22 =	sadd.s32 $0x30, s15  }
0x182: {  	[hbm4b:s22+s3] =	stream.linear.scatter [tilespmem:s20], [sflag:$0x6], $0x80, $0x38;
	[tilespmem:$0x1AE00] =	vst v63  }
0x183: {  	s20 =	sadd.s32 $0x10620, s11;
	s22 =	sadd.s32 $0x40, s15  }
0x184: {  	[hbm4b:s22+s3] =	stream.linear.scatter [tilespmem:s20], [sflag:$0x6], $0x80, $0x38;
	[tilespmem:$0x1AE00] =	vst v63  }
0x185: {  	p1 =	sne.s32 s14, $0x27;
	s20 =	sadd.s32 $0x106A8, s11;
	s22 =	sadd.s32 $0x50, s15  }
0x186: {  	[hbm4b:s22+s3] =	stream.linear.scatter [tilespmem:s20], [sflag:$0x6], $0x80, $0x38;
	[tilespmem:$0x1AE00] =	vst v63  }
.Ltmp4:
0x187: {  	_ = 	snop;
	(pc) =	sbr.rel @p1 .LBB2_8-.Ltmp4, $4  }
0x188: {  	s20 =	sadd.s32 $0x10730, s11;
	s22 =	sadd.s32 $0x60, s15  }
0x189: {  	[hbm4b:s22+s3] =	stream.linear.scatter [tilespmem:s20], [sflag:$0x6], $0x80, $0x38;
	[tilespmem:$0x1AE00] =	vst v63  }
0x18a: {  	s20 =	sadd.s32 $0x107B8, s11;
	s22 =	sadd.s32 $0x70, s15  }
0x18b: {  	[hbm4b:s22+s3] =	stream.linear.scatter [tilespmem:s20], [sflag:$0x6], $0x80, $0x38;
	[tilespmem:$0x1AE00] =	vst v63  }
.Ltmp5:
0x18c: {  	(pc) =	sbr.rel .LBB2_9-.Ltmp5, $4  }
0x18d: {  	_ = 	snop  }
0x18e: {  	_ =	swait.ge [sflag:s25], $0x2000  }
0x18f: {  	[sflag:s25] =	ssyncset.done $0x0  }
0x190: {  	[sflag:s25] =	ssyncadd.s32 $0xFFFFE000  }
.LBB2_8:
0x191: {  	s11 =	smul.u32 $0xA00, s14;
	_ =	sdelay $0x1  }
0x192: {  	s11 =	sshra.s32 s11, $0x2  }
.Ltmp6:
0x193: {  	s15 =	simm.s32 $0x6400;
	s11 =	sadd.s32 $0x280, s11;
	(pc) =	sbr.rel @p0 .LBB2_10-.Ltmp6, $4  }
0x194: {  	[tilespmem:s15], [sflag:$0x1] =	stream.indirect.gather [hbm4b:s4+s12], $0x40, s11, s12, $0xb8;
	[tilespmem:$0x1AE00] =	vst v63  }
0x195: {  	_ =	swait.ge [sflag:s25], $0x2000  }
0x196: {  	[sflag:s25] =	ssyncset.done $0x0  }
0x197: {  	[sflag:s25] =	ssyncadd.s32 $0xFFFFE000  }
.LBB2_9:
0x198: {  	_ =	swait.ge [sflag:s26], $0x2000  }
0x199: {  	[sflag:s26] =	ssyncset.done $0x0  }
0x19a: {  	[sflag:s26] =	ssyncadd.s32 $0xFFFFE000  }
.LBB2_10:
0x19b: {  	s11 =	simm.s32 $0x0  }
0x19c: {  	v33 =	vmov s11  }
0x19d: {  	v33 =	vshrl.u32 v33, $0x3  }
0x19e: {  	v33 =	vshll.u32 v33, v1  }
0x19f: {  	v33 =	vbroadcast v33, $0x0  }
0x1a0: {  	s11 =	simm.s32 $0x8500  }
0x1a1: {  	v34 =	vld [tilespmem:s11+$0xFFFFFF00];
	v35 =	vadd.s32 v0, v33;
	_ =	sdelay $0x4  }
0x1a2: {  	[tilespmem:v35+s28+$0x0] =	vst.idx.msk $0xffff, v34  }
0x1a3: {  	v56 =	vadd.s32 v2, v33;
	v34 =	vld [tilespmem:s11+$0xFFFFFF10];
	_ =	sdelay $0x4  }
0x1a4: {  	[tilespmem:v56+s28+$0x0] =	vst.idx.msk $0xffff, v34  }
0x1a5: {  	v57 =	vadd.s32 v3, v33;
	v34 =	vld [tilespmem:s11+$0xFFFFFF20];
	_ =	sdelay $0x4  }
0x1a6: {  	[tilespmem:v57+s28+$0x0] =	vst.idx.msk $0xffff, v34  }
0x1a7: {  	s15 =	simm.s32 $0x1;
	v33 =	vadd.s32 v4, v33;
	v34 =	vld [tilespmem:s11+$0xFFFFFF30]  }
0x1a8: {  	v58 =	vmov s15  }
0x1a9: {  	v35 =	vshrl.u32 v58, $0x3  }
0x1aa: {  	v35 =	vshll.u32 v35, v1  }
0x1ab: {  	v35 =	vbroadcast v35, $0x0  }
0x1ac: {  	[tilespmem:v33+s28+$0x0] =	vst.idx.msk $0xffff, v34  }
0x1ad: {  	v59 =	vadd.s32 v5, v35;
	v33 =	vld [tilespmem:s11+$0xFFFFFF40];
	_ =	sdelay $0x4  }
0x1ae: {  	[tilespmem:v59+s28+$0x0] =	vst.idx.msk $0xffff, v33  }
0x1af: {  	v60 =	vadd.s32 v6, v35;
	v33 =	vld [tilespmem:s11+$0xFFFFFF50];
	_ =	sdelay $0x4  }
0x1b0: {  	[tilespmem:v60+s28+$0x0] =	vst.idx.msk $0xffff, v33  }
0x1b1: {  	v61 =	vadd.s32 v7, v35;
	v33 =	vld [tilespmem:s11+$0xFFFFFF60];
	_ =	sdelay $0x4  }
0x1b2: {  	[tilespmem:v61+s28+$0x0] =	vst.idx.msk $0xffff, v33  }
0x1b3: {  	s20 =	simm.s32 $0x2;
	v62 =	vadd.s32 v8, v35;
	v33 =	vld [tilespmem:s11+$0xFFFFFF70]  }
0x1b4: {  	v63 =	vmov s20  }
0x1b5: {  	v35 =	vshrl.u32 v63, $0x3  }
0x1b6: {  	v35 =	vshll.u32 v35, v1  }
0x1b7: {  	v35 =	vbroadcast v35, $0x0  }
0x1b8: {  	[tilespmem:v62+s28+$0x0] =	vst.idx.msk $0xffff, v33  }
0x1b9: {  	v36 =	vadd.s32 v9, v35;
	v33 =	vld [tilespmem:s11+$0xFFFFFF80];
	_ =	sdelay $0x4  }
0x1ba: {  	[tilespmem:v36+s28+$0x0] =	vst.idx.msk $0xffff, v33  }
0x1bb: {  	v37 =	vadd.s32 v10, v35;
	v33 =	vld [tilespmem:s11+$0xFFFFFF90];
	_ =	sdelay $0x4  }
0x1bc: {  	[tilespmem:v37+s28+$0x0] =	vst.idx.msk $0xffff, v33  }
0x1bd: {  	v38 =	vadd.s32 v11, v35;
	v33 =	vld [tilespmem:s11+$0xFFFFFFA0];
	_ =	sdelay $0x4  }
0x1be: {  	[tilespmem:v38+s28+$0x0] =	vst.idx.msk $0xffff, v33  }
0x1bf: {  	s22 =	simm.s32 $0x3;
	v39 =	vadd.s32 v12, v35;
	v33 =	vld [tilespmem:s11+$0xFFFFFFB0]  }
0x1c0: {  	v40 =	vmov s22  }
0x1c1: {  	v35 =	vshrl.u32 v40, $0x3  }
0x1c2: {  	v35 =	vshll.u32 v35, v1  }
0x1c3: {  	v35 =	vbroadcast v35, $0x0  }
0x1c4: {  	[tilespmem:v39+s28+$0x0] =	vst.idx.msk $0xffff, v33  }
0x1c5: {  	v41 =	vadd.s32 v13, v35;
	v33 =	vld [tilespmem:s11+$0xFFFFFFC0];
	_ =	sdelay $0x4  }
0x1c6: {  	[tilespmem:v41+s28+$0x0] =	vst.idx.msk $0xffff, v33  }
0x1c7: {  	v42 =	vadd.s32 v14, v35;
	v33 =	vld [tilespmem:s11+$0xFFFFFFD0];
	_ =	sdelay $0x4  }
0x1c8: {  	[tilespmem:v42+s28+$0x0] =	vst.idx.msk $0xffff, v33  }
0x1c9: {  	v43 =	vadd.s32 v15, v35;
	v33 =	vld [tilespmem:s11+$0xFFFFFFE0];
	_ =	sdelay $0x4  }
0x1ca: {  	[tilespmem:v43+s28+$0x0] =	vst.idx.msk $0xffff, v33  }
0x1cb: {  	s16 =	simm.s32 $0x4;
	v44 =	vadd.s32 v16, v35;
	v33 =	vld [tilespmem:s11+$0xFFFFFFF0]  }
0x1cc: {  	v45 =	vmov s16  }
0x1cd: {  	v35 =	vshrl.u32 v45, $0x3  }
0x1ce: {  	v35 =	vshll.u32 v35, v1  }
0x1cf: {  	v35 =	vbroadcast v35, $0x0  }
0x1d0: {  	[tilespmem:v44+s28+$0x0] =	vst.idx.msk $0xffff, v33  }
0x1d1: {  	v46 =	vadd.s32 v17, v35;
	v33 =	vld [tilespmem:s11+$0x0];
	_ =	sdelay $0x4  }
0x1d2: {  	[tilespmem:v46+s28+$0x0] =	vst.idx.msk $0xffff, v33  }
0x1d3: {  	v47 =	vadd.s32 v18, v35;
	v33 =	vld [tilespmem:s11+$0x10];
	_ =	sdelay $0x4  }
0x1d4: {  	[tilespmem:v47+s28+$0x0] =	vst.idx.msk $0xffff, v33  }
0x1d5: {  	v48 =	vadd.s32 v19, v35;
	v33 =	vld [tilespmem:s11+$0x20];
	_ =	sdelay $0x4  }
0x1d6: {  	[tilespmem:v48+s28+$0x0] =	vst.idx.msk $0xffff, v33  }
0x1d7: {  	s18 =	simm.s32 $0x5;
	v49 =	vadd.s32 v20, v35;
	v33 =	vld [tilespmem:s11+$0x30]  }
0x1d8: {  	v50 =	vmov s18  }
0x1d9: {  	v35 =	vshrl.u32 v50, $0x3  }
0x1da: {  	v35 =	vshll.u32 v35, v1  }
0x1db: {  	v35 =	vbroadcast v35, $0x0  }
0x1dc: {  	[tilespmem:v49+s28+$0x0] =	vst.idx.msk $0xffff, v33  }
0x1dd: {  	v51 =	vadd.s32 v21, v35;
	v33 =	vld [tilespmem:s11+$0x40];
	_ =	sdelay $0x4  }
0x1de: {  	[tilespmem:v51+s28+$0x0] =	vst.idx.msk $0xffff, v33  }
0x1df: {  	v52 =	vadd.s32 v22, v35;
	v33 =	vld [tilespmem:s11+$0x50];
	_ =	sdelay $0x4  }
0x1e0: {  	[tilespmem:v52+s28+$0x0] =	vst.idx.msk $0xffff, v33  }
0x1e1: {  	v53 =	vadd.s32 v23, v35;
	v33 =	vld [tilespmem:s11+$0x60];
	_ =	sdelay $0x4  }
0x1e2: {  	[tilespmem:v53+s28+$0x0] =	vst.idx.msk $0xffff, v33  }
0x1e3: {  	s20 =	simm.s32 $0x6;
	v54 =	vadd.s32 v24, v35;
	v33 =	vld [tilespmem:s11+$0x70]  }
0x1e4: {  	v55 =	vmov s20  }
0x1e5: {  	v35 =	vshrl.u32 v55, $0x3  }
0x1e6: {  	v35 =	vshll.u32 v35, v1  }
0x1e7: {  	v35 =	vbroadcast v35, $0x0  }
0x1e8: {  	[tilespmem:v54+s28+$0x0] =	vst.idx.msk $0xffff, v33  }
0x1e9: {  	v56 =	vadd.s32 v25, v35;
	v33 =	vld [tilespmem:s11+$0x80];
	_ =	sdelay $0x4  }
0x1ea: {  	[tilespmem:v56+s28+$0x0] =	vst.idx.msk $0xffff, v33  }
0x1eb: {  	v57 =	vadd.s32 v26, v35;
	v33 =	vld [tilespmem:s11+$0x90];
	_ =	sdelay $0x4  }
0x1ec: {  	[tilespmem:v57+s28+$0x0] =	vst.idx.msk $0xffff, v33  }
0x1ed: {  	v58 =	vadd.s32 v27, v35;
	v33 =	vld [tilespmem:s11+$0xA0];
	_ =	sdelay $0x4  }
0x1ee: {  	[tilespmem:v58+s28+$0x0] =	vst.idx.msk $0xffff, v33  }
0x1ef: {  	s22 =	simm.s32 $0x7;
	v59 =	vadd.s32 v28, v35;
	v33 =	vld [tilespmem:s11+$0xB0]  }
0x1f0: {  	v60 =	vmov s22  }
0x1f1: {  	v35 =	vshrl.u32 v60, $0x3  }
0x1f2: {  	v35 =	vshll.u32 v35, v1  }
0x1f3: {  	v35 =	vbroadcast v35, $0x0  }
0x1f4: {  	[tilespmem:v59+s28+$0x0] =	vst.idx.msk $0xffff, v33  }
0x1f5: {  	v61 =	vadd.s32 v29, v35;
	v33 =	vld [tilespmem:s11+$0xC0];
	_ =	sdelay $0x4  }
0x1f6: {  	[tilespmem:v61+s28+$0x0] =	vst.idx.msk $0xffff, v33  }
0x1f7: {  	v62 =	vadd.s32 v30, v35;
	v33 =	vld [tilespmem:s11+$0xD0];
	_ =	sdelay $0x4  }
0x1f8: {  	[tilespmem:v62+s28+$0x0] =	vst.idx.msk $0xffff, v33  }
0x1f9: {  	v63 =	vadd.s32 v31, v35;
	v33 =	vld [tilespmem:s11+$0xE0];
	_ =	sdelay $0x4  }
0x1fa: {  	[tilespmem:v63+s28+$0x0] =	vst.idx.msk $0xffff, v33  }
0x1fb: {  	s15 =	simm.s32 $0xF;
	s18 =	simm.s32 $0x8;
	s16 =	simm.s32 $0x17;
	v34 =	vadd.s32 v32, v35;
	v33 =	vld [tilespmem:s11+$0xF0]  }
.LBB2_11:
0x1fc: {  	p2 =	sne.s32 s16, $0x7F;
	v35 =	vmov s18  }
0x1fd: {  	v35 =	vshrl.u32 v35, $0x3  }
0x1fe: {  	v35 =	vshll.u32 v35, v1  }
0x1ff: {  	v35 =	vbroadcast v35, $0x0  }
0x200: {  	s11 =	sadd.s32 $0x200, s11;
	[tilespmem:v34+s28+$0x0] =	vst.idx.msk $0xffff, v33  }
0x201: {  	v33 =	vld [tilespmem:s11+$0xFFFFFF00];
	v34 =	vadd.s32 v0, v35;
	_ =	sdelay $0x4  }
0x202: {  	[tilespmem:v34+s28+$0x0] =	vst.idx.msk $0xffff, v33  }
0x203: {  	v34 =	vadd.s32 v2, v35;
	v33 =	vld [tilespmem:s11+$0xFFFFFF10];
	_ =	sdelay $0x4  }
0x204: {  	[tilespmem:v34+s28+$0x0] =	vst.idx.msk $0xffff, v33  }
0x205: {  	v34 =	vadd.s32 v3, v35;
	v33 =	vld [tilespmem:s11+$0xFFFFFF20];
	_ =	sdelay $0x4  }
0x206: {  	[tilespmem:v34+s28+$0x0] =	vst.idx.msk $0xffff, v33  }
0x207: {  	s18 =	sadd.s32 $0xFFFFFFFA, s15;
	v34 =	vadd.s32 v4, v35;
	v33 =	vld [tilespmem:s11+$0xFFFFFF30]  }
0x208: {  	v35 =	vmov s18  }
0x209: {  	v35 =	vshrl.u32 v35, $0x3  }
0x20a: {  	v35 =	vshll.u32 v35, v1  }
0x20b: {  	v35 =	vbroadcast v35, $0x0  }
0x20c: {  	[tilespmem:v34+s28+$0x0] =	vst.idx.msk $0xffff, v33  }
0x20d: {  	v34 =	vadd.s32 v5, v35;
	v33 =	vld [tilespmem:s11+$0xFFFFFF40];
	_ =	sdelay $0x4  }
0x20e: {  	[tilespmem:v34+s28+$0x0] =	vst.idx.msk $0xffff, v33  }
0x20f: {  	v34 =	vadd.s32 v6, v35;
	v33 =	vld [tilespmem:s11+$0xFFFFFF50];
	_ =	sdelay $0x4  }
0x210: {  	[tilespmem:v34+s28+$0x0] =	vst.idx.msk $0xffff, v33  }
0x211: {  	v34 =	vadd.s32 v7, v35;
	v33 =	vld [tilespmem:s11+$0xFFFFFF60];
	_ =	sdelay $0x4  }
0x212: {  	[tilespmem:v34+s28+$0x0] =	vst.idx.msk $0xffff, v33  }
0x213: {  	s18 =	sadd.s32 $0xFFFFFFFB, s15;
	v34 =	vadd.s32 v8, v35;
	v33 =	vld [tilespmem:s11+$0xFFFFFF70]  }
0x214: {  	v35 =	vmov s18  }
0x215: {  	v35 =	vshrl.u32 v35, $0x3  }
0x216: {  	v35 =	vshll.u32 v35, v1  }
0x217: {  	v35 =	vbroadcast v35, $0x0  }
0x218: {  	[tilespmem:v34+s28+$0x0] =	vst.idx.msk $0xffff, v33  }
0x219: {  	v34 =	vadd.s32 v9, v35;
	v33 =	vld [tilespmem:s11+$0xFFFFFF80];
	_ =	sdelay $0x4  }
0x21a: {  	[tilespmem:v34+s28+$0x0] =	vst.idx.msk $0xffff, v33  }
0x21b: {  	v34 =	vadd.s32 v10, v35;
	v33 =	vld [tilespmem:s11+$0xFFFFFF90];
	_ =	sdelay $0x4  }
0x21c: {  	[tilespmem:v34+s28+$0x0] =	vst.idx.msk $0xffff, v33  }
0x21d: {  	v34 =	vadd.s32 v11, v35;
	v33 =	vld [tilespmem:s11+$0xFFFFFFA0];
	_ =	sdelay $0x4  }
0x21e: {  	[tilespmem:v34+s28+$0x0] =	vst.idx.msk $0xffff, v33  }
0x21f: {  	s18 =	sadd.s32 $0xFFFFFFFC, s15;
	v34 =	vadd.s32 v12, v35;
	v33 =	vld [tilespmem:s11+$0xFFFFFFB0]  }
0x220: {  	v35 =	vmov s18  }
0x221: {  	v35 =	vshrl.u32 v35, $0x3  }
0x222: {  	v35 =	vshll.u32 v35, v1  }
0x223: {  	v35 =	vbroadcast v35, $0x0  }
0x224: {  	[tilespmem:v34+s28+$0x0] =	vst.idx.msk $0xffff, v33  }
0x225: {  	v34 =	vadd.s32 v13, v35;
	v33 =	vld [tilespmem:s11+$0xFFFFFFC0];
	_ =	sdelay $0x4  }
0x226: {  	[tilespmem:v34+s28+$0x0] =	vst.idx.msk $0xffff, v33  }
0x227: {  	v34 =	vadd.s32 v14, v35;
	v33 =	vld [tilespmem:s11+$0xFFFFFFD0];
	_ =	sdelay $0x4  }
0x228: {  	[tilespmem:v34+s28+$0x0] =	vst.idx.msk $0xffff, v33  }
0x229: {  	v34 =	vadd.s32 v15, v35;
	v33 =	vld [tilespmem:s11+$0xFFFFFFE0];
	_ =	sdelay $0x4  }
0x22a: {  	[tilespmem:v34+s28+$0x0] =	vst.idx.msk $0xffff, v33  }
0x22b: {  	s18 =	sadd.s32 $0xFFFFFFFD, s15;
	v34 =	vadd.s32 v16, v35;
	v33 =	vld [tilespmem:s11+$0xFFFFFFF0]  }
0x22c: {  	v35 =	vmov s18  }
0x22d: {  	v35 =	vshrl.u32 v35, $0x3  }
0x22e: {  	v35 =	vshll.u32 v35, v1  }
0x22f: {  	v35 =	vbroadcast v35, $0x0  }
0x230: {  	[tilespmem:v34+s28+$0x0] =	vst.idx.msk $0xffff, v33  }
0x231: {  	v34 =	vadd.s32 v17, v35;
	v33 =	vld [tilespmem:s11+$0x0];
	_ =	sdelay $0x4  }
0x232: {  	[tilespmem:v34+s28+$0x0] =	vst.idx.msk $0xffff, v33  }
0x233: {  	v34 =	vadd.s32 v18, v35;
	v33 =	vld [tilespmem:s11+$0x10];
	_ =	sdelay $0x4  }
0x234: {  	[tilespmem:v34+s28+$0x0] =	vst.idx.msk $0xffff, v33  }
0x235: {  	v34 =	vadd.s32 v19, v35;
	v33 =	vld [tilespmem:s11+$0x20];
	_ =	sdelay $0x4  }
0x236: {  	[tilespmem:v34+s28+$0x0] =	vst.idx.msk $0xffff, v33  }
0x237: {  	s18 =	sadd.s32 $0xFFFFFFFE, s15;
	v34 =	vadd.s32 v20, v35;
	v33 =	vld [tilespmem:s11+$0x30]  }
0x238: {  	v35 =	vmov s18  }
0x239: {  	v35 =	vshrl.u32 v35, $0x3  }
0x23a: {  	v35 =	vshll.u32 v35, v1  }
0x23b: {  	v35 =	vbroadcast v35, $0x0  }
0x23c: {  	[tilespmem:v34+s28+$0x0] =	vst.idx.msk $0xffff, v33  }
0x23d: {  	v34 =	vadd.s32 v21, v35;
	v33 =	vld [tilespmem:s11+$0x40];
	_ =	sdelay $0x4  }
0x23e: {  	[tilespmem:v34+s28+$0x0] =	vst.idx.msk $0xffff, v33  }
0x23f: {  	v34 =	vadd.s32 v22, v35;
	v33 =	vld [tilespmem:s11+$0x50];
	_ =	sdelay $0x4  }
0x240: {  	[tilespmem:v34+s28+$0x0] =	vst.idx.msk $0xffff, v33  }
0x241: {  	v34 =	vadd.s32 v23, v35;
	v33 =	vld [tilespmem:s11+$0x60];
	_ =	sdelay $0x4  }
0x242: {  	[tilespmem:v34+s28+$0x0] =	vst.idx.msk $0xffff, v33  }
0x243: {  	s18 =	sadd.s32 $0xFFFFFFFF, s15;
	v34 =	vadd.s32 v24, v35;
	v33 =	vld [tilespmem:s11+$0x70]  }
0x244: {  	v35 =	vmov s18  }
0x245: {  	v35 =	vshrl.u32 v35, $0x3  }
0x246: {  	v35 =	vshll.u32 v35, v1  }
0x247: {  	v35 =	vbroadcast v35, $0x0  }
0x248: {  	[tilespmem:v34+s28+$0x0] =	vst.idx.msk $0xffff, v33  }
0x249: {  	v34 =	vadd.s32 v25, v35;
	v33 =	vld [tilespmem:s11+$0x80];
	_ =	sdelay $0x4  }
0x24a: {  	[tilespmem:v34+s28+$0x0] =	vst.idx.msk $0xffff, v33  }
0x24b: {  	v34 =	vadd.s32 v26, v35;
	v33 =	vld [tilespmem:s11+$0x90];
	_ =	sdelay $0x4  }
0x24c: {  	[tilespmem:v34+s28+$0x0] =	vst.idx.msk $0xffff, v33  }
0x24d: {  	v34 =	vadd.s32 v27, v35;
	v33 =	vld [tilespmem:s11+$0xA0];
	_ =	sdelay $0x4  }
0x24e: {  	[tilespmem:v34+s28+$0x0] =	vst.idx.msk $0xffff, v33  }
0x24f: {  	v34 =	vadd.s32 v28, v35;
	v33 =	vld [tilespmem:s11+$0xB0]  }
0x250: {  	v35 =	vmov s15;
	s15 =	smov.u32 s16  }
0x251: {  	v35 =	vshrl.u32 v35, $0x3  }
0x252: {  	v35 =	vshll.u32 v35, v1  }
0x253: {  	v35 =	vbroadcast v35, $0x0  }
0x254: {  	[tilespmem:v34+s28+$0x0] =	vst.idx.msk $0xffff, v33  }
0x255: {  	v34 =	vadd.s32 v29, v35;
	v33 =	vld [tilespmem:s11+$0xC0];
	_ =	sdelay $0x4  }
0x256: {  	[tilespmem:v34+s28+$0x0] =	vst.idx.msk $0xffff, v33  }
0x257: {  	v34 =	vadd.s32 v30, v35;
	v33 =	vld [tilespmem:s11+$0xD0];
	_ =	sdelay $0x4  }
0x258: {  	[tilespmem:v34+s28+$0x0] =	vst.idx.msk $0xffff, v33  }
0x259: {  	v34 =	vadd.s32 v31, v35;
	v33 =	vld [tilespmem:s11+$0xE0];
	_ =	sdelay $0x1  }
.Ltmp7:
0x25a: {  	(pc) =	sbr.rel @p2 .LBB2_11-.Ltmp7, $3  }
0x25b: {  	_ =	sdelay $0x1  }
0x25c: {  	[tilespmem:v34+s28+$0x0] =	vst.idx.msk $0xffff, v33  }
0x25d: {  	s16 =	sadd.s32 $0x8, s16;
	s18 =	sadd.s32 $0xFFFFFFF9, s15;
	v34 =	vadd.s32 v32, v35;
	v33 =	vld [tilespmem:s11+$0xF0]  }
0x25e: {  	v35 =	vmov s18  }
0x25f: {  	v35 =	vshrl.u32 v35, $0x3  }
0x260: {  	v35 =	vshll.u32 v35, v1  }
0x261: {  	v35 =	vbroadcast v35, $0x0  }
0x262: {  	s11 =	sadd.s32 $0x200, s11;
	[tilespmem:v34+s28+$0x0] =	vst.idx.msk $0xffff, v33  }
0x263: {  	v33 =	vld [tilespmem:s11+$0xFFFFFF00];
	v53 =	vadd.s32 v0, v35;
	_ =	sdelay $0x4  }
0x264: {  	[tilespmem:v53+s28+$0x0] =	vst.idx.msk $0xffff, v33  }
0x265: {  	v54 =	vadd.s32 v2, v35;
	v33 =	vld [tilespmem:s11+$0xFFFFFF10];
	_ =	sdelay $0x4  }
0x266: {  	[tilespmem:v54+s28+$0x0] =	vst.idx.msk $0xffff, v33  }
0x267: {  	v55 =	vadd.s32 v3, v35;
	v33 =	vld [tilespmem:s11+$0xFFFFFF20];
	_ =	sdelay $0x4  }
0x268: {  	[tilespmem:v55+s28+$0x0] =	vst.idx.msk $0xffff, v33  }
0x269: {  	s16 =	sadd.s32 $0xFFFFFFFA, s15;
	v56 =	vadd.s32 v4, v35;
	v33 =	vld [tilespmem:s11+$0xFFFFFF30]  }
0x26a: {  	v57 =	vmov s16  }
0x26b: {  	v35 =	vshrl.u32 v57, $0x3  }
0x26c: {  	v35 =	vshll.u32 v35, v1  }
0x26d: {  	v35 =	vbroadcast v35, $0x0  }
0x26e: {  	[tilespmem:v56+s28+$0x0] =	vst.idx.msk $0xffff, v33  }
0x26f: {  	v58 =	vadd.s32 v5, v35;
	v33 =	vld [tilespmem:s11+$0xFFFFFF40];
	_ =	sdelay $0x4  }
0x270: {  	[tilespmem:v58+s28+$0x0] =	vst.idx.msk $0xffff, v33  }
0x271: {  	v59 =	vadd.s32 v6, v35;
	v33 =	vld [tilespmem:s11+$0xFFFFFF50];
	_ =	sdelay $0x4  }
0x272: {  	[tilespmem:v59+s28+$0x0] =	vst.idx.msk $0xffff, v33  }
0x273: {  	v60 =	vadd.s32 v7, v35;
	v33 =	vld [tilespmem:s11+$0xFFFFFF60];
	_ =	sdelay $0x4  }
0x274: {  	[tilespmem:v60+s28+$0x0] =	vst.idx.msk $0xffff, v33  }
0x275: {  	s22 =	sadd.s32 $0xFFFFFFFB, s15;
	v61 =	vadd.s32 v8, v35;
	v33 =	vld [tilespmem:s11+$0xFFFFFF70]  }
0x276: {  	v62 =	vmov s22  }
0x277: {  	v35 =	vshrl.u32 v62, $0x3  }
0x278: {  	v35 =	vshll.u32 v35, v1  }
0x279: {  	v35 =	vbroadcast v35, $0x0  }
0x27a: {  	[tilespmem:v61+s28+$0x0] =	vst.idx.msk $0xffff, v33  }
0x27b: {  	v63 =	vadd.s32 v9, v35;
	v33 =	vld [tilespmem:s11+$0xFFFFFF80];
	_ =	sdelay $0x4  }
0x27c: {  	[tilespmem:v63+s28+$0x0] =	vst.idx.msk $0xffff, v33  }
0x27d: {  	v36 =	vadd.s32 v10, v35;
	v33 =	vld [tilespmem:s11+$0xFFFFFF90];
	_ =	sdelay $0x4  }
0x27e: {  	[tilespmem:v36+s28+$0x0] =	vst.idx.msk $0xffff, v33  }
0x27f: {  	v37 =	vadd.s32 v11, v35;
	v33 =	vld [tilespmem:s11+$0xFFFFFFA0];
	_ =	sdelay $0x4  }
0x280: {  	[tilespmem:v37+s28+$0x0] =	vst.idx.msk $0xffff, v33  }
0x281: {  	s18 =	sadd.s32 $0xFFFFFFFC, s15;
	v38 =	vadd.s32 v12, v35;
	v33 =	vld [tilespmem:s11+$0xFFFFFFB0]  }
0x282: {  	v39 =	vmov s18  }
0x283: {  	v35 =	vshrl.u32 v39, $0x3  }
0x284: {  	v35 =	vshll.u32 v35, v1  }
0x285: {  	v35 =	vbroadcast v35, $0x0  }
0x286: {  	[tilespmem:v38+s28+$0x0] =	vst.idx.msk $0xffff, v33  }
0x287: {  	v40 =	vadd.s32 v13, v35;
	v33 =	vld [tilespmem:s11+$0xFFFFFFC0];
	_ =	sdelay $0x4  }
0x288: {  	[tilespmem:v40+s28+$0x0] =	vst.idx.msk $0xffff, v33  }
0x289: {  	v41 =	vadd.s32 v14, v35;
	v33 =	vld [tilespmem:s11+$0xFFFFFFD0];
	_ =	sdelay $0x4  }
0x28a: {  	[tilespmem:v41+s28+$0x0] =	vst.idx.msk $0xffff, v33  }
0x28b: {  	v42 =	vadd.s32 v15, v35;
	v33 =	vld [tilespmem:s11+$0xFFFFFFE0];
	_ =	sdelay $0x4  }
0x28c: {  	[tilespmem:v42+s28+$0x0] =	vst.idx.msk $0xffff, v33  }
0x28d: {  	s20 =	sadd.s32 $0xFFFFFFFD, s15;
	v43 =	vadd.s32 v16, v35;
	v33 =	vld [tilespmem:s11+$0xFFFFFFF0]  }
0x28e: {  	v44 =	vmov s20  }
0x28f: {  	v35 =	vshrl.u32 v44, $0x3  }
0x290: {  	v35 =	vshll.u32 v35, v1  }
0x291: {  	v35 =	vbroadcast v35, $0x0  }
0x292: {  	[tilespmem:v43+s28+$0x0] =	vst.idx.msk $0xffff, v33  }
0x293: {  	v45 =	vadd.s32 v17, v35;
	v33 =	vld [tilespmem:s11+$0x0];
	_ =	sdelay $0x4  }
0x294: {  	[tilespmem:v45+s28+$0x0] =	vst.idx.msk $0xffff, v33  }
0x295: {  	v46 =	vadd.s32 v18, v35;
	v33 =	vld [tilespmem:s11+$0x10];
	_ =	sdelay $0x4  }
0x296: {  	[tilespmem:v46+s28+$0x0] =	vst.idx.msk $0xffff, v33  }
0x297: {  	v47 =	vadd.s32 v19, v35;
	v33 =	vld [tilespmem:s11+$0x20];
	_ =	sdelay $0x4  }
0x298: {  	[tilespmem:v47+s28+$0x0] =	vst.idx.msk $0xffff, v33  }
0x299: {  	s22 =	sadd.s32 $0xFFFFFFFE, s15;
	v48 =	vadd.s32 v20, v35;
	v33 =	vld [tilespmem:s11+$0x30]  }
0x29a: {  	v49 =	vmov s22  }
0x29b: {  	v35 =	vshrl.u32 v49, $0x3  }
0x29c: {  	v35 =	vshll.u32 v35, v1  }
0x29d: {  	v35 =	vbroadcast v35, $0x0  }
0x29e: {  	[tilespmem:v48+s28+$0x0] =	vst.idx.msk $0xffff, v33  }
0x29f: {  	v50 =	vadd.s32 v21, v35;
	v33 =	vld [tilespmem:s11+$0x40];
	_ =	sdelay $0x4  }
0x2a0: {  	[tilespmem:v50+s28+$0x0] =	vst.idx.msk $0xffff, v33  }
0x2a1: {  	v51 =	vadd.s32 v22, v35;
	v33 =	vld [tilespmem:s11+$0x50];
	_ =	sdelay $0x4  }
0x2a2: {  	[tilespmem:v51+s28+$0x0] =	vst.idx.msk $0xffff, v33  }
0x2a3: {  	v52 =	vadd.s32 v23, v35;
	v33 =	vld [tilespmem:s11+$0x60];
	_ =	sdelay $0x4  }
0x2a4: {  	[tilespmem:v52+s28+$0x0] =	vst.idx.msk $0xffff, v33  }
0x2a5: {  	s18 =	sadd.s32 $0xFFFFFFFF, s15;
	v53 =	vadd.s32 v24, v35;
	v33 =	vld [tilespmem:s11+$0x70]  }
0x2a6: {  	v54 =	vmov s18  }
0x2a7: {  	v35 =	vshrl.u32 v54, $0x3  }
0x2a8: {  	v35 =	vshll.u32 v35, v1  }
0x2a9: {  	v35 =	vbroadcast v35, $0x0  }
0x2aa: {  	[tilespmem:v53+s28+$0x0] =	vst.idx.msk $0xffff, v33  }
0x2ab: {  	v55 =	vadd.s32 v25, v35;
	v33 =	vld [tilespmem:s11+$0x80];
	_ =	sdelay $0x4  }
0x2ac: {  	[tilespmem:v55+s28+$0x0] =	vst.idx.msk $0xffff, v33  }
0x2ad: {  	v56 =	vadd.s32 v26, v35;
	v33 =	vld [tilespmem:s11+$0x90];
	_ =	sdelay $0x4  }
0x2ae: {  	[tilespmem:v56+s28+$0x0] =	vst.idx.msk $0xffff, v33  }
0x2af: {  	v57 =	vadd.s32 v27, v35;
	v33 =	vld [tilespmem:s11+$0xA0];
	_ =	sdelay $0x4  }
0x2b0: {  	[tilespmem:v57+s28+$0x0] =	vst.idx.msk $0xffff, v33  }
0x2b1: {  	v58 =	vadd.s32 v28, v35;
	v33 =	vld [tilespmem:s11+$0xB0]  }
0x2b2: {  	v59 =	vmov s15  }
0x2b3: {  	v35 =	vshrl.u32 v59, $0x3  }
0x2b4: {  	v35 =	vshll.u32 v35, v1  }
0x2b5: {  	v35 =	vbroadcast v35, $0x0  }
0x2b6: {  	[tilespmem:v58+s28+$0x0] =	vst.idx.msk $0xffff, v33  }
0x2b7: {  	v60 =	vadd.s32 v29, v35;
	v33 =	vld [tilespmem:s11+$0xC0];
	_ =	sdelay $0x4  }
0x2b8: {  	[tilespmem:v60+s28+$0x0] =	vst.idx.msk $0xffff, v33  }
0x2b9: {  	v61 =	vadd.s32 v30, v35;
	v33 =	vld [tilespmem:s11+$0xD0];
	_ =	sdelay $0x4  }
0x2ba: {  	[tilespmem:v61+s28+$0x0] =	vst.idx.msk $0xffff, v33  }
0x2bb: {  	v62 =	vadd.s32 v31, v35;
	v33 =	vld [tilespmem:s11+$0xE0];
	_ =	sdelay $0x4  }
0x2bc: {  	[tilespmem:v62+s28+$0x0] =	vst.idx.msk $0xffff, v33  }
0x2bd: {  	v63 =	vadd.s32 v32, v35;
	v33 =	vld [tilespmem:s11+$0xF0];
	_ =	sdelay $0x2  }
0x2be: {  	s20 =	sadd.s32 s7, s6  }
0x2bf: {  	s11 =	sshrl.u32 s20, $0x3  }
0x2c0: {  	s22 =	simm.s32 $0x12600;
	s15 =	sadd.s32 s2, s11;
	[tilespmem:v63+s28+$0x0] =	vst.idx.msk $0xffff, v33  }
0x2c1: {  	[hbm4b:s15+s3] =	stream.linear.scatter [tilespmem:s22], [sflag:$0x7], $0x80, $0x38;
	[tilespmem:$0x1AE00] =	vst v63  }
0x2c2: {  	s16 =	simm.s32 $0x12688;
	s18 =	sadd.s32 $0x10, s15  }
0x2c3: {  	[hbm4b:s18+s3] =	stream.linear.scatter [tilespmem:s16], [sflag:$0x7], $0x80, $0x38;
	[tilespmem:$0x1AE00] =	vst v63  }
0x2c4: {  	s20 =	simm.s32 $0x12710;
	s22 =	sadd.s32 $0x20, s15  }
0x2c5: {  	[hbm4b:s22+s3] =	stream.linear.scatter [tilespmem:s20], [sflag:$0x7], $0x80, $0x38;
	[tilespmem:$0x1AE00] =	vst v63  }
0x2c6: {  	s16 =	simm.s32 $0x12798;
	s18 =	sadd.s32 $0x30, s15  }
0x2c7: {  	[hbm4b:s18+s3] =	stream.linear.scatter [tilespmem:s16], [sflag:$0x7], $0x80, $0x38;
	[tilespmem:$0x1AE00] =	vst v63  }
0x2c8: {  	s20 =	simm.s32 $0x12820;
	s22 =	sadd.s32 $0x40, s15  }
0x2c9: {  	[hbm4b:s22+s3] =	stream.linear.scatter [tilespmem:s20], [sflag:$0x7], $0x80, $0x38;
	[tilespmem:$0x1AE00] =	vst v63  }
0x2ca: {  	s11 =	simm.s32 $0x440;
	s16 =	simm.s32 $0x128A8;
	s18 =	sadd.s32 $0x50, s15  }
0x2cb: {  	[hbm4b:s18+s3] =	stream.linear.scatter [tilespmem:s16], [sflag:$0x7], $0x80, $0x38;
	[tilespmem:$0x1AE00] =	vst v63  }
0x2cc: {  	s20 =	simm.s32 $0x12930;
	s22 =	sadd.s32 $0x60, s15;
	s16 =	simm.s32 $0x2200  }
0x2cd: {  	[hbm4b:s22+s3] =	stream.linear.scatter [tilespmem:s20], [sflag:$0x7], $0x80, $0x38;
	[tilespmem:$0x1AE00] =	vst v63  }
0x2ce: {  	s18 =	simm.s32 $0x129B8;
	s20 =	sadd.s32 $0x70, s15;
	s15 =	sadd.s32 $0x1000, s15  }
.LBB2_13:
0x2cf: {  	[hbm4b:s20+s3] =	stream.linear.scatter [tilespmem:s18], [sflag:$0x7], $0x80, $0x38;
	[tilespmem:$0x1AE00] =	vst v63  }
0x2d0: {  	s18 =	smov.u32 s11;
	s11 =	smov.u32 s16  }
0x2d1: {  	s22 =	sadd.s32 $0x1100, s16;
	s11 =	sshra.s32 s11, $0x2;
	s20 =	sadd.s32 $0x12600, s18  }
0x2d2: {  	[hbm4b:s15+s3] =	stream.linear.scatter [tilespmem:s20], [sflag:$0x7], $0x80, $0x38;
	[tilespmem:$0x1AE00] =	vst v63  }
0x2d3: {  	p2 =	sne.s32 s16, $0x7700;
	s16 =	sadd.s32 $0x12688, s18;
	s20 =	sadd.s32 $0x10, s15  }
0x2d4: {  	[hbm4b:s20+s3] =	stream.linear.scatter [tilespmem:s16], [sflag:$0x7], $0x80, $0x38;
	[tilespmem:$0x1AE00] =	vst v63  }
0x2d5: {  	s16 =	sadd.s32 $0x12710, s18;
	s20 =	sadd.s32 $0x20, s15  }
0x2d6: {  	[hbm4b:s20+s3] =	stream.linear.scatter [tilespmem:s16], [sflag:$0x7], $0x80, $0x38;
	[tilespmem:$0x1AE00] =	vst v63  }
0x2d7: {  	s16 =	sadd.s32 $0x12798, s18;
	s20 =	sadd.s32 $0x30, s15  }
0x2d8: {  	[hbm4b:s20+s3] =	stream.linear.scatter [tilespmem:s16], [sflag:$0x7], $0x80, $0x38;
	[tilespmem:$0x1AE00] =	vst v63  }
0x2d9: {  	s16 =	sadd.s32 $0x12820, s18;
	s20 =	sadd.s32 $0x40, s15  }
0x2da: {  	[hbm4b:s20+s3] =	stream.linear.scatter [tilespmem:s16], [sflag:$0x7], $0x80, $0x38;
	[tilespmem:$0x1AE00] =	vst v63  }
.Ltmp8:
0x2db: {  	s16 =	sadd.s32 $0x128A8, s18;
	s20 =	sadd.s32 $0x50, s15;
	(pc) =	sbr.rel @p2 .LBB2_13-.Ltmp8, $4  }
0x2dc: {  	[hbm4b:s20+s3] =	stream.linear.scatter [tilespmem:s16], [sflag:$0x7], $0x80, $0x38;
	[tilespmem:$0x1AE00] =	vst v63  }
0x2dd: {  	s16 =	sadd.s32 $0x12930, s18;
	s20 =	sadd.s32 $0x60, s15;
	s18 =	sadd.s32 $0x129B8, s18  }
0x2de: {  	[hbm4b:s20+s3] =	stream.linear.scatter [tilespmem:s16], [sflag:$0x7], $0x80, $0x38;
	[tilespmem:$0x1AE00] =	vst v63  }
0x2df: {  	s20 =	sadd.s32 $0x70, s15;
	s15 =	sadd.s32 $0x1000, s15;
	s16 =	smov.u32 s22  }
0x2e0: {  	[hbm4b:s20+s3] =	stream.linear.scatter [tilespmem:s18], [sflag:$0x7], $0x80, $0x38;
	[tilespmem:$0x1AE00] =	vst v63  }
0x2e1: {  	s16 =	sadd.s32 $0x12600, s11  }
0x2e2: {  	[hbm4b:s15+s3] =	stream.linear.scatter [tilespmem:s16], [sflag:$0x7], $0x80, $0x38;
	[tilespmem:$0x1AE00] =	vst v63  }
0x2e3: {  	s20 =	sadd.s32 $0x12688, s11;
	s22 =	sadd.s32 $0x10, s15  }
0x2e4: {  	[hbm4b:s22+s3] =	stream.linear.scatter [tilespmem:s20], [sflag:$0x7], $0x80, $0x38;
	[tilespmem:$0x1AE00] =	vst v63  }
0x2e5: {  	s20 =	sadd.s32 $0x12710, s11;
	s22 =	sadd.s32 $0x20, s15  }
0x2e6: {  	[hbm4b:s22+s3] =	stream.linear.scatter [tilespmem:s20], [sflag:$0x7], $0x80, $0x38;
	[tilespmem:$0x1AE00] =	vst v63  }
0x2e7: {  	s20 =	sadd.s32 $0x12798, s11;
	s22 =	sadd.s32 $0x30, s15  }
0x2e8: {  	[hbm4b:s22+s3] =	stream.linear.scatter [tilespmem:s20], [sflag:$0x7], $0x80, $0x38;
	[tilespmem:$0x1AE00] =	vst v63  }
0x2e9: {  	s20 =	sadd.s32 $0x12820, s11;
	s22 =	sadd.s32 $0x40, s15  }
0x2ea: {  	[hbm4b:s22+s3] =	stream.linear.scatter [tilespmem:s20], [sflag:$0x7], $0x80, $0x38;
	[tilespmem:$0x1AE00] =	vst v63  }
0x2eb: {  	s20 =	sadd.s32 $0x128A8, s11;
	s22 =	sadd.s32 $0x50, s15  }
0x2ec: {  	[hbm4b:s22+s3] =	stream.linear.scatter [tilespmem:s20], [sflag:$0x7], $0x80, $0x38;
	[tilespmem:$0x1AE00] =	vst v63  }
.Ltmp9:
0x2ed: {  	_ = 	snop;
	(pc) =	sbr.rel @p1 .LBB2_16-.Ltmp9, $4  }
0x2ee: {  	s20 =	sadd.s32 $0x12930, s11;
	s22 =	sadd.s32 $0x60, s15  }
0x2ef: {  	[hbm4b:s22+s3] =	stream.linear.scatter [tilespmem:s20], [sflag:$0x7], $0x80, $0x38;
	[tilespmem:$0x1AE00] =	vst v63  }
0x2f0: {  	s20 =	sadd.s32 $0x129B8, s11;
	s22 =	sadd.s32 $0x70, s15  }
0x2f1: {  	[hbm4b:s22+s3] =	stream.linear.scatter [tilespmem:s20], [sflag:$0x7], $0x80, $0x38;
	[tilespmem:$0x1AE00] =	vst v63  }
.Ltmp10:
0x2f2: {  	(pc) =	sbr.rel .LBB2_17-.Ltmp10, $4  }
0x2f3: {  	_ = 	snop  }
0x2f4: {  	_ =	swait.ge [sflag:s29], $0x2000  }
0x2f5: {  	[sflag:s29] =	ssyncset.done $0x0  }
0x2f6: {  	[sflag:s29] =	ssyncadd.s32 $0xFFFFE000  }
.LBB2_16:
0x2f7: {  	s11 =	smul.u32 $0xA00, s14;
	_ =	sdelay $0x1  }
0x2f8: {  	s11 =	sshra.s32 s11, $0x2  }
.Ltmp11:
0x2f9: {  	s15 =	simm.s32 $0x8400;
	s11 =	sadd.s32 $0x300, s11;
	(pc) =	sbr.rel @p0 .LBB2_18-.Ltmp11, $4  }
0x2fa: {  	[tilespmem:s15], [sflag:$0x2] =	stream.indirect.gather [hbm4b:s4+s12], $0x40, s11, s12, $0xb8;
	[tilespmem:$0x1AE00] =	vst v63  }
0x2fb: {  	_ =	swait.ge [sflag:s29], $0x2000  }
0x2fc: {  	[sflag:s29] =	ssyncset.done $0x0  }
0x2fd: {  	[sflag:s29] =	ssyncadd.s32 $0xFFFFE000  }
.LBB2_17:
0x2fe: {  	_ =	swait.ge [sflag:s30], $0x2000  }
0x2ff: {  	[sflag:s30] =	ssyncset.done $0x0  }
0x300: {  	[sflag:s30] =	ssyncadd.s32 $0xFFFFE000  }
.LBB2_18:
0x301: {  	s11 =	simm.s32 $0x0  }
0x302: {  	v33 =	vmov s11  }
0x303: {  	v33 =	vshrl.u32 v33, $0x3  }
0x304: {  	v33 =	vshll.u32 v33, v1  }
0x305: {  	v33 =	vbroadcast v33, $0x0  }
0x306: {  	s11 =	simm.s32 $0xA500  }
0x307: {  	v34 =	vld [tilespmem:s11+$0xFFFFFF00];
	v35 =	vadd.s32 v0, v33;
	_ =	sdelay $0x4  }
0x308: {  	[tilespmem:v35+s31+$0x0] =	vst.idx.msk $0xffff, v34  }
0x309: {  	v56 =	vadd.s32 v2, v33;
	v34 =	vld [tilespmem:s11+$0xFFFFFF10];
	_ =	sdelay $0x4  }
0x30a: {  	[tilespmem:v56+s31+$0x0] =	vst.idx.msk $0xffff, v34  }
0x30b: {  	v57 =	vadd.s32 v3, v33;
	v34 =	vld [tilespmem:s11+$0xFFFFFF20];
	_ =	sdelay $0x4  }
0x30c: {  	[tilespmem:v57+s31+$0x0] =	vst.idx.msk $0xffff, v34  }
0x30d: {  	s15 =	simm.s32 $0x1;
	v33 =	vadd.s32 v4, v33;
	v34 =	vld [tilespmem:s11+$0xFFFFFF30]  }
0x30e: {  	v58 =	vmov s15  }
0x30f: {  	v35 =	vshrl.u32 v58, $0x3  }
0x310: {  	v35 =	vshll.u32 v35, v1  }
0x311: {  	v35 =	vbroadcast v35, $0x0  }
0x312: {  	[tilespmem:v33+s31+$0x0] =	vst.idx.msk $0xffff, v34  }
0x313: {  	v59 =	vadd.s32 v5, v35;
	v33 =	vld [tilespmem:s11+$0xFFFFFF40];
	_ =	sdelay $0x4  }
0x314: {  	[tilespmem:v59+s31+$0x0] =	vst.idx.msk $0xffff, v33  }
0x315: {  	v60 =	vadd.s32 v6, v35;
	v33 =	vld [tilespmem:s11+$0xFFFFFF50];
	_ =	sdelay $0x4  }
0x316: {  	[tilespmem:v60+s31+$0x0] =	vst.idx.msk $0xffff, v33  }
0x317: {  	v61 =	vadd.s32 v7, v35;
	v33 =	vld [tilespmem:s11+$0xFFFFFF60];
	_ =	sdelay $0x4  }
0x318: {  	[tilespmem:v61+s31+$0x0] =	vst.idx.msk $0xffff, v33  }
0x319: {  	s20 =	simm.s32 $0x2;
	v62 =	vadd.s32 v8, v35;
	v33 =	vld [tilespmem:s11+$0xFFFFFF70]  }
0x31a: {  	v63 =	vmov s20  }
0x31b: {  	v35 =	vshrl.u32 v63, $0x3  }
0x31c: {  	v35 =	vshll.u32 v35, v1  }
0x31d: {  	v35 =	vbroadcast v35, $0x0  }
0x31e: {  	[tilespmem:v62+s31+$0x0] =	vst.idx.msk $0xffff, v33  }
0x31f: {  	v36 =	vadd.s32 v9, v35;
	v33 =	vld [tilespmem:s11+$0xFFFFFF80];
	_ =	sdelay $0x4  }
0x320: {  	[tilespmem:v36+s31+$0x0] =	vst.idx.msk $0xffff, v33  }
0x321: {  	v37 =	vadd.s32 v10, v35;
	v33 =	vld [tilespmem:s11+$0xFFFFFF90];
	_ =	sdelay $0x4  }
0x322: {  	[tilespmem:v37+s31+$0x0] =	vst.idx.msk $0xffff, v33  }
0x323: {  	v38 =	vadd.s32 v11, v35;
	v33 =	vld [tilespmem:s11+$0xFFFFFFA0];
	_ =	sdelay $0x4  }
0x324: {  	[tilespmem:v38+s31+$0x0] =	vst.idx.msk $0xffff, v33  }
0x325: {  	s22 =	simm.s32 $0x3;
	v39 =	vadd.s32 v12, v35;
	v33 =	vld [tilespmem:s11+$0xFFFFFFB0]  }
0x326: {  	v40 =	vmov s22  }
0x327: {  	v35 =	vshrl.u32 v40, $0x3  }
0x328: {  	v35 =	vshll.u32 v35, v1  }
0x329: {  	v35 =	vbroadcast v35, $0x0  }
0x32a: {  	[tilespmem:v39+s31+$0x0] =	vst.idx.msk $0xffff, v33  }
0x32b: {  	v41 =	vadd.s32 v13, v35;
	v33 =	vld [tilespmem:s11+$0xFFFFFFC0];
	_ =	sdelay $0x4  }
0x32c: {  	[tilespmem:v41+s31+$0x0] =	vst.idx.msk $0xffff, v33  }
0x32d: {  	v42 =	vadd.s32 v14, v35;
	v33 =	vld [tilespmem:s11+$0xFFFFFFD0];
	_ =	sdelay $0x4  }
0x32e: {  	[tilespmem:v42+s31+$0x0] =	vst.idx.msk $0xffff, v33  }
0x32f: {  	v43 =	vadd.s32 v15, v35;
	v33 =	vld [tilespmem:s11+$0xFFFFFFE0];
	_ =	sdelay $0x4  }
0x330: {  	[tilespmem:v43+s31+$0x0] =	vst.idx.msk $0xffff, v33  }
0x331: {  	s16 =	simm.s32 $0x4;
	v44 =	vadd.s32 v16, v35;
	v33 =	vld [tilespmem:s11+$0xFFFFFFF0]  }
0x332: {  	v45 =	vmov s16  }
0x333: {  	v35 =	vshrl.u32 v45, $0x3  }
0x334: {  	v35 =	vshll.u32 v35, v1  }
0x335: {  	v35 =	vbroadcast v35, $0x0  }
0x336: {  	[tilespmem:v44+s31+$0x0] =	vst.idx.msk $0xffff, v33  }
0x337: {  	v46 =	vadd.s32 v17, v35;
	v33 =	vld [tilespmem:s11+$0x0];
	_ =	sdelay $0x4  }
0x338: {  	[tilespmem:v46+s31+$0x0] =	vst.idx.msk $0xffff, v33  }
0x339: {  	v47 =	vadd.s32 v18, v35;
	v33 =	vld [tilespmem:s11+$0x10];
	_ =	sdelay $0x4  }
0x33a: {  	[tilespmem:v47+s31+$0x0] =	vst.idx.msk $0xffff, v33  }
0x33b: {  	v48 =	vadd.s32 v19, v35;
	v33 =	vld [tilespmem:s11+$0x20];
	_ =	sdelay $0x4  }
0x33c: {  	[tilespmem:v48+s31+$0x0] =	vst.idx.msk $0xffff, v33  }
0x33d: {  	s18 =	simm.s32 $0x5;
	v49 =	vadd.s32 v20, v35;
	v33 =	vld [tilespmem:s11+$0x30]  }
0x33e: {  	v50 =	vmov s18  }
0x33f: {  	v35 =	vshrl.u32 v50, $0x3  }
0x340: {  	v35 =	vshll.u32 v35, v1  }
0x341: {  	v35 =	vbroadcast v35, $0x0  }
0x342: {  	[tilespmem:v49+s31+$0x0] =	vst.idx.msk $0xffff, v33  }
0x343: {  	v51 =	vadd.s32 v21, v35;
	v33 =	vld [tilespmem:s11+$0x40];
	_ =	sdelay $0x4  }
0x344: {  	[tilespmem:v51+s31+$0x0] =	vst.idx.msk $0xffff, v33  }
0x345: {  	v52 =	vadd.s32 v22, v35;
	v33 =	vld [tilespmem:s11+$0x50];
	_ =	sdelay $0x4  }
0x346: {  	[tilespmem:v52+s31+$0x0] =	vst.idx.msk $0xffff, v33  }
0x347: {  	v53 =	vadd.s32 v23, v35;
	v33 =	vld [tilespmem:s11+$0x60];
	_ =	sdelay $0x4  }
0x348: {  	[tilespmem:v53+s31+$0x0] =	vst.idx.msk $0xffff, v33  }
0x349: {  	s20 =	simm.s32 $0x6;
	v54 =	vadd.s32 v24, v35;
	v33 =	vld [tilespmem:s11+$0x70]  }
0x34a: {  	v55 =	vmov s20  }
0x34b: {  	v35 =	vshrl.u32 v55, $0x3  }
0x34c: {  	v35 =	vshll.u32 v35, v1  }
0x34d: {  	v35 =	vbroadcast v35, $0x0  }
0x34e: {  	[tilespmem:v54+s31+$0x0] =	vst.idx.msk $0xffff, v33  }
0x34f: {  	v56 =	vadd.s32 v25, v35;
	v33 =	vld [tilespmem:s11+$0x80];
	_ =	sdelay $0x4  }
0x350: {  	[tilespmem:v56+s31+$0x0] =	vst.idx.msk $0xffff, v33  }
0x351: {  	v57 =	vadd.s32 v26, v35;
	v33 =	vld [tilespmem:s11+$0x90];
	_ =	sdelay $0x4  }
0x352: {  	[tilespmem:v57+s31+$0x0] =	vst.idx.msk $0xffff, v33  }
0x353: {  	v58 =	vadd.s32 v27, v35;
	v33 =	vld [tilespmem:s11+$0xA0];
	_ =	sdelay $0x4  }
0x354: {  	[tilespmem:v58+s31+$0x0] =	vst.idx.msk $0xffff, v33  }
0x355: {  	s22 =	simm.s32 $0x7;
	v59 =	vadd.s32 v28, v35;
	v33 =	vld [tilespmem:s11+$0xB0]  }
0x356: {  	v60 =	vmov s22  }
0x357: {  	v35 =	vshrl.u32 v60, $0x3  }
0x358: {  	v35 =	vshll.u32 v35, v1  }
0x359: {  	v35 =	vbroadcast v35, $0x0  }
0x35a: {  	[tilespmem:v59+s31+$0x0] =	vst.idx.msk $0xffff, v33  }
0x35b: {  	v61 =	vadd.s32 v29, v35;
	v33 =	vld [tilespmem:s11+$0xC0];
	_ =	sdelay $0x4  }
0x35c: {  	[tilespmem:v61+s31+$0x0] =	vst.idx.msk $0xffff, v33  }
0x35d: {  	v62 =	vadd.s32 v30, v35;
	v33 =	vld [tilespmem:s11+$0xD0];
	_ =	sdelay $0x4  }
0x35e: {  	[tilespmem:v62+s31+$0x0] =	vst.idx.msk $0xffff, v33  }
0x35f: {  	v63 =	vadd.s32 v31, v35;
	v33 =	vld [tilespmem:s11+$0xE0];
	_ =	sdelay $0x4  }
0x360: {  	[tilespmem:v63+s31+$0x0] =	vst.idx.msk $0xffff, v33  }
0x361: {  	s15 =	simm.s32 $0xF;
	s18 =	simm.s32 $0x8;
	s16 =	simm.s32 $0x17;
	v34 =	vadd.s32 v32, v35;
	v33 =	vld [tilespmem:s11+$0xF0]  }
.LBB2_19:
0x362: {  	p2 =	sne.s32 s16, $0x7F;
	v35 =	vmov s18  }
0x363: {  	v35 =	vshrl.u32 v35, $0x3  }
0x364: {  	v35 =	vshll.u32 v35, v1  }
0x365: {  	v35 =	vbroadcast v35, $0x0  }
0x366: {  	s11 =	sadd.s32 $0x200, s11;
	[tilespmem:v34+s31+$0x0] =	vst.idx.msk $0xffff, v33  }
0x367: {  	v33 =	vld [tilespmem:s11+$0xFFFFFF00];
	v34 =	vadd.s32 v0, v35;
	_ =	sdelay $0x4  }
0x368: {  	[tilespmem:v34+s31+$0x0] =	vst.idx.msk $0xffff, v33  }
0x369: {  	v34 =	vadd.s32 v2, v35;
	v33 =	vld [tilespmem:s11+$0xFFFFFF10];
	_ =	sdelay $0x4  }
0x36a: {  	[tilespmem:v34+s31+$0x0] =	vst.idx.msk $0xffff, v33  }
0x36b: {  	v34 =	vadd.s32 v3, v35;
	v33 =	vld [tilespmem:s11+$0xFFFFFF20];
	_ =	sdelay $0x4  }
0x36c: {  	[tilespmem:v34+s31+$0x0] =	vst.idx.msk $0xffff, v33  }
0x36d: {  	s18 =	sadd.s32 $0xFFFFFFFA, s15;
	v34 =	vadd.s32 v4, v35;
	v33 =	vld [tilespmem:s11+$0xFFFFFF30]  }
0x36e: {  	v35 =	vmov s18  }
0x36f: {  	v35 =	vshrl.u32 v35, $0x3  }
0x370: {  	v35 =	vshll.u32 v35, v1  }
0x371: {  	v35 =	vbroadcast v35, $0x0  }
0x372: {  	[tilespmem:v34+s31+$0x0] =	vst.idx.msk $0xffff, v33  }
0x373: {  	v34 =	vadd.s32 v5, v35;
	v33 =	vld [tilespmem:s11+$0xFFFFFF40];
	_ =	sdelay $0x4  }
0x374: {  	[tilespmem:v34+s31+$0x0] =	vst.idx.msk $0xffff, v33  }
0x375: {  	v34 =	vadd.s32 v6, v35;
	v33 =	vld [tilespmem:s11+$0xFFFFFF50];
	_ =	sdelay $0x4  }
0x376: {  	[tilespmem:v34+s31+$0x0] =	vst.idx.msk $0xffff, v33  }
0x377: {  	v34 =	vadd.s32 v7, v35;
	v33 =	vld [tilespmem:s11+$0xFFFFFF60];
	_ =	sdelay $0x4  }
0x378: {  	[tilespmem:v34+s31+$0x0] =	vst.idx.msk $0xffff, v33  }
0x379: {  	s18 =	sadd.s32 $0xFFFFFFFB, s15;
	v34 =	vadd.s32 v8, v35;
	v33 =	vld [tilespmem:s11+$0xFFFFFF70]  }
0x37a: {  	v35 =	vmov s18  }
0x37b: {  	v35 =	vshrl.u32 v35, $0x3  }
0x37c: {  	v35 =	vshll.u32 v35, v1  }
0x37d: {  	v35 =	vbroadcast v35, $0x0  }
0x37e: {  	[tilespmem:v34+s31+$0x0] =	vst.idx.msk $0xffff, v33  }
0x37f: {  	v34 =	vadd.s32 v9, v35;
	v33 =	vld [tilespmem:s11+$0xFFFFFF80];
	_ =	sdelay $0x4  }
0x380: {  	[tilespmem:v34+s31+$0x0] =	vst.idx.msk $0xffff, v33  }
0x381: {  	v34 =	vadd.s32 v10, v35;
	v33 =	vld [tilespmem:s11+$0xFFFFFF90];
	_ =	sdelay $0x4  }
0x382: {  	[tilespmem:v34+s31+$0x0] =	vst.idx.msk $0xffff, v33  }
0x383: {  	v34 =	vadd.s32 v11, v35;
	v33 =	vld [tilespmem:s11+$0xFFFFFFA0];
	_ =	sdelay $0x4  }
0x384: {  	[tilespmem:v34+s31+$0x0] =	vst.idx.msk $0xffff, v33  }
0x385: {  	s18 =	sadd.s32 $0xFFFFFFFC, s15;
	v34 =	vadd.s32 v12, v35;
	v33 =	vld [tilespmem:s11+$0xFFFFFFB0]  }
0x386: {  	v35 =	vmov s18  }
0x387: {  	v35 =	vshrl.u32 v35, $0x3  }
0x388: {  	v35 =	vshll.u32 v35, v1  }
0x389: {  	v35 =	vbroadcast v35, $0x0  }
0x38a: {  	[tilespmem:v34+s31+$0x0] =	vst.idx.msk $0xffff, v33  }
0x38b: {  	v34 =	vadd.s32 v13, v35;
	v33 =	vld [tilespmem:s11+$0xFFFFFFC0];
	_ =	sdelay $0x4  }
0x38c: {  	[tilespmem:v34+s31+$0x0] =	vst.idx.msk $0xffff, v33  }
0x38d: {  	v34 =	vadd.s32 v14, v35;
	v33 =	vld [tilespmem:s11+$0xFFFFFFD0];
	_ =	sdelay $0x4  }
0x38e: {  	[tilespmem:v34+s31+$0x0] =	vst.idx.msk $0xffff, v33  }
0x38f: {  	v34 =	vadd.s32 v15, v35;
	v33 =	vld [tilespmem:s11+$0xFFFFFFE0];
	_ =	sdelay $0x4  }
0x390: {  	[tilespmem:v34+s31+$0x0] =	vst.idx.msk $0xffff, v33  }
0x391: {  	s18 =	sadd.s32 $0xFFFFFFFD, s15;
	v34 =	vadd.s32 v16, v35;
	v33 =	vld [tilespmem:s11+$0xFFFFFFF0]  }
0x392: {  	v35 =	vmov s18  }
0x393: {  	v35 =	vshrl.u32 v35, $0x3  }
0x394: {  	v35 =	vshll.u32 v35, v1  }
0x395: {  	v35 =	vbroadcast v35, $0x0  }
0x396: {  	[tilespmem:v34+s31+$0x0] =	vst.idx.msk $0xffff, v33  }
0x397: {  	v34 =	vadd.s32 v17, v35;
	v33 =	vld [tilespmem:s11+$0x0];
	_ =	sdelay $0x4  }
0x398: {  	[tilespmem:v34+s31+$0x0] =	vst.idx.msk $0xffff, v33  }
0x399: {  	v34 =	vadd.s32 v18, v35;
	v33 =	vld [tilespmem:s11+$0x10];
	_ =	sdelay $0x4  }
0x39a: {  	[tilespmem:v34+s31+$0x0] =	vst.idx.msk $0xffff, v33  }
0x39b: {  	v34 =	vadd.s32 v19, v35;
	v33 =	vld [tilespmem:s11+$0x20];
	_ =	sdelay $0x4  }
0x39c: {  	[tilespmem:v34+s31+$0x0] =	vst.idx.msk $0xffff, v33  }
0x39d: {  	s18 =	sadd.s32 $0xFFFFFFFE, s15;
	v34 =	vadd.s32 v20, v35;
	v33 =	vld [tilespmem:s11+$0x30]  }
0x39e: {  	v35 =	vmov s18  }
0x39f: {  	v35 =	vshrl.u32 v35, $0x3  }
0x3a0: {  	v35 =	vshll.u32 v35, v1  }
0x3a1: {  	v35 =	vbroadcast v35, $0x0  }
0x3a2: {  	[tilespmem:v34+s31+$0x0] =	vst.idx.msk $0xffff, v33  }
0x3a3: {  	v34 =	vadd.s32 v21, v35;
	v33 =	vld [tilespmem:s11+$0x40];
	_ =	sdelay $0x4  }
0x3a4: {  	[tilespmem:v34+s31+$0x0] =	vst.idx.msk $0xffff, v33  }
0x3a5: {  	v34 =	vadd.s32 v22, v35;
	v33 =	vld [tilespmem:s11+$0x50];
	_ =	sdelay $0x4  }
0x3a6: {  	[tilespmem:v34+s31+$0x0] =	vst.idx.msk $0xffff, v33  }
0x3a7: {  	v34 =	vadd.s32 v23, v35;
	v33 =	vld [tilespmem:s11+$0x60];
	_ =	sdelay $0x4  }
0x3a8: {  	[tilespmem:v34+s31+$0x0] =	vst.idx.msk $0xffff, v33  }
0x3a9: {  	s18 =	sadd.s32 $0xFFFFFFFF, s15;
	v34 =	vadd.s32 v24, v35;
	v33 =	vld [tilespmem:s11+$0x70]  }
0x3aa: {  	v35 =	vmov s18  }
0x3ab: {  	v35 =	vshrl.u32 v35, $0x3  }
0x3ac: {  	v35 =	vshll.u32 v35, v1  }
0x3ad: {  	v35 =	vbroadcast v35, $0x0  }
0x3ae: {  	[tilespmem:v34+s31+$0x0] =	vst.idx.msk $0xffff, v33  }
0x3af: {  	v34 =	vadd.s32 v25, v35;
	v33 =	vld [tilespmem:s11+$0x80];
	_ =	sdelay $0x4  }
0x3b0: {  	[tilespmem:v34+s31+$0x0] =	vst.idx.msk $0xffff, v33  }
0x3b1: {  	v34 =	vadd.s32 v26, v35;
	v33 =	vld [tilespmem:s11+$0x90];
	_ =	sdelay $0x4  }
0x3b2: {  	[tilespmem:v34+s31+$0x0] =	vst.idx.msk $0xffff, v33  }
0x3b3: {  	v34 =	vadd.s32 v27, v35;
	v33 =	vld [tilespmem:s11+$0xA0];
	_ =	sdelay $0x4  }
0x3b4: {  	[tilespmem:v34+s31+$0x0] =	vst.idx.msk $0xffff, v33  }
0x3b5: {  	v34 =	vadd.s32 v28, v35;
	v33 =	vld [tilespmem:s11+$0xB0]  }
0x3b6: {  	v35 =	vmov s15;
	s15 =	smov.u32 s16  }
0x3b7: {  	v35 =	vshrl.u32 v35, $0x3  }
0x3b8: {  	v35 =	vshll.u32 v35, v1  }
0x3b9: {  	v35 =	vbroadcast v35, $0x0  }
0x3ba: {  	[tilespmem:v34+s31+$0x0] =	vst.idx.msk $0xffff, v33  }
0x3bb: {  	v34 =	vadd.s32 v29, v35;
	v33 =	vld [tilespmem:s11+$0xC0];
	_ =	sdelay $0x4  }
0x3bc: {  	[tilespmem:v34+s31+$0x0] =	vst.idx.msk $0xffff, v33  }
0x3bd: {  	v34 =	vadd.s32 v30, v35;
	v33 =	vld [tilespmem:s11+$0xD0];
	_ =	sdelay $0x4  }
0x3be: {  	[tilespmem:v34+s31+$0x0] =	vst.idx.msk $0xffff, v33  }
0x3bf: {  	v34 =	vadd.s32 v31, v35;
	v33 =	vld [tilespmem:s11+$0xE0];
	_ =	sdelay $0x1  }
.Ltmp12:
0x3c0: {  	(pc) =	sbr.rel @p2 .LBB2_19-.Ltmp12, $3  }
0x3c1: {  	_ =	sdelay $0x1  }
0x3c2: {  	[tilespmem:v34+s31+$0x0] =	vst.idx.msk $0xffff, v33  }
0x3c3: {  	s16 =	sadd.s32 $0x8, s16;
	s18 =	sadd.s32 $0xFFFFFFF9, s15;
	v34 =	vadd.s32 v32, v35;
	v33 =	vld [tilespmem:s11+$0xF0]  }
0x3c4: {  	v35 =	vmov s18  }
0x3c5: {  	v35 =	vshrl.u32 v35, $0x3  }
0x3c6: {  	v35 =	vshll.u32 v35, v1  }
0x3c7: {  	v35 =	vbroadcast v35, $0x0  }
0x3c8: {  	s11 =	sadd.s32 $0x200, s11;
	[tilespmem:v34+s31+$0x0] =	vst.idx.msk $0xffff, v33  }
0x3c9: {  	v33 =	vld [tilespmem:s11+$0xFFFFFF00];
	v53 =	vadd.s32 v0, v35;
	_ =	sdelay $0x4  }
0x3ca: {  	[tilespmem:v53+s31+$0x0] =	vst.idx.msk $0xffff, v33  }
0x3cb: {  	v54 =	vadd.s32 v2, v35;
	v33 =	vld [tilespmem:s11+$0xFFFFFF10];
	_ =	sdelay $0x4  }
0x3cc: {  	[tilespmem:v54+s31+$0x0] =	vst.idx.msk $0xffff, v33  }
0x3cd: {  	v55 =	vadd.s32 v3, v35;
	v33 =	vld [tilespmem:s11+$0xFFFFFF20];
	_ =	sdelay $0x4  }
0x3ce: {  	[tilespmem:v55+s31+$0x0] =	vst.idx.msk $0xffff, v33  }
0x3cf: {  	s16 =	sadd.s32 $0xFFFFFFFA, s15;
	v56 =	vadd.s32 v4, v35;
	v33 =	vld [tilespmem:s11+$0xFFFFFF30]  }
0x3d0: {  	v57 =	vmov s16  }
0x3d1: {  	v35 =	vshrl.u32 v57, $0x3  }
0x3d2: {  	v35 =	vshll.u32 v35, v1  }
0x3d3: {  	v35 =	vbroadcast v35, $0x0  }
0x3d4: {  	[tilespmem:v56+s31+$0x0] =	vst.idx.msk $0xffff, v33  }
0x3d5: {  	v58 =	vadd.s32 v5, v35;
	v33 =	vld [tilespmem:s11+$0xFFFFFF40];
	_ =	sdelay $0x4  }
0x3d6: {  	[tilespmem:v58+s31+$0x0] =	vst.idx.msk $0xffff, v33  }
0x3d7: {  	v59 =	vadd.s32 v6, v35;
	v33 =	vld [tilespmem:s11+$0xFFFFFF50];
	_ =	sdelay $0x4  }
0x3d8: {  	[tilespmem:v59+s31+$0x0] =	vst.idx.msk $0xffff, v33  }
0x3d9: {  	v60 =	vadd.s32 v7, v35;
	v33 =	vld [tilespmem:s11+$0xFFFFFF60];
	_ =	sdelay $0x4  }
0x3da: {  	[tilespmem:v60+s31+$0x0] =	vst.idx.msk $0xffff, v33  }
0x3db: {  	s22 =	sadd.s32 $0xFFFFFFFB, s15;
	v61 =	vadd.s32 v8, v35;
	v33 =	vld [tilespmem:s11+$0xFFFFFF70]  }
0x3dc: {  	v62 =	vmov s22  }
0x3dd: {  	v35 =	vshrl.u32 v62, $0x3  }
0x3de: {  	v35 =	vshll.u32 v35, v1  }
0x3df: {  	v35 =	vbroadcast v35, $0x0  }
0x3e0: {  	[tilespmem:v61+s31+$0x0] =	vst.idx.msk $0xffff, v33  }
0x3e1: {  	v63 =	vadd.s32 v9, v35;
	v33 =	vld [tilespmem:s11+$0xFFFFFF80];
	_ =	sdelay $0x4  }
0x3e2: {  	[tilespmem:v63+s31+$0x0] =	vst.idx.msk $0xffff, v33  }
0x3e3: {  	v36 =	vadd.s32 v10, v35;
	v33 =	vld [tilespmem:s11+$0xFFFFFF90];
	_ =	sdelay $0x4  }
0x3e4: {  	[tilespmem:v36+s31+$0x0] =	vst.idx.msk $0xffff, v33  }
0x3e5: {  	v37 =	vadd.s32 v11, v35;
	v33 =	vld [tilespmem:s11+$0xFFFFFFA0];
	_ =	sdelay $0x4  }
0x3e6: {  	[tilespmem:v37+s31+$0x0] =	vst.idx.msk $0xffff, v33  }
0x3e7: {  	s18 =	sadd.s32 $0xFFFFFFFC, s15;
	v38 =	vadd.s32 v12, v35;
	v33 =	vld [tilespmem:s11+$0xFFFFFFB0]  }
0x3e8: {  	v39 =	vmov s18  }
0x3e9: {  	v35 =	vshrl.u32 v39, $0x3  }
0x3ea: {  	v35 =	vshll.u32 v35, v1  }
0x3eb: {  	v35 =	vbroadcast v35, $0x0  }
0x3ec: {  	[tilespmem:v38+s31+$0x0] =	vst.idx.msk $0xffff, v33  }
0x3ed: {  	v40 =	vadd.s32 v13, v35;
	v33 =	vld [tilespmem:s11+$0xFFFFFFC0];
	_ =	sdelay $0x4  }
0x3ee: {  	[tilespmem:v40+s31+$0x0] =	vst.idx.msk $0xffff, v33  }
0x3ef: {  	v41 =	vadd.s32 v14, v35;
	v33 =	vld [tilespmem:s11+$0xFFFFFFD0];
	_ =	sdelay $0x4  }
0x3f0: {  	[tilespmem:v41+s31+$0x0] =	vst.idx.msk $0xffff, v33  }
0x3f1: {  	v42 =	vadd.s32 v15, v35;
	v33 =	vld [tilespmem:s11+$0xFFFFFFE0];
	_ =	sdelay $0x4  }
0x3f2: {  	[tilespmem:v42+s31+$0x0] =	vst.idx.msk $0xffff, v33  }
0x3f3: {  	s20 =	sadd.s32 $0xFFFFFFFD, s15;
	v43 =	vadd.s32 v16, v35;
	v33 =	vld [tilespmem:s11+$0xFFFFFFF0]  }
0x3f4: {  	v44 =	vmov s20  }
0x3f5: {  	v35 =	vshrl.u32 v44, $0x3  }
0x3f6: {  	v35 =	vshll.u32 v35, v1  }
0x3f7: {  	v35 =	vbroadcast v35, $0x0  }
0x3f8: {  	[tilespmem:v43+s31+$0x0] =	vst.idx.msk $0xffff, v33  }
0x3f9: {  	v45 =	vadd.s32 v17, v35;
	v33 =	vld [tilespmem:s11+$0x0];
	_ =	sdelay $0x4  }
0x3fa: {  	[tilespmem:v45+s31+$0x0] =	vst.idx.msk $0xffff, v33  }
0x3fb: {  	v46 =	vadd.s32 v18, v35;
	v33 =	vld [tilespmem:s11+$0x10];
	_ =	sdelay $0x4  }
0x3fc: {  	[tilespmem:v46+s31+$0x0] =	vst.idx.msk $0xffff, v33  }
0x3fd: {  	v47 =	vadd.s32 v19, v35;
	v33 =	vld [tilespmem:s11+$0x20];
	_ =	sdelay $0x4  }
0x3fe: {  	[tilespmem:v47+s31+$0x0] =	vst.idx.msk $0xffff, v33  }
0x3ff: {  	s22 =	sadd.s32 $0xFFFFFFFE, s15;
	v48 =	vadd.s32 v20, v35;
	v33 =	vld [tilespmem:s11+$0x30]  }
0x400: {  	v49 =	vmov s22  }
0x401: {  	v35 =	vshrl.u32 v49, $0x3  }
0x402: {  	v35 =	vshll.u32 v35, v1  }
0x403: {  	v35 =	vbroadcast v35, $0x0  }
0x404: {  	[tilespmem:v48+s31+$0x0] =	vst.idx.msk $0xffff, v33  }
0x405: {  	v50 =	vadd.s32 v21, v35;
	v33 =	vld [tilespmem:s11+$0x40];
	_ =	sdelay $0x4  }
0x406: {  	[tilespmem:v50+s31+$0x0] =	vst.idx.msk $0xffff, v33  }
0x407: {  	v51 =	vadd.s32 v22, v35;
	v33 =	vld [tilespmem:s11+$0x50];
	_ =	sdelay $0x4  }
0x408: {  	[tilespmem:v51+s31+$0x0] =	vst.idx.msk $0xffff, v33  }
0x409: {  	v52 =	vadd.s32 v23, v35;
	v33 =	vld [tilespmem:s11+$0x60];
	_ =	sdelay $0x4  }
0x40a: {  	[tilespmem:v52+s31+$0x0] =	vst.idx.msk $0xffff, v33  }
0x40b: {  	s18 =	sadd.s32 $0xFFFFFFFF, s15;
	v53 =	vadd.s32 v24, v35;
	v33 =	vld [tilespmem:s11+$0x70]  }
0x40c: {  	v54 =	vmov s18  }
0x40d: {  	v35 =	vshrl.u32 v54, $0x3  }
0x40e: {  	v35 =	vshll.u32 v35, v1  }
0x40f: {  	v35 =	vbroadcast v35, $0x0  }
0x410: {  	[tilespmem:v53+s31+$0x0] =	vst.idx.msk $0xffff, v33  }
0x411: {  	v55 =	vadd.s32 v25, v35;
	v33 =	vld [tilespmem:s11+$0x80];
	_ =	sdelay $0x4  }
0x412: {  	[tilespmem:v55+s31+$0x0] =	vst.idx.msk $0xffff, v33  }
0x413: {  	v56 =	vadd.s32 v26, v35;
	v33 =	vld [tilespmem:s11+$0x90];
	_ =	sdelay $0x4  }
0x414: {  	[tilespmem:v56+s31+$0x0] =	vst.idx.msk $0xffff, v33  }
0x415: {  	v57 =	vadd.s32 v27, v35;
	v33 =	vld [tilespmem:s11+$0xA0];
	_ =	sdelay $0x4  }
0x416: {  	[tilespmem:v57+s31+$0x0] =	vst.idx.msk $0xffff, v33  }
0x417: {  	v58 =	vadd.s32 v28, v35;
	v33 =	vld [tilespmem:s11+$0xB0]  }
0x418: {  	v59 =	vmov s15  }
0x419: {  	v35 =	vshrl.u32 v59, $0x3  }
0x41a: {  	v35 =	vshll.u32 v35, v1  }
0x41b: {  	v35 =	vbroadcast v35, $0x0  }
0x41c: {  	[tilespmem:v58+s31+$0x0] =	vst.idx.msk $0xffff, v33  }
0x41d: {  	v60 =	vadd.s32 v29, v35;
	v33 =	vld [tilespmem:s11+$0xC0];
	_ =	sdelay $0x4  }
0x41e: {  	[tilespmem:v60+s31+$0x0] =	vst.idx.msk $0xffff, v33  }
0x41f: {  	v61 =	vadd.s32 v30, v35;
	v33 =	vld [tilespmem:s11+$0xD0];
	_ =	sdelay $0x4  }
0x420: {  	[tilespmem:v61+s31+$0x0] =	vst.idx.msk $0xffff, v33  }
0x421: {  	v62 =	vadd.s32 v31, v35;
	v33 =	vld [tilespmem:s11+$0xE0];
	_ =	sdelay $0x4  }
0x422: {  	[tilespmem:v62+s31+$0x0] =	vst.idx.msk $0xffff, v33  }
0x423: {  	v63 =	vadd.s32 v32, v35;
	v33 =	vld [tilespmem:s11+$0xF0];
	_ =	sdelay $0x2  }
0x424: {  	s20 =	sadd.s32 s8, s6  }
0x425: {  	s11 =	sshrl.u32 s20, $0x3  }
0x426: {  	s22 =	simm.s32 $0x14800;
	s15 =	sadd.s32 s2, s11;
	[tilespmem:v63+s31+$0x0] =	vst.idx.msk $0xffff, v33  }
0x427: {  	[hbm4b:s15+s3] =	stream.linear.scatter [tilespmem:s22], [sflag:$0x8], $0x80, $0x38;
	[tilespmem:$0x1AE00] =	vst v63  }
0x428: {  	s16 =	simm.s32 $0x14888;
	s18 =	sadd.s32 $0x10, s15  }
0x429: {  	[hbm4b:s18+s3] =	stream.linear.scatter [tilespmem:s16], [sflag:$0x8], $0x80, $0x38;
	[tilespmem:$0x1AE00] =	vst v63  }
0x42a: {  	s20 =	simm.s32 $0x14910;
	s22 =	sadd.s32 $0x20, s15  }
0x42b: {  	[hbm4b:s22+s3] =	stream.linear.scatter [tilespmem:s20], [sflag:$0x8], $0x80, $0x38;
	[tilespmem:$0x1AE00] =	vst v63  }
0x42c: {  	s16 =	simm.s32 $0x14998;
	s18 =	sadd.s32 $0x30, s15  }
0x42d: {  	[hbm4b:s18+s3] =	stream.linear.scatter [tilespmem:s16], [sflag:$0x8], $0x80, $0x38;
	[tilespmem:$0x1AE00] =	vst v63  }
0x42e: {  	s20 =	simm.s32 $0x14A20;
	s22 =	sadd.s32 $0x40, s15  }
0x42f: {  	[hbm4b:s22+s3] =	stream.linear.scatter [tilespmem:s20], [sflag:$0x8], $0x80, $0x38;
	[tilespmem:$0x1AE00] =	vst v63  }
0x430: {  	s11 =	simm.s32 $0x440;
	s16 =	simm.s32 $0x14AA8;
	s18 =	sadd.s32 $0x50, s15  }
0x431: {  	[hbm4b:s18+s3] =	stream.linear.scatter [tilespmem:s16], [sflag:$0x8], $0x80, $0x38;
	[tilespmem:$0x1AE00] =	vst v63  }
0x432: {  	s20 =	simm.s32 $0x14B30;
	s22 =	sadd.s32 $0x60, s15;
	s16 =	simm.s32 $0x2200  }
0x433: {  	[hbm4b:s22+s3] =	stream.linear.scatter [tilespmem:s20], [sflag:$0x8], $0x80, $0x38;
	[tilespmem:$0x1AE00] =	vst v63  }
0x434: {  	s18 =	simm.s32 $0x14BB8;
	s20 =	sadd.s32 $0x70, s15;
	s15 =	sadd.s32 $0x1000, s15  }
.LBB2_21:
0x435: {  	[hbm4b:s20+s3] =	stream.linear.scatter [tilespmem:s18], [sflag:$0x8], $0x80, $0x38;
	[tilespmem:$0x1AE00] =	vst v63  }
0x436: {  	s18 =	smov.u32 s11;
	s11 =	smov.u32 s16  }
0x437: {  	s22 =	sadd.s32 $0x1100, s16;
	s11 =	sshra.s32 s11, $0x2;
	s20 =	sadd.s32 $0x14800, s18  }
0x438: {  	[hbm4b:s15+s3] =	stream.linear.scatter [tilespmem:s20], [sflag:$0x8], $0x80, $0x38;
	[tilespmem:$0x1AE00] =	vst v63  }
0x439: {  	p2 =	sne.s32 s16, $0x7700;
	s16 =	sadd.s32 $0x14888, s18;
	s20 =	sadd.s32 $0x10, s15  }
0x43a: {  	[hbm4b:s20+s3] =	stream.linear.scatter [tilespmem:s16], [sflag:$0x8], $0x80, $0x38;
	[tilespmem:$0x1AE00] =	vst v63  }
0x43b: {  	s16 =	sadd.s32 $0x14910, s18;
	s20 =	sadd.s32 $0x20, s15  }
0x43c: {  	[hbm4b:s20+s3] =	stream.linear.scatter [tilespmem:s16], [sflag:$0x8], $0x80, $0x38;
	[tilespmem:$0x1AE00] =	vst v63  }
0x43d: {  	s16 =	sadd.s32 $0x14998, s18;
	s20 =	sadd.s32 $0x30, s15  }
0x43e: {  	[hbm4b:s20+s3] =	stream.linear.scatter [tilespmem:s16], [sflag:$0x8], $0x80, $0x38;
	[tilespmem:$0x1AE00] =	vst v63  }
0x43f: {  	s16 =	sadd.s32 $0x14A20, s18;
	s20 =	sadd.s32 $0x40, s15  }
0x440: {  	[hbm4b:s20+s3] =	stream.linear.scatter [tilespmem:s16], [sflag:$0x8], $0x80, $0x38;
	[tilespmem:$0x1AE00] =	vst v63  }
.Ltmp13:
0x441: {  	s16 =	sadd.s32 $0x14AA8, s18;
	s20 =	sadd.s32 $0x50, s15;
	(pc) =	sbr.rel @p2 .LBB2_21-.Ltmp13, $4  }
0x442: {  	[hbm4b:s20+s3] =	stream.linear.scatter [tilespmem:s16], [sflag:$0x8], $0x80, $0x38;
	[tilespmem:$0x1AE00] =	vst v63  }
0x443: {  	s16 =	sadd.s32 $0x14B30, s18;
	s20 =	sadd.s32 $0x60, s15;
	s18 =	sadd.s32 $0x14BB8, s18  }
0x444: {  	[hbm4b:s20+s3] =	stream.linear.scatter [tilespmem:s16], [sflag:$0x8], $0x80, $0x38;
	[tilespmem:$0x1AE00] =	vst v63  }
0x445: {  	s20 =	sadd.s32 $0x70, s15;
	s15 =	sadd.s32 $0x1000, s15;
	s16 =	smov.u32 s22  }
0x446: {  	[hbm4b:s20+s3] =	stream.linear.scatter [tilespmem:s18], [sflag:$0x8], $0x80, $0x38;
	[tilespmem:$0x1AE00] =	vst v63  }
0x447: {  	s16 =	sadd.s32 $0x14800, s11  }
0x448: {  	[hbm4b:s15+s3] =	stream.linear.scatter [tilespmem:s16], [sflag:$0x8], $0x80, $0x38;
	[tilespmem:$0x1AE00] =	vst v63  }
0x449: {  	s20 =	sadd.s32 $0x14888, s11;
	s22 =	sadd.s32 $0x10, s15  }
0x44a: {  	[hbm4b:s22+s3] =	stream.linear.scatter [tilespmem:s20], [sflag:$0x8], $0x80, $0x38;
	[tilespmem:$0x1AE00] =	vst v63  }
0x44b: {  	s20 =	sadd.s32 $0x14910, s11;
	s22 =	sadd.s32 $0x20, s15  }
0x44c: {  	[hbm4b:s22+s3] =	stream.linear.scatter [tilespmem:s20], [sflag:$0x8], $0x80, $0x38;
	[tilespmem:$0x1AE00] =	vst v63  }
0x44d: {  	s20 =	sadd.s32 $0x14998, s11;
	s22 =	sadd.s32 $0x30, s15  }
0x44e: {  	[hbm4b:s22+s3] =	stream.linear.scatter [tilespmem:s20], [sflag:$0x8], $0x80, $0x38;
	[tilespmem:$0x1AE00] =	vst v63  }
0x44f: {  	s20 =	sadd.s32 $0x14A20, s11;
	s22 =	sadd.s32 $0x40, s15  }
0x450: {  	[hbm4b:s22+s3] =	stream.linear.scatter [tilespmem:s20], [sflag:$0x8], $0x80, $0x38;
	[tilespmem:$0x1AE00] =	vst v63  }
0x451: {  	s20 =	sadd.s32 $0x14AA8, s11;
	s22 =	sadd.s32 $0x50, s15  }
0x452: {  	[hbm4b:s22+s3] =	stream.linear.scatter [tilespmem:s20], [sflag:$0x8], $0x80, $0x38;
	[tilespmem:$0x1AE00] =	vst v63  }
.Ltmp14:
0x453: {  	_ = 	snop;
	(pc) =	sbr.rel @p1 .LBB2_24-.Ltmp14, $4  }
0x454: {  	s20 =	sadd.s32 $0x14B30, s11;
	s22 =	sadd.s32 $0x60, s15  }
0x455: {  	[hbm4b:s22+s3] =	stream.linear.scatter [tilespmem:s20], [sflag:$0x8], $0x80, $0x38;
	[tilespmem:$0x1AE00] =	vst v63  }
0x456: {  	s20 =	sadd.s32 $0x14BB8, s11;
	s22 =	sadd.s32 $0x70, s15  }
0x457: {  	[hbm4b:s22+s3] =	stream.linear.scatter [tilespmem:s20], [sflag:$0x8], $0x80, $0x38;
	[tilespmem:$0x1AE00] =	vst v63  }
.Ltmp15:
0x458: {  	(pc) =	sbr.rel .LBB2_25-.Ltmp15, $4  }
0x459: {  	_ = 	snop  }
0x45a: {  	_ =	swait.ge [sflag:s1], $0x2000  }
0x45b: {  	[sflag:s1] =	ssyncset.done $0x0  }
0x45c: {  	[sflag:s1] =	ssyncadd.s32 $0xFFFFE000  }
.LBB2_24:
0x45d: {  	s11 =	smul.u32 $0xA00, s14;
	_ =	sdelay $0x1  }
0x45e: {  	s11 =	sshra.s32 s11, $0x2  }
.Ltmp16:
0x45f: {  	s15 =	simm.s32 $0xA400;
	s11 =	sadd.s32 $0x380, s11;
	(pc) =	sbr.rel @p0 .LBB2_26-.Ltmp16, $4  }
0x460: {  	[tilespmem:s15], [sflag:$0x3] =	stream.indirect.gather [hbm4b:s4+s12], $0x40, s11, s12, $0xb8;
	[tilespmem:$0x1AE00] =	vst v63  }
0x461: {  	_ =	swait.ge [sflag:s1], $0x2000  }
0x462: {  	[sflag:s1] =	ssyncset.done $0x0  }
0x463: {  	[sflag:s1] =	ssyncadd.s32 $0xFFFFE000  }
.LBB2_25:
0x464: {  	_ =	swait.ge [sflag:s0], $0x2000  }
0x465: {  	[sflag:s0] =	ssyncset.done $0x0  }
0x466: {  	[sflag:s0] =	ssyncadd.s32 $0xFFFFE000  }
.LBB2_26:
0x467: {  	s11 =	simm.s32 $0x0  }
0x468: {  	v33 =	vmov s11  }
0x469: {  	v33 =	vshrl.u32 v33, $0x3  }
0x46a: {  	v33 =	vshll.u32 v33, v1  }
0x46b: {  	v33 =	vbroadcast v33, $0x0  }
0x46c: {  	s11 =	simm.s32 $0xC500  }
0x46d: {  	v34 =	vld [tilespmem:s11+$0xFFFFFF00];
	v35 =	vadd.s32 v0, v33;
	_ =	sdelay $0x4  }
0x46e: {  	[tilespmem:v35+s13+$0x0] =	vst.idx.msk $0xffff, v34  }
0x46f: {  	v56 =	vadd.s32 v2, v33;
	v34 =	vld [tilespmem:s11+$0xFFFFFF10];
	_ =	sdelay $0x4  }
0x470: {  	[tilespmem:v56+s13+$0x0] =	vst.idx.msk $0xffff, v34  }
0x471: {  	v57 =	vadd.s32 v3, v33;
	v34 =	vld [tilespmem:s11+$0xFFFFFF20];
	_ =	sdelay $0x4  }
0x472: {  	[tilespmem:v57+s13+$0x0] =	vst.idx.msk $0xffff, v34  }
0x473: {  	s15 =	simm.s32 $0x1;
	v33 =	vadd.s32 v4, v33;
	v34 =	vld [tilespmem:s11+$0xFFFFFF30]  }
0x474: {  	v58 =	vmov s15  }
0x475: {  	v35 =	vshrl.u32 v58, $0x3  }
0x476: {  	v35 =	vshll.u32 v35, v1  }
0x477: {  	v35 =	vbroadcast v35, $0x0  }
0x478: {  	[tilespmem:v33+s13+$0x0] =	vst.idx.msk $0xffff, v34  }
0x479: {  	v59 =	vadd.s32 v5, v35;
	v33 =	vld [tilespmem:s11+$0xFFFFFF40];
	_ =	sdelay $0x4  }
0x47a: {  	[tilespmem:v59+s13+$0x0] =	vst.idx.msk $0xffff, v33  }
0x47b: {  	v60 =	vadd.s32 v6, v35;
	v33 =	vld [tilespmem:s11+$0xFFFFFF50];
	_ =	sdelay $0x4  }
0x47c: {  	[tilespmem:v60+s13+$0x0] =	vst.idx.msk $0xffff, v33  }
0x47d: {  	v61 =	vadd.s32 v7, v35;
	v33 =	vld [tilespmem:s11+$0xFFFFFF60];
	_ =	sdelay $0x4  }
0x47e: {  	[tilespmem:v61+s13+$0x0] =	vst.idx.msk $0xffff, v33  }
0x47f: {  	s20 =	simm.s32 $0x2;
	v62 =	vadd.s32 v8, v35;
	v33 =	vld [tilespmem:s11+$0xFFFFFF70]  }
0x480: {  	v63 =	vmov s20  }
0x481: {  	v35 =	vshrl.u32 v63, $0x3  }
0x482: {  	v35 =	vshll.u32 v35, v1  }
0x483: {  	v35 =	vbroadcast v35, $0x0  }
0x484: {  	[tilespmem:v62+s13+$0x0] =	vst.idx.msk $0xffff, v33  }
0x485: {  	v36 =	vadd.s32 v9, v35;
	v33 =	vld [tilespmem:s11+$0xFFFFFF80];
	_ =	sdelay $0x4  }
0x486: {  	[tilespmem:v36+s13+$0x0] =	vst.idx.msk $0xffff, v33  }
0x487: {  	v37 =	vadd.s32 v10, v35;
	v33 =	vld [tilespmem:s11+$0xFFFFFF90];
	_ =	sdelay $0x4  }
0x488: {  	[tilespmem:v37+s13+$0x0] =	vst.idx.msk $0xffff, v33  }
0x489: {  	v38 =	vadd.s32 v11, v35;
	v33 =	vld [tilespmem:s11+$0xFFFFFFA0];
	_ =	sdelay $0x4  }
0x48a: {  	[tilespmem:v38+s13+$0x0] =	vst.idx.msk $0xffff, v33  }
0x48b: {  	s22 =	simm.s32 $0x3;
	v39 =	vadd.s32 v12, v35;
	v33 =	vld [tilespmem:s11+$0xFFFFFFB0]  }
0x48c: {  	v40 =	vmov s22  }
0x48d: {  	v35 =	vshrl.u32 v40, $0x3  }
0x48e: {  	v35 =	vshll.u32 v35, v1  }
0x48f: {  	v35 =	vbroadcast v35, $0x0  }
0x490: {  	[tilespmem:v39+s13+$0x0] =	vst.idx.msk $0xffff, v33  }
0x491: {  	v41 =	vadd.s32 v13, v35;
	v33 =	vld [tilespmem:s11+$0xFFFFFFC0];
	_ =	sdelay $0x4  }
0x492: {  	[tilespmem:v41+s13+$0x0] =	vst.idx.msk $0xffff, v33  }
0x493: {  	v42 =	vadd.s32 v14, v35;
	v33 =	vld [tilespmem:s11+$0xFFFFFFD0];
	_ =	sdelay $0x4  }
0x494: {  	[tilespmem:v42+s13+$0x0] =	vst.idx.msk $0xffff, v33  }
0x495: {  	v43 =	vadd.s32 v15, v35;
	v33 =	vld [tilespmem:s11+$0xFFFFFFE0];
	_ =	sdelay $0x4  }
0x496: {  	[tilespmem:v43+s13+$0x0] =	vst.idx.msk $0xffff, v33  }
0x497: {  	s16 =	simm.s32 $0x4;
	v44 =	vadd.s32 v16, v35;
	v33 =	vld [tilespmem:s11+$0xFFFFFFF0]  }
0x498: {  	v45 =	vmov s16  }
0x499: {  	v35 =	vshrl.u32 v45, $0x3  }
0x49a: {  	v35 =	vshll.u32 v35, v1  }
0x49b: {  	v35 =	vbroadcast v35, $0x0  }
0x49c: {  	[tilespmem:v44+s13+$0x0] =	vst.idx.msk $0xffff, v33  }
0x49d: {  	v46 =	vadd.s32 v17, v35;
	v33 =	vld [tilespmem:s11+$0x0];
	_ =	sdelay $0x4  }
0x49e: {  	[tilespmem:v46+s13+$0x0] =	vst.idx.msk $0xffff, v33  }
0x49f: {  	v47 =	vadd.s32 v18, v35;
	v33 =	vld [tilespmem:s11+$0x10];
	_ =	sdelay $0x4  }
0x4a0: {  	[tilespmem:v47+s13+$0x0] =	vst.idx.msk $0xffff, v33  }
0x4a1: {  	v48 =	vadd.s32 v19, v35;
	v33 =	vld [tilespmem:s11+$0x20];
	_ =	sdelay $0x4  }
0x4a2: {  	[tilespmem:v48+s13+$0x0] =	vst.idx.msk $0xffff, v33  }
0x4a3: {  	s18 =	simm.s32 $0x5;
	v49 =	vadd.s32 v20, v35;
	v33 =	vld [tilespmem:s11+$0x30]  }
0x4a4: {  	v50 =	vmov s18  }
0x4a5: {  	v35 =	vshrl.u32 v50, $0x3  }
0x4a6: {  	v35 =	vshll.u32 v35, v1  }
0x4a7: {  	v35 =	vbroadcast v35, $0x0  }
0x4a8: {  	[tilespmem:v49+s13+$0x0] =	vst.idx.msk $0xffff, v33  }
0x4a9: {  	v51 =	vadd.s32 v21, v35;
	v33 =	vld [tilespmem:s11+$0x40];
	_ =	sdelay $0x4  }
0x4aa: {  	[tilespmem:v51+s13+$0x0] =	vst.idx.msk $0xffff, v33  }
0x4ab: {  	v52 =	vadd.s32 v22, v35;
	v33 =	vld [tilespmem:s11+$0x50];
	_ =	sdelay $0x4  }
0x4ac: {  	[tilespmem:v52+s13+$0x0] =	vst.idx.msk $0xffff, v33  }
0x4ad: {  	v53 =	vadd.s32 v23, v35;
	v33 =	vld [tilespmem:s11+$0x60];
	_ =	sdelay $0x4  }
0x4ae: {  	[tilespmem:v53+s13+$0x0] =	vst.idx.msk $0xffff, v33  }
0x4af: {  	s20 =	simm.s32 $0x6;
	v54 =	vadd.s32 v24, v35;
	v33 =	vld [tilespmem:s11+$0x70]  }
0x4b0: {  	v55 =	vmov s20  }
0x4b1: {  	v35 =	vshrl.u32 v55, $0x3  }
0x4b2: {  	v35 =	vshll.u32 v35, v1  }
0x4b3: {  	v35 =	vbroadcast v35, $0x0  }
0x4b4: {  	[tilespmem:v54+s13+$0x0] =	vst.idx.msk $0xffff, v33  }
0x4b5: {  	v56 =	vadd.s32 v25, v35;
	v33 =	vld [tilespmem:s11+$0x80];
	_ =	sdelay $0x4  }
0x4b6: {  	[tilespmem:v56+s13+$0x0] =	vst.idx.msk $0xffff, v33  }
0x4b7: {  	v57 =	vadd.s32 v26, v35;
	v33 =	vld [tilespmem:s11+$0x90];
	_ =	sdelay $0x4  }
0x4b8: {  	[tilespmem:v57+s13+$0x0] =	vst.idx.msk $0xffff, v33  }
0x4b9: {  	v58 =	vadd.s32 v27, v35;
	v33 =	vld [tilespmem:s11+$0xA0];
	_ =	sdelay $0x4  }
0x4ba: {  	[tilespmem:v58+s13+$0x0] =	vst.idx.msk $0xffff, v33  }
0x4bb: {  	s22 =	simm.s32 $0x7;
	v59 =	vadd.s32 v28, v35;
	v33 =	vld [tilespmem:s11+$0xB0]  }
0x4bc: {  	v60 =	vmov s22  }
0x4bd: {  	v35 =	vshrl.u32 v60, $0x3  }
0x4be: {  	v35 =	vshll.u32 v35, v1  }
0x4bf: {  	v35 =	vbroadcast v35, $0x0  }
0x4c0: {  	[tilespmem:v59+s13+$0x0] =	vst.idx.msk $0xffff, v33  }
0x4c1: {  	v61 =	vadd.s32 v29, v35;
	v33 =	vld [tilespmem:s11+$0xC0];
	_ =	sdelay $0x4  }
0x4c2: {  	[tilespmem:v61+s13+$0x0] =	vst.idx.msk $0xffff, v33  }
0x4c3: {  	v62 =	vadd.s32 v30, v35;
	v33 =	vld [tilespmem:s11+$0xD0];
	_ =	sdelay $0x4  }
0x4c4: {  	[tilespmem:v62+s13+$0x0] =	vst.idx.msk $0xffff, v33  }
0x4c5: {  	v63 =	vadd.s32 v31, v35;
	v33 =	vld [tilespmem:s11+$0xE0];
	_ =	sdelay $0x4  }
0x4c6: {  	[tilespmem:v63+s13+$0x0] =	vst.idx.msk $0xffff, v33  }
0x4c7: {  	s15 =	simm.s32 $0xF;
	s18 =	simm.s32 $0x8;
	s16 =	simm.s32 $0x17;
	v34 =	vadd.s32 v32, v35;
	v33 =	vld [tilespmem:s11+$0xF0]  }
.LBB2_27:
0x4c8: {  	p2 =	sne.s32 s16, $0x7F;
	v35 =	vmov s18  }
0x4c9: {  	v35 =	vshrl.u32 v35, $0x3  }
0x4ca: {  	v35 =	vshll.u32 v35, v1  }
0x4cb: {  	v35 =	vbroadcast v35, $0x0  }
0x4cc: {  	s11 =	sadd.s32 $0x200, s11;
	[tilespmem:v34+s13+$0x0] =	vst.idx.msk $0xffff, v33  }
0x4cd: {  	v33 =	vld [tilespmem:s11+$0xFFFFFF00];
	v34 =	vadd.s32 v0, v35;
	_ =	sdelay $0x4  }
0x4ce: {  	[tilespmem:v34+s13+$0x0] =	vst.idx.msk $0xffff, v33  }
0x4cf: {  	v34 =	vadd.s32 v2, v35;
	v33 =	vld [tilespmem:s11+$0xFFFFFF10];
	_ =	sdelay $0x4  }
0x4d0: {  	[tilespmem:v34+s13+$0x0] =	vst.idx.msk $0xffff, v33  }
0x4d1: {  	v34 =	vadd.s32 v3, v35;
	v33 =	vld [tilespmem:s11+$0xFFFFFF20];
	_ =	sdelay $0x4  }
0x4d2: {  	[tilespmem:v34+s13+$0x0] =	vst.idx.msk $0xffff, v33  }
0x4d3: {  	s18 =	sadd.s32 $0xFFFFFFFA, s15;
	v34 =	vadd.s32 v4, v35;
	v33 =	vld [tilespmem:s11+$0xFFFFFF30]  }
0x4d4: {  	v35 =	vmov s18  }
0x4d5: {  	v35 =	vshrl.u32 v35, $0x3  }
0x4d6: {  	v35 =	vshll.u32 v35, v1  }
0x4d7: {  	v35 =	vbroadcast v35, $0x0  }
0x4d8: {  	[tilespmem:v34+s13+$0x0] =	vst.idx.msk $0xffff, v33  }
0x4d9: {  	v34 =	vadd.s32 v5, v35;
	v33 =	vld [tilespmem:s11+$0xFFFFFF40];
	_ =	sdelay $0x4  }
0x4da: {  	[tilespmem:v34+s13+$0x0] =	vst.idx.msk $0xffff, v33  }
0x4db: {  	v34 =	vadd.s32 v6, v35;
	v33 =	vld [tilespmem:s11+$0xFFFFFF50];
	_ =	sdelay $0x4  }
0x4dc: {  	[tilespmem:v34+s13+$0x0] =	vst.idx.msk $0xffff, v33  }
0x4dd: {  	v34 =	vadd.s32 v7, v35;
	v33 =	vld [tilespmem:s11+$0xFFFFFF60];
	_ =	sdelay $0x4  }
0x4de: {  	[tilespmem:v34+s13+$0x0] =	vst.idx.msk $0xffff, v33  }
0x4df: {  	s18 =	sadd.s32 $0xFFFFFFFB, s15;
	v34 =	vadd.s32 v8, v35;
	v33 =	vld [tilespmem:s11+$0xFFFFFF70]  }
0x4e0: {  	v35 =	vmov s18  }
0x4e1: {  	v35 =	vshrl.u32 v35, $0x3  }
0x4e2: {  	v35 =	vshll.u32 v35, v1  }
0x4e3: {  	v35 =	vbroadcast v35, $0x0  }
0x4e4: {  	[tilespmem:v34+s13+$0x0] =	vst.idx.msk $0xffff, v33  }
0x4e5: {  	v34 =	vadd.s32 v9, v35;
	v33 =	vld [tilespmem:s11+$0xFFFFFF80];
	_ =	sdelay $0x4  }
0x4e6: {  	[tilespmem:v34+s13+$0x0] =	vst.idx.msk $0xffff, v33  }
0x4e7: {  	v34 =	vadd.s32 v10, v35;
	v33 =	vld [tilespmem:s11+$0xFFFFFF90];
	_ =	sdelay $0x4  }
0x4e8: {  	[tilespmem:v34+s13+$0x0] =	vst.idx.msk $0xffff, v33  }
0x4e9: {  	v34 =	vadd.s32 v11, v35;
	v33 =	vld [tilespmem:s11+$0xFFFFFFA0];
	_ =	sdelay $0x4  }
0x4ea: {  	[tilespmem:v34+s13+$0x0] =	vst.idx.msk $0xffff, v33  }
0x4eb: {  	s18 =	sadd.s32 $0xFFFFFFFC, s15;
	v34 =	vadd.s32 v12, v35;
	v33 =	vld [tilespmem:s11+$0xFFFFFFB0]  }
0x4ec: {  	v35 =	vmov s18  }
0x4ed: {  	v35 =	vshrl.u32 v35, $0x3  }
0x4ee: {  	v35 =	vshll.u32 v35, v1  }
0x4ef: {  	v35 =	vbroadcast v35, $0x0  }
0x4f0: {  	[tilespmem:v34+s13+$0x0] =	vst.idx.msk $0xffff, v33  }
0x4f1: {  	v34 =	vadd.s32 v13, v35;
	v33 =	vld [tilespmem:s11+$0xFFFFFFC0];
	_ =	sdelay $0x4  }
0x4f2: {  	[tilespmem:v34+s13+$0x0] =	vst.idx.msk $0xffff, v33  }
0x4f3: {  	v34 =	vadd.s32 v14, v35;
	v33 =	vld [tilespmem:s11+$0xFFFFFFD0];
	_ =	sdelay $0x4  }
0x4f4: {  	[tilespmem:v34+s13+$0x0] =	vst.idx.msk $0xffff, v33  }
0x4f5: {  	v34 =	vadd.s32 v15, v35;
	v33 =	vld [tilespmem:s11+$0xFFFFFFE0];
	_ =	sdelay $0x4  }
0x4f6: {  	[tilespmem:v34+s13+$0x0] =	vst.idx.msk $0xffff, v33  }
0x4f7: {  	s18 =	sadd.s32 $0xFFFFFFFD, s15;
	v34 =	vadd.s32 v16, v35;
	v33 =	vld [tilespmem:s11+$0xFFFFFFF0]  }
0x4f8: {  	v35 =	vmov s18  }
0x4f9: {  	v35 =	vshrl.u32 v35, $0x3  }
0x4fa: {  	v35 =	vshll.u32 v35, v1  }
0x4fb: {  	v35 =	vbroadcast v35, $0x0  }
0x4fc: {  	[tilespmem:v34+s13+$0x0] =	vst.idx.msk $0xffff, v33  }
0x4fd: {  	v34 =	vadd.s32 v17, v35;
	v33 =	vld [tilespmem:s11+$0x0];
	_ =	sdelay $0x4  }
0x4fe: {  	[tilespmem:v34+s13+$0x0] =	vst.idx.msk $0xffff, v33  }
0x4ff: {  	v34 =	vadd.s32 v18, v35;
	v33 =	vld [tilespmem:s11+$0x10];
	_ =	sdelay $0x4  }
0x500: {  	[tilespmem:v34+s13+$0x0] =	vst.idx.msk $0xffff, v33  }
0x501: {  	v34 =	vadd.s32 v19, v35;
	v33 =	vld [tilespmem:s11+$0x20];
	_ =	sdelay $0x4  }
0x502: {  	[tilespmem:v34+s13+$0x0] =	vst.idx.msk $0xffff, v33  }
0x503: {  	s18 =	sadd.s32 $0xFFFFFFFE, s15;
	v34 =	vadd.s32 v20, v35;
	v33 =	vld [tilespmem:s11+$0x30]  }
0x504: {  	v35 =	vmov s18  }
0x505: {  	v35 =	vshrl.u32 v35, $0x3  }
0x506: {  	v35 =	vshll.u32 v35, v1  }
0x507: {  	v35 =	vbroadcast v35, $0x0  }
0x508: {  	[tilespmem:v34+s13+$0x0] =	vst.idx.msk $0xffff, v33  }
0x509: {  	v34 =	vadd.s32 v21, v35;
	v33 =	vld [tilespmem:s11+$0x40];
	_ =	sdelay $0x4  }
0x50a: {  	[tilespmem:v34+s13+$0x0] =	vst.idx.msk $0xffff, v33  }
0x50b: {  	v34 =	vadd.s32 v22, v35;
	v33 =	vld [tilespmem:s11+$0x50];
	_ =	sdelay $0x4  }
0x50c: {  	[tilespmem:v34+s13+$0x0] =	vst.idx.msk $0xffff, v33  }
0x50d: {  	v34 =	vadd.s32 v23, v35;
	v33 =	vld [tilespmem:s11+$0x60];
	_ =	sdelay $0x4  }
0x50e: {  	[tilespmem:v34+s13+$0x0] =	vst.idx.msk $0xffff, v33  }
0x50f: {  	s18 =	sadd.s32 $0xFFFFFFFF, s15;
	v34 =	vadd.s32 v24, v35;
	v33 =	vld [tilespmem:s11+$0x70]  }
0x510: {  	v35 =	vmov s18  }
0x511: {  	v35 =	vshrl.u32 v35, $0x3  }
0x512: {  	v35 =	vshll.u32 v35, v1  }
0x513: {  	v35 =	vbroadcast v35, $0x0  }
0x514: {  	[tilespmem:v34+s13+$0x0] =	vst.idx.msk $0xffff, v33  }
0x515: {  	v34 =	vadd.s32 v25, v35;
	v33 =	vld [tilespmem:s11+$0x80];
	_ =	sdelay $0x4  }
0x516: {  	[tilespmem:v34+s13+$0x0] =	vst.idx.msk $0xffff, v33  }
0x517: {  	v34 =	vadd.s32 v26, v35;
	v33 =	vld [tilespmem:s11+$0x90];
	_ =	sdelay $0x4  }
0x518: {  	[tilespmem:v34+s13+$0x0] =	vst.idx.msk $0xffff, v33  }
0x519: {  	v34 =	vadd.s32 v27, v35;
	v33 =	vld [tilespmem:s11+$0xA0];
	_ =	sdelay $0x4  }
0x51a: {  	[tilespmem:v34+s13+$0x0] =	vst.idx.msk $0xffff, v33  }
0x51b: {  	v34 =	vadd.s32 v28, v35;
	v33 =	vld [tilespmem:s11+$0xB0]  }
0x51c: {  	v35 =	vmov s15;
	s15 =	smov.u32 s16  }
0x51d: {  	v35 =	vshrl.u32 v35, $0x3  }
0x51e: {  	v35 =	vshll.u32 v35, v1  }
0x51f: {  	v35 =	vbroadcast v35, $0x0  }
0x520: {  	[tilespmem:v34+s13+$0x0] =	vst.idx.msk $0xffff, v33  }
0x521: {  	v34 =	vadd.s32 v29, v35;
	v33 =	vld [tilespmem:s11+$0xC0];
	_ =	sdelay $0x4  }
0x522: {  	[tilespmem:v34+s13+$0x0] =	vst.idx.msk $0xffff, v33  }
0x523: {  	v34 =	vadd.s32 v30, v35;
	v33 =	vld [tilespmem:s11+$0xD0];
	_ =	sdelay $0x4  }
0x524: {  	[tilespmem:v34+s13+$0x0] =	vst.idx.msk $0xffff, v33  }
0x525: {  	v34 =	vadd.s32 v31, v35;
	v33 =	vld [tilespmem:s11+$0xE0];
	_ =	sdelay $0x1  }
.Ltmp17:
0x526: {  	(pc) =	sbr.rel @p2 .LBB2_27-.Ltmp17, $3  }
0x527: {  	_ =	sdelay $0x1  }
0x528: {  	[tilespmem:v34+s13+$0x0] =	vst.idx.msk $0xffff, v33  }
0x529: {  	s16 =	sadd.s32 $0x8, s16;
	s18 =	sadd.s32 $0xFFFFFFF9, s15;
	v34 =	vadd.s32 v32, v35;
	v33 =	vld [tilespmem:s11+$0xF0]  }
0x52a: {  	v35 =	vmov s18  }
0x52b: {  	v35 =	vshrl.u32 v35, $0x3  }
0x52c: {  	v35 =	vshll.u32 v35, v1  }
0x52d: {  	v35 =	vbroadcast v35, $0x0  }
0x52e: {  	s11 =	sadd.s32 $0x200, s11;
	[tilespmem:v34+s13+$0x0] =	vst.idx.msk $0xffff, v33  }
0x52f: {  	v33 =	vld [tilespmem:s11+$0xFFFFFF00];
	v53 =	vadd.s32 v0, v35;
	_ =	sdelay $0x4  }
0x530: {  	[tilespmem:v53+s13+$0x0] =	vst.idx.msk $0xffff, v33  }
0x531: {  	v54 =	vadd.s32 v2, v35;
	v33 =	vld [tilespmem:s11+$0xFFFFFF10];
	_ =	sdelay $0x4  }
0x532: {  	[tilespmem:v54+s13+$0x0] =	vst.idx.msk $0xffff, v33  }
0x533: {  	v55 =	vadd.s32 v3, v35;
	v33 =	vld [tilespmem:s11+$0xFFFFFF20];
	_ =	sdelay $0x4  }
0x534: {  	[tilespmem:v55+s13+$0x0] =	vst.idx.msk $0xffff, v33  }
0x535: {  	s16 =	sadd.s32 $0xFFFFFFFA, s15;
	v56 =	vadd.s32 v4, v35;
	v33 =	vld [tilespmem:s11+$0xFFFFFF30]  }
0x536: {  	v57 =	vmov s16  }
0x537: {  	v35 =	vshrl.u32 v57, $0x3  }
0x538: {  	v35 =	vshll.u32 v35, v1  }
0x539: {  	v35 =	vbroadcast v35, $0x0  }
0x53a: {  	[tilespmem:v56+s13+$0x0] =	vst.idx.msk $0xffff, v33  }
0x53b: {  	v58 =	vadd.s32 v5, v35;
	v33 =	vld [tilespmem:s11+$0xFFFFFF40];
	_ =	sdelay $0x4  }
0x53c: {  	[tilespmem:v58+s13+$0x0] =	vst.idx.msk $0xffff, v33  }
0x53d: {  	v59 =	vadd.s32 v6, v35;
	v33 =	vld [tilespmem:s11+$0xFFFFFF50];
	_ =	sdelay $0x4  }
0x53e: {  	[tilespmem:v59+s13+$0x0] =	vst.idx.msk $0xffff, v33  }
0x53f: {  	v60 =	vadd.s32 v7, v35;
	v33 =	vld [tilespmem:s11+$0xFFFFFF60];
	_ =	sdelay $0x4  }
0x540: {  	[tilespmem:v60+s13+$0x0] =	vst.idx.msk $0xffff, v33  }
0x541: {  	s22 =	sadd.s32 $0xFFFFFFFB, s15;
	v61 =	vadd.s32 v8, v35;
	v33 =	vld [tilespmem:s11+$0xFFFFFF70]  }
0x542: {  	v62 =	vmov s22  }
0x543: {  	v35 =	vshrl.u32 v62, $0x3  }
0x544: {  	v35 =	vshll.u32 v35, v1  }
0x545: {  	v35 =	vbroadcast v35, $0x0  }
0x546: {  	[tilespmem:v61+s13+$0x0] =	vst.idx.msk $0xffff, v33  }
0x547: {  	v63 =	vadd.s32 v9, v35;
	v33 =	vld [tilespmem:s11+$0xFFFFFF80];
	_ =	sdelay $0x4  }
0x548: {  	[tilespmem:v63+s13+$0x0] =	vst.idx.msk $0xffff, v33  }
0x549: {  	v36 =	vadd.s32 v10, v35;
	v33 =	vld [tilespmem:s11+$0xFFFFFF90];
	_ =	sdelay $0x4  }
0x54a: {  	[tilespmem:v36+s13+$0x0] =	vst.idx.msk $0xffff, v33  }
0x54b: {  	v37 =	vadd.s32 v11, v35;
	v33 =	vld [tilespmem:s11+$0xFFFFFFA0];
	_ =	sdelay $0x4  }
0x54c: {  	[tilespmem:v37+s13+$0x0] =	vst.idx.msk $0xffff, v33  }
0x54d: {  	s18 =	sadd.s32 $0xFFFFFFFC, s15;
	v38 =	vadd.s32 v12, v35;
	v33 =	vld [tilespmem:s11+$0xFFFFFFB0]  }
0x54e: {  	v39 =	vmov s18  }
0x54f: {  	v35 =	vshrl.u32 v39, $0x3  }
0x550: {  	v35 =	vshll.u32 v35, v1  }
0x551: {  	v35 =	vbroadcast v35, $0x0  }
0x552: {  	[tilespmem:v38+s13+$0x0] =	vst.idx.msk $0xffff, v33  }
0x553: {  	v40 =	vadd.s32 v13, v35;
	v33 =	vld [tilespmem:s11+$0xFFFFFFC0];
	_ =	sdelay $0x4  }
0x554: {  	[tilespmem:v40+s13+$0x0] =	vst.idx.msk $0xffff, v33  }
0x555: {  	v41 =	vadd.s32 v14, v35;
	v33 =	vld [tilespmem:s11+$0xFFFFFFD0];
	_ =	sdelay $0x4  }
0x556: {  	[tilespmem:v41+s13+$0x0] =	vst.idx.msk $0xffff, v33  }
0x557: {  	v42 =	vadd.s32 v15, v35;
	v33 =	vld [tilespmem:s11+$0xFFFFFFE0];
	_ =	sdelay $0x4  }
0x558: {  	[tilespmem:v42+s13+$0x0] =	vst.idx.msk $0xffff, v33  }
0x559: {  	s20 =	sadd.s32 $0xFFFFFFFD, s15;
	v43 =	vadd.s32 v16, v35;
	v33 =	vld [tilespmem:s11+$0xFFFFFFF0]  }
0x55a: {  	v44 =	vmov s20  }
0x55b: {  	v35 =	vshrl.u32 v44, $0x3  }
0x55c: {  	v35 =	vshll.u32 v35, v1  }
0x55d: {  	v35 =	vbroadcast v35, $0x0  }
0x55e: {  	[tilespmem:v43+s13+$0x0] =	vst.idx.msk $0xffff, v33  }
0x55f: {  	v45 =	vadd.s32 v17, v35;
	v33 =	vld [tilespmem:s11+$0x0];
	_ =	sdelay $0x4  }
0x560: {  	[tilespmem:v45+s13+$0x0] =	vst.idx.msk $0xffff, v33  }
0x561: {  	v46 =	vadd.s32 v18, v35;
	v33 =	vld [tilespmem:s11+$0x10];
	_ =	sdelay $0x4  }
0x562: {  	[tilespmem:v46+s13+$0x0] =	vst.idx.msk $0xffff, v33  }
0x563: {  	v47 =	vadd.s32 v19, v35;
	v33 =	vld [tilespmem:s11+$0x20];
	_ =	sdelay $0x4  }
0x564: {  	[tilespmem:v47+s13+$0x0] =	vst.idx.msk $0xffff, v33  }
0x565: {  	s22 =	sadd.s32 $0xFFFFFFFE, s15;
	v48 =	vadd.s32 v20, v35;
	v33 =	vld [tilespmem:s11+$0x30]  }
0x566: {  	v49 =	vmov s22  }
0x567: {  	v35 =	vshrl.u32 v49, $0x3  }
0x568: {  	v35 =	vshll.u32 v35, v1  }
0x569: {  	v35 =	vbroadcast v35, $0x0  }
0x56a: {  	[tilespmem:v48+s13+$0x0] =	vst.idx.msk $0xffff, v33  }
0x56b: {  	v50 =	vadd.s32 v21, v35;
	v33 =	vld [tilespmem:s11+$0x40];
	_ =	sdelay $0x4  }
0x56c: {  	[tilespmem:v50+s13+$0x0] =	vst.idx.msk $0xffff, v33  }
0x56d: {  	v51 =	vadd.s32 v22, v35;
	v33 =	vld [tilespmem:s11+$0x50];
	_ =	sdelay $0x4  }
0x56e: {  	[tilespmem:v51+s13+$0x0] =	vst.idx.msk $0xffff, v33  }
0x56f: {  	v52 =	vadd.s32 v23, v35;
	v33 =	vld [tilespmem:s11+$0x60];
	_ =	sdelay $0x4  }
0x570: {  	[tilespmem:v52+s13+$0x0] =	vst.idx.msk $0xffff, v33  }
0x571: {  	s18 =	sadd.s32 $0xFFFFFFFF, s15;
	v53 =	vadd.s32 v24, v35;
	v33 =	vld [tilespmem:s11+$0x70]  }
0x572: {  	v54 =	vmov s18  }
0x573: {  	v35 =	vshrl.u32 v54, $0x3  }
0x574: {  	v35 =	vshll.u32 v35, v1  }
0x575: {  	v35 =	vbroadcast v35, $0x0  }
0x576: {  	[tilespmem:v53+s13+$0x0] =	vst.idx.msk $0xffff, v33  }
0x577: {  	v55 =	vadd.s32 v25, v35;
	v33 =	vld [tilespmem:s11+$0x80];
	_ =	sdelay $0x4  }
0x578: {  	[tilespmem:v55+s13+$0x0] =	vst.idx.msk $0xffff, v33  }
0x579: {  	v56 =	vadd.s32 v26, v35;
	v33 =	vld [tilespmem:s11+$0x90];
	_ =	sdelay $0x4  }
0x57a: {  	[tilespmem:v56+s13+$0x0] =	vst.idx.msk $0xffff, v33  }
0x57b: {  	v57 =	vadd.s32 v27, v35;
	v33 =	vld [tilespmem:s11+$0xA0];
	_ =	sdelay $0x4  }
0x57c: {  	[tilespmem:v57+s13+$0x0] =	vst.idx.msk $0xffff, v33  }
0x57d: {  	v58 =	vadd.s32 v28, v35;
	v33 =	vld [tilespmem:s11+$0xB0]  }
0x57e: {  	v59 =	vmov s15  }
0x57f: {  	v35 =	vshrl.u32 v59, $0x3  }
0x580: {  	v35 =	vshll.u32 v35, v1  }
0x581: {  	v35 =	vbroadcast v35, $0x0  }
0x582: {  	[tilespmem:v58+s13+$0x0] =	vst.idx.msk $0xffff, v33  }
0x583: {  	v60 =	vadd.s32 v29, v35;
	v33 =	vld [tilespmem:s11+$0xC0];
	_ =	sdelay $0x4  }
0x584: {  	[tilespmem:v60+s13+$0x0] =	vst.idx.msk $0xffff, v33  }
0x585: {  	v61 =	vadd.s32 v30, v35;
	v33 =	vld [tilespmem:s11+$0xD0];
	_ =	sdelay $0x4  }
0x586: {  	[tilespmem:v61+s13+$0x0] =	vst.idx.msk $0xffff, v33  }
0x587: {  	v62 =	vadd.s32 v31, v35;
	v33 =	vld [tilespmem:s11+$0xE0];
	_ =	sdelay $0x4  }
0x588: {  	[tilespmem:v62+s13+$0x0] =	vst.idx.msk $0xffff, v33  }
0x589: {  	v63 =	vadd.s32 v32, v35;
	v33 =	vld [tilespmem:s11+$0xF0];
	_ =	sdelay $0x2  }
0x58a: {  	s20 =	sadd.s32 s9, s6  }
0x58b: {  	s11 =	sshrl.u32 s20, $0x3  }
0x58c: {  	s22 =	simm.s32 $0x16A00;
	s15 =	sadd.s32 s2, s11;
	[tilespmem:v63+s13+$0x0] =	vst.idx.msk $0xffff, v33  }
0x58d: {  	[hbm4b:s15+s3] =	stream.linear.scatter [tilespmem:s22], [sflag:$0x9], $0x80, $0x38;
	[tilespmem:$0x1AE00] =	vst v63  }
0x58e: {  	s16 =	simm.s32 $0x16A88;
	s18 =	sadd.s32 $0x10, s15  }
0x58f: {  	[hbm4b:s18+s3] =	stream.linear.scatter [tilespmem:s16], [sflag:$0x9], $0x80, $0x38;
	[tilespmem:$0x1AE00] =	vst v63  }
0x590: {  	s20 =	simm.s32 $0x16B10;
	s22 =	sadd.s32 $0x20, s15  }
0x591: {  	[hbm4b:s22+s3] =	stream.linear.scatter [tilespmem:s20], [sflag:$0x9], $0x80, $0x38;
	[tilespmem:$0x1AE00] =	vst v63  }
0x592: {  	s16 =	simm.s32 $0x16B98;
	s18 =	sadd.s32 $0x30, s15  }
0x593: {  	[hbm4b:s18+s3] =	stream.linear.scatter [tilespmem:s16], [sflag:$0x9], $0x80, $0x38;
	[tilespmem:$0x1AE00] =	vst v63  }
0x594: {  	s20 =	simm.s32 $0x16C20;
	s22 =	sadd.s32 $0x40, s15  }
0x595: {  	[hbm4b:s22+s3] =	stream.linear.scatter [tilespmem:s20], [sflag:$0x9], $0x80, $0x38;
	[tilespmem:$0x1AE00] =	vst v63  }
0x596: {  	s11 =	simm.s32 $0x440;
	s16 =	simm.s32 $0x16CA8;
	s18 =	sadd.s32 $0x50, s15  }
0x597: {  	[hbm4b:s18+s3] =	stream.linear.scatter [tilespmem:s16], [sflag:$0x9], $0x80, $0x38;
	[tilespmem:$0x1AE00] =	vst v63  }
0x598: {  	s20 =	simm.s32 $0x16D30;
	s22 =	sadd.s32 $0x60, s15;
	s16 =	simm.s32 $0x2200  }
0x599: {  	[hbm4b:s22+s3] =	stream.linear.scatter [tilespmem:s20], [sflag:$0x9], $0x80, $0x38;
	[tilespmem:$0x1AE00] =	vst v63  }
0x59a: {  	s18 =	simm.s32 $0x16DB8;
	s20 =	sadd.s32 $0x70, s15;
	s15 =	sadd.s32 $0x1000, s15  }
.LBB2_29:
0x59b: {  	[hbm4b:s20+s3] =	stream.linear.scatter [tilespmem:s18], [sflag:$0x9], $0x80, $0x38;
	[tilespmem:$0x1AE00] =	vst v63  }
0x59c: {  	s18 =	smov.u32 s11;
	s11 =	smov.u32 s16  }
0x59d: {  	s22 =	sadd.s32 $0x1100, s16;
	s11 =	sshra.s32 s11, $0x2;
	s20 =	sadd.s32 $0x16A00, s18  }
0x59e: {  	[hbm4b:s15+s3] =	stream.linear.scatter [tilespmem:s20], [sflag:$0x9], $0x80, $0x38;
	[tilespmem:$0x1AE00] =	vst v63  }
0x59f: {  	p2 =	sne.s32 s16, $0x7700;
	s16 =	sadd.s32 $0x16A88, s18;
	s20 =	sadd.s32 $0x10, s15  }
0x5a0: {  	[hbm4b:s20+s3] =	stream.linear.scatter [tilespmem:s16], [sflag:$0x9], $0x80, $0x38;
	[tilespmem:$0x1AE00] =	vst v63  }
0x5a1: {  	s16 =	sadd.s32 $0x16B10, s18;
	s20 =	sadd.s32 $0x20, s15  }
0x5a2: {  	[hbm4b:s20+s3] =	stream.linear.scatter [tilespmem:s16], [sflag:$0x9], $0x80, $0x38;
	[tilespmem:$0x1AE00] =	vst v63  }
0x5a3: {  	s16 =	sadd.s32 $0x16B98, s18;
	s20 =	sadd.s32 $0x30, s15  }
0x5a4: {  	[hbm4b:s20+s3] =	stream.linear.scatter [tilespmem:s16], [sflag:$0x9], $0x80, $0x38;
	[tilespmem:$0x1AE00] =	vst v63  }
0x5a5: {  	s16 =	sadd.s32 $0x16C20, s18;
	s20 =	sadd.s32 $0x40, s15  }
0x5a6: {  	[hbm4b:s20+s3] =	stream.linear.scatter [tilespmem:s16], [sflag:$0x9], $0x80, $0x38;
	[tilespmem:$0x1AE00] =	vst v63  }
.Ltmp18:
0x5a7: {  	s16 =	sadd.s32 $0x16CA8, s18;
	s20 =	sadd.s32 $0x50, s15;
	(pc) =	sbr.rel @p2 .LBB2_29-.Ltmp18, $4  }
0x5a8: {  	[hbm4b:s20+s3] =	stream.linear.scatter [tilespmem:s16], [sflag:$0x9], $0x80, $0x38;
	[tilespmem:$0x1AE00] =	vst v63  }
0x5a9: {  	s16 =	sadd.s32 $0x16D30, s18;
	s20 =	sadd.s32 $0x60, s15;
	s18 =	sadd.s32 $0x16DB8, s18  }
0x5aa: {  	[hbm4b:s20+s3] =	stream.linear.scatter [tilespmem:s16], [sflag:$0x9], $0x80, $0x38;
	[tilespmem:$0x1AE00] =	vst v63  }
0x5ab: {  	s20 =	sadd.s32 $0x70, s15;
	s15 =	sadd.s32 $0x1000, s15;
	s16 =	smov.u32 s22  }
0x5ac: {  	[hbm4b:s20+s3] =	stream.linear.scatter [tilespmem:s18], [sflag:$0x9], $0x80, $0x38;
	[tilespmem:$0x1AE00] =	vst v63  }
0x5ad: {  	s16 =	sadd.s32 $0x16A00, s11  }
0x5ae: {  	[hbm4b:s15+s3] =	stream.linear.scatter [tilespmem:s16], [sflag:$0x9], $0x80, $0x38;
	[tilespmem:$0x1AE00] =	vst v63  }
0x5af: {  	s20 =	sadd.s32 $0x16A88, s11;
	s22 =	sadd.s32 $0x10, s15  }
0x5b0: {  	[hbm4b:s22+s3] =	stream.linear.scatter [tilespmem:s20], [sflag:$0x9], $0x80, $0x38;
	[tilespmem:$0x1AE00] =	vst v63  }
0x5b1: {  	s20 =	sadd.s32 $0x16B10, s11;
	s22 =	sadd.s32 $0x20, s15  }
0x5b2: {  	[hbm4b:s22+s3] =	stream.linear.scatter [tilespmem:s20], [sflag:$0x9], $0x80, $0x38;
	[tilespmem:$0x1AE00] =	vst v63  }
0x5b3: {  	s20 =	sadd.s32 $0x16B98, s11;
	s22 =	sadd.s32 $0x30, s15  }
0x5b4: {  	[hbm4b:s22+s3] =	stream.linear.scatter [tilespmem:s20], [sflag:$0x9], $0x80, $0x38;
	[tilespmem:$0x1AE00] =	vst v63  }
0x5b5: {  	s20 =	sadd.s32 $0x16C20, s11;
	s22 =	sadd.s32 $0x40, s15  }
0x5b6: {  	[hbm4b:s22+s3] =	stream.linear.scatter [tilespmem:s20], [sflag:$0x9], $0x80, $0x38;
	[tilespmem:$0x1AE00] =	vst v63  }
0x5b7: {  	s20 =	sadd.s32 $0x16CA8, s11;
	s22 =	sadd.s32 $0x50, s15  }
0x5b8: {  	[hbm4b:s22+s3] =	stream.linear.scatter [tilespmem:s20], [sflag:$0x9], $0x80, $0x38;
	[tilespmem:$0x1AE00] =	vst v63  }
.Ltmp19:
0x5b9: {  	_ = 	snop;
	(pc) =	sbr.rel @p1 .LBB2_32-.Ltmp19, $4  }
0x5ba: {  	s20 =	sadd.s32 $0x16D30, s11;
	s22 =	sadd.s32 $0x60, s15  }
0x5bb: {  	[hbm4b:s22+s3] =	stream.linear.scatter [tilespmem:s20], [sflag:$0x9], $0x80, $0x38;
	[tilespmem:$0x1AE00] =	vst v63  }
0x5bc: {  	s20 =	sadd.s32 $0x16DB8, s11;
	s22 =	sadd.s32 $0x70, s15  }
0x5bd: {  	[hbm4b:s22+s3] =	stream.linear.scatter [tilespmem:s20], [sflag:$0x9], $0x80, $0x38;
	[tilespmem:$0x1AE00] =	vst v63  }
.Ltmp20:
0x5be: {  	(pc) =	sbr.rel .LBB2_33-.Ltmp20, $4  }
0x5bf: {  	_ = 	snop  }
0x5c0: {  	_ =	swait.ge [sflag:s17], $0x2000  }
0x5c1: {  	[sflag:s17] =	ssyncset.done $0x0  }
0x5c2: {  	[sflag:s17] =	ssyncadd.s32 $0xFFFFE000  }
.LBB2_32:
0x5c3: {  	s11 =	smul.u32 $0xA00, s14;
	_ =	sdelay $0x1  }
0x5c4: {  	s11 =	sshra.s32 s11, $0x2  }
.Ltmp21:
0x5c5: {  	s15 =	simm.s32 $0xC400;
	s11 =	sadd.s32 $0x400, s11;
	(pc) =	sbr.rel @p0 .LBB2_34-.Ltmp21, $4  }
0x5c6: {  	[tilespmem:s15], [sflag:$0x4] =	stream.indirect.gather [hbm4b:s4+s12], $0x40, s11, s12, $0xb8;
	[tilespmem:$0x1AE00] =	vst v63  }
0x5c7: {  	_ =	swait.ge [sflag:s17], $0x2000  }
0x5c8: {  	[sflag:s17] =	ssyncset.done $0x0  }
0x5c9: {  	[sflag:s17] =	ssyncadd.s32 $0xFFFFE000  }
.LBB2_33:
0x5ca: {  	_ =	swait.ge [sflag:s19], $0x2000  }
0x5cb: {  	[sflag:s19] =	ssyncset.done $0x0  }
0x5cc: {  	[sflag:s19] =	ssyncadd.s32 $0xFFFFE000  }
.LBB2_34:
0x5cd: {  	s11 =	simm.s32 $0x0  }
0x5ce: {  	v33 =	vmov s11  }
0x5cf: {  	v33 =	vshrl.u32 v33, $0x3  }
0x5d0: {  	v33 =	vshll.u32 v33, v1  }
0x5d1: {  	v33 =	vbroadcast v33, $0x0  }
0x5d2: {  	s11 =	simm.s32 $0xE500  }
0x5d3: {  	v34 =	vld [tilespmem:s11+$0xFFFFFF00];
	v35 =	vadd.s32 v0, v33;
	_ =	sdelay $0x4  }
0x5d4: {  	[tilespmem:v35+s21+$0x0] =	vst.idx.msk $0xffff, v34  }
0x5d5: {  	v56 =	vadd.s32 v2, v33;
	v34 =	vld [tilespmem:s11+$0xFFFFFF10];
	_ =	sdelay $0x4  }
0x5d6: {  	[tilespmem:v56+s21+$0x0] =	vst.idx.msk $0xffff, v34  }
0x5d7: {  	v57 =	vadd.s32 v3, v33;
	v34 =	vld [tilespmem:s11+$0xFFFFFF20];
	_ =	sdelay $0x4  }
0x5d8: {  	[tilespmem:v57+s21+$0x0] =	vst.idx.msk $0xffff, v34  }
0x5d9: {  	s15 =	simm.s32 $0x1;
	v33 =	vadd.s32 v4, v33;
	v34 =	vld [tilespmem:s11+$0xFFFFFF30]  }
0x5da: {  	v58 =	vmov s15  }
0x5db: {  	v35 =	vshrl.u32 v58, $0x3  }
0x5dc: {  	v35 =	vshll.u32 v35, v1  }
0x5dd: {  	v35 =	vbroadcast v35, $0x0  }
0x5de: {  	[tilespmem:v33+s21+$0x0] =	vst.idx.msk $0xffff, v34  }
0x5df: {  	v59 =	vadd.s32 v5, v35;
	v33 =	vld [tilespmem:s11+$0xFFFFFF40];
	_ =	sdelay $0x4  }
0x5e0: {  	[tilespmem:v59+s21+$0x0] =	vst.idx.msk $0xffff, v33  }
0x5e1: {  	v60 =	vadd.s32 v6, v35;
	v33 =	vld [tilespmem:s11+$0xFFFFFF50];
	_ =	sdelay $0x4  }
0x5e2: {  	[tilespmem:v60+s21+$0x0] =	vst.idx.msk $0xffff, v33  }
0x5e3: {  	v61 =	vadd.s32 v7, v35;
	v33 =	vld [tilespmem:s11+$0xFFFFFF60];
	_ =	sdelay $0x4  }
0x5e4: {  	[tilespmem:v61+s21+$0x0] =	vst.idx.msk $0xffff, v33  }
0x5e5: {  	s20 =	simm.s32 $0x2;
	v62 =	vadd.s32 v8, v35;
	v33 =	vld [tilespmem:s11+$0xFFFFFF70]  }
0x5e6: {  	v63 =	vmov s20  }
0x5e7: {  	v35 =	vshrl.u32 v63, $0x3  }
0x5e8: {  	v35 =	vshll.u32 v35, v1  }
0x5e9: {  	v35 =	vbroadcast v35, $0x0  }
0x5ea: {  	[tilespmem:v62+s21+$0x0] =	vst.idx.msk $0xffff, v33  }
0x5eb: {  	v36 =	vadd.s32 v9, v35;
	v33 =	vld [tilespmem:s11+$0xFFFFFF80];
	_ =	sdelay $0x4  }
0x5ec: {  	[tilespmem:v36+s21+$0x0] =	vst.idx.msk $0xffff, v33  }
0x5ed: {  	v37 =	vadd.s32 v10, v35;
	v33 =	vld [tilespmem:s11+$0xFFFFFF90];
	_ =	sdelay $0x4  }
0x5ee: {  	[tilespmem:v37+s21+$0x0] =	vst.idx.msk $0xffff, v33  }
0x5ef: {  	v38 =	vadd.s32 v11, v35;
	v33 =	vld [tilespmem:s11+$0xFFFFFFA0];
	_ =	sdelay $0x4  }
0x5f0: {  	[tilespmem:v38+s21+$0x0] =	vst.idx.msk $0xffff, v33  }
0x5f1: {  	s22 =	simm.s32 $0x3;
	v39 =	vadd.s32 v12, v35;
	v33 =	vld [tilespmem:s11+$0xFFFFFFB0]  }
0x5f2: {  	v40 =	vmov s22  }
0x5f3: {  	v35 =	vshrl.u32 v40, $0x3  }
0x5f4: {  	v35 =	vshll.u32 v35, v1  }
0x5f5: {  	v35 =	vbroadcast v35, $0x0  }
0x5f6: {  	[tilespmem:v39+s21+$0x0] =	vst.idx.msk $0xffff, v33  }
0x5f7: {  	v41 =	vadd.s32 v13, v35;
	v33 =	vld [tilespmem:s11+$0xFFFFFFC0];
	_ =	sdelay $0x4  }
0x5f8: {  	[tilespmem:v41+s21+$0x0] =	vst.idx.msk $0xffff, v33  }
0x5f9: {  	v42 =	vadd.s32 v14, v35;
	v33 =	vld [tilespmem:s11+$0xFFFFFFD0];
	_ =	sdelay $0x4  }
0x5fa: {  	[tilespmem:v42+s21+$0x0] =	vst.idx.msk $0xffff, v33  }
0x5fb: {  	v43 =	vadd.s32 v15, v35;
	v33 =	vld [tilespmem:s11+$0xFFFFFFE0];
	_ =	sdelay $0x4  }
0x5fc: {  	[tilespmem:v43+s21+$0x0] =	vst.idx.msk $0xffff, v33  }
0x5fd: {  	s16 =	simm.s32 $0x4;
	v44 =	vadd.s32 v16, v35;
	v33 =	vld [tilespmem:s11+$0xFFFFFFF0]  }
0x5fe: {  	v45 =	vmov s16  }
0x5ff: {  	v35 =	vshrl.u32 v45, $0x3  }
0x600: {  	v35 =	vshll.u32 v35, v1  }
0x601: {  	v35 =	vbroadcast v35, $0x0  }
0x602: {  	[tilespmem:v44+s21+$0x0] =	vst.idx.msk $0xffff, v33  }
0x603: {  	v46 =	vadd.s32 v17, v35;
	v33 =	vld [tilespmem:s11+$0x0];
	_ =	sdelay $0x4  }
0x604: {  	[tilespmem:v46+s21+$0x0] =	vst.idx.msk $0xffff, v33  }
0x605: {  	v47 =	vadd.s32 v18, v35;
	v33 =	vld [tilespmem:s11+$0x10];
	_ =	sdelay $0x4  }
0x606: {  	[tilespmem:v47+s21+$0x0] =	vst.idx.msk $0xffff, v33  }
0x607: {  	v48 =	vadd.s32 v19, v35;
	v33 =	vld [tilespmem:s11+$0x20];
	_ =	sdelay $0x4  }
0x608: {  	[tilespmem:v48+s21+$0x0] =	vst.idx.msk $0xffff, v33  }
0x609: {  	s18 =	simm.s32 $0x5;
	v49 =	vadd.s32 v20, v35;
	v33 =	vld [tilespmem:s11+$0x30]  }
0x60a: {  	v50 =	vmov s18  }
0x60b: {  	v35 =	vshrl.u32 v50, $0x3  }
0x60c: {  	v35 =	vshll.u32 v35, v1  }
0x60d: {  	v35 =	vbroadcast v35, $0x0  }
0x60e: {  	[tilespmem:v49+s21+$0x0] =	vst.idx.msk $0xffff, v33  }
0x60f: {  	v51 =	vadd.s32 v21, v35;
	v33 =	vld [tilespmem:s11+$0x40];
	_ =	sdelay $0x4  }
0x610: {  	[tilespmem:v51+s21+$0x0] =	vst.idx.msk $0xffff, v33  }
0x611: {  	v52 =	vadd.s32 v22, v35;
	v33 =	vld [tilespmem:s11+$0x50];
	_ =	sdelay $0x4  }
0x612: {  	[tilespmem:v52+s21+$0x0] =	vst.idx.msk $0xffff, v33  }
0x613: {  	v53 =	vadd.s32 v23, v35;
	v33 =	vld [tilespmem:s11+$0x60];
	_ =	sdelay $0x4  }
0x614: {  	[tilespmem:v53+s21+$0x0] =	vst.idx.msk $0xffff, v33  }
0x615: {  	s20 =	simm.s32 $0x6;
	v54 =	vadd.s32 v24, v35;
	v33 =	vld [tilespmem:s11+$0x70]  }
0x616: {  	v55 =	vmov s20  }
0x617: {  	v35 =	vshrl.u32 v55, $0x3  }
0x618: {  	v35 =	vshll.u32 v35, v1  }
0x619: {  	v35 =	vbroadcast v35, $0x0  }
0x61a: {  	[tilespmem:v54+s21+$0x0] =	vst.idx.msk $0xffff, v33  }
0x61b: {  	v56 =	vadd.s32 v25, v35;
	v33 =	vld [tilespmem:s11+$0x80];
	_ =	sdelay $0x4  }
0x61c: {  	[tilespmem:v56+s21+$0x0] =	vst.idx.msk $0xffff, v33  }
0x61d: {  	v57 =	vadd.s32 v26, v35;
	v33 =	vld [tilespmem:s11+$0x90];
	_ =	sdelay $0x4  }
0x61e: {  	[tilespmem:v57+s21+$0x0] =	vst.idx.msk $0xffff, v33  }
0x61f: {  	v58 =	vadd.s32 v27, v35;
	v33 =	vld [tilespmem:s11+$0xA0];
	_ =	sdelay $0x4  }
0x620: {  	[tilespmem:v58+s21+$0x0] =	vst.idx.msk $0xffff, v33  }
0x621: {  	s22 =	simm.s32 $0x7;
	v59 =	vadd.s32 v28, v35;
	v33 =	vld [tilespmem:s11+$0xB0]  }
0x622: {  	v60 =	vmov s22  }
0x623: {  	v35 =	vshrl.u32 v60, $0x3  }
0x624: {  	v35 =	vshll.u32 v35, v1  }
0x625: {  	v35 =	vbroadcast v35, $0x0  }
0x626: {  	[tilespmem:v59+s21+$0x0] =	vst.idx.msk $0xffff, v33  }
0x627: {  	v61 =	vadd.s32 v29, v35;
	v33 =	vld [tilespmem:s11+$0xC0];
	_ =	sdelay $0x4  }
0x628: {  	[tilespmem:v61+s21+$0x0] =	vst.idx.msk $0xffff, v33  }
0x629: {  	v62 =	vadd.s32 v30, v35;
	v33 =	vld [tilespmem:s11+$0xD0];
	_ =	sdelay $0x4  }
0x62a: {  	[tilespmem:v62+s21+$0x0] =	vst.idx.msk $0xffff, v33  }
0x62b: {  	v63 =	vadd.s32 v31, v35;
	v33 =	vld [tilespmem:s11+$0xE0];
	_ =	sdelay $0x4  }
0x62c: {  	[tilespmem:v63+s21+$0x0] =	vst.idx.msk $0xffff, v33  }
0x62d: {  	s15 =	simm.s32 $0xF;
	s18 =	simm.s32 $0x8;
	s16 =	simm.s32 $0x17;
	v34 =	vadd.s32 v32, v35;
	v33 =	vld [tilespmem:s11+$0xF0]  }
.LBB2_35:
0x62e: {  	p0 =	sne.s32 s16, $0x7F;
	v35 =	vmov s18  }
0x62f: {  	v35 =	vshrl.u32 v35, $0x3  }
0x630: {  	v35 =	vshll.u32 v35, v1  }
0x631: {  	v35 =	vbroadcast v35, $0x0  }
0x632: {  	s11 =	sadd.s32 $0x200, s11;
	[tilespmem:v34+s21+$0x0] =	vst.idx.msk $0xffff, v33  }
0x633: {  	v33 =	vld [tilespmem:s11+$0xFFFFFF00];
	v34 =	vadd.s32 v0, v35;
	_ =	sdelay $0x4  }
0x634: {  	[tilespmem:v34+s21+$0x0] =	vst.idx.msk $0xffff, v33  }
0x635: {  	v34 =	vadd.s32 v2, v35;
	v33 =	vld [tilespmem:s11+$0xFFFFFF10];
	_ =	sdelay $0x4  }
0x636: {  	[tilespmem:v34+s21+$0x0] =	vst.idx.msk $0xffff, v33  }
0x637: {  	v34 =	vadd.s32 v3, v35;
	v33 =	vld [tilespmem:s11+$0xFFFFFF20];
	_ =	sdelay $0x4  }
0x638: {  	[tilespmem:v34+s21+$0x0] =	vst.idx.msk $0xffff, v33  }
0x639: {  	s18 =	sadd.s32 $0xFFFFFFFA, s15;
	v34 =	vadd.s32 v4, v35;
	v33 =	vld [tilespmem:s11+$0xFFFFFF30]  }
0x63a: {  	v35 =	vmov s18  }
0x63b: {  	v35 =	vshrl.u32 v35, $0x3  }
0x63c: {  	v35 =	vshll.u32 v35, v1  }
0x63d: {  	v35 =	vbroadcast v35, $0x0  }
0x63e: {  	[tilespmem:v34+s21+$0x0] =	vst.idx.msk $0xffff, v33  }
0x63f: {  	v34 =	vadd.s32 v5, v35;
	v33 =	vld [tilespmem:s11+$0xFFFFFF40];
	_ =	sdelay $0x4  }
0x640: {  	[tilespmem:v34+s21+$0x0] =	vst.idx.msk $0xffff, v33  }
0x641: {  	v34 =	vadd.s32 v6, v35;
	v33 =	vld [tilespmem:s11+$0xFFFFFF50];
	_ =	sdelay $0x4  }
0x642: {  	[tilespmem:v34+s21+$0x0] =	vst.idx.msk $0xffff, v33  }
0x643: {  	v34 =	vadd.s32 v7, v35;
	v33 =	vld [tilespmem:s11+$0xFFFFFF60];
	_ =	sdelay $0x4  }
0x644: {  	[tilespmem:v34+s21+$0x0] =	vst.idx.msk $0xffff, v33  }
0x645: {  	s18 =	sadd.s32 $0xFFFFFFFB, s15;
	v34 =	vadd.s32 v8, v35;
	v33 =	vld [tilespmem:s11+$0xFFFFFF70]  }
0x646: {  	v35 =	vmov s18  }
0x647: {  	v35 =	vshrl.u32 v35, $0x3  }
0x648: {  	v35 =	vshll.u32 v35, v1  }
0x649: {  	v35 =	vbroadcast v35, $0x0  }
0x64a: {  	[tilespmem:v34+s21+$0x0] =	vst.idx.msk $0xffff, v33  }
0x64b: {  	v34 =	vadd.s32 v9, v35;
	v33 =	vld [tilespmem:s11+$0xFFFFFF80];
	_ =	sdelay $0x4  }
0x64c: {  	[tilespmem:v34+s21+$0x0] =	vst.idx.msk $0xffff, v33  }
0x64d: {  	v34 =	vadd.s32 v10, v35;
	v33 =	vld [tilespmem:s11+$0xFFFFFF90];
	_ =	sdelay $0x4  }
0x64e: {  	[tilespmem:v34+s21+$0x0] =	vst.idx.msk $0xffff, v33  }
0x64f: {  	v34 =	vadd.s32 v11, v35;
	v33 =	vld [tilespmem:s11+$0xFFFFFFA0];
	_ =	sdelay $0x4  }
0x650: {  	[tilespmem:v34+s21+$0x0] =	vst.idx.msk $0xffff, v33  }
0x651: {  	s18 =	sadd.s32 $0xFFFFFFFC, s15;
	v34 =	vadd.s32 v12, v35;
	v33 =	vld [tilespmem:s11+$0xFFFFFFB0]  }
0x652: {  	v35 =	vmov s18  }
0x653: {  	v35 =	vshrl.u32 v35, $0x3  }
0x654: {  	v35 =	vshll.u32 v35, v1  }
0x655: {  	v35 =	vbroadcast v35, $0x0  }
0x656: {  	[tilespmem:v34+s21+$0x0] =	vst.idx.msk $0xffff, v33  }
0x657: {  	v34 =	vadd.s32 v13, v35;
	v33 =	vld [tilespmem:s11+$0xFFFFFFC0];
	_ =	sdelay $0x4  }
0x658: {  	[tilespmem:v34+s21+$0x0] =	vst.idx.msk $0xffff, v33  }
0x659: {  	v34 =	vadd.s32 v14, v35;
	v33 =	vld [tilespmem:s11+$0xFFFFFFD0];
	_ =	sdelay $0x4  }
0x65a: {  	[tilespmem:v34+s21+$0x0] =	vst.idx.msk $0xffff, v33  }
0x65b: {  	v34 =	vadd.s32 v15, v35;
	v33 =	vld [tilespmem:s11+$0xFFFFFFE0];
	_ =	sdelay $0x4  }
0x65c: {  	[tilespmem:v34+s21+$0x0] =	vst.idx.msk $0xffff, v33  }
0x65d: {  	s18 =	sadd.s32 $0xFFFFFFFD, s15;
	v34 =	vadd.s32 v16, v35;
	v33 =	vld [tilespmem:s11+$0xFFFFFFF0]  }
0x65e: {  	v35 =	vmov s18  }
0x65f: {  	v35 =	vshrl.u32 v35, $0x3  }
0x660: {  	v35 =	vshll.u32 v35, v1  }
0x661: {  	v35 =	vbroadcast v35, $0x0  }
0x662: {  	[tilespmem:v34+s21+$0x0] =	vst.idx.msk $0xffff, v33  }
0x663: {  	v34 =	vadd.s32 v17, v35;
	v33 =	vld [tilespmem:s11+$0x0];
	_ =	sdelay $0x4  }
0x664: {  	[tilespmem:v34+s21+$0x0] =	vst.idx.msk $0xffff, v33  }
0x665: {  	v34 =	vadd.s32 v18, v35;
	v33 =	vld [tilespmem:s11+$0x10];
	_ =	sdelay $0x4  }
0x666: {  	[tilespmem:v34+s21+$0x0] =	vst.idx.msk $0xffff, v33  }
0x667: {  	v34 =	vadd.s32 v19, v35;
	v33 =	vld [tilespmem:s11+$0x20];
	_ =	sdelay $0x4  }
0x668: {  	[tilespmem:v34+s21+$0x0] =	vst.idx.msk $0xffff, v33  }
0x669: {  	s18 =	sadd.s32 $0xFFFFFFFE, s15;
	v34 =	vadd.s32 v20, v35;
	v33 =	vld [tilespmem:s11+$0x30]  }
0x66a: {  	v35 =	vmov s18  }
0x66b: {  	v35 =	vshrl.u32 v35, $0x3  }
0x66c: {  	v35 =	vshll.u32 v35, v1  }
0x66d: {  	v35 =	vbroadcast v35, $0x0  }
0x66e: {  	[tilespmem:v34+s21+$0x0] =	vst.idx.msk $0xffff, v33  }
0x66f: {  	v34 =	vadd.s32 v21, v35;
	v33 =	vld [tilespmem:s11+$0x40];
	_ =	sdelay $0x4  }
0x670: {  	[tilespmem:v34+s21+$0x0] =	vst.idx.msk $0xffff, v33  }
0x671: {  	v34 =	vadd.s32 v22, v35;
	v33 =	vld [tilespmem:s11+$0x50];
	_ =	sdelay $0x4  }
0x672: {  	[tilespmem:v34+s21+$0x0] =	vst.idx.msk $0xffff, v33  }
0x673: {  	v34 =	vadd.s32 v23, v35;
	v33 =	vld [tilespmem:s11+$0x60];
	_ =	sdelay $0x4  }
0x674: {  	[tilespmem:v34+s21+$0x0] =	vst.idx.msk $0xffff, v33  }
0x675: {  	s18 =	sadd.s32 $0xFFFFFFFF, s15;
	v34 =	vadd.s32 v24, v35;
	v33 =	vld [tilespmem:s11+$0x70]  }
0x676: {  	v35 =	vmov s18  }
0x677: {  	v35 =	vshrl.u32 v35, $0x3  }
0x678: {  	v35 =	vshll.u32 v35, v1  }
0x679: {  	v35 =	vbroadcast v35, $0x0  }
0x67a: {  	[tilespmem:v34+s21+$0x0] =	vst.idx.msk $0xffff, v33  }
0x67b: {  	v34 =	vadd.s32 v25, v35;
	v33 =	vld [tilespmem:s11+$0x80];
	_ =	sdelay $0x4  }
0x67c: {  	[tilespmem:v34+s21+$0x0] =	vst.idx.msk $0xffff, v33  }
0x67d: {  	v34 =	vadd.s32 v26, v35;
	v33 =	vld [tilespmem:s11+$0x90];
	_ =	sdelay $0x4  }
0x67e: {  	[tilespmem:v34+s21+$0x0] =	vst.idx.msk $0xffff, v33  }
0x67f: {  	v34 =	vadd.s32 v27, v35;
	v33 =	vld [tilespmem:s11+$0xA0];
	_ =	sdelay $0x4  }
0x680: {  	[tilespmem:v34+s21+$0x0] =	vst.idx.msk $0xffff, v33  }
0x681: {  	v34 =	vadd.s32 v28, v35;
	v33 =	vld [tilespmem:s11+$0xB0]  }
0x682: {  	v35 =	vmov s15;
	s15 =	smov.u32 s16  }
0x683: {  	v35 =	vshrl.u32 v35, $0x3  }
0x684: {  	v35 =	vshll.u32 v35, v1  }
0x685: {  	v35 =	vbroadcast v35, $0x0  }
0x686: {  	[tilespmem:v34+s21+$0x0] =	vst.idx.msk $0xffff, v33  }
0x687: {  	v34 =	vadd.s32 v29, v35;
	v33 =	vld [tilespmem:s11+$0xC0];
	_ =	sdelay $0x4  }
0x688: {  	[tilespmem:v34+s21+$0x0] =	vst.idx.msk $0xffff, v33  }
0x689: {  	v34 =	vadd.s32 v30, v35;
	v33 =	vld [tilespmem:s11+$0xD0];
	_ =	sdelay $0x4  }
0x68a: {  	[tilespmem:v34+s21+$0x0] =	vst.idx.msk $0xffff, v33  }
0x68b: {  	v34 =	vadd.s32 v31, v35;
	v33 =	vld [tilespmem:s11+$0xE0];
	_ =	sdelay $0x1  }
.Ltmp22:
0x68c: {  	(pc) =	sbr.rel @p0 .LBB2_35-.Ltmp22, $3  }
0x68d: {  	_ =	sdelay $0x1  }
0x68e: {  	[tilespmem:v34+s21+$0x0] =	vst.idx.msk $0xffff, v33  }
0x68f: {  	s16 =	sadd.s32 $0x8, s16;
	s18 =	sadd.s32 $0xFFFFFFF9, s15;
	v34 =	vadd.s32 v32, v35;
	v33 =	vld [tilespmem:s11+$0xF0]  }
0x690: {  	v35 =	vmov s18  }
0x691: {  	v35 =	vshrl.u32 v35, $0x3  }
0x692: {  	v35 =	vshll.u32 v35, v1  }
0x693: {  	v35 =	vbroadcast v35, $0x0  }
0x694: {  	s11 =	sadd.s32 $0x200, s11;
	[tilespmem:v34+s21+$0x0] =	vst.idx.msk $0xffff, v33  }
0x695: {  	v33 =	vld [tilespmem:s11+$0xFFFFFF00];
	v53 =	vadd.s32 v0, v35;
	_ =	sdelay $0x4  }
0x696: {  	[tilespmem:v53+s21+$0x0] =	vst.idx.msk $0xffff, v33  }
0x697: {  	v54 =	vadd.s32 v2, v35;
	v33 =	vld [tilespmem:s11+$0xFFFFFF10];
	_ =	sdelay $0x4  }
0x698: {  	[tilespmem:v54+s21+$0x0] =	vst.idx.msk $0xffff, v33  }
0x699: {  	v55 =	vadd.s32 v3, v35;
	v33 =	vld [tilespmem:s11+$0xFFFFFF20];
	_ =	sdelay $0x4  }
0x69a: {  	[tilespmem:v55+s21+$0x0] =	vst.idx.msk $0xffff, v33  }
0x69b: {  	s16 =	sadd.s32 $0xFFFFFFFA, s15;
	v56 =	vadd.s32 v4, v35;
	v33 =	vld [tilespmem:s11+$0xFFFFFF30]  }
0x69c: {  	v57 =	vmov s16  }
0x69d: {  	v35 =	vshrl.u32 v57, $0x3  }
0x69e: {  	v35 =	vshll.u32 v35, v1  }
0x69f: {  	v35 =	vbroadcast v35, $0x0  }
0x6a0: {  	[tilespmem:v56+s21+$0x0] =	vst.idx.msk $0xffff, v33  }
0x6a1: {  	v58 =	vadd.s32 v5, v35;
	v33 =	vld [tilespmem:s11+$0xFFFFFF40];
	_ =	sdelay $0x4  }
0x6a2: {  	[tilespmem:v58+s21+$0x0] =	vst.idx.msk $0xffff, v33  }
0x6a3: {  	v59 =	vadd.s32 v6, v35;
	v33 =	vld [tilespmem:s11+$0xFFFFFF50];
	_ =	sdelay $0x4  }
0x6a4: {  	[tilespmem:v59+s21+$0x0] =	vst.idx.msk $0xffff, v33  }
0x6a5: {  	v60 =	vadd.s32 v7, v35;
	v33 =	vld [tilespmem:s11+$0xFFFFFF60];
	_ =	sdelay $0x4  }
0x6a6: {  	[tilespmem:v60+s21+$0x0] =	vst.idx.msk $0xffff, v33  }
0x6a7: {  	s20 =	sadd.s32 $0xFFFFFFFB, s15;
	v61 =	vadd.s32 v8, v35;
	v33 =	vld [tilespmem:s11+$0xFFFFFF70]  }
0x6a8: {  	v62 =	vmov s20  }
0x6a9: {  	v35 =	vshrl.u32 v62, $0x3  }
0x6aa: {  	v35 =	vshll.u32 v35, v1  }
0x6ab: {  	v35 =	vbroadcast v35, $0x0  }
0x6ac: {  	[tilespmem:v61+s21+$0x0] =	vst.idx.msk $0xffff, v33  }
0x6ad: {  	v63 =	vadd.s32 v9, v35;
	v33 =	vld [tilespmem:s11+$0xFFFFFF80];
	_ =	sdelay $0x4  }
0x6ae: {  	[tilespmem:v63+s21+$0x0] =	vst.idx.msk $0xffff, v33  }
0x6af: {  	v36 =	vadd.s32 v10, v35;
	v33 =	vld [tilespmem:s11+$0xFFFFFF90];
	_ =	sdelay $0x4  }
0x6b0: {  	[tilespmem:v36+s21+$0x0] =	vst.idx.msk $0xffff, v33  }
0x6b1: {  	v37 =	vadd.s32 v11, v35;
	v33 =	vld [tilespmem:s11+$0xFFFFFFA0];
	_ =	sdelay $0x4  }
0x6b2: {  	[tilespmem:v37+s21+$0x0] =	vst.idx.msk $0xffff, v33  }
0x6b3: {  	s22 =	sadd.s32 $0xFFFFFFFC, s15;
	v38 =	vadd.s32 v12, v35;
	v33 =	vld [tilespmem:s11+$0xFFFFFFB0]  }
0x6b4: {  	v39 =	vmov s22  }
0x6b5: {  	v35 =	vshrl.u32 v39, $0x3  }
0x6b6: {  	v35 =	vshll.u32 v35, v1  }
0x6b7: {  	v35 =	vbroadcast v35, $0x0  }
0x6b8: {  	[tilespmem:v38+s21+$0x0] =	vst.idx.msk $0xffff, v33  }
0x6b9: {  	v40 =	vadd.s32 v13, v35;
	v33 =	vld [tilespmem:s11+$0xFFFFFFC0];
	_ =	sdelay $0x4  }
0x6ba: {  	[tilespmem:v40+s21+$0x0] =	vst.idx.msk $0xffff, v33  }
0x6bb: {  	v41 =	vadd.s32 v14, v35;
	v33 =	vld [tilespmem:s11+$0xFFFFFFD0];
	_ =	sdelay $0x4  }
0x6bc: {  	[tilespmem:v41+s21+$0x0] =	vst.idx.msk $0xffff, v33  }
0x6bd: {  	v42 =	vadd.s32 v15, v35;
	v33 =	vld [tilespmem:s11+$0xFFFFFFE0];
	_ =	sdelay $0x4  }
0x6be: {  	[tilespmem:v42+s21+$0x0] =	vst.idx.msk $0xffff, v33  }
0x6bf: {  	s18 =	sadd.s32 $0xFFFFFFFD, s15;
	v43 =	vadd.s32 v16, v35;
	v33 =	vld [tilespmem:s11+$0xFFFFFFF0]  }
0x6c0: {  	v44 =	vmov s18  }
0x6c1: {  	v35 =	vshrl.u32 v44, $0x3  }
0x6c2: {  	v35 =	vshll.u32 v35, v1  }
0x6c3: {  	v35 =	vbroadcast v35, $0x0  }
0x6c4: {  	[tilespmem:v43+s21+$0x0] =	vst.idx.msk $0xffff, v33  }
0x6c5: {  	v45 =	vadd.s32 v17, v35;
	v33 =	vld [tilespmem:s11+$0x0];
	_ =	sdelay $0x4  }
0x6c6: {  	[tilespmem:v45+s21+$0x0] =	vst.idx.msk $0xffff, v33  }
0x6c7: {  	v46 =	vadd.s32 v18, v35;
	v33 =	vld [tilespmem:s11+$0x10];
	_ =	sdelay $0x4  }
0x6c8: {  	[tilespmem:v46+s21+$0x0] =	vst.idx.msk $0xffff, v33  }
0x6c9: {  	v47 =	vadd.s32 v19, v35;
	v33 =	vld [tilespmem:s11+$0x20];
	_ =	sdelay $0x4  }
0x6ca: {  	[tilespmem:v47+s21+$0x0] =	vst.idx.msk $0xffff, v33  }
0x6cb: {  	s20 =	sadd.s32 $0xFFFFFFFE, s15;
	v48 =	vadd.s32 v20, v35;
	v33 =	vld [tilespmem:s11+$0x30]  }
0x6cc: {  	v49 =	vmov s20  }
0x6cd: {  	v35 =	vshrl.u32 v49, $0x3  }
0x6ce: {  	v35 =	vshll.u32 v35, v1  }
0x6cf: {  	v35 =	vbroadcast v35, $0x0  }
0x6d0: {  	[tilespmem:v48+s21+$0x0] =	vst.idx.msk $0xffff, v33  }
0x6d1: {  	v50 =	vadd.s32 v21, v35;
	v33 =	vld [tilespmem:s11+$0x40];
	_ =	sdelay $0x4  }
0x6d2: {  	[tilespmem:v50+s21+$0x0] =	vst.idx.msk $0xffff, v33  }
0x6d3: {  	v51 =	vadd.s32 v22, v35;
	v33 =	vld [tilespmem:s11+$0x50];
	_ =	sdelay $0x4  }
0x6d4: {  	[tilespmem:v51+s21+$0x0] =	vst.idx.msk $0xffff, v33  }
0x6d5: {  	v52 =	vadd.s32 v23, v35;
	v33 =	vld [tilespmem:s11+$0x60];
	_ =	sdelay $0x4  }
0x6d6: {  	[tilespmem:v52+s21+$0x0] =	vst.idx.msk $0xffff, v33  }
0x6d7: {  	s22 =	sadd.s32 $0xFFFFFFFF, s15;
	v53 =	vadd.s32 v24, v35;
	v33 =	vld [tilespmem:s11+$0x70]  }
0x6d8: {  	v54 =	vmov s22  }
0x6d9: {  	v35 =	vshrl.u32 v54, $0x3  }
0x6da: {  	v35 =	vshll.u32 v35, v1  }
0x6db: {  	v35 =	vbroadcast v35, $0x0  }
0x6dc: {  	[tilespmem:v53+s21+$0x0] =	vst.idx.msk $0xffff, v33  }
0x6dd: {  	v55 =	vadd.s32 v25, v35;
	v33 =	vld [tilespmem:s11+$0x80];
	_ =	sdelay $0x4  }
0x6de: {  	[tilespmem:v55+s21+$0x0] =	vst.idx.msk $0xffff, v33  }
0x6df: {  	v56 =	vadd.s32 v26, v35;
	v33 =	vld [tilespmem:s11+$0x90];
	_ =	sdelay $0x4  }
0x6e0: {  	[tilespmem:v56+s21+$0x0] =	vst.idx.msk $0xffff, v33  }
0x6e1: {  	v57 =	vadd.s32 v27, v35;
	v33 =	vld [tilespmem:s11+$0xA0];
	_ =	sdelay $0x4  }
0x6e2: {  	[tilespmem:v57+s21+$0x0] =	vst.idx.msk $0xffff, v33  }
0x6e3: {  	v58 =	vadd.s32 v28, v35;
	v33 =	vld [tilespmem:s11+$0xB0]  }
0x6e4: {  	v59 =	vmov s15  }
0x6e5: {  	v35 =	vshrl.u32 v59, $0x3  }
0x6e6: {  	v35 =	vshll.u32 v35, v1  }
0x6e7: {  	v35 =	vbroadcast v35, $0x0  }
0x6e8: {  	[tilespmem:v58+s21+$0x0] =	vst.idx.msk $0xffff, v33  }
0x6e9: {  	v60 =	vadd.s32 v29, v35;
	v33 =	vld [tilespmem:s11+$0xC0];
	_ =	sdelay $0x4  }
0x6ea: {  	[tilespmem:v60+s21+$0x0] =	vst.idx.msk $0xffff, v33  }
0x6eb: {  	v61 =	vadd.s32 v30, v35;
	v33 =	vld [tilespmem:s11+$0xD0];
	_ =	sdelay $0x4  }
0x6ec: {  	[tilespmem:v61+s21+$0x0] =	vst.idx.msk $0xffff, v33  }
0x6ed: {  	v62 =	vadd.s32 v31, v35;
	v33 =	vld [tilespmem:s11+$0xE0];
	_ =	sdelay $0x4  }
0x6ee: {  	[tilespmem:v62+s21+$0x0] =	vst.idx.msk $0xffff, v33  }
0x6ef: {  	v63 =	vadd.s32 v32, v35;
	v33 =	vld [tilespmem:s11+$0xF0];
	_ =	sdelay $0x2  }
0x6f0: {  	s6 =	sadd.s32 s10, s6  }
0x6f1: {  	s6 =	sshrl.u32 s6, $0x3  }
0x6f2: {  	s15 =	simm.s32 $0x18C00;
	s11 =	sadd.s32 s2, s6;
	[tilespmem:v63+s21+$0x0] =	vst.idx.msk $0xffff, v33  }
0x6f3: {  	[hbm4b:s11+s3] =	stream.linear.scatter [tilespmem:s15], [sflag:$0xA], $0x80, $0x38;
	[tilespmem:$0x1AE00] =	vst v63  }
0x6f4: {  	s16 =	simm.s32 $0x18C88;
	s18 =	sadd.s32 $0x10, s11  }
0x6f5: {  	[hbm4b:s18+s3] =	stream.linear.scatter [tilespmem:s16], [sflag:$0xA], $0x80, $0x38;
	[tilespmem:$0x1AE00] =	vst v63  }
0x6f6: {  	s20 =	simm.s32 $0x18D10;
	s6 =	simm.s32 $0x440;
	s22 =	sadd.s32 $0x20, s11  }
0x6f7: {  	[hbm4b:s22+s3] =	stream.linear.scatter [tilespmem:s20], [sflag:$0xA], $0x80, $0x38;
	[tilespmem:$0x1AE00] =	vst v63  }
0x6f8: {  	s15 =	simm.s32 $0x2200;
	s16 =	simm.s32 $0x18D98;
	s18 =	sadd.s32 $0x30, s11  }
0x6f9: {  	[hbm4b:s18+s3] =	stream.linear.scatter [tilespmem:s16], [sflag:$0xA], $0x80, $0x38;
	[tilespmem:$0x1AE00] =	vst v63  }
0x6fa: {  	s20 =	simm.s32 $0x18E20;
	s22 =	sadd.s32 $0x40, s11;
	s16 =	simm.s32 $0x18EA8  }
0x6fb: {  	[hbm4b:s22+s3] =	stream.linear.scatter [tilespmem:s20], [sflag:$0xA], $0x80, $0x38;
	[tilespmem:$0x1AE00] =	vst v63  }
0x6fc: {  	s18 =	sadd.s32 $0x50, s11;
	s20 =	simm.s32 $0x18F30;
	s22 =	sadd.s32 $0x60, s11  }
0x6fd: {  	[hbm4b:s18+s3] =	stream.linear.scatter [tilespmem:s16], [sflag:$0xA], $0x80, $0x38;
	[tilespmem:$0x1AE00] =	vst v63  }
0x6fe: {  	s16 =	simm.s32 $0x18FB8;
	s18 =	sadd.s32 $0x70, s11;
	s11 =	sadd.s32 $0x1000, s11  }
0x6ff: {  	[hbm4b:s22+s3] =	stream.linear.scatter [tilespmem:s20], [sflag:$0xA], $0x80, $0x38;
	[tilespmem:$0x1AE00] =	vst v63  }
.LBB2_37:
0x700: {  	[hbm4b:s18+s3] =	stream.linear.scatter [tilespmem:s16], [sflag:$0xA], $0x80, $0x38;
	[tilespmem:$0x1AE00] =	vst v63  }
0x701: {  	s16 =	smov.u32 s6;
	s6 =	smov.u32 s15  }
0x702: {  	s20 =	sadd.s32 $0x1100, s15;
	s6 =	sshra.s32 s6, $0x2;
	s18 =	sadd.s32 $0x18C00, s16  }
0x703: {  	[hbm4b:s11+s3] =	stream.linear.scatter [tilespmem:s18], [sflag:$0xA], $0x80, $0x38;
	[tilespmem:$0x1AE00] =	vst v63  }
0x704: {  	p0 =	sne.s32 s15, $0x7700;
	s15 =	sadd.s32 $0x18C88, s16;
	s18 =	sadd.s32 $0x10, s11  }
0x705: {  	[hbm4b:s18+s3] =	stream.linear.scatter [tilespmem:s15], [sflag:$0xA], $0x80, $0x38;
	[tilespmem:$0x1AE00] =	vst v63  }
0x706: {  	s15 =	sadd.s32 $0x18D10, s16;
	s18 =	sadd.s32 $0x20, s11  }
0x707: {  	[hbm4b:s18+s3] =	stream.linear.scatter [tilespmem:s15], [sflag:$0xA], $0x80, $0x38;
	[tilespmem:$0x1AE00] =	vst v63  }
0x708: {  	s15 =	sadd.s32 $0x18D98, s16;
	s18 =	sadd.s32 $0x30, s11  }
0x709: {  	[hbm4b:s18+s3] =	stream.linear.scatter [tilespmem:s15], [sflag:$0xA], $0x80, $0x38;
	[tilespmem:$0x1AE00] =	vst v63  }
0x70a: {  	s15 =	sadd.s32 $0x18E20, s16;
	s18 =	sadd.s32 $0x40, s11  }
0x70b: {  	[hbm4b:s18+s3] =	stream.linear.scatter [tilespmem:s15], [sflag:$0xA], $0x80, $0x38;
	[tilespmem:$0x1AE00] =	vst v63  }
.Ltmp23:
0x70c: {  	s15 =	sadd.s32 $0x18EA8, s16;
	s18 =	sadd.s32 $0x50, s11;
	(pc) =	sbr.rel @p0 .LBB2_37-.Ltmp23, $4  }
0x70d: {  	[hbm4b:s18+s3] =	stream.linear.scatter [tilespmem:s15], [sflag:$0xA], $0x80, $0x38;
	[tilespmem:$0x1AE00] =	vst v63  }
0x70e: {  	s15 =	sadd.s32 $0x18F30, s16;
	s18 =	sadd.s32 $0x60, s11;
	s16 =	sadd.s32 $0x18FB8, s16  }
0x70f: {  	[hbm4b:s18+s3] =	stream.linear.scatter [tilespmem:s15], [sflag:$0xA], $0x80, $0x38;
	[tilespmem:$0x1AE00] =	vst v63  }
0x710: {  	s18 =	sadd.s32 $0x70, s11;
	s11 =	sadd.s32 $0x1000, s11;
	s15 =	smov.u32 s20  }
0x711: {  	[hbm4b:s18+s3] =	stream.linear.scatter [tilespmem:s16], [sflag:$0xA], $0x80, $0x38;
	[tilespmem:$0x1AE00] =	vst v63  }
0x712: {  	s15 =	sadd.s32 $0x18C00, s6  }
0x713: {  	[hbm4b:s11+s3] =	stream.linear.scatter [tilespmem:s15], [sflag:$0xA], $0x80, $0x38;
	[tilespmem:$0x1AE00] =	vst v63  }
0x714: {  	s20 =	sadd.s32 $0x18C88, s6;
	s22 =	sadd.s32 $0x10, s11  }
0x715: {  	[hbm4b:s22+s3] =	stream.linear.scatter [tilespmem:s20], [sflag:$0xA], $0x80, $0x38;
	[tilespmem:$0x1AE00] =	vst v63  }
0x716: {  	s16 =	sadd.s32 $0x18D10, s6;
	s18 =	sadd.s32 $0x20, s11  }
0x717: {  	[hbm4b:s18+s3] =	stream.linear.scatter [tilespmem:s16], [sflag:$0xA], $0x80, $0x38;
	[tilespmem:$0x1AE00] =	vst v63  }
0x718: {  	s20 =	sadd.s32 $0x18D98, s6;
	s22 =	sadd.s32 $0x30, s11  }
0x719: {  	[hbm4b:s22+s3] =	stream.linear.scatter [tilespmem:s20], [sflag:$0xA], $0x80, $0x38;
	[tilespmem:$0x1AE00] =	vst v63  }
0x71a: {  	s16 =	sadd.s32 $0x18E20, s6;
	s18 =	sadd.s32 $0x40, s11  }
0x71b: {  	[hbm4b:s18+s3] =	stream.linear.scatter [tilespmem:s16], [sflag:$0xA], $0x80, $0x38;
	[tilespmem:$0x1AE00] =	vst v63  }
0x71c: {  	p0 =	seq.s32 s14, $0x27;
	s20 =	sadd.s32 $0x18EA8, s6;
	s22 =	sadd.s32 $0x50, s11  }
0x71d: {  	[hbm4b:s22+s3] =	stream.linear.scatter [tilespmem:s20], [sflag:$0xA], $0x80, $0x38;
	[tilespmem:$0x1AE00] =	vst v63  }
.Ltmp24:
0x71e: {  	_ = 	snop;
	(pc) =	sbr.rel @p0 .LBB2_40-.Ltmp24, $4  }
0x71f: {  	s16 =	sadd.s32 $0x18F30, s6;
	s18 =	sadd.s32 $0x60, s11  }
0x720: {  	[hbm4b:s18+s3] =	stream.linear.scatter [tilespmem:s16], [sflag:$0xA], $0x80, $0x38;
	[tilespmem:$0x1AE00] =	vst v63  }
0x721: {  	s20 =	sadd.s32 $0x18FB8, s6;
	s22 =	sadd.s32 $0x70, s11  }
0x722: {  	[hbm4b:s22+s3] =	stream.linear.scatter [tilespmem:s20], [sflag:$0xA], $0x80, $0x38;
	[tilespmem:$0x1AE00] =	vst v63  }
0x723: {  	s6 =	smul.u32 $0xA00, s14  }
.Ltmp25:
0x724: {  	_ = 	snop;
	(pc) =	sbr.rel .LBB2_2-.Ltmp25, $4  }
0x725: {  	_ = 	snop  }
0x726: {  	s6 =	sshra.s32 s6, $0x2  }
0x727: {  	s11 =	simm.s32 $0xE400;
	s14 =	sadd.s32 $0x1, s14;
	s6 =	sadd.s32 $0x480, s6  }
0x728: {  	[tilespmem:s11], [sflag:$0x5] =	stream.indirect.gather [hbm4b:s4+s12], $0x40, s6, s12, $0xb8;
	[tilespmem:$0x1AE00] =	vst v63  }
.LBB2_41:
0x729: {  	_ =	sfence.sel $0x180000  }
0x72a: {  	[bflag:$0x0] =	sbarrier.arrive $0xFFFF  }
0x72b: {  	_ =	strace $0x90000047  }
0x72c: {  	s0 =	stileid.u32;
	[bflag:$0x2] =	sbarrier.arrive $0xFFFF  }
0x72d: {  	p0 =	sne.s32 s0, $0x0;
	s0 =	rddreg [dreg:$0x2]  }
0x72e: {  	s0 =	sadd.s32 @!p0 $0x100000, s0  }
0x72f: {  	[sflag:s0] =	ssyncadd.tile.s32 @!p0 $0x1;
	_ =	shalt  }
.Lfunc_end2:
_tile_overlayer_lowered:
.L_overlay_start_2:
0x730: {  	(tag) =	ssettag $0x2  }
0x731: {  	s0 =	rddreg [dreg:$0x0];
	s2 =	stileid.u32  }
0x732: {  	s1 =	rddreg [dreg:$0x1];
	p0 =	sne.s32 s2, $0x0  }
0x733: {  	s3 =	rddreg [dreg:$0x2];
	[bflag:$0x3] =	sbarrier.arrive $0xFFFF;
	s2 =	simm.s32 @!p0 $0x1C0B  }
0x734: {  	[timem:s3], [sflag:s2] =	dma.local @!p0 [hbm:s0], s1  }
0x735: {  	s0 =	simm.s32 @!p0 $0xB  }
0x736: {  	_ =	swait.ge @!p0 [sflag:s0], s1  }
0x737: {  	s1 =	ssub.s32 @!p0 $0x0, s1;
	[sflag:s0] =	ssyncset.done @!p0 $0x0  }
0x738: {  	[sflag:s0] =	ssyncadd.s32 @!p0 s1  }
0x739: {  	[bflag:$0x3] =	sbarrier.arrive $0xFFFF  }
0x73a: {  	_ =	shalt  }

</sc_bundles>
